<compile_context>
chip_gen: v7x
topology: tpu7x:2x2x1
jax: 0.10.2.dev20260603
libtpu: 0.0.44.dev20260713+nightly
codegen_flags: <defaults>
</compile_context>

<pallas_src>
import jax
import jax.numpy as jnp
from jax import lax
from jax.experimental import pallas as pl
from jax.experimental.pallas import tpu as pltpu
from jax.experimental.pallas import tpu_sc as plsc

BATCH = 16384
EMBED_DIM = 64
VOCAB = 1000000
NUM_CORES = 2
NUM_SUBCORES = 16
NUM_WORKERS = NUM_CORES * NUM_SUBCORES
LANE = 128
NCOLS = (VOCAB + LANE - 1) // LANE
COLS_PER_W = (NCOLS + NUM_WORKERS - 1) // NUM_WORKERS
CAP = 2048
RING = 9
TRASH = BATCH
STAGE_ROWS = BATCH + 8
B_PER_W = BATCH // NUM_WORKERS
SROWS = (CAP + 160) // LANE


def _phase_a(
    ids_hbm, tt_hbm, stage_hbm, ids_v, hits_r, hits_i, srt_lane, srt_i,
    cnt_s, offs_s, dstart_s, dcols_s, rowbuf, tile_v, fsem, ssem
):
    wid = lax.axis_index("s") * NUM_CORES + lax.axis_index("c")
    col_lo = wid * COLS_PER_W
    col_hi = col_lo + COLS_PER_W
    pltpu.sync_copy(ids_hbm, ids_v)
    iota16 = lax.iota(jnp.int32, 16)
    lane0 = iota16 == 0
    sentinel_r = (col_lo + 250) * LANE

    def precount(k, acc):
        v = ids_v[pl.ds(k * 16, 16)]
        cols = v // LANE
        m = (cols >= col_lo) & (cols < col_hi)
        return acc + jnp.where(m, jnp.int32(1), jnp.int32(0))

    accv = lax.fori_loop(
        0, BATCH // 16, precount, jnp.zeros((16,), jnp.int32)
    )
    total = jnp.sum(accv)

    def run_pass(p):
        win_lo = p * CAP
        win_hi = win_lo + CAP

        def scan_fast(k, pos):
            v = ids_v[pl.ds(k * 16, 16)]
            cols = v // LANE
            m = (cols >= col_lo) & (cols < col_hi)
            plsc.store_compressed(hits_r.at[pl.ds(pos, 16)], v, mask=m)
            plsc.store_compressed(
                hits_i.at[pl.ds(pos, 16)], iota16 + k * 16, mask=m
            )
            return pos + plsc.all_reduce_population_count(m)[0]

        def scan_win(k, c):
            pos, tot = c
            v = ids_v[pl.ds(k * 16, 16)]
            cols = v // LANE
            m = (cols >= col_lo) & (cols < col_hi)
            pref = plsc.cumsum(jnp.where(m, jnp.int32(1), jnp.int32(0)))
            gk = tot + pref - 1
            mw = m & (gk >= win_lo) & (gk < win_hi)
            plsc.store_compressed(hits_r.at[pl.ds(pos, 16)], v, mask=mw)
            plsc.store_compressed(
                hits_i.at[pl.ds(pos, 16)], iota16 + k * 16, mask=mw
            )
            nw = plsc.all_reduce_population_count(mw)[0]
            return (pos + nw, tot + pref[15])

        hcnt = lax.cond(
            total <= CAP,
            lambda: lax.fori_loop(0, BATCH // 16, scan_fast, 0),
            lambda: lax.fori_loop(0, BATCH // 16, scan_win, (0, 0))[0],
        )
        hits_r[pl.ds(hcnt, 16)] = jnp.broadcast_to(sentinel_r, (16,))
        hits_i[pl.ds(hcnt, 16)] = jnp.broadcast_to(TRASH, (16,))

        @pl.when(hcnt > 0)
        def _process():
            def zcnt(b, _):
                cnt_s[b] = 0
                return ()
            lax.fori_loop(0, 256, zcnt, ())

            def ztrash(q, _):
                for g in range(LANE // 16):
                    srt_i[q, pl.ds(g * 16, 16)] = jnp.broadcast_to(
                        TRASH, (16,)
                    )
                return ()
            lax.fori_loop(0, SROWS, ztrash, ())

            nchunk = (hcnt + 15) // 16

            def count_chunk(k, _):
                hv = hits_r[pl.ds(k * 16, 16)]
                for u in range(16):
                    b = hv[u] // LANE - col_lo
                    cnt_s[b] = cnt_s[b] + 1
                return ()
            lax.fori_loop(0, nchunk, count_chunk, ())
            cnt_s[250] = cnt_s[250] - (nchunk * 16 - hcnt)

            def pref_b(b, c):
                acc, d = c
                n = cnt_s[b]
                offs_s[b] = acc
                real = (n > 0) & (b < COLS_PER_W)

                @pl.when(real)
                def _():
                    dstart_s[d] = acc
                    dcols_s[d] = b + col_lo
                return (acc + n, jnp.where(real, d + 1, d))

            _, ndist = lax.fori_loop(0, 256, pref_b, (0, 0))
            dstart_s[ndist] = hcnt

            def place_chunk(k, _):
                hv = hits_r[pl.ds(k * 16, 16)]
                iv = hits_i[pl.ds(k * 16, 16)]
                for u in range(16):
                    r = hv[u]
                    b = r // LANE - col_lo
                    pp = offs_s[b]
                    offs_s[b] = pp + 1
                    rowi = jnp.broadcast_to(pp // LANE, (16,))
                    coli = jnp.broadcast_to(pp % LANE, (16,))
                    plsc.store_scatter(
                        srt_lane, [rowi, coli],
                        jnp.broadcast_to(r % LANE, (16,)), mask=lane0,
                    )
                    plsc.store_scatter(
                        srt_i, [rowi, coli],
                        jnp.broadcast_to(iv[u], (16,)), mask=lane0,
                    )
                return ()
            lax.fori_loop(0, nchunk, place_chunk, ())

            def prime(j, _):
                col = dcols_s[j]
                pltpu.async_copy(
                    tt_hbm.at[:, pl.ds(pl.multiple_of(col * LANE, LANE), LANE)],
                    tile_v.at[j],
                    fsem.at[j],
                )
                return ()
            lax.fori_loop(0, jnp.minimum(ndist, RING - 1), prime, ())

            def do_col(d, _):
                slot = lax.rem(d, RING)
                pltpu.make_async_copy(
                    tt_hbm.at[:, pl.ds(0, LANE)], tile_v.at[slot],
                    fsem.at[slot],
                ).wait()

                @pl.when(d + RING - 1 < ndist)
                def _():
                    nf = d + RING - 1
                    nslot = lax.rem(nf, RING)
                    col = dcols_s[nf]
                    pltpu.async_copy(
                        tt_hbm.at[
                            :, pl.ds(pl.multiple_of(col * LANE, LANE), LANE)
                        ],
                        tile_v.at[nslot],
                        fsem.at[nslot],
                    )

                def do_hit(pp, _):
                    cc = pp // LANE
                    prow = lax.rem(pp, LANE)
                    rowi = jnp.broadcast_to(cc, (16,))
                    coli = jnp.broadcast_to(pp % LANE, (16,))
                    lanev = plsc.load_gather(srt_lane, [rowi, coli])
                    for q in range(EMBED_DIM // 16):
                        c_vec = iota16 + q * 16
                        x = plsc.load_gather(tile_v.at[slot], [c_vec, lanev])
                        rowbuf[prow, pl.ds(q * 16, 16)] = x

                    @pl.when((prow == LANE - 1) | (pp == hcnt - 1))
                    def _flush():
                        pltpu.async_copy(
                            rowbuf,
                            stage_hbm.at[srt_i.at[cc]],
                            ssem,
                        ).wait()
                    return ()

                lax.fori_loop(dstart_s[d], dstart_s[d + 1], do_hit, ())
                return ()

            lax.fori_loop(0, ndist, do_col, ())



        return p + 1

    lax.while_loop(
        lambda p: (p == 0) | (p * CAP < total), run_pass, 0
    )


@jax.jit
def kernel(news_ids, table):
    mesh = plsc.VectorSubcoreMesh(core_axis_name="c", subcore_axis_name="s")
    params = pltpu.CompilerParams(
        disable_bounds_checks=True, needs_layout_passes=False
    )
    phase_a = pl.kernel(
        _phase_a,
        out_type=jax.ShapeDtypeStruct((STAGE_ROWS, LANE), jnp.float32),
        mesh=mesh,
        scratch_types=[
            pltpu.VMEM((BATCH,), jnp.int32),
            pltpu.VMEM((CAP + 32,), jnp.int32),
            pltpu.VMEM((CAP + 32,), jnp.int32),
            pltpu.VMEM((SROWS, LANE), jnp.int32),
            pltpu.VMEM((SROWS, LANE), jnp.int32),
            pltpu.SMEM((256,), jnp.int32),
            pltpu.SMEM((256,), jnp.int32),
            pltpu.SMEM((258,), jnp.int32),
            pltpu.SMEM((256,), jnp.int32),
            pltpu.VMEM((LANE, LANE), jnp.float32),
            pltpu.VMEM((RING, EMBED_DIM, LANE), jnp.float32),
            pltpu.SemaphoreType.DMA((RING,)),
            pltpu.SemaphoreType.DMA,
        ],
        compiler_params=params,
    )
    stage = phase_a(news_ids.astype(jnp.int32), table.T)
    return stage[:BATCH, :EMBED_DIM]

# --- scband reference (transcript-rebuilt; emitter-appended) ---
"""Pipeline reference for scband-custom-news-encoder-19679540150479 (READ-ONLY COPY).

The authoritative reference and input builder live on the scoring server;
editing this copy changes nothing except your own understanding.
"""

import jax, jax.numpy as jnp
import numpy as np

VOCAB = 1000000
EMBED_DIM = 64
BATCH = 16384

def setup_inputs(seed: int = 0) -> dict:
    key = jax.random.key(seed)
    k1, k2 = jax.random.split(key)
    news_ids = jax.random.randint(k1, (BATCH,), 0, VOCAB, dtype=jnp.int64 if jax.config.jax_enable_x64 else jnp.int32)
    table = jax.random.normal(k2, (VOCAB, EMBED_DIM), dtype=jnp.float32)
    return {"news_ids": news_ids, "table": table}

def reference(news_ids, table):
    # Equivalent of nn.Embedding lookup: self.embedding(indices)
    return jnp.take(table, news_ids, axis=0)

if __name__ == "__main__":
    import jax
    _d = setup_inputs()
    print(jax.jit(kernel)(*tuple(_d.values())))

</pallas_src>

<mosaic_0001>
#map = affine_map<(d0, d1) -> (0)>
#map1 = affine_map<(d0, d1) -> (0, 0)>
module attributes {stable_mosaic.version = 14 : i64} {
  func.func @_phase_a(%arg0: i32, %arg1: i32, %arg2: memref<16384xi32, #tpu.memory_space<hbm>>, %arg3: memref<64x1000000xf32, #tpu.memory_space<hbm>>, %arg4: memref<16392x128xf32, #tpu.memory_space<hbm>>, %arg5: memref<16384xi32, #tpu.memory_space<vmem>>, %arg6: memref<2080xi32, #tpu.memory_space<vmem>>, %arg7: memref<2080xi32, #tpu.memory_space<vmem>>, %arg8: memref<17x128xi32, #tpu.memory_space<vmem>>, %arg9: memref<17x128xi32, #tpu.memory_space<vmem>>, %arg10: memref<256xi32, #tpu.memory_space<smem>>, %arg11: memref<256xi32, #tpu.memory_space<smem>>, %arg12: memref<258xi32, #tpu.memory_space<smem>>, %arg13: memref<256xi32, #tpu.memory_space<smem>>, %arg14: memref<128x128xf32, #tpu.memory_space<vmem>>, %arg15: memref<9x64x128xf32, #tpu.memory_space<vmem>>, %arg16: memref<9x!tpu.dma_semaphore, #tpu.memory_space<semaphore_mem>>, %arg17: memref<!tpu.dma_semaphore, #tpu.memory_space<semaphore_mem>>) attributes {dimension_semantics = [#tpu.dimension_semantics<core_parallel>, #tpu.dimension_semantics<subcore_parallel>], iteration_bounds = array<i64: 2, 16>, scalar_prefetch = 0 : i64, scratch_operands = 13 : i64, tpu.core_type = #tpu.core_type<sc_vector_subcore>, window_params = [{transform_indices = #map}, {transform_indices = #map1}, {transform_indices = #map1}]} {
    %mul3A = arith.constant 2 : i32
    %mul3A_0 = arith.muli %arg1, %mul3A : i32
    %add3A = arith.addi %mul3A_0, %arg0 : i32
    %mul3A_1 = arith.constant 245 : i32
    %mul3A_2 = arith.muli %add3A, %mul3A_1 : i32
    %add3A_3 = arith.constant 245 : i32
    %add3A_4 = arith.addi %mul3A_2, %add3A_3 : i32
    "tpu.region"() ({
      %run_scoped3A = tpu.sem_alloc : memref<!tpu.dma_semaphore, #tpu.memory_space<semaphore_mem>>
      tpu.enqueue_dma source(%arg2 : memref<16384xi32, #tpu.memory_space<hbm>>) target(%arg5 : memref<16384xi32, #tpu.memory_space<vmem>>) target_semaphore(%run_scoped3A : memref<!tpu.dma_semaphore, #tpu.memory_space<semaphore_mem>>)
      tpu.wait_dma2 semaphore(%run_scoped3A : memref<!tpu.dma_semaphore, #tpu.memory_space<semaphore_mem>>) src(%arg2 : memref<16384xi32, #tpu.memory_space<hbm>>) dst(%arg5 : memref<16384xi32, #tpu.memory_space<vmem>>)
      tpu.yield
    }) : () -> ()
    %iota3A = tpu.iota {dimensions = array<i32: 0>} : vector<16xi32>
    %eq3A = arith.constant 0 : i32
    %eq3A_5 = vector.broadcast %eq3A : i32 to vector<16xi32>
    %eq3A_6 = arith.cmpi eq, %iota3A, %eq3A_5 : vector<16xi32>
    %add3A_7 = arith.constant 250 : i32
    %add3A_8 = arith.addi %mul3A_2, %add3A_7 : i32
    %mul3A_9 = arith.constant 128 : i32
    %mul3A_10 = arith.muli %add3A_8, %mul3A_9 : i32
    %broadcast_in_dim3A = arith.constant 0 : i32
    %broadcast_in_dim3A_11 = vector.broadcast %broadcast_in_dim3A : i32 to vector<16xi32>
    %scan3A = arith.constant 0 : i32
    %scan3A_12 = arith.constant 1024 : i32
    %scan3A_13 = arith.addi %scan3A, %scan3A_12 : i32
    %scan3A_14 = arith.constant 1 : i32
    %scan3A_15 = scf.for %scan3A_21 = %scan3A to %scan3A_13 step %scan3A_14 iter_args(%scan3A_22 = %broadcast_in_dim3A_11) -> (vector<16xi32>)  : i32 {
      %mul3A_23 = arith.constant 16 : i32
      %mul3A_24 = arith.muli %scan3A_21, %mul3A_23 : i32
      %get3A = arith.index_cast %mul3A_24 : i32 to index
      %get3A_25 = tpu.vector_load %arg5[%get3A] {strides = array<i32>} : memref<16384xi32, #tpu.memory_space<vmem>>, vector<16xi32>,
      %jit3A = arith.constant 128 : i32
      %div3A = vector.broadcast %jit3A : i32 to vector<16xi32>
      %div3A_26 = arith.divsi %get3A_25, %div3A : vector<16xi32>
      %sign3A = arith.constant 0 : i32
      %sign3A_27 = vector.broadcast %sign3A : i32 to vector<16xi32>
      %sign3A_28 = arith.cmpi sgt, %get3A_25, %sign3A_27 : vector<16xi32>
      %sign3A_29 = arith.extui %sign3A_28 : vector<16xi1> to vector<16xi32>
      %sign3A_30 = arith.constant 0 : i32
      %sign3A_31 = vector.broadcast %sign3A_30 : i32 to vector<16xi32>
      %sign3A_32 = arith.cmpi slt, %get3A_25, %sign3A_31 : vector<16xi32>
      %sign3A_33 = arith.extui %sign3A_32 : vector<16xi1> to vector<16xi32>
      %sign3A_34 = arith.subi %sign3A_29, %sign3A_33 : vector<16xi32>
      %sign3A_35 = arith.constant 0 : i32
      %sign3A_36 = arith.cmpi sgt, %jit3A, %sign3A_35 : i32
      %sign3A_37 = arith.extui %sign3A_36 : i1 to i32
      %sign3A_38 = arith.constant 0 : i32
      %sign3A_39 = arith.cmpi slt, %jit3A, %sign3A_38 : i32
      %sign3A_40 = arith.extui %sign3A_39 : i1 to i32
      %sign3A_41 = arith.subi %sign3A_37, %sign3A_40 : i32
      %ne3A = vector.broadcast %sign3A_41 : i32 to vector<16xi32>
      %ne3A_42 = arith.cmpi ne, %sign3A_34, %ne3A : vector<16xi32>
      %rem3A = vector.broadcast %jit3A : i32 to vector<16xi32>
      %rem3A_43 = arith.remsi %get3A_25, %rem3A : vector<16xi32>
      %ne3A_44 = arith.constant 0 : i32
      %ne3A_45 = vector.broadcast %ne3A_44 : i32 to vector<16xi32>
      %ne3A_46 = arith.cmpi ne, %rem3A_43, %ne3A_45 : vector<16xi32>
      %and3A = arith.andi %ne3A_42, %ne3A_46 : vector<16xi1>
      %sub3A = arith.constant 1 : i32
      %sub3A_47 = vector.broadcast %sub3A : i32 to vector<16xi32>
      %sub3A_48 = arith.subi %div3A_26, %sub3A_47 : vector<16xi32>
      %select_n3A = arith.select %and3A, %sub3A_48, %div3A_26 : vector<16xi1>, vector<16xi32>
      %ge3A = vector.broadcast %mul3A_2 : i32 to vector<16xi32>
      %ge3A_49 = arith.cmpi sge, %select_n3A, %ge3A : vector<16xi32>
      %lt3A = vector.broadcast %add3A_4 : i32 to vector<16xi32>
      %lt3A_50 = arith.cmpi slt, %select_n3A, %lt3A : vector<16xi32>
      %and3A_51 = arith.andi %ge3A_49, %lt3A_50 : vector<16xi1>
      %jit3A_52 = arith.constant 1 : i32
      %jit3A_53 = arith.constant 0 : i32
      %broadcast_in_dim3A_54 = vector.broadcast %jit3A_52 : i32 to vector<16xi32>
      %broadcast_in_dim3A_55 = vector.broadcast %jit3A_53 : i32 to vector<16xi32>
      %select_n3A_56 = arith.select %and3A_51, %broadcast_in_dim3A_54, %broadcast_in_dim3A_55 : vector<16xi1>, vector<16xi32>
      %add3A_57 = arith.addi %scan3A_22, %select_n3A_56 : vector<16xi32>
      scf.yield %add3A_57 : vector<16xi32>
    }
    %scan3A_16 = arith.constant 1024 : i32
    %reduce_sum3A = arith.constant true
    %reduce_sum3A_17 = vector.broadcast %reduce_sum3A : i1 to vector<16xi1>
    %reduce_sum3A_18 = tpu.scan <sum>, %scan3A_15 masked %reduce_sum3A_17 : vector<16xi32>, vector<16xi1> -> vector<16xi32>
    %reduce_sum3A_19 = vector.extract %reduce_sum3A_18[15] : i32 from vector<16xi32>
    %while3A = arith.constant 0 : i32
    %while3A_20 = scf.while (%while3A_21 = %while3A) : (i32) -> i32 {
      %eq3A_22 = arith.constant 0 : i32
      %eq3A_23 = arith.cmpi eq, %while3A_21, %eq3A_22 : i32
      %mul3A_24 = arith.constant 2048 : i32
      %mul3A_25 = arith.muli %while3A_21, %mul3A_24 : i32
      %lt3A = arith.cmpi slt, %mul3A_25, %reduce_sum3A_19 : i32
      %or3A = arith.ori %eq3A_23, %lt3A : i1
      scf.condition(%or3A) %while3A_21 : i32
    } do {
    ^bb0(%while3A_21: i32):
      %mul3A_22 = arith.constant 2048 : i32
      %mul3A_23 = arith.muli %while3A_21, %mul3A_22 : i32
      %add3A_24 = arith.constant 2048 : i32
      %add3A_25 = arith.addi %mul3A_23, %add3A_24 : i32
      %le3A = arith.constant 2048 : i32
      %le3A_26 = arith.cmpi sle, %reduce_sum3A_19, %le3A : i32
      %convert_element_type3A = arith.extui %le3A_26 : i1 to i32
      %cond3A = arith.constant 0 : i32
      %cond3A_27 = arith.cmpi ne, %convert_element_type3A, %cond3A : i32
      %cond3A_28 = scf.if %cond3A_27 -> (i32) {
        %scan3A_41 = arith.constant 0 : i32
        %scan3A_42 = arith.constant 0 : i32
        %scan3A_43 = arith.constant 1024 : i32
        %scan3A_44 = arith.addi %scan3A_42, %scan3A_43 : i32
        %scan3A_45 = arith.constant 1 : i32
        %scan3A_46 = scf.for %scan3A_48 = %scan3A_42 to %scan3A_44 step %scan3A_45 iter_args(%scan3A_49 = %scan3A_41) -> (i32)  : i32 {
          %mul3A_50 = arith.constant 16 : i32
          %mul3A_51 = arith.muli %scan3A_48, %mul3A_50 : i32
          %get3A = arith.index_cast %mul3A_51 : i32 to index
          %get3A_52 = tpu.vector_load %arg5[%get3A] {strides = array<i32>} : memref<16384xi32, #tpu.memory_space<vmem>>, vector<16xi32>,
          %jit3A = arith.constant 128 : i32
          %div3A = vector.broadcast %jit3A : i32 to vector<16xi32>
          %div3A_53 = arith.divsi %get3A_52, %div3A : vector<16xi32>
          %sign3A = arith.constant 0 : i32
          %sign3A_54 = vector.broadcast %sign3A : i32 to vector<16xi32>
          %sign3A_55 = arith.cmpi sgt, %get3A_52, %sign3A_54 : vector<16xi32>
          %sign3A_56 = arith.extui %sign3A_55 : vector<16xi1> to vector<16xi32>
          %sign3A_57 = arith.constant 0 : i32
          %sign3A_58 = vector.broadcast %sign3A_57 : i32 to vector<16xi32>
          %sign3A_59 = arith.cmpi slt, %get3A_52, %sign3A_58 : vector<16xi32>
          %sign3A_60 = arith.extui %sign3A_59 : vector<16xi1> to vector<16xi32>
          %sign3A_61 = arith.subi %sign3A_56, %sign3A_60 : vector<16xi32>
          %sign3A_62 = arith.constant 0 : i32
          %sign3A_63 = arith.cmpi sgt, %jit3A, %sign3A_62 : i32
          %sign3A_64 = arith.extui %sign3A_63 : i1 to i32
          %sign3A_65 = arith.constant 0 : i32
          %sign3A_66 = arith.cmpi slt, %jit3A, %sign3A_65 : i32
          %sign3A_67 = arith.extui %sign3A_66 : i1 to i32
          %sign3A_68 = arith.subi %sign3A_64, %sign3A_67 : i32
          %ne3A = vector.broadcast %sign3A_68 : i32 to vector<16xi32>
          %ne3A_69 = arith.cmpi ne, %sign3A_61, %ne3A : vector<16xi32>
          %rem3A = vector.broadcast %jit3A : i32 to vector<16xi32>
          %rem3A_70 = arith.remsi %get3A_52, %rem3A : vector<16xi32>
          %ne3A_71 = arith.constant 0 : i32
          %ne3A_72 = vector.broadcast %ne3A_71 : i32 to vector<16xi32>
          %ne3A_73 = arith.cmpi ne, %rem3A_70, %ne3A_72 : vector<16xi32>
          %and3A = arith.andi %ne3A_69, %ne3A_73 : vector<16xi1>
          %sub3A = arith.constant 1 : i32
          %sub3A_74 = vector.broadcast %sub3A : i32 to vector<16xi32>
          %sub3A_75 = arith.subi %div3A_53, %sub3A_74 : vector<16xi32>
          %select_n3A = arith.select %and3A, %sub3A_75, %div3A_53 : vector<16xi1>, vector<16xi32>
          %ge3A = vector.broadcast %mul3A_2 : i32 to vector<16xi32>
          %ge3A_76 = arith.cmpi sge, %select_n3A, %ge3A : vector<16xi32>
          %lt3A = vector.broadcast %add3A_4 : i32 to vector<16xi32>
          %lt3A_77 = arith.cmpi slt, %select_n3A, %lt3A : vector<16xi32>
          %and3A_78 = arith.andi %ge3A_76, %lt3A_77 : vector<16xi1>
          %swap3A_79 = arith.index_cast %scan3A_49 : i32 to index
          %swap3A_80 = tpu.vector_load %arg6[%swap3A_79] masked %and3A_78 {strides = array<i32>} : memref<2080xi32, #tpu.memory_space<vmem>>, vector<16xi32>, vector<16xi1>
          tpu.vector_store %arg6[%swap3A_79], %get3A_52 masked %and3A_78 {strides = array<i32>} : memref<2080xi32, #tpu.memory_space<vmem>>, vector<16xi32>, vector<16xi1>
          %mul3A_81 = arith.constant 16 : i32
          %mul3A_82 = arith.muli %scan3A_48, %mul3A_81 : i32
          %add3A_83 = vector.broadcast %mul3A_82 : i32 to vector<16xi32>
          %add3A_84 = arith.addi %iota3A, %add3A_83 : vector<16xi32>
          %swap3A_85 = arith.index_cast %scan3A_49 : i32 to index
          %swap3A_86 = tpu.vector_load %arg7[%swap3A_85] masked %and3A_78 {strides = array<i32>} : memref<2080xi32, #tpu.memory_space<vmem>>, vector<16xi32>, vector<16xi1>
          tpu.vector_store %arg7[%swap3A_85], %add3A_84 masked %and3A_78 {strides = array<i32>} : memref<2080xi32, #tpu.memory_space<vmem>>, vector<16xi32>, vector<16xi1>
          %all_reduce_population_count3A = tpu.all_reduce %and3A_78 {dim = 0 : i64, kind = #tpu.reduction_kind<sum>} : vector<16xi1> -> vector<16xi32>
          %slice3A = vector.extract_strided_slice %all_reduce_population_count3A {offsets = [0], sizes = [1], strides = [1]} : vector<16xi32> to vector<1xi32>
          %squeeze3A = vector.extract %slice3A[0] : i32 from vector<1xi32>
          %add3A_87 = arith.addi %scan3A_49, %squeeze3A : i32
          scf.yield %add3A_87 : i32
        }
        %scan3A_47 = arith.constant 1024 : i32
        scf.yield %scan3A_46 : i32
      } else {
        %scan3A_41 = arith.constant 0 : i32
        %scan3A_42 = arith.constant 0 : i32
        %scan3A_43 = arith.constant 0 : i32
        %scan3A_44 = arith.constant 1024 : i32
        %scan3A_45 = arith.addi %scan3A_43, %scan3A_44 : i32
        %scan3A_46 = arith.constant 1 : i32
        %scan3A_47:2 = scf.for %scan3A_49 = %scan3A_43 to %scan3A_45 step %scan3A_46 iter_args(%scan3A_50 = %scan3A_41, %scan3A_51 = %scan3A_42) -> (i32, i32)  : i32 {
          %mul3A_52 = arith.constant 16 : i32
          %mul3A_53 = arith.muli %scan3A_49, %mul3A_52 : i32
          %get3A = arith.index_cast %mul3A_53 : i32 to index
          %get3A_54 = tpu.vector_load %arg5[%get3A] {strides = array<i32>} : memref<16384xi32, #tpu.memory_space<vmem>>, vector<16xi32>,
          %jit3A = arith.constant 128 : i32
          %div3A = vector.broadcast %jit3A : i32 to vector<16xi32>
          %div3A_55 = arith.divsi %get3A_54, %div3A : vector<16xi32>
          %sign3A = arith.constant 0 : i32
          %sign3A_56 = vector.broadcast %sign3A : i32 to vector<16xi32>
          %sign3A_57 = arith.cmpi sgt, %get3A_54, %sign3A_56 : vector<16xi32>
          %sign3A_58 = arith.extui %sign3A_57 : vector<16xi1> to vector<16xi32>
          %sign3A_59 = arith.constant 0 : i32
          %sign3A_60 = vector.broadcast %sign3A_59 : i32 to vector<16xi32>
          %sign3A_61 = arith.cmpi slt, %get3A_54, %sign3A_60 : vector<16xi32>
          %sign3A_62 = arith.extui %sign3A_61 : vector<16xi1> to vector<16xi32>
          %sign3A_63 = arith.subi %sign3A_58, %sign3A_62 : vector<16xi32>
          %sign3A_64 = arith.constant 0 : i32
          %sign3A_65 = arith.cmpi sgt, %jit3A, %sign3A_64 : i32
          %sign3A_66 = arith.extui %sign3A_65 : i1 to i32
          %sign3A_67 = arith.constant 0 : i32
          %sign3A_68 = arith.cmpi slt, %jit3A, %sign3A_67 : i32
          %sign3A_69 = arith.extui %sign3A_68 : i1 to i32
          %sign3A_70 = arith.subi %sign3A_66, %sign3A_69 : i32
          %ne3A = vector.broadcast %sign3A_70 : i32 to vector<16xi32>
          %ne3A_71 = arith.cmpi ne, %sign3A_63, %ne3A : vector<16xi32>
          %rem3A = vector.broadcast %jit3A : i32 to vector<16xi32>
          %rem3A_72 = arith.remsi %get3A_54, %rem3A : vector<16xi32>
          %ne3A_73 = arith.constant 0 : i32
          %ne3A_74 = vector.broadcast %ne3A_73 : i32 to vector<16xi32>
          %ne3A_75 = arith.cmpi ne, %rem3A_72, %ne3A_74 : vector<16xi32>
          %and3A = arith.andi %ne3A_71, %ne3A_75 : vector<16xi1>
          %sub3A = arith.constant 1 : i32
          %sub3A_76 = vector.broadcast %sub3A : i32 to vector<16xi32>
          %sub3A_77 = arith.subi %div3A_55, %sub3A_76 : vector<16xi32>
          %select_n3A = arith.select %and3A, %sub3A_77, %div3A_55 : vector<16xi1>, vector<16xi32>
          %ge3A = vector.broadcast %mul3A_2 : i32 to vector<16xi32>
          %ge3A_78 = arith.cmpi sge, %select_n3A, %ge3A : vector<16xi32>
          %lt3A = vector.broadcast %add3A_4 : i32 to vector<16xi32>
          %lt3A_79 = arith.cmpi slt, %select_n3A, %lt3A : vector<16xi32>
          %and3A_80 = arith.andi %ge3A_78, %lt3A_79 : vector<16xi1>
          %jit3A_81 = arith.constant 1 : i32
          %jit3A_82 = arith.constant 0 : i32
          %broadcast_in_dim3A_83 = vector.broadcast %jit3A_81 : i32 to vector<16xi32>
          %broadcast_in_dim3A_84 = vector.broadcast %jit3A_82 : i32 to vector<16xi32>
          %select_n3A_85 = arith.select %and3A_80, %broadcast_in_dim3A_83, %broadcast_in_dim3A_84 : vector<16xi1>, vector<16xi32>
          %broadcast_in_dim3A_86 = arith.constant true
          %broadcast_in_dim3A_87 = vector.broadcast %broadcast_in_dim3A_86 : i1 to vector<16xi1>
          %masked_cumsum3A = tpu.scan <sum>, %select_n3A_85 masked %broadcast_in_dim3A_87 : vector<16xi32>, vector<16xi1> -> vector<16xi32>
          %add3A_88 = vector.broadcast %scan3A_51 : i32 to vector<16xi32>
          %add3A_89 = arith.addi %add3A_88, %masked_cumsum3A : vector<16xi32>
          %sub3A_90 = arith.constant 1 : i32
          %sub3A_91 = vector.broadcast %sub3A_90 : i32 to vector<16xi32>
          %sub3A_92 = arith.subi %add3A_89, %sub3A_91 : vector<16xi32>
          %ge3A_93 = vector.broadcast %mul3A_23 : i32 to vector<16xi32>
          %ge3A_94 = arith.cmpi sge, %sub3A_92, %ge3A_93 : vector<16xi32>
          %and3A_95 = arith.andi %and3A_80, %ge3A_94 : vector<16xi1>
          %lt3A_96 = vector.broadcast %add3A_25 : i32 to vector<16xi32>
          %lt3A_97 = arith.cmpi slt, %sub3A_92, %lt3A_96 : vector<16xi32>
          %and3A_98 = arith.andi %and3A_95, %lt3A_97 : vector<16xi1>
          %swap3A_99 = arith.index_cast %scan3A_50 : i32 to index
          %swap3A_100 = tpu.vector_load %arg6[%swap3A_99] masked %and3A_98 {strides = array<i32>} : memref<2080xi32, #tpu.memory_space<vmem>>, vector<16xi32>, vector<16xi1>
          tpu.vector_store %arg6[%swap3A_99], %get3A_54 masked %and3A_98 {strides = array<i32>} : memref<2080xi32, #tpu.memory_space<vmem>>, vector<16xi32>, vector<16xi1>
          %mul3A_101 = arith.constant 16 : i32
          %mul3A_102 = arith.muli %scan3A_49, %mul3A_101 : i32
          %add3A_103 = vector.broadcast %mul3A_102 : i32 to vector<16xi32>
          %add3A_104 = arith.addi %iota3A, %add3A_103 : vector<16xi32>
          %swap3A_105 = arith.index_cast %scan3A_50 : i32 to index
          %swap3A_106 = tpu.vector_load %arg7[%swap3A_105] masked %and3A_98 {strides = array<i32>} : memref<2080xi32, #tpu.memory_space<vmem>>, vector<16xi32>, vector<16xi1>
          tpu.vector_store %arg7[%swap3A_105], %add3A_104 masked %and3A_98 {strides = array<i32>} : memref<2080xi32, #tpu.memory_space<vmem>>, vector<16xi32>, vector<16xi1>
          %all_reduce_population_count3A = tpu.all_reduce %and3A_98 {dim = 0 : i64, kind = #tpu.reduction_kind<sum>} : vector<16xi1> -> vector<16xi32>
          %slice3A = vector.extract_strided_slice %all_reduce_population_count3A {offsets = [0], sizes = [1], strides = [1]} : vector<16xi32> to vector<1xi32>
          %squeeze3A = vector.extract %slice3A[0] : i32 from vector<1xi32>
          %add3A_107 = arith.addi %scan3A_50, %squeeze3A : i32
          %slice3A_108 = vector.extract_strided_slice %masked_cumsum3A {offsets = [15], sizes = [1], strides = [1]} : vector<16xi32> to vector<1xi32>
          %squeeze3A_109 = vector.extract %slice3A_108[0] : i32 from vector<1xi32>
          %add3A_110 = arith.addi %scan3A_51, %squeeze3A_109 : i32
          scf.yield %add3A_107, %add3A_110 : i32, i32
        }
        %scan3A_48 = arith.constant 1024 : i32
        scf.yield %scan3A_47#0 : i32
      }
      %broadcast_in_dim3A_29 = vector.broadcast %mul3A_10 : i32 to vector<16xi32>
      %swap3A = arith.index_cast %cond3A_28 : i32 to index
      %swap3A_30 = tpu.vector_load %arg6[%swap3A] {strides = array<i32>} : memref<2080xi32, #tpu.memory_space<vmem>>, vector<16xi32>,
      tpu.vector_store %arg6[%swap3A], %broadcast_in_dim3A_29 {strides = array<i32>} : memref<2080xi32, #tpu.memory_space<vmem>>, vector<16xi32>,
      %broadcast_in_dim3A_31 = arith.constant 16384 : i32
      %broadcast_in_dim3A_32 = vector.broadcast %broadcast_in_dim3A_31 : i32 to vector<16xi32>
      %swap3A_33 = arith.index_cast %cond3A_28 : i32 to index
      %swap3A_34 = tpu.vector_load %arg7[%swap3A_33] {strides = array<i32>} : memref<2080xi32, #tpu.memory_space<vmem>>, vector<16xi32>,
      tpu.vector_store %arg7[%swap3A_33], %broadcast_in_dim3A_32 {strides = array<i32>} : memref<2080xi32, #tpu.memory_space<vmem>>, vector<16xi32>,
      %gt3A = arith.constant 0 : i32
      %gt3A_35 = arith.cmpi sgt, %cond3A_28, %gt3A : i32
      %convert_element_type3A_36 = arith.extui %gt3A_35 : i1 to i32
      %cond3A_37 = arith.constant 0 : i32
      %cond3A_38 = arith.cmpi ne, %convert_element_type3A_36, %cond3A_37 : i32
      scf.if %cond3A_38 {
        %scan3A_41 = arith.constant 0 : i32
        %scan3A_42 = arith.constant 256 : i32
        %scan3A_43 = arith.addi %scan3A_41, %scan3A_42 : i32
        %scan3A_44 = arith.constant 1 : i32
        scf.for %scan3A_125 = %scan3A_41 to %scan3A_43 step %scan3A_44  : i32 {
          %swap3A_126 = arith.constant 0 : i32
          %swap3A_127 = arith.index_cast %scan3A_125 : i32 to index
          %swap3A_128 = memref.load %arg10[%swap3A_127] : memref<256xi32, #tpu.memory_space<smem>>
          memref.store %swap3A_126, %arg10[%swap3A_127] : memref<256xi32, #tpu.memory_space<smem>>
        }
        %scan3A_45 = arith.constant 256 : i32
        %scan3A_46 = arith.constant 0 : i32
        %scan3A_47 = arith.constant 17 : i32
        %scan3A_48 = arith.addi %scan3A_46, %scan3A_47 : i32
        %scan3A_49 = arith.constant 1 : i32
        scf.for %scan3A_125 = %scan3A_46 to %scan3A_48 step %scan3A_49  : i32 {
          %broadcast_in_dim3A_126 = arith.constant 16384 : i32
          %broadcast_in_dim3A_127 = vector.broadcast %broadcast_in_dim3A_126 : i32 to vector<16xi32>
          %swap3A_128 = arith.index_cast %scan3A_125 : i32 to index
          %swap3A_129 = arith.constant 0 : index
          %swap3A_130 = tpu.vector_load %arg9[%swap3A_128, %swap3A_129] {strides = array<i32>} : memref<17x128xi32, #tpu.memory_space<vmem>>, vector<16xi32>,
          tpu.vector_store %arg9[%swap3A_128, %swap3A_129], %broadcast_in_dim3A_127 {strides = array<i32>} : memref<17x128xi32, #tpu.memory_space<vmem>>, vector<16xi32>,
          %broadcast_in_dim3A_131 = arith.constant 16384 : i32
          %broadcast_in_dim3A_132 = vector.broadcast %broadcast_in_dim3A_131 : i32 to vector<16xi32>
          %swap3A_133 = arith.index_cast %scan3A_125 : i32 to index
          %swap3A_134 = arith.constant 16 : index
          %swap3A_135 = tpu.vector_load %arg9[%swap3A_133, %swap3A_134] {strides = array<i32>} : memref<17x128xi32, #tpu.memory_space<vmem>>, vector<16xi32>,
          tpu.vector_store %arg9[%swap3A_133, %swap3A_134], %broadcast_in_dim3A_132 {strides = array<i32>} : memref<17x128xi32, #tpu.memory_space<vmem>>, vector<16xi32>,
          %broadcast_in_dim3A_136 = arith.constant 16384 : i32
          %broadcast_in_dim3A_137 = vector.broadcast %broadcast_in_dim3A_136 : i32 to vector<16xi32>
          %swap3A_138 = arith.index_cast %scan3A_125 : i32 to index
          %swap3A_139 = arith.constant 32 : index
          %swap3A_140 = tpu.vector_load %arg9[%swap3A_138, %swap3A_139] {strides = array<i32>} : memref<17x128xi32, #tpu.memory_space<vmem>>, vector<16xi32>,
          tpu.vector_store %arg9[%swap3A_138, %swap3A_139], %broadcast_in_dim3A_137 {strides = array<i32>} : memref<17x128xi32, #tpu.memory_space<vmem>>, vector<16xi32>,
          %broadcast_in_dim3A_141 = arith.constant 16384 : i32
          %broadcast_in_dim3A_142 = vector.broadcast %broadcast_in_dim3A_141 : i32 to vector<16xi32>
          %swap3A_143 = arith.index_cast %scan3A_125 : i32 to index
          %swap3A_144 = arith.constant 48 : index
          %swap3A_145 = tpu.vector_load %arg9[%swap3A_143, %swap3A_144] {strides = array<i32>} : memref<17x128xi32, #tpu.memory_space<vmem>>, vector<16xi32>,
          tpu.vector_store %arg9[%swap3A_143, %swap3A_144], %broadcast_in_dim3A_142 {strides = array<i32>} : memref<17x128xi32, #tpu.memory_space<vmem>>, vector<16xi32>,
          %broadcast_in_dim3A_146 = arith.constant 16384 : i32
          %broadcast_in_dim3A_147 = vector.broadcast %broadcast_in_dim3A_146 : i32 to vector<16xi32>
          %swap3A_148 = arith.index_cast %scan3A_125 : i32 to index
          %swap3A_149 = arith.constant 64 : index
          %swap3A_150 = tpu.vector_load %arg9[%swap3A_148, %swap3A_149] {strides = array<i32>} : memref<17x128xi32, #tpu.memory_space<vmem>>, vector<16xi32>,
          tpu.vector_store %arg9[%swap3A_148, %swap3A_149], %broadcast_in_dim3A_147 {strides = array<i32>} : memref<17x128xi32, #tpu.memory_space<vmem>>, vector<16xi32>,
          %broadcast_in_dim3A_151 = arith.constant 16384 : i32
          %broadcast_in_dim3A_152 = vector.broadcast %broadcast_in_dim3A_151 : i32 to vector<16xi32>
          %swap3A_153 = arith.index_cast %scan3A_125 : i32 to index
          %swap3A_154 = arith.constant 80 : index
          %swap3A_155 = tpu.vector_load %arg9[%swap3A_153, %swap3A_154] {strides = array<i32>} : memref<17x128xi32, #tpu.memory_space<vmem>>, vector<16xi32>,
          tpu.vector_store %arg9[%swap3A_153, %swap3A_154], %broadcast_in_dim3A_152 {strides = array<i32>} : memref<17x128xi32, #tpu.memory_space<vmem>>, vector<16xi32>,
          %broadcast_in_dim3A_156 = arith.constant 16384 : i32
          %broadcast_in_dim3A_157 = vector.broadcast %broadcast_in_dim3A_156 : i32 to vector<16xi32>
          %swap3A_158 = arith.index_cast %scan3A_125 : i32 to index
          %swap3A_159 = arith.constant 96 : index
          %swap3A_160 = tpu.vector_load %arg9[%swap3A_158, %swap3A_159] {strides = array<i32>} : memref<17x128xi32, #tpu.memory_space<vmem>>, vector<16xi32>,
          tpu.vector_store %arg9[%swap3A_158, %swap3A_159], %broadcast_in_dim3A_157 {strides = array<i32>} : memref<17x128xi32, #tpu.memory_space<vmem>>, vector<16xi32>,
          %broadcast_in_dim3A_161 = arith.constant 16384 : i32
          %broadcast_in_dim3A_162 = vector.broadcast %broadcast_in_dim3A_161 : i32 to vector<16xi32>
          %swap3A_163 = arith.index_cast %scan3A_125 : i32 to index
          %swap3A_164 = arith.constant 112 : index
          %swap3A_165 = tpu.vector_load %arg9[%swap3A_163, %swap3A_164] {strides = array<i32>} : memref<17x128xi32, #tpu.memory_space<vmem>>, vector<16xi32>,
          tpu.vector_store %arg9[%swap3A_163, %swap3A_164], %broadcast_in_dim3A_162 {strides = array<i32>} : memref<17x128xi32, #tpu.memory_space<vmem>>, vector<16xi32>,
        }
        %scan3A_50 = arith.constant 17 : i32
        %add3A_51 = arith.constant 15 : i32
        %add3A_52 = arith.addi %cond3A_28, %add3A_51 : i32
        %jit3A = arith.constant 16 : i32
        %div3A = arith.divsi %add3A_52, %jit3A : i32
        %sign3A = arith.constant 0 : i32
        %sign3A_53 = arith.cmpi sgt, %add3A_52, %sign3A : i32
        %sign3A_54 = arith.extui %sign3A_53 : i1 to i32
        %sign3A_55 = arith.constant 0 : i32
        %sign3A_56 = arith.cmpi slt, %add3A_52, %sign3A_55 : i32
        %sign3A_57 = arith.extui %sign3A_56 : i1 to i32
        %sign3A_58 = arith.subi %sign3A_54, %sign3A_57 : i32
        %sign3A_59 = arith.constant 0 : i32
        %sign3A_60 = arith.cmpi sgt, %jit3A, %sign3A_59 : i32
        %sign3A_61 = arith.extui %sign3A_60 : i1 to i32
        %sign3A_62 = arith.constant 0 : i32
        %sign3A_63 = arith.cmpi slt, %jit3A, %sign3A_62 : i32
        %sign3A_64 = arith.extui %sign3A_63 : i1 to i32
        %sign3A_65 = arith.subi %sign3A_61, %sign3A_64 : i32
        %ne3A = arith.cmpi ne, %sign3A_58, %sign3A_65 : i32
        %rem3A = arith.remsi %add3A_52, %jit3A : i32
        %ne3A_66 = arith.constant 0 : i32
        %ne3A_67 = arith.cmpi ne, %rem3A, %ne3A_66 : i32
        %and3A = arith.andi %ne3A, %ne3A_67 : i1
        %sub3A = arith.constant 1 : i32
        %sub3A_68 = arith.subi %div3A, %sub3A : i32
        %select_n3A = arith.select %and3A, %sub3A_68, %div3A : i32
        %while3A_69 = arith.constant 0 : i32
        %while3A_70 = arith.subi %select_n3A, %while3A_69 : i32
        %while3A_71 = arith.addi %while3A_69, %while3A_70 : i32
        %while3A_72 = arith.constant 1 : i32
        %while3A_73 = arith.divsi %while3A_70, %while3A_72 : i32
        %while3A_74 = arith.muli %while3A_73, %while3A_72 : i32
        %while3A_75 = arith.addi %while3A_69, %while3A_74 : i32
        %while3A_76 = arith.constant 1 : i32
        scf.for %while3A_125 = %while3A_69 to %while3A_75 step %while3A_76  : i32 {
          %mul3A_126 = arith.constant 16 : i32
          %mul3A_127 = arith.muli %while3A_125, %mul3A_126 : i32
          %get3A_128 = arith.index_cast %mul3A_127 : i32 to index
          %get3A_129 = tpu.vector_load %arg6[%get3A_128] {strides = array<i32>} : memref<2080xi32, #tpu.memory_space<vmem>>, vector<16xi32>,
          %slice3A = vector.extract_strided_slice %get3A_129 {offsets = [0], sizes = [1], strides = [1]} : vector<16xi32> to vector<1xi32>
          %squeeze3A = vector.extract %slice3A[0] : i32 from vector<1xi32>
          %jit3A_130 = arith.constant 128 : i32
          %div3A_131 = arith.divsi %squeeze3A, %jit3A_130 : i32
          %sign3A_132 = arith.constant 0 : i32
          %sign3A_133 = arith.cmpi sgt, %squeeze3A, %sign3A_132 : i32
          %sign3A_134 = arith.extui %sign3A_133 : i1 to i32
          %sign3A_135 = arith.constant 0 : i32
          %sign3A_136 = arith.cmpi slt, %squeeze3A, %sign3A_135 : i32
          %sign3A_137 = arith.extui %sign3A_136 : i1 to i32
          %sign3A_138 = arith.subi %sign3A_134, %sign3A_137 : i32
          %sign3A_139 = arith.constant 0 : i32
          %sign3A_140 = arith.cmpi sgt, %jit3A_130, %sign3A_139 : i32
          %sign3A_141 = arith.extui %sign3A_140 : i1 to i32
          %sign3A_142 = arith.constant 0 : i32
          %sign3A_143 = arith.cmpi slt, %jit3A_130, %sign3A_142 : i32
          %sign3A_144 = arith.extui %sign3A_143 : i1 to i32
          %sign3A_145 = arith.subi %sign3A_141, %sign3A_144 : i32
          %ne3A_146 = arith.cmpi ne, %sign3A_138, %sign3A_145 : i32
          %rem3A_147 = arith.remsi %squeeze3A, %jit3A_130 : i32
          %ne3A_148 = arith.constant 0 : i32
          %ne3A_149 = arith.cmpi ne, %rem3A_147, %ne3A_148 : i32
          %and3A_150 = arith.andi %ne3A_146, %ne3A_149 : i1
          %sub3A_151 = arith.constant 1 : i32
          %sub3A_152 = arith.subi %div3A_131, %sub3A_151 : i32
          %select_n3A_153 = arith.select %and3A_150, %sub3A_152, %div3A_131 : i32
          %sub3A_154 = arith.subi %select_n3A_153, %mul3A_2 : i32
          %get3A_155 = arith.index_cast %sub3A_154 : i32 to index
          %get3A_156 = memref.load %arg10[%get3A_155] : memref<256xi32, #tpu.memory_space<smem>>
          %add3A_157 = arith.constant 1 : i32
          %add3A_158 = arith.addi %get3A_156, %add3A_157 : i32
          %swap3A_159 = arith.index_cast %sub3A_154 : i32 to index
          %swap3A_160 = memref.load %arg10[%swap3A_159] : memref<256xi32, #tpu.memory_space<smem>>
          memref.store %add3A_158, %arg10[%swap3A_159] : memref<256xi32, #tpu.memory_space<smem>>
          %slice3A_161 = vector.extract_strided_slice %get3A_129 {offsets = [1], sizes = [1], strides = [1]} : vector<16xi32> to vector<1xi32>
          %squeeze3A_162 = vector.extract %slice3A_161[0] : i32 from vector<1xi32>
          %jit3A_163 = arith.constant 128 : i32
          %div3A_164 = arith.divsi %squeeze3A_162, %jit3A_163 : i32
          %sign3A_165 = arith.constant 0 : i32
          %sign3A_166 = arith.cmpi sgt, %squeeze3A_162, %sign3A_165 : i32
          %sign3A_167 = arith.extui %sign3A_166 : i1 to i32
          %sign3A_168 = arith.constant 0 : i32
          %sign3A_169 = arith.cmpi slt, %squeeze3A_162, %sign3A_168 : i32
          %sign3A_170 = arith.extui %sign3A_169 : i1 to i32
          %sign3A_171 = arith.subi %sign3A_167, %sign3A_170 : i32
          %sign3A_172 = arith.constant 0 : i32
          %sign3A_173 = arith.cmpi sgt, %jit3A_163, %sign3A_172 : i32
          %sign3A_174 = arith.extui %sign3A_173 : i1 to i32
          %sign3A_175 = arith.constant 0 : i32
          %sign3A_176 = arith.cmpi slt, %jit3A_163, %sign3A_175 : i32
          %sign3A_177 = arith.extui %sign3A_176 : i1 to i32
          %sign3A_178 = arith.subi %sign3A_174, %sign3A_177 : i32
          %ne3A_179 = arith.cmpi ne, %sign3A_171, %sign3A_178 : i32
          %rem3A_180 = arith.remsi %squeeze3A_162, %jit3A_163 : i32
          %ne3A_181 = arith.constant 0 : i32
          %ne3A_182 = arith.cmpi ne, %rem3A_180, %ne3A_181 : i32
          %and3A_183 = arith.andi %ne3A_179, %ne3A_182 : i1
          %sub3A_184 = arith.constant 1 : i32
          %sub3A_185 = arith.subi %div3A_164, %sub3A_184 : i32
          %select_n3A_186 = arith.select %and3A_183, %sub3A_185, %div3A_164 : i32
          %sub3A_187 = arith.subi %select_n3A_186, %mul3A_2 : i32
          %get3A_188 = arith.index_cast %sub3A_187 : i32 to index
          %get3A_189 = memref.load %arg10[%get3A_188] : memref<256xi32, #tpu.memory_space<smem>>
          %add3A_190 = arith.constant 1 : i32
          %add3A_191 = arith.addi %get3A_189, %add3A_190 : i32
          %swap3A_192 = arith.index_cast %sub3A_187 : i32 to index
          %swap3A_193 = memref.load %arg10[%swap3A_192] : memref<256xi32, #tpu.memory_space<smem>>
          memref.store %add3A_191, %arg10[%swap3A_192] : memref<256xi32, #tpu.memory_space<smem>>
          %slice3A_194 = vector.extract_strided_slice %get3A_129 {offsets = [2], sizes = [1], strides = [1]} : vector<16xi32> to vector<1xi32>
          %squeeze3A_195 = vector.extract %slice3A_194[0] : i32 from vector<1xi32>
          %jit3A_196 = arith.constant 128 : i32
          %div3A_197 = arith.divsi %squeeze3A_195, %jit3A_196 : i32
          %sign3A_198 = arith.constant 0 : i32
          %sign3A_199 = arith.cmpi sgt, %squeeze3A_195, %sign3A_198 : i32
          %sign3A_200 = arith.extui %sign3A_199 : i1 to i32
          %sign3A_201 = arith.constant 0 : i32
          %sign3A_202 = arith.cmpi slt, %squeeze3A_195, %sign3A_201 : i32
          %sign3A_203 = arith.extui %sign3A_202 : i1 to i32
          %sign3A_204 = arith.subi %sign3A_200, %sign3A_203 : i32
          %sign3A_205 = arith.constant 0 : i32
          %sign3A_206 = arith.cmpi sgt, %jit3A_196, %sign3A_205 : i32
          %sign3A_207 = arith.extui %sign3A_206 : i1 to i32
          %sign3A_208 = arith.constant 0 : i32
          %sign3A_209 = arith.cmpi slt, %jit3A_196, %sign3A_208 : i32
          %sign3A_210 = arith.extui %sign3A_209 : i1 to i32
          %sign3A_211 = arith.subi %sign3A_207, %sign3A_210 : i32
          %ne3A_212 = arith.cmpi ne, %sign3A_204, %sign3A_211 : i32
          %rem3A_213 = arith.remsi %squeeze3A_195, %jit3A_196 : i32
          %ne3A_214 = arith.constant 0 : i32
          %ne3A_215 = arith.cmpi ne, %rem3A_213, %ne3A_214 : i32
          %and3A_216 = arith.andi %ne3A_212, %ne3A_215 : i1
          %sub3A_217 = arith.constant 1 : i32
          %sub3A_218 = arith.subi %div3A_197, %sub3A_217 : i32
          %select_n3A_219 = arith.select %and3A_216, %sub3A_218, %div3A_197 : i32
          %sub3A_220 = arith.subi %select_n3A_219, %mul3A_2 : i32
          %get3A_221 = arith.index_cast %sub3A_220 : i32 to index
          %get3A_222 = memref.load %arg10[%get3A_221] : memref<256xi32, #tpu.memory_space<smem>>
          %add3A_223 = arith.constant 1 : i32
          %add3A_224 = arith.addi %get3A_222, %add3A_223 : i32
          %swap3A_225 = arith.index_cast %sub3A_220 : i32 to index
          %swap3A_226 = memref.load %arg10[%swap3A_225] : memref<256xi32, #tpu.memory_space<smem>>
          memref.store %add3A_224, %arg10[%swap3A_225] : memref<256xi32, #tpu.memory_space<smem>>
          %slice3A_227 = vector.extract_strided_slice %get3A_129 {offsets = [3], sizes = [1], strides = [1]} : vector<16xi32> to vector<1xi32>
          %squeeze3A_228 = vector.extract %slice3A_227[0] : i32 from vector<1xi32>
          %jit3A_229 = arith.constant 128 : i32
          %div3A_230 = arith.divsi %squeeze3A_228, %jit3A_229 : i32
          %sign3A_231 = arith.constant 0 : i32
          %sign3A_232 = arith.cmpi sgt, %squeeze3A_228, %sign3A_231 : i32
          %sign3A_233 = arith.extui %sign3A_232 : i1 to i32
          %sign3A_234 = arith.constant 0 : i32
          %sign3A_235 = arith.cmpi slt, %squeeze3A_228, %sign3A_234 : i32
          %sign3A_236 = arith.extui %sign3A_235 : i1 to i32
          %sign3A_237 = arith.subi %sign3A_233, %sign3A_236 : i32
          %sign3A_238 = arith.constant 0 : i32
          %sign3A_239 = arith.cmpi sgt, %jit3A_229, %sign3A_238 : i32
          %sign3A_240 = arith.extui %sign3A_239 : i1 to i32
          %sign3A_241 = arith.constant 0 : i32
          %sign3A_242 = arith.cmpi slt, %jit3A_229, %sign3A_241 : i32
          %sign3A_243 = arith.extui %sign3A_242 : i1 to i32
          %sign3A_244 = arith.subi %sign3A_240, %sign3A_243 : i32
          %ne3A_245 = arith.cmpi ne, %sign3A_237, %sign3A_244 : i32
          %rem3A_246 = arith.remsi %squeeze3A_228, %jit3A_229 : i32
          %ne3A_247 = arith.constant 0 : i32
          %ne3A_248 = arith.cmpi ne, %rem3A_246, %ne3A_247 : i32
          %and3A_249 = arith.andi %ne3A_245, %ne3A_248 : i1
          %sub3A_250 = arith.constant 1 : i32
          %sub3A_251 = arith.subi %div3A_230, %sub3A_250 : i32
          %select_n3A_252 = arith.select %and3A_249, %sub3A_251, %div3A_230 : i32
          %sub3A_253 = arith.subi %select_n3A_252, %mul3A_2 : i32
          %get3A_254 = arith.index_cast %sub3A_253 : i32 to index
          %get3A_255 = memref.load %arg10[%get3A_254] : memref<256xi32, #tpu.memory_space<smem>>
          %add3A_256 = arith.constant 1 : i32
          %add3A_257 = arith.addi %get3A_255, %add3A_256 : i32
          %swap3A_258 = arith.index_cast %sub3A_253 : i32 to index
          %swap3A_259 = memref.load %arg10[%swap3A_258] : memref<256xi32, #tpu.memory_space<smem>>
          memref.store %add3A_257, %arg10[%swap3A_258] : memref<256xi32, #tpu.memory_space<smem>>
          %slice3A_260 = vector.extract_strided_slice %get3A_129 {offsets = [4], sizes = [1], strides = [1]} : vector<16xi32> to vector<1xi32>
          %squeeze3A_261 = vector.extract %slice3A_260[0] : i32 from vector<1xi32>
          %jit3A_262 = arith.constant 128 : i32
          %div3A_263 = arith.divsi %squeeze3A_261, %jit3A_262 : i32
          %sign3A_264 = arith.constant 0 : i32
          %sign3A_265 = arith.cmpi sgt, %squeeze3A_261, %sign3A_264 : i32
          %sign3A_266 = arith.extui %sign3A_265 : i1 to i32
          %sign3A_267 = arith.constant 0 : i32
          %sign3A_268 = arith.cmpi slt, %squeeze3A_261, %sign3A_267 : i32
          %sign3A_269 = arith.extui %sign3A_268 : i1 to i32
          %sign3A_270 = arith.subi %sign3A_266, %sign3A_269 : i32
          %sign3A_271 = arith.constant 0 : i32
          %sign3A_272 = arith.cmpi sgt, %jit3A_262, %sign3A_271 : i32
          %sign3A_273 = arith.extui %sign3A_272 : i1 to i32
          %sign3A_274 = arith.constant 0 : i32
          %sign3A_275 = arith.cmpi slt, %jit3A_262, %sign3A_274 : i32
          %sign3A_276 = arith.extui %sign3A_275 : i1 to i32
          %sign3A_277 = arith.subi %sign3A_273, %sign3A_276 : i32
          %ne3A_278 = arith.cmpi ne, %sign3A_270, %sign3A_277 : i32
          %rem3A_279 = arith.remsi %squeeze3A_261, %jit3A_262 : i32
          %ne3A_280 = arith.constant 0 : i32
          %ne3A_281 = arith.cmpi ne, %rem3A_279, %ne3A_280 : i32
          %and3A_282 = arith.andi %ne3A_278, %ne3A_281 : i1
          %sub3A_283 = arith.constant 1 : i32
          %sub3A_284 = arith.subi %div3A_263, %sub3A_283 : i32
          %select_n3A_285 = arith.select %and3A_282, %sub3A_284, %div3A_263 : i32
          %sub3A_286 = arith.subi %select_n3A_285, %mul3A_2 : i32
          %get3A_287 = arith.index_cast %sub3A_286 : i32 to index
          %get3A_288 = memref.load %arg10[%get3A_287] : memref<256xi32, #tpu.memory_space<smem>>
          %add3A_289 = arith.constant 1 : i32
          %add3A_290 = arith.addi %get3A_288, %add3A_289 : i32
          %swap3A_291 = arith.index_cast %sub3A_286 : i32 to index
          %swap3A_292 = memref.load %arg10[%swap3A_291] : memref<256xi32, #tpu.memory_space<smem>>
          memref.store %add3A_290, %arg10[%swap3A_291] : memref<256xi32, #tpu.memory_space<smem>>
          %slice3A_293 = vector.extract_strided_slice %get3A_129 {offsets = [5], sizes = [1], strides = [1]} : vector<16xi32> to vector<1xi32>
          %squeeze3A_294 = vector.extract %slice3A_293[0] : i32 from vector<1xi32>
          %jit3A_295 = arith.constant 128 : i32
          %div3A_296 = arith.divsi %squeeze3A_294, %jit3A_295 : i32
          %sign3A_297 = arith.constant 0 : i32
          %sign3A_298 = arith.cmpi sgt, %squeeze3A_294, %sign3A_297 : i32
          %sign3A_299 = arith.extui %sign3A_298 : i1 to i32
          %sign3A_300 = arith.constant 0 : i32
          %sign3A_301 = arith.cmpi slt, %squeeze3A_294, %sign3A_300 : i32
          %sign3A_302 = arith.extui %sign3A_301 : i1 to i32
          %sign3A_303 = arith.subi %sign3A_299, %sign3A_302 : i32
          %sign3A_304 = arith.constant 0 : i32
          %sign3A_305 = arith.cmpi sgt, %jit3A_295, %sign3A_304 : i32
          %sign3A_306 = arith.extui %sign3A_305 : i1 to i32
          %sign3A_307 = arith.constant 0 : i32
          %sign3A_308 = arith.cmpi slt, %jit3A_295, %sign3A_307 : i32
          %sign3A_309 = arith.extui %sign3A_308 : i1 to i32
          %sign3A_310 = arith.subi %sign3A_306, %sign3A_309 : i32
          %ne3A_311 = arith.cmpi ne, %sign3A_303, %sign3A_310 : i32
          %rem3A_312 = arith.remsi %squeeze3A_294, %jit3A_295 : i32
          %ne3A_313 = arith.constant 0 : i32
          %ne3A_314 = arith.cmpi ne, %rem3A_312, %ne3A_313 : i32
          %and3A_315 = arith.andi %ne3A_311, %ne3A_314 : i1
          %sub3A_316 = arith.constant 1 : i32
          %sub3A_317 = arith.subi %div3A_296, %sub3A_316 : i32
          %select_n3A_318 = arith.select %and3A_315, %sub3A_317, %div3A_296 : i32
          %sub3A_319 = arith.subi %select_n3A_318, %mul3A_2 : i32
          %get3A_320 = arith.index_cast %sub3A_319 : i32 to index
          %get3A_321 = memref.load %arg10[%get3A_320] : memref<256xi32, #tpu.memory_space<smem>>
          %add3A_322 = arith.constant 1 : i32
          %add3A_323 = arith.addi %get3A_321, %add3A_322 : i32
          %swap3A_324 = arith.index_cast %sub3A_319 : i32 to index
          %swap3A_325 = memref.load %arg10[%swap3A_324] : memref<256xi32, #tpu.memory_space<smem>>
          memref.store %add3A_323, %arg10[%swap3A_324] : memref<256xi32, #tpu.memory_space<smem>>
          %slice3A_326 = vector.extract_strided_slice %get3A_129 {offsets = [6], sizes = [1], strides = [1]} : vector<16xi32> to vector<1xi32>
          %squeeze3A_327 = vector.extract %slice3A_326[0] : i32 from vector<1xi32>
          %jit3A_328 = arith.constant 128 : i32
          %div3A_329 = arith.divsi %squeeze3A_327, %jit3A_328 : i32
          %sign3A_330 = arith.constant 0 : i32
          %sign3A_331 = arith.cmpi sgt, %squeeze3A_327, %sign3A_330 : i32
          %sign3A_332 = arith.extui %sign3A_331 : i1 to i32
          %sign3A_333 = arith.constant 0 : i32
          %sign3A_334 = arith.cmpi slt, %squeeze3A_327, %sign3A_333 : i32
          %sign3A_335 = arith.extui %sign3A_334 : i1 to i32
          %sign3A_336 = arith.subi %sign3A_332, %sign3A_335 : i32
          %sign3A_337 = arith.constant 0 : i32
          %sign3A_338 = arith.cmpi sgt, %jit3A_328, %sign3A_337 : i32
          %sign3A_339 = arith.extui %sign3A_338 : i1 to i32
          %sign3A_340 = arith.constant 0 : i32
          %sign3A_341 = arith.cmpi slt, %jit3A_328, %sign3A_340 : i32
          %sign3A_342 = arith.extui %sign3A_341 : i1 to i32
          %sign3A_343 = arith.subi %sign3A_339, %sign3A_342 : i32
          %ne3A_344 = arith.cmpi ne, %sign3A_336, %sign3A_343 : i32
          %rem3A_345 = arith.remsi %squeeze3A_327, %jit3A_328 : i32
          %ne3A_346 = arith.constant 0 : i32
          %ne3A_347 = arith.cmpi ne, %rem3A_345, %ne3A_346 : i32
          %and3A_348 = arith.andi %ne3A_344, %ne3A_347 : i1
          %sub3A_349 = arith.constant 1 : i32
          %sub3A_350 = arith.subi %div3A_329, %sub3A_349 : i32
          %select_n3A_351 = arith.select %and3A_348, %sub3A_350, %div3A_329 : i32
          %sub3A_352 = arith.subi %select_n3A_351, %mul3A_2 : i32
          %get3A_353 = arith.index_cast %sub3A_352 : i32 to index
          %get3A_354 = memref.load %arg10[%get3A_353] : memref<256xi32, #tpu.memory_space<smem>>
          %add3A_355 = arith.constant 1 : i32
          %add3A_356 = arith.addi %get3A_354, %add3A_355 : i32
          %swap3A_357 = arith.index_cast %sub3A_352 : i32 to index
          %swap3A_358 = memref.load %arg10[%swap3A_357] : memref<256xi32, #tpu.memory_space<smem>>
          memref.store %add3A_356, %arg10[%swap3A_357] : memref<256xi32, #tpu.memory_space<smem>>
          %slice3A_359 = vector.extract_strided_slice %get3A_129 {offsets = [7], sizes = [1], strides = [1]} : vector<16xi32> to vector<1xi32>
          %squeeze3A_360 = vector.extract %slice3A_359[0] : i32 from vector<1xi32>
          %jit3A_361 = arith.constant 128 : i32
          %div3A_362 = arith.divsi %squeeze3A_360, %jit3A_361 : i32
          %sign3A_363 = arith.constant 0 : i32
          %sign3A_364 = arith.cmpi sgt, %squeeze3A_360, %sign3A_363 : i32
          %sign3A_365 = arith.extui %sign3A_364 : i1 to i32
          %sign3A_366 = arith.constant 0 : i32
          %sign3A_367 = arith.cmpi slt, %squeeze3A_360, %sign3A_366 : i32
          %sign3A_368 = arith.extui %sign3A_367 : i1 to i32
          %sign3A_369 = arith.subi %sign3A_365, %sign3A_368 : i32
          %sign3A_370 = arith.constant 0 : i32
          %sign3A_371 = arith.cmpi sgt, %jit3A_361, %sign3A_370 : i32
          %sign3A_372 = arith.extui %sign3A_371 : i1 to i32
          %sign3A_373 = arith.constant 0 : i32
          %sign3A_374 = arith.cmpi slt, %jit3A_361, %sign3A_373 : i32
          %sign3A_375 = arith.extui %sign3A_374 : i1 to i32
          %sign3A_376 = arith.subi %sign3A_372, %sign3A_375 : i32
          %ne3A_377 = arith.cmpi ne, %sign3A_369, %sign3A_376 : i32
          %rem3A_378 = arith.remsi %squeeze3A_360, %jit3A_361 : i32
          %ne3A_379 = arith.constant 0 : i32
          %ne3A_380 = arith.cmpi ne, %rem3A_378, %ne3A_379 : i32
          %and3A_381 = arith.andi %ne3A_377, %ne3A_380 : i1
          %sub3A_382 = arith.constant 1 : i32
          %sub3A_383 = arith.subi %div3A_362, %sub3A_382 : i32
          %select_n3A_384 = arith.select %and3A_381, %sub3A_383, %div3A_362 : i32
          %sub3A_385 = arith.subi %select_n3A_384, %mul3A_2 : i32
          %get3A_386 = arith.index_cast %sub3A_385 : i32 to index
          %get3A_387 = memref.load %arg10[%get3A_386] : memref<256xi32, #tpu.memory_space<smem>>
          %add3A_388 = arith.constant 1 : i32
          %add3A_389 = arith.addi %get3A_387, %add3A_388 : i32
          %swap3A_390 = arith.index_cast %sub3A_385 : i32 to index
          %swap3A_391 = memref.load %arg10[%swap3A_390] : memref<256xi32, #tpu.memory_space<smem>>
          memref.store %add3A_389, %arg10[%swap3A_390] : memref<256xi32, #tpu.memory_space<smem>>
          %slice3A_392 = vector.extract_strided_slice %get3A_129 {offsets = [8], sizes = [1], strides = [1]} : vector<16xi32> to vector<1xi32>
          %squeeze3A_393 = vector.extract %slice3A_392[0] : i32 from vector<1xi32>
          %jit3A_394 = arith.constant 128 : i32
          %div3A_395 = arith.divsi %squeeze3A_393, %jit3A_394 : i32
          %sign3A_396 = arith.constant 0 : i32
          %sign3A_397 = arith.cmpi sgt, %squeeze3A_393, %sign3A_396 : i32
          %sign3A_398 = arith.extui %sign3A_397 : i1 to i32
          %sign3A_399 = arith.constant 0 : i32
          %sign3A_400 = arith.cmpi slt, %squeeze3A_393, %sign3A_399 : i32
          %sign3A_401 = arith.extui %sign3A_400 : i1 to i32
          %sign3A_402 = arith.subi %sign3A_398, %sign3A_401 : i32
          %sign3A_403 = arith.constant 0 : i32
          %sign3A_404 = arith.cmpi sgt, %jit3A_394, %sign3A_403 : i32
          %sign3A_405 = arith.extui %sign3A_404 : i1 to i32
          %sign3A_406 = arith.constant 0 : i32
          %sign3A_407 = arith.cmpi slt, %jit3A_394, %sign3A_406 : i32
          %sign3A_408 = arith.extui %sign3A_407 : i1 to i32
          %sign3A_409 = arith.subi %sign3A_405, %sign3A_408 : i32
          %ne3A_410 = arith.cmpi ne, %sign3A_402, %sign3A_409 : i32
          %rem3A_411 = arith.remsi %squeeze3A_393, %jit3A_394 : i32
          %ne3A_412 = arith.constant 0 : i32
          %ne3A_413 = arith.cmpi ne, %rem3A_411, %ne3A_412 : i32
          %and3A_414 = arith.andi %ne3A_410, %ne3A_413 : i1
          %sub3A_415 = arith.constant 1 : i32
          %sub3A_416 = arith.subi %div3A_395, %sub3A_415 : i32
          %select_n3A_417 = arith.select %and3A_414, %sub3A_416, %div3A_395 : i32
          %sub3A_418 = arith.subi %select_n3A_417, %mul3A_2 : i32
          %get3A_419 = arith.index_cast %sub3A_418 : i32 to index
          %get3A_420 = memref.load %arg10[%get3A_419] : memref<256xi32, #tpu.memory_space<smem>>
          %add3A_421 = arith.constant 1 : i32
          %add3A_422 = arith.addi %get3A_420, %add3A_421 : i32
          %swap3A_423 = arith.index_cast %sub3A_418 : i32 to index
          %swap3A_424 = memref.load %arg10[%swap3A_423] : memref<256xi32, #tpu.memory_space<smem>>
          memref.store %add3A_422, %arg10[%swap3A_423] : memref<256xi32, #tpu.memory_space<smem>>
          %slice3A_425 = vector.extract_strided_slice %get3A_129 {offsets = [9], sizes = [1], strides = [1]} : vector<16xi32> to vector<1xi32>
          %squeeze3A_426 = vector.extract %slice3A_425[0] : i32 from vector<1xi32>
          %jit3A_427 = arith.constant 128 : i32
          %div3A_428 = arith.divsi %squeeze3A_426, %jit3A_427 : i32
          %sign3A_429 = arith.constant 0 : i32
          %sign3A_430 = arith.cmpi sgt, %squeeze3A_426, %sign3A_429 : i32
          %sign3A_431 = arith.extui %sign3A_430 : i1 to i32
          %sign3A_432 = arith.constant 0 : i32
          %sign3A_433 = arith.cmpi slt, %squeeze3A_426, %sign3A_432 : i32
          %sign3A_434 = arith.extui %sign3A_433 : i1 to i32
          %sign3A_435 = arith.subi %sign3A_431, %sign3A_434 : i32
          %sign3A_436 = arith.constant 0 : i32
          %sign3A_437 = arith.cmpi sgt, %jit3A_427, %sign3A_436 : i32
          %sign3A_438 = arith.extui %sign3A_437 : i1 to i32
          %sign3A_439 = arith.constant 0 : i32
          %sign3A_440 = arith.cmpi slt, %jit3A_427, %sign3A_439 : i32
          %sign3A_441 = arith.extui %sign3A_440 : i1 to i32
          %sign3A_442 = arith.subi %sign3A_438, %sign3A_441 : i32
          %ne3A_443 = arith.cmpi ne, %sign3A_435, %sign3A_442 : i32
          %rem3A_444 = arith.remsi %squeeze3A_426, %jit3A_427 : i32
          %ne3A_445 = arith.constant 0 : i32
          %ne3A_446 = arith.cmpi ne, %rem3A_444, %ne3A_445 : i32
          %and3A_447 = arith.andi %ne3A_443, %ne3A_446 : i1
          %sub3A_448 = arith.constant 1 : i32
          %sub3A_449 = arith.subi %div3A_428, %sub3A_448 : i32
          %select_n3A_450 = arith.select %and3A_447, %sub3A_449, %div3A_428 : i32
          %sub3A_451 = arith.subi %select_n3A_450, %mul3A_2 : i32
          %get3A_452 = arith.index_cast %sub3A_451 : i32 to index
          %get3A_453 = memref.load %arg10[%get3A_452] : memref<256xi32, #tpu.memory_space<smem>>
          %add3A_454 = arith.constant 1 : i32
          %add3A_455 = arith.addi %get3A_453, %add3A_454 : i32
          %swap3A_456 = arith.index_cast %sub3A_451 : i32 to index
          %swap3A_457 = memref.load %arg10[%swap3A_456] : memref<256xi32, #tpu.memory_space<smem>>
          memref.store %add3A_455, %arg10[%swap3A_456] : memref<256xi32, #tpu.memory_space<smem>>
          %slice3A_458 = vector.extract_strided_slice %get3A_129 {offsets = [10], sizes = [1], strides = [1]} : vector<16xi32> to vector<1xi32>
          %squeeze3A_459 = vector.extract %slice3A_458[0] : i32 from vector<1xi32>
          %jit3A_460 = arith.constant 128 : i32
          %div3A_461 = arith.divsi %squeeze3A_459, %jit3A_460 : i32
          %sign3A_462 = arith.constant 0 : i32
          %sign3A_463 = arith.cmpi sgt, %squeeze3A_459, %sign3A_462 : i32
          %sign3A_464 = arith.extui %sign3A_463 : i1 to i32
          %sign3A_465 = arith.constant 0 : i32
          %sign3A_466 = arith.cmpi slt, %squeeze3A_459, %sign3A_465 : i32
          %sign3A_467 = arith.extui %sign3A_466 : i1 to i32
          %sign3A_468 = arith.subi %sign3A_464, %sign3A_467 : i32
          %sign3A_469 = arith.constant 0 : i32
          %sign3A_470 = arith.cmpi sgt, %jit3A_460, %sign3A_469 : i32
          %sign3A_471 = arith.extui %sign3A_470 : i1 to i32
          %sign3A_472 = arith.constant 0 : i32
          %sign3A_473 = arith.cmpi slt, %jit3A_460, %sign3A_472 : i32
          %sign3A_474 = arith.extui %sign3A_473 : i1 to i32
          %sign3A_475 = arith.subi %sign3A_471, %sign3A_474 : i32
          %ne3A_476 = arith.cmpi ne, %sign3A_468, %sign3A_475 : i32
          %rem3A_477 = arith.remsi %squeeze3A_459, %jit3A_460 : i32
          %ne3A_478 = arith.constant 0 : i32
          %ne3A_479 = arith.cmpi ne, %rem3A_477, %ne3A_478 : i32
          %and3A_480 = arith.andi %ne3A_476, %ne3A_479 : i1
          %sub3A_481 = arith.constant 1 : i32
          %sub3A_482 = arith.subi %div3A_461, %sub3A_481 : i32
          %select_n3A_483 = arith.select %and3A_480, %sub3A_482, %div3A_461 : i32
          %sub3A_484 = arith.subi %select_n3A_483, %mul3A_2 : i32
          %get3A_485 = arith.index_cast %sub3A_484 : i32 to index
          %get3A_486 = memref.load %arg10[%get3A_485] : memref<256xi32, #tpu.memory_space<smem>>
          %add3A_487 = arith.constant 1 : i32
          %add3A_488 = arith.addi %get3A_486, %add3A_487 : i32
          %swap3A_489 = arith.index_cast %sub3A_484 : i32 to index
          %swap3A_490 = memref.load %arg10[%swap3A_489] : memref<256xi32, #tpu.memory_space<smem>>
          memref.store %add3A_488, %arg10[%swap3A_489] : memref<256xi32, #tpu.memory_space<smem>>
          %slice3A_491 = vector.extract_strided_slice %get3A_129 {offsets = [11], sizes = [1], strides = [1]} : vector<16xi32> to vector<1xi32>
          %squeeze3A_492 = vector.extract %slice3A_491[0] : i32 from vector<1xi32>
          %jit3A_493 = arith.constant 128 : i32
          %div3A_494 = arith.divsi %squeeze3A_492, %jit3A_493 : i32
          %sign3A_495 = arith.constant 0 : i32
          %sign3A_496 = arith.cmpi sgt, %squeeze3A_492, %sign3A_495 : i32
          %sign3A_497 = arith.extui %sign3A_496 : i1 to i32
          %sign3A_498 = arith.constant 0 : i32
          %sign3A_499 = arith.cmpi slt, %squeeze3A_492, %sign3A_498 : i32
          %sign3A_500 = arith.extui %sign3A_499 : i1 to i32
          %sign3A_501 = arith.subi %sign3A_497, %sign3A_500 : i32
          %sign3A_502 = arith.constant 0 : i32
          %sign3A_503 = arith.cmpi sgt, %jit3A_493, %sign3A_502 : i32
          %sign3A_504 = arith.extui %sign3A_503 : i1 to i32
          %sign3A_505 = arith.constant 0 : i32
          %sign3A_506 = arith.cmpi slt, %jit3A_493, %sign3A_505 : i32
          %sign3A_507 = arith.extui %sign3A_506 : i1 to i32
          %sign3A_508 = arith.subi %sign3A_504, %sign3A_507 : i32
          %ne3A_509 = arith.cmpi ne, %sign3A_501, %sign3A_508 : i32
          %rem3A_510 = arith.remsi %squeeze3A_492, %jit3A_493 : i32
          %ne3A_511 = arith.constant 0 : i32
          %ne3A_512 = arith.cmpi ne, %rem3A_510, %ne3A_511 : i32
          %and3A_513 = arith.andi %ne3A_509, %ne3A_512 : i1
          %sub3A_514 = arith.constant 1 : i32
          %sub3A_515 = arith.subi %div3A_494, %sub3A_514 : i32
          %select_n3A_516 = arith.select %and3A_513, %sub3A_515, %div3A_494 : i32
          %sub3A_517 = arith.subi %select_n3A_516, %mul3A_2 : i32
          %get3A_518 = arith.index_cast %sub3A_517 : i32 to index
          %get3A_519 = memref.load %arg10[%get3A_518] : memref<256xi32, #tpu.memory_space<smem>>
          %add3A_520 = arith.constant 1 : i32
          %add3A_521 = arith.addi %get3A_519, %add3A_520 : i32
          %swap3A_522 = arith.index_cast %sub3A_517 : i32 to index
          %swap3A_523 = memref.load %arg10[%swap3A_522] : memref<256xi32, #tpu.memory_space<smem>>
          memref.store %add3A_521, %arg10[%swap3A_522] : memref<256xi32, #tpu.memory_space<smem>>
          %slice3A_524 = vector.extract_strided_slice %get3A_129 {offsets = [12], sizes = [1], strides = [1]} : vector<16xi32> to vector<1xi32>
          %squeeze3A_525 = vector.extract %slice3A_524[0] : i32 from vector<1xi32>
          %jit3A_526 = arith.constant 128 : i32
          %div3A_527 = arith.divsi %squeeze3A_525, %jit3A_526 : i32
          %sign3A_528 = arith.constant 0 : i32
          %sign3A_529 = arith.cmpi sgt, %squeeze3A_525, %sign3A_528 : i32
          %sign3A_530 = arith.extui %sign3A_529 : i1 to i32
          %sign3A_531 = arith.constant 0 : i32
          %sign3A_532 = arith.cmpi slt, %squeeze3A_525, %sign3A_531 : i32
          %sign3A_533 = arith.extui %sign3A_532 : i1 to i32
          %sign3A_534 = arith.subi %sign3A_530, %sign3A_533 : i32
          %sign3A_535 = arith.constant 0 : i32
          %sign3A_536 = arith.cmpi sgt, %jit3A_526, %sign3A_535 : i32
          %sign3A_537 = arith.extui %sign3A_536 : i1 to i32
          %sign3A_538 = arith.constant 0 : i32
          %sign3A_539 = arith.cmpi slt, %jit3A_526, %sign3A_538 : i32
          %sign3A_540 = arith.extui %sign3A_539 : i1 to i32
          %sign3A_541 = arith.subi %sign3A_537, %sign3A_540 : i32
          %ne3A_542 = arith.cmpi ne, %sign3A_534, %sign3A_541 : i32
          %rem3A_543 = arith.remsi %squeeze3A_525, %jit3A_526 : i32
          %ne3A_544 = arith.constant 0 : i32
          %ne3A_545 = arith.cmpi ne, %rem3A_543, %ne3A_544 : i32
          %and3A_546 = arith.andi %ne3A_542, %ne3A_545 : i1
          %sub3A_547 = arith.constant 1 : i32
          %sub3A_548 = arith.subi %div3A_527, %sub3A_547 : i32
          %select_n3A_549 = arith.select %and3A_546, %sub3A_548, %div3A_527 : i32
          %sub3A_550 = arith.subi %select_n3A_549, %mul3A_2 : i32
          %get3A_551 = arith.index_cast %sub3A_550 : i32 to index
          %get3A_552 = memref.load %arg10[%get3A_551] : memref<256xi32, #tpu.memory_space<smem>>
          %add3A_553 = arith.constant 1 : i32
          %add3A_554 = arith.addi %get3A_552, %add3A_553 : i32
          %swap3A_555 = arith.index_cast %sub3A_550 : i32 to index
          %swap3A_556 = memref.load %arg10[%swap3A_555] : memref<256xi32, #tpu.memory_space<smem>>
          memref.store %add3A_554, %arg10[%swap3A_555] : memref<256xi32, #tpu.memory_space<smem>>
          %slice3A_557 = vector.extract_strided_slice %get3A_129 {offsets = [13], sizes = [1], strides = [1]} : vector<16xi32> to vector<1xi32>
          %squeeze3A_558 = vector.extract %slice3A_557[0] : i32 from vector<1xi32>
          %jit3A_559 = arith.constant 128 : i32
          %div3A_560 = arith.divsi %squeeze3A_558, %jit3A_559 : i32
          %sign3A_561 = arith.constant 0 : i32
          %sign3A_562 = arith.cmpi sgt, %squeeze3A_558, %sign3A_561 : i32
          %sign3A_563 = arith.extui %sign3A_562 : i1 to i32
          %sign3A_564 = arith.constant 0 : i32
          %sign3A_565 = arith.cmpi slt, %squeeze3A_558, %sign3A_564 : i32
          %sign3A_566 = arith.extui %sign3A_565 : i1 to i32
          %sign3A_567 = arith.subi %sign3A_563, %sign3A_566 : i32
          %sign3A_568 = arith.constant 0 : i32
          %sign3A_569 = arith.cmpi sgt, %jit3A_559, %sign3A_568 : i32
          %sign3A_570 = arith.extui %sign3A_569 : i1 to i32
          %sign3A_571 = arith.constant 0 : i32
          %sign3A_572 = arith.cmpi slt, %jit3A_559, %sign3A_571 : i32
          %sign3A_573 = arith.extui %sign3A_572 : i1 to i32
          %sign3A_574 = arith.subi %sign3A_570, %sign3A_573 : i32
          %ne3A_575 = arith.cmpi ne, %sign3A_567, %sign3A_574 : i32
          %rem3A_576 = arith.remsi %squeeze3A_558, %jit3A_559 : i32
          %ne3A_577 = arith.constant 0 : i32
          %ne3A_578 = arith.cmpi ne, %rem3A_576, %ne3A_577 : i32
          %and3A_579 = arith.andi %ne3A_575, %ne3A_578 : i1
          %sub3A_580 = arith.constant 1 : i32
          %sub3A_581 = arith.subi %div3A_560, %sub3A_580 : i32
          %select_n3A_582 = arith.select %and3A_579, %sub3A_581, %div3A_560 : i32
          %sub3A_583 = arith.subi %select_n3A_582, %mul3A_2 : i32
          %get3A_584 = arith.index_cast %sub3A_583 : i32 to index
          %get3A_585 = memref.load %arg10[%get3A_584] : memref<256xi32, #tpu.memory_space<smem>>
          %add3A_586 = arith.constant 1 : i32
          %add3A_587 = arith.addi %get3A_585, %add3A_586 : i32
          %swap3A_588 = arith.index_cast %sub3A_583 : i32 to index
          %swap3A_589 = memref.load %arg10[%swap3A_588] : memref<256xi32, #tpu.memory_space<smem>>
          memref.store %add3A_587, %arg10[%swap3A_588] : memref<256xi32, #tpu.memory_space<smem>>
          %slice3A_590 = vector.extract_strided_slice %get3A_129 {offsets = [14], sizes = [1], strides = [1]} : vector<16xi32> to vector<1xi32>
          %squeeze3A_591 = vector.extract %slice3A_590[0] : i32 from vector<1xi32>
          %jit3A_592 = arith.constant 128 : i32
          %div3A_593 = arith.divsi %squeeze3A_591, %jit3A_592 : i32
          %sign3A_594 = arith.constant 0 : i32
          %sign3A_595 = arith.cmpi sgt, %squeeze3A_591, %sign3A_594 : i32
          %sign3A_596 = arith.extui %sign3A_595 : i1 to i32
          %sign3A_597 = arith.constant 0 : i32
          %sign3A_598 = arith.cmpi slt, %squeeze3A_591, %sign3A_597 : i32
          %sign3A_599 = arith.extui %sign3A_598 : i1 to i32
          %sign3A_600 = arith.subi %sign3A_596, %sign3A_599 : i32
          %sign3A_601 = arith.constant 0 : i32
          %sign3A_602 = arith.cmpi sgt, %jit3A_592, %sign3A_601 : i32
          %sign3A_603 = arith.extui %sign3A_602 : i1 to i32
          %sign3A_604 = arith.constant 0 : i32
          %sign3A_605 = arith.cmpi slt, %jit3A_592, %sign3A_604 : i32
          %sign3A_606 = arith.extui %sign3A_605 : i1 to i32
          %sign3A_607 = arith.subi %sign3A_603, %sign3A_606 : i32
          %ne3A_608 = arith.cmpi ne, %sign3A_600, %sign3A_607 : i32
          %rem3A_609 = arith.remsi %squeeze3A_591, %jit3A_592 : i32
          %ne3A_610 = arith.constant 0 : i32
          %ne3A_611 = arith.cmpi ne, %rem3A_609, %ne3A_610 : i32
          %and3A_612 = arith.andi %ne3A_608, %ne3A_611 : i1
          %sub3A_613 = arith.constant 1 : i32
          %sub3A_614 = arith.subi %div3A_593, %sub3A_613 : i32
          %select_n3A_615 = arith.select %and3A_612, %sub3A_614, %div3A_593 : i32
          %sub3A_616 = arith.subi %select_n3A_615, %mul3A_2 : i32
          %get3A_617 = arith.index_cast %sub3A_616 : i32 to index
          %get3A_618 = memref.load %arg10[%get3A_617] : memref<256xi32, #tpu.memory_space<smem>>
          %add3A_619 = arith.constant 1 : i32
          %add3A_620 = arith.addi %get3A_618, %add3A_619 : i32
          %swap3A_621 = arith.index_cast %sub3A_616 : i32 to index
          %swap3A_622 = memref.load %arg10[%swap3A_621] : memref<256xi32, #tpu.memory_space<smem>>
          memref.store %add3A_620, %arg10[%swap3A_621] : memref<256xi32, #tpu.memory_space<smem>>
          %slice3A_623 = vector.extract_strided_slice %get3A_129 {offsets = [15], sizes = [1], strides = [1]} : vector<16xi32> to vector<1xi32>
          %squeeze3A_624 = vector.extract %slice3A_623[0] : i32 from vector<1xi32>
          %jit3A_625 = arith.constant 128 : i32
          %div3A_626 = arith.divsi %squeeze3A_624, %jit3A_625 : i32
          %sign3A_627 = arith.constant 0 : i32
          %sign3A_628 = arith.cmpi sgt, %squeeze3A_624, %sign3A_627 : i32
          %sign3A_629 = arith.extui %sign3A_628 : i1 to i32
          %sign3A_630 = arith.constant 0 : i32
          %sign3A_631 = arith.cmpi slt, %squeeze3A_624, %sign3A_630 : i32
          %sign3A_632 = arith.extui %sign3A_631 : i1 to i32
          %sign3A_633 = arith.subi %sign3A_629, %sign3A_632 : i32
          %sign3A_634 = arith.constant 0 : i32
          %sign3A_635 = arith.cmpi sgt, %jit3A_625, %sign3A_634 : i32
          %sign3A_636 = arith.extui %sign3A_635 : i1 to i32
          %sign3A_637 = arith.constant 0 : i32
          %sign3A_638 = arith.cmpi slt, %jit3A_625, %sign3A_637 : i32
          %sign3A_639 = arith.extui %sign3A_638 : i1 to i32
          %sign3A_640 = arith.subi %sign3A_636, %sign3A_639 : i32
          %ne3A_641 = arith.cmpi ne, %sign3A_633, %sign3A_640 : i32
          %rem3A_642 = arith.remsi %squeeze3A_624, %jit3A_625 : i32
          %ne3A_643 = arith.constant 0 : i32
          %ne3A_644 = arith.cmpi ne, %rem3A_642, %ne3A_643 : i32
          %and3A_645 = arith.andi %ne3A_641, %ne3A_644 : i1
          %sub3A_646 = arith.constant 1 : i32
          %sub3A_647 = arith.subi %div3A_626, %sub3A_646 : i32
          %select_n3A_648 = arith.select %and3A_645, %sub3A_647, %div3A_626 : i32
          %sub3A_649 = arith.subi %select_n3A_648, %mul3A_2 : i32
          %get3A_650 = arith.index_cast %sub3A_649 : i32 to index
          %get3A_651 = memref.load %arg10[%get3A_650] : memref<256xi32, #tpu.memory_space<smem>>
          %add3A_652 = arith.constant 1 : i32
          %add3A_653 = arith.addi %get3A_651, %add3A_652 : i32
          %swap3A_654 = arith.index_cast %sub3A_649 : i32 to index
          %swap3A_655 = memref.load %arg10[%swap3A_654] : memref<256xi32, #tpu.memory_space<smem>>
          memref.store %add3A_653, %arg10[%swap3A_654] : memref<256xi32, #tpu.memory_space<smem>>
        }
        %while3A_77 = arith.constant 1 : i32
        scf.for %while3A_125 = %while3A_75 to %while3A_71 step %while3A_77  : i32 {
          %mul3A_126 = arith.constant 16 : i32
          %mul3A_127 = arith.muli %while3A_125, %mul3A_126 : i32
          %get3A_128 = arith.index_cast %mul3A_127 : i32 to index
          %get3A_129 = tpu.vector_load %arg6[%get3A_128] {strides = array<i32>} : memref<2080xi32, #tpu.memory_space<vmem>>, vector<16xi32>,
          %slice3A = vector.extract_strided_slice %get3A_129 {offsets = [0], sizes = [1], strides = [1]} : vector<16xi32> to vector<1xi32>
          %squeeze3A = vector.extract %slice3A[0] : i32 from vector<1xi32>
          %jit3A_130 = arith.constant 128 : i32
          %div3A_131 = arith.divsi %squeeze3A, %jit3A_130 : i32
          %sign3A_132 = arith.constant 0 : i32
          %sign3A_133 = arith.cmpi sgt, %squeeze3A, %sign3A_132 : i32
          %sign3A_134 = arith.extui %sign3A_133 : i1 to i32
          %sign3A_135 = arith.constant 0 : i32
          %sign3A_136 = arith.cmpi slt, %squeeze3A, %sign3A_135 : i32
          %sign3A_137 = arith.extui %sign3A_136 : i1 to i32
          %sign3A_138 = arith.subi %sign3A_134, %sign3A_137 : i32
          %sign3A_139 = arith.constant 0 : i32
          %sign3A_140 = arith.cmpi sgt, %jit3A_130, %sign3A_139 : i32
          %sign3A_141 = arith.extui %sign3A_140 : i1 to i32
          %sign3A_142 = arith.constant 0 : i32
          %sign3A_143 = arith.cmpi slt, %jit3A_130, %sign3A_142 : i32
          %sign3A_144 = arith.extui %sign3A_143 : i1 to i32
          %sign3A_145 = arith.subi %sign3A_141, %sign3A_144 : i32
          %ne3A_146 = arith.cmpi ne, %sign3A_138, %sign3A_145 : i32
          %rem3A_147 = arith.remsi %squeeze3A, %jit3A_130 : i32
          %ne3A_148 = arith.constant 0 : i32
          %ne3A_149 = arith.cmpi ne, %rem3A_147, %ne3A_148 : i32
          %and3A_150 = arith.andi %ne3A_146, %ne3A_149 : i1
          %sub3A_151 = arith.constant 1 : i32
          %sub3A_152 = arith.subi %div3A_131, %sub3A_151 : i32
          %select_n3A_153 = arith.select %and3A_150, %sub3A_152, %div3A_131 : i32
          %sub3A_154 = arith.subi %select_n3A_153, %mul3A_2 : i32
          %get3A_155 = arith.index_cast %sub3A_154 : i32 to index
          %get3A_156 = memref.load %arg10[%get3A_155] : memref<256xi32, #tpu.memory_space<smem>>
          %add3A_157 = arith.constant 1 : i32
          %add3A_158 = arith.addi %get3A_156, %add3A_157 : i32
          %swap3A_159 = arith.index_cast %sub3A_154 : i32 to index
          %swap3A_160 = memref.load %arg10[%swap3A_159] : memref<256xi32, #tpu.memory_space<smem>>
          memref.store %add3A_158, %arg10[%swap3A_159] : memref<256xi32, #tpu.memory_space<smem>>
          %slice3A_161 = vector.extract_strided_slice %get3A_129 {offsets = [1], sizes = [1], strides = [1]} : vector<16xi32> to vector<1xi32>
          %squeeze3A_162 = vector.extract %slice3A_161[0] : i32 from vector<1xi32>
          %jit3A_163 = arith.constant 128 : i32
          %div3A_164 = arith.divsi %squeeze3A_162, %jit3A_163 : i32
          %sign3A_165 = arith.constant 0 : i32
          %sign3A_166 = arith.cmpi sgt, %squeeze3A_162, %sign3A_165 : i32
          %sign3A_167 = arith.extui %sign3A_166 : i1 to i32
          %sign3A_168 = arith.constant 0 : i32
          %sign3A_169 = arith.cmpi slt, %squeeze3A_162, %sign3A_168 : i32
          %sign3A_170 = arith.extui %sign3A_169 : i1 to i32
          %sign3A_171 = arith.subi %sign3A_167, %sign3A_170 : i32
          %sign3A_172 = arith.constant 0 : i32
          %sign3A_173 = arith.cmpi sgt, %jit3A_163, %sign3A_172 : i32
          %sign3A_174 = arith.extui %sign3A_173 : i1 to i32
          %sign3A_175 = arith.constant 0 : i32
          %sign3A_176 = arith.cmpi slt, %jit3A_163, %sign3A_175 : i32
          %sign3A_177 = arith.extui %sign3A_176 : i1 to i32
          %sign3A_178 = arith.subi %sign3A_174, %sign3A_177 : i32
          %ne3A_179 = arith.cmpi ne, %sign3A_171, %sign3A_178 : i32
          %rem3A_180 = arith.remsi %squeeze3A_162, %jit3A_163 : i32
          %ne3A_181 = arith.constant 0 : i32
          %ne3A_182 = arith.cmpi ne, %rem3A_180, %ne3A_181 : i32
          %and3A_183 = arith.andi %ne3A_179, %ne3A_182 : i1
          %sub3A_184 = arith.constant 1 : i32
          %sub3A_185 = arith.subi %div3A_164, %sub3A_184 : i32
          %select_n3A_186 = arith.select %and3A_183, %sub3A_185, %div3A_164 : i32
          %sub3A_187 = arith.subi %select_n3A_186, %mul3A_2 : i32
          %get3A_188 = arith.index_cast %sub3A_187 : i32 to index
          %get3A_189 = memref.load %arg10[%get3A_188] : memref<256xi32, #tpu.memory_space<smem>>
          %add3A_190 = arith.constant 1 : i32
          %add3A_191 = arith.addi %get3A_189, %add3A_190 : i32
          %swap3A_192 = arith.index_cast %sub3A_187 : i32 to index
          %swap3A_193 = memref.load %arg10[%swap3A_192] : memref<256xi32, #tpu.memory_space<smem>>
          memref.store %add3A_191, %arg10[%swap3A_192] : memref<256xi32, #tpu.memory_space<smem>>
          %slice3A_194 = vector.extract_strided_slice %get3A_129 {offsets = [2], sizes = [1], strides = [1]} : vector<16xi32> to vector<1xi32>
          %squeeze3A_195 = vector.extract %slice3A_194[0] : i32 from vector<1xi32>
          %jit3A_196 = arith.constant 128 : i32
          %div3A_197 = arith.divsi %squeeze3A_195, %jit3A_196 : i32
          %sign3A_198 = arith.constant 0 : i32
          %sign3A_199 = arith.cmpi sgt, %squeeze3A_195, %sign3A_198 : i32
          %sign3A_200 = arith.extui %sign3A_199 : i1 to i32
          %sign3A_201 = arith.constant 0 : i32
          %sign3A_202 = arith.cmpi slt, %squeeze3A_195, %sign3A_201 : i32
          %sign3A_203 = arith.extui %sign3A_202 : i1 to i32
          %sign3A_204 = arith.subi %sign3A_200, %sign3A_203 : i32
          %sign3A_205 = arith.constant 0 : i32
          %sign3A_206 = arith.cmpi sgt, %jit3A_196, %sign3A_205 : i32
          %sign3A_207 = arith.extui %sign3A_206 : i1 to i32
          %sign3A_208 = arith.constant 0 : i32
          %sign3A_209 = arith.cmpi slt, %jit3A_196, %sign3A_208 : i32
          %sign3A_210 = arith.extui %sign3A_209 : i1 to i32
          %sign3A_211 = arith.subi %sign3A_207, %sign3A_210 : i32
          %ne3A_212 = arith.cmpi ne, %sign3A_204, %sign3A_211 : i32
          %rem3A_213 = arith.remsi %squeeze3A_195, %jit3A_196 : i32
          %ne3A_214 = arith.constant 0 : i32
          %ne3A_215 = arith.cmpi ne, %rem3A_213, %ne3A_214 : i32
          %and3A_216 = arith.andi %ne3A_212, %ne3A_215 : i1
          %sub3A_217 = arith.constant 1 : i32
          %sub3A_218 = arith.subi %div3A_197, %sub3A_217 : i32
          %select_n3A_219 = arith.select %and3A_216, %sub3A_218, %div3A_197 : i32
          %sub3A_220 = arith.subi %select_n3A_219, %mul3A_2 : i32
          %get3A_221 = arith.index_cast %sub3A_220 : i32 to index
          %get3A_222 = memref.load %arg10[%get3A_221] : memref<256xi32, #tpu.memory_space<smem>>
          %add3A_223 = arith.constant 1 : i32
          %add3A_224 = arith.addi %get3A_222, %add3A_223 : i32
          %swap3A_225 = arith.index_cast %sub3A_220 : i32 to index
          %swap3A_226 = memref.load %arg10[%swap3A_225] : memref<256xi32, #tpu.memory_space<smem>>
          memref.store %add3A_224, %arg10[%swap3A_225] : memref<256xi32, #tpu.memory_space<smem>>
          %slice3A_227 = vector.extract_strided_slice %get3A_129 {offsets = [3], sizes = [1], strides = [1]} : vector<16xi32> to vector<1xi32>
          %squeeze3A_228 = vector.extract %slice3A_227[0] : i32 from vector<1xi32>
          %jit3A_229 = arith.constant 128 : i32
          %div3A_230 = arith.divsi %squeeze3A_228, %jit3A_229 : i32
          %sign3A_231 = arith.constant 0 : i32
          %sign3A_232 = arith.cmpi sgt, %squeeze3A_228, %sign3A_231 : i32
          %sign3A_233 = arith.extui %sign3A_232 : i1 to i32
          %sign3A_234 = arith.constant 0 : i32
          %sign3A_235 = arith.cmpi slt, %squeeze3A_228, %sign3A_234 : i32
          %sign3A_236 = arith.extui %sign3A_235 : i1 to i32
          %sign3A_237 = arith.subi %sign3A_233, %sign3A_236 : i32
          %sign3A_238 = arith.constant 0 : i32
          %sign3A_239 = arith.cmpi sgt, %jit3A_229, %sign3A_238 : i32
          %sign3A_240 = arith.extui %sign3A_239 : i1 to i32
          %sign3A_241 = arith.constant 0 : i32
          %sign3A_242 = arith.cmpi slt, %jit3A_229, %sign3A_241 : i32
          %sign3A_243 = arith.extui %sign3A_242 : i1 to i32
          %sign3A_244 = arith.subi %sign3A_240, %sign3A_243 : i32
          %ne3A_245 = arith.cmpi ne, %sign3A_237, %sign3A_244 : i32
          %rem3A_246 = arith.remsi %squeeze3A_228, %jit3A_229 : i32
          %ne3A_247 = arith.constant 0 : i32
          %ne3A_248 = arith.cmpi ne, %rem3A_246, %ne3A_247 : i32
          %and3A_249 = arith.andi %ne3A_245, %ne3A_248 : i1
          %sub3A_250 = arith.constant 1 : i32
          %sub3A_251 = arith.subi %div3A_230, %sub3A_250 : i32
          %select_n3A_252 = arith.select %and3A_249, %sub3A_251, %div3A_230 : i32
          %sub3A_253 = arith.subi %select_n3A_252, %mul3A_2 : i32
          %get3A_254 = arith.index_cast %sub3A_253 : i32 to index
          %get3A_255 = memref.load %arg10[%get3A_254] : memref<256xi32, #tpu.memory_space<smem>>
          %add3A_256 = arith.constant 1 : i32
          %add3A_257 = arith.addi %get3A_255, %add3A_256 : i32
          %swap3A_258 = arith.index_cast %sub3A_253 : i32 to index
          %swap3A_259 = memref.load %arg10[%swap3A_258] : memref<256xi32, #tpu.memory_space<smem>>
          memref.store %add3A_257, %arg10[%swap3A_258] : memref<256xi32, #tpu.memory_space<smem>>
          %slice3A_260 = vector.extract_strided_slice %get3A_129 {offsets = [4], sizes = [1], strides = [1]} : vector<16xi32> to vector<1xi32>
          %squeeze3A_261 = vector.extract %slice3A_260[0] : i32 from vector<1xi32>
          %jit3A_262 = arith.constant 128 : i32
          %div3A_263 = arith.divsi %squeeze3A_261, %jit3A_262 : i32
          %sign3A_264 = arith.constant 0 : i32
          %sign3A_265 = arith.cmpi sgt, %squeeze3A_261, %sign3A_264 : i32
          %sign3A_266 = arith.extui %sign3A_265 : i1 to i32
          %sign3A_267 = arith.constant 0 : i32
          %sign3A_268 = arith.cmpi slt, %squeeze3A_261, %sign3A_267 : i32
          %sign3A_269 = arith.extui %sign3A_268 : i1 to i32
          %sign3A_270 = arith.subi %sign3A_266, %sign3A_269 : i32
          %sign3A_271 = arith.constant 0 : i32
          %sign3A_272 = arith.cmpi sgt, %jit3A_262, %sign3A_271 : i32
          %sign3A_273 = arith.extui %sign3A_272 : i1 to i32
          %sign3A_274 = arith.constant 0 : i32
          %sign3A_275 = arith.cmpi slt, %jit3A_262, %sign3A_274 : i32
          %sign3A_276 = arith.extui %sign3A_275 : i1 to i32
          %sign3A_277 = arith.subi %sign3A_273, %sign3A_276 : i32
          %ne3A_278 = arith.cmpi ne, %sign3A_270, %sign3A_277 : i32
          %rem3A_279 = arith.remsi %squeeze3A_261, %jit3A_262 : i32
          %ne3A_280 = arith.constant 0 : i32
          %ne3A_281 = arith.cmpi ne, %rem3A_279, %ne3A_280 : i32
          %and3A_282 = arith.andi %ne3A_278, %ne3A_281 : i1
          %sub3A_283 = arith.constant 1 : i32
          %sub3A_284 = arith.subi %div3A_263, %sub3A_283 : i32
          %select_n3A_285 = arith.select %and3A_282, %sub3A_284, %div3A_263 : i32
          %sub3A_286 = arith.subi %select_n3A_285, %mul3A_2 : i32
          %get3A_287 = arith.index_cast %sub3A_286 : i32 to index
          %get3A_288 = memref.load %arg10[%get3A_287] : memref<256xi32, #tpu.memory_space<smem>>
          %add3A_289 = arith.constant 1 : i32
          %add3A_290 = arith.addi %get3A_288, %add3A_289 : i32
          %swap3A_291 = arith.index_cast %sub3A_286 : i32 to index
          %swap3A_292 = memref.load %arg10[%swap3A_291] : memref<256xi32, #tpu.memory_space<smem>>
          memref.store %add3A_290, %arg10[%swap3A_291] : memref<256xi32, #tpu.memory_space<smem>>
          %slice3A_293 = vector.extract_strided_slice %get3A_129 {offsets = [5], sizes = [1], strides = [1]} : vector<16xi32> to vector<1xi32>
          %squeeze3A_294 = vector.extract %slice3A_293[0] : i32 from vector<1xi32>
          %jit3A_295 = arith.constant 128 : i32
          %div3A_296 = arith.divsi %squeeze3A_294, %jit3A_295 : i32
          %sign3A_297 = arith.constant 0 : i32
          %sign3A_298 = arith.cmpi sgt, %squeeze3A_294, %sign3A_297 : i32
          %sign3A_299 = arith.extui %sign3A_298 : i1 to i32
          %sign3A_300 = arith.constant 0 : i32
          %sign3A_301 = arith.cmpi slt, %squeeze3A_294, %sign3A_300 : i32
          %sign3A_302 = arith.extui %sign3A_301 : i1 to i32
          %sign3A_303 = arith.subi %sign3A_299, %sign3A_302 : i32
          %sign3A_304 = arith.constant 0 : i32
          %sign3A_305 = arith.cmpi sgt, %jit3A_295, %sign3A_304 : i32
          %sign3A_306 = arith.extui %sign3A_305 : i1 to i32
          %sign3A_307 = arith.constant 0 : i32
          %sign3A_308 = arith.cmpi slt, %jit3A_295, %sign3A_307 : i32
          %sign3A_309 = arith.extui %sign3A_308 : i1 to i32
          %sign3A_310 = arith.subi %sign3A_306, %sign3A_309 : i32
          %ne3A_311 = arith.cmpi ne, %sign3A_303, %sign3A_310 : i32
          %rem3A_312 = arith.remsi %squeeze3A_294, %jit3A_295 : i32
          %ne3A_313 = arith.constant 0 : i32
          %ne3A_314 = arith.cmpi ne, %rem3A_312, %ne3A_313 : i32
          %and3A_315 = arith.andi %ne3A_311, %ne3A_314 : i1
          %sub3A_316 = arith.constant 1 : i32
          %sub3A_317 = arith.subi %div3A_296, %sub3A_316 : i32
          %select_n3A_318 = arith.select %and3A_315, %sub3A_317, %div3A_296 : i32
          %sub3A_319 = arith.subi %select_n3A_318, %mul3A_2 : i32
          %get3A_320 = arith.index_cast %sub3A_319 : i32 to index
          %get3A_321 = memref.load %arg10[%get3A_320] : memref<256xi32, #tpu.memory_space<smem>>
          %add3A_322 = arith.constant 1 : i32
          %add3A_323 = arith.addi %get3A_321, %add3A_322 : i32
          %swap3A_324 = arith.index_cast %sub3A_319 : i32 to index
          %swap3A_325 = memref.load %arg10[%swap3A_324] : memref<256xi32, #tpu.memory_space<smem>>
          memref.store %add3A_323, %arg10[%swap3A_324] : memref<256xi32, #tpu.memory_space<smem>>
          %slice3A_326 = vector.extract_strided_slice %get3A_129 {offsets = [6], sizes = [1], strides = [1]} : vector<16xi32> to vector<1xi32>
          %squeeze3A_327 = vector.extract %slice3A_326[0] : i32 from vector<1xi32>
          %jit3A_328 = arith.constant 128 : i32
          %div3A_329 = arith.divsi %squeeze3A_327, %jit3A_328 : i32
          %sign3A_330 = arith.constant 0 : i32
          %sign3A_331 = arith.cmpi sgt, %squeeze3A_327, %sign3A_330 : i32
          %sign3A_332 = arith.extui %sign3A_331 : i1 to i32
          %sign3A_333 = arith.constant 0 : i32
          %sign3A_334 = arith.cmpi slt, %squeeze3A_327, %sign3A_333 : i32
          %sign3A_335 = arith.extui %sign3A_334 : i1 to i32
          %sign3A_336 = arith.subi %sign3A_332, %sign3A_335 : i32
          %sign3A_337 = arith.constant 0 : i32
          %sign3A_338 = arith.cmpi sgt, %jit3A_328, %sign3A_337 : i32
          %sign3A_339 = arith.extui %sign3A_338 : i1 to i32
          %sign3A_340 = arith.constant 0 : i32
          %sign3A_341 = arith.cmpi slt, %jit3A_328, %sign3A_340 : i32
          %sign3A_342 = arith.extui %sign3A_341 : i1 to i32
          %sign3A_343 = arith.subi %sign3A_339, %sign3A_342 : i32
          %ne3A_344 = arith.cmpi ne, %sign3A_336, %sign3A_343 : i32
          %rem3A_345 = arith.remsi %squeeze3A_327, %jit3A_328 : i32
          %ne3A_346 = arith.constant 0 : i32
          %ne3A_347 = arith.cmpi ne, %rem3A_345, %ne3A_346 : i32
          %and3A_348 = arith.andi %ne3A_344, %ne3A_347 : i1
          %sub3A_349 = arith.constant 1 : i32
          %sub3A_350 = arith.subi %div3A_329, %sub3A_349 : i32
          %select_n3A_351 = arith.select %and3A_348, %sub3A_350, %div3A_329 : i32
          %sub3A_352 = arith.subi %select_n3A_351, %mul3A_2 : i32
          %get3A_353 = arith.index_cast %sub3A_352 : i32 to index
          %get3A_354 = memref.load %arg10[%get3A_353] : memref<256xi32, #tpu.memory_space<smem>>
          %add3A_355 = arith.constant 1 : i32
          %add3A_356 = arith.addi %get3A_354, %add3A_355 : i32
          %swap3A_357 = arith.index_cast %sub3A_352 : i32 to index
          %swap3A_358 = memref.load %arg10[%swap3A_357] : memref<256xi32, #tpu.memory_space<smem>>
          memref.store %add3A_356, %arg10[%swap3A_357] : memref<256xi32, #tpu.memory_space<smem>>
          %slice3A_359 = vector.extract_strided_slice %get3A_129 {offsets = [7], sizes = [1], strides = [1]} : vector<16xi32> to vector<1xi32>
          %squeeze3A_360 = vector.extract %slice3A_359[0] : i32 from vector<1xi32>
          %jit3A_361 = arith.constant 128 : i32
          %div3A_362 = arith.divsi %squeeze3A_360, %jit3A_361 : i32
          %sign3A_363 = arith.constant 0 : i32
          %sign3A_364 = arith.cmpi sgt, %squeeze3A_360, %sign3A_363 : i32
          %sign3A_365 = arith.extui %sign3A_364 : i1 to i32
          %sign3A_366 = arith.constant 0 : i32
          %sign3A_367 = arith.cmpi slt, %squeeze3A_360, %sign3A_366 : i32
          %sign3A_368 = arith.extui %sign3A_367 : i1 to i32
          %sign3A_369 = arith.subi %sign3A_365, %sign3A_368 : i32
          %sign3A_370 = arith.constant 0 : i32
          %sign3A_371 = arith.cmpi sgt, %jit3A_361, %sign3A_370 : i32
          %sign3A_372 = arith.extui %sign3A_371 : i1 to i32
          %sign3A_373 = arith.constant 0 : i32
          %sign3A_374 = arith.cmpi slt, %jit3A_361, %sign3A_373 : i32
          %sign3A_375 = arith.extui %sign3A_374 : i1 to i32
          %sign3A_376 = arith.subi %sign3A_372, %sign3A_375 : i32
          %ne3A_377 = arith.cmpi ne, %sign3A_369, %sign3A_376 : i32
          %rem3A_378 = arith.remsi %squeeze3A_360, %jit3A_361 : i32
          %ne3A_379 = arith.constant 0 : i32
          %ne3A_380 = arith.cmpi ne, %rem3A_378, %ne3A_379 : i32
          %and3A_381 = arith.andi %ne3A_377, %ne3A_380 : i1
          %sub3A_382 = arith.constant 1 : i32
          %sub3A_383 = arith.subi %div3A_362, %sub3A_382 : i32
          %select_n3A_384 = arith.select %and3A_381, %sub3A_383, %div3A_362 : i32
          %sub3A_385 = arith.subi %select_n3A_384, %mul3A_2 : i32
          %get3A_386 = arith.index_cast %sub3A_385 : i32 to index
          %get3A_387 = memref.load %arg10[%get3A_386] : memref<256xi32, #tpu.memory_space<smem>>
          %add3A_388 = arith.constant 1 : i32
          %add3A_389 = arith.addi %get3A_387, %add3A_388 : i32
          %swap3A_390 = arith.index_cast %sub3A_385 : i32 to index
          %swap3A_391 = memref.load %arg10[%swap3A_390] : memref<256xi32, #tpu.memory_space<smem>>
          memref.store %add3A_389, %arg10[%swap3A_390] : memref<256xi32, #tpu.memory_space<smem>>
          %slice3A_392 = vector.extract_strided_slice %get3A_129 {offsets = [8], sizes = [1], strides = [1]} : vector<16xi32> to vector<1xi32>
          %squeeze3A_393 = vector.extract %slice3A_392[0] : i32 from vector<1xi32>
          %jit3A_394 = arith.constant 128 : i32
          %div3A_395 = arith.divsi %squeeze3A_393, %jit3A_394 : i32
          %sign3A_396 = arith.constant 0 : i32
          %sign3A_397 = arith.cmpi sgt, %squeeze3A_393, %sign3A_396 : i32
          %sign3A_398 = arith.extui %sign3A_397 : i1 to i32
          %sign3A_399 = arith.constant 0 : i32
          %sign3A_400 = arith.cmpi slt, %squeeze3A_393, %sign3A_399 : i32
          %sign3A_401 = arith.extui %sign3A_400 : i1 to i32
          %sign3A_402 = arith.subi %sign3A_398, %sign3A_401 : i32
          %sign3A_403 = arith.constant 0 : i32
          %sign3A_404 = arith.cmpi sgt, %jit3A_394, %sign3A_403 : i32
          %sign3A_405 = arith.extui %sign3A_404 : i1 to i32
          %sign3A_406 = arith.constant 0 : i32
          %sign3A_407 = arith.cmpi slt, %jit3A_394, %sign3A_406 : i32
          %sign3A_408 = arith.extui %sign3A_407 : i1 to i32
          %sign3A_409 = arith.subi %sign3A_405, %sign3A_408 : i32
          %ne3A_410 = arith.cmpi ne, %sign3A_402, %sign3A_409 : i32
          %rem3A_411 = arith.remsi %squeeze3A_393, %jit3A_394 : i32
          %ne3A_412 = arith.constant 0 : i32
          %ne3A_413 = arith.cmpi ne, %rem3A_411, %ne3A_412 : i32
          %and3A_414 = arith.andi %ne3A_410, %ne3A_413 : i1
          %sub3A_415 = arith.constant 1 : i32
          %sub3A_416 = arith.subi %div3A_395, %sub3A_415 : i32
          %select_n3A_417 = arith.select %and3A_414, %sub3A_416, %div3A_395 : i32
          %sub3A_418 = arith.subi %select_n3A_417, %mul3A_2 : i32
          %get3A_419 = arith.index_cast %sub3A_418 : i32 to index
          %get3A_420 = memref.load %arg10[%get3A_419] : memref<256xi32, #tpu.memory_space<smem>>
          %add3A_421 = arith.constant 1 : i32
          %add3A_422 = arith.addi %get3A_420, %add3A_421 : i32
          %swap3A_423 = arith.index_cast %sub3A_418 : i32 to index
          %swap3A_424 = memref.load %arg10[%swap3A_423] : memref<256xi32, #tpu.memory_space<smem>>
          memref.store %add3A_422, %arg10[%swap3A_423] : memref<256xi32, #tpu.memory_space<smem>>
          %slice3A_425 = vector.extract_strided_slice %get3A_129 {offsets = [9], sizes = [1], strides = [1]} : vector<16xi32> to vector<1xi32>
          %squeeze3A_426 = vector.extract %slice3A_425[0] : i32 from vector<1xi32>
          %jit3A_427 = arith.constant 128 : i32
          %div3A_428 = arith.divsi %squeeze3A_426, %jit3A_427 : i32
          %sign3A_429 = arith.constant 0 : i32
          %sign3A_430 = arith.cmpi sgt, %squeeze3A_426, %sign3A_429 : i32
          %sign3A_431 = arith.extui %sign3A_430 : i1 to i32
          %sign3A_432 = arith.constant 0 : i32
          %sign3A_433 = arith.cmpi slt, %squeeze3A_426, %sign3A_432 : i32
          %sign3A_434 = arith.extui %sign3A_433 : i1 to i32
          %sign3A_435 = arith.subi %sign3A_431, %sign3A_434 : i32
          %sign3A_436 = arith.constant 0 : i32
          %sign3A_437 = arith.cmpi sgt, %jit3A_427, %sign3A_436 : i32
          %sign3A_438 = arith.extui %sign3A_437 : i1 to i32
          %sign3A_439 = arith.constant 0 : i32
          %sign3A_440 = arith.cmpi slt, %jit3A_427, %sign3A_439 : i32
          %sign3A_441 = arith.extui %sign3A_440 : i1 to i32
          %sign3A_442 = arith.subi %sign3A_438, %sign3A_441 : i32
          %ne3A_443 = arith.cmpi ne, %sign3A_435, %sign3A_442 : i32
          %rem3A_444 = arith.remsi %squeeze3A_426, %jit3A_427 : i32
          %ne3A_445 = arith.constant 0 : i32
          %ne3A_446 = arith.cmpi ne, %rem3A_444, %ne3A_445 : i32
          %and3A_447 = arith.andi %ne3A_443, %ne3A_446 : i1
          %sub3A_448 = arith.constant 1 : i32
          %sub3A_449 = arith.subi %div3A_428, %sub3A_448 : i32
          %select_n3A_450 = arith.select %and3A_447, %sub3A_449, %div3A_428 : i32
          %sub3A_451 = arith.subi %select_n3A_450, %mul3A_2 : i32
          %get3A_452 = arith.index_cast %sub3A_451 : i32 to index
          %get3A_453 = memref.load %arg10[%get3A_452] : memref<256xi32, #tpu.memory_space<smem>>
          %add3A_454 = arith.constant 1 : i32
          %add3A_455 = arith.addi %get3A_453, %add3A_454 : i32
          %swap3A_456 = arith.index_cast %sub3A_451 : i32 to index
          %swap3A_457 = memref.load %arg10[%swap3A_456] : memref<256xi32, #tpu.memory_space<smem>>
          memref.store %add3A_455, %arg10[%swap3A_456] : memref<256xi32, #tpu.memory_space<smem>>
          %slice3A_458 = vector.extract_strided_slice %get3A_129 {offsets = [10], sizes = [1], strides = [1]} : vector<16xi32> to vector<1xi32>
          %squeeze3A_459 = vector.extract %slice3A_458[0] : i32 from vector<1xi32>
          %jit3A_460 = arith.constant 128 : i32
          %div3A_461 = arith.divsi %squeeze3A_459, %jit3A_460 : i32
          %sign3A_462 = arith.constant 0 : i32
          %sign3A_463 = arith.cmpi sgt, %squeeze3A_459, %sign3A_462 : i32
          %sign3A_464 = arith.extui %sign3A_463 : i1 to i32
          %sign3A_465 = arith.constant 0 : i32
          %sign3A_466 = arith.cmpi slt, %squeeze3A_459, %sign3A_465 : i32
          %sign3A_467 = arith.extui %sign3A_466 : i1 to i32
          %sign3A_468 = arith.subi %sign3A_464, %sign3A_467 : i32
          %sign3A_469 = arith.constant 0 : i32
          %sign3A_470 = arith.cmpi sgt, %jit3A_460, %sign3A_469 : i32
          %sign3A_471 = arith.extui %sign3A_470 : i1 to i32
          %sign3A_472 = arith.constant 0 : i32
          %sign3A_473 = arith.cmpi slt, %jit3A_460, %sign3A_472 : i32
          %sign3A_474 = arith.extui %sign3A_473 : i1 to i32
          %sign3A_475 = arith.subi %sign3A_471, %sign3A_474 : i32
          %ne3A_476 = arith.cmpi ne, %sign3A_468, %sign3A_475 : i32
          %rem3A_477 = arith.remsi %squeeze3A_459, %jit3A_460 : i32
          %ne3A_478 = arith.constant 0 : i32
          %ne3A_479 = arith.cmpi ne, %rem3A_477, %ne3A_478 : i32
          %and3A_480 = arith.andi %ne3A_476, %ne3A_479 : i1
          %sub3A_481 = arith.constant 1 : i32
          %sub3A_482 = arith.subi %div3A_461, %sub3A_481 : i32
          %select_n3A_483 = arith.select %and3A_480, %sub3A_482, %div3A_461 : i32
          %sub3A_484 = arith.subi %select_n3A_483, %mul3A_2 : i32
          %get3A_485 = arith.index_cast %sub3A_484 : i32 to index
          %get3A_486 = memref.load %arg10[%get3A_485] : memref<256xi32, #tpu.memory_space<smem>>
          %add3A_487 = arith.constant 1 : i32
          %add3A_488 = arith.addi %get3A_486, %add3A_487 : i32
          %swap3A_489 = arith.index_cast %sub3A_484 : i32 to index
          %swap3A_490 = memref.load %arg10[%swap3A_489] : memref<256xi32, #tpu.memory_space<smem>>
          memref.store %add3A_488, %arg10[%swap3A_489] : memref<256xi32, #tpu.memory_space<smem>>
          %slice3A_491 = vector.extract_strided_slice %get3A_129 {offsets = [11], sizes = [1], strides = [1]} : vector<16xi32> to vector<1xi32>
          %squeeze3A_492 = vector.extract %slice3A_491[0] : i32 from vector<1xi32>
          %jit3A_493 = arith.constant 128 : i32
          %div3A_494 = arith.divsi %squeeze3A_492, %jit3A_493 : i32
          %sign3A_495 = arith.constant 0 : i32
          %sign3A_496 = arith.cmpi sgt, %squeeze3A_492, %sign3A_495 : i32
          %sign3A_497 = arith.extui %sign3A_496 : i1 to i32
          %sign3A_498 = arith.constant 0 : i32
          %sign3A_499 = arith.cmpi slt, %squeeze3A_492, %sign3A_498 : i32
          %sign3A_500 = arith.extui %sign3A_499 : i1 to i32
          %sign3A_501 = arith.subi %sign3A_497, %sign3A_500 : i32
          %sign3A_502 = arith.constant 0 : i32
          %sign3A_503 = arith.cmpi sgt, %jit3A_493, %sign3A_502 : i32
          %sign3A_504 = arith.extui %sign3A_503 : i1 to i32
          %sign3A_505 = arith.constant 0 : i32
          %sign3A_506 = arith.cmpi slt, %jit3A_493, %sign3A_505 : i32
          %sign3A_507 = arith.extui %sign3A_506 : i1 to i32
          %sign3A_508 = arith.subi %sign3A_504, %sign3A_507 : i32
          %ne3A_509 = arith.cmpi ne, %sign3A_501, %sign3A_508 : i32
          %rem3A_510 = arith.remsi %squeeze3A_492, %jit3A_493 : i32
          %ne3A_511 = arith.constant 0 : i32
          %ne3A_512 = arith.cmpi ne, %rem3A_510, %ne3A_511 : i32
          %and3A_513 = arith.andi %ne3A_509, %ne3A_512 : i1
          %sub3A_514 = arith.constant 1 : i32
          %sub3A_515 = arith.subi %div3A_494, %sub3A_514 : i32
          %select_n3A_516 = arith.select %and3A_513, %sub3A_515, %div3A_494 : i32
          %sub3A_517 = arith.subi %select_n3A_516, %mul3A_2 : i32
          %get3A_518 = arith.index_cast %sub3A_517 : i32 to index
          %get3A_519 = memref.load %arg10[%get3A_518] : memref<256xi32, #tpu.memory_space<smem>>
          %add3A_520 = arith.constant 1 : i32
          %add3A_521 = arith.addi %get3A_519, %add3A_520 : i32
          %swap3A_522 = arith.index_cast %sub3A_517 : i32 to index
          %swap3A_523 = memref.load %arg10[%swap3A_522] : memref<256xi32, #tpu.memory_space<smem>>
          memref.store %add3A_521, %arg10[%swap3A_522] : memref<256xi32, #tpu.memory_space<smem>>
          %slice3A_524 = vector.extract_strided_slice %get3A_129 {offsets = [12], sizes = [1], strides = [1]} : vector<16xi32> to vector<1xi32>
          %squeeze3A_525 = vector.extract %slice3A_524[0] : i32 from vector<1xi32>
          %jit3A_526 = arith.constant 128 : i32
          %div3A_527 = arith.divsi %squeeze3A_525, %jit3A_526 : i32
          %sign3A_528 = arith.constant 0 : i32
          %sign3A_529 = arith.cmpi sgt, %squeeze3A_525, %sign3A_528 : i32
          %sign3A_530 = arith.extui %sign3A_529 : i1 to i32
          %sign3A_531 = arith.constant 0 : i32
          %sign3A_532 = arith.cmpi slt, %squeeze3A_525, %sign3A_531 : i32
          %sign3A_533 = arith.extui %sign3A_532 : i1 to i32
          %sign3A_534 = arith.subi %sign3A_530, %sign3A_533 : i32
          %sign3A_535 = arith.constant 0 : i32
          %sign3A_536 = arith.cmpi sgt, %jit3A_526, %sign3A_535 : i32
          %sign3A_537 = arith.extui %sign3A_536 : i1 to i32
          %sign3A_538 = arith.constant 0 : i32
          %sign3A_539 = arith.cmpi slt, %jit3A_526, %sign3A_538 : i32
          %sign3A_540 = arith.extui %sign3A_539 : i1 to i32
          %sign3A_541 = arith.subi %sign3A_537, %sign3A_540 : i32
          %ne3A_542 = arith.cmpi ne, %sign3A_534, %sign3A_541 : i32
          %rem3A_543 = arith.remsi %squeeze3A_525, %jit3A_526 : i32
          %ne3A_544 = arith.constant 0 : i32
          %ne3A_545 = arith.cmpi ne, %rem3A_543, %ne3A_544 : i32
          %and3A_546 = arith.andi %ne3A_542, %ne3A_545 : i1
          %sub3A_547 = arith.constant 1 : i32
          %sub3A_548 = arith.subi %div3A_527, %sub3A_547 : i32
          %select_n3A_549 = arith.select %and3A_546, %sub3A_548, %div3A_527 : i32
          %sub3A_550 = arith.subi %select_n3A_549, %mul3A_2 : i32
          %get3A_551 = arith.index_cast %sub3A_550 : i32 to index
          %get3A_552 = memref.load %arg10[%get3A_551] : memref<256xi32, #tpu.memory_space<smem>>
          %add3A_553 = arith.constant 1 : i32
          %add3A_554 = arith.addi %get3A_552, %add3A_553 : i32
          %swap3A_555 = arith.index_cast %sub3A_550 : i32 to index
          %swap3A_556 = memref.load %arg10[%swap3A_555] : memref<256xi32, #tpu.memory_space<smem>>
          memref.store %add3A_554, %arg10[%swap3A_555] : memref<256xi32, #tpu.memory_space<smem>>
          %slice3A_557 = vector.extract_strided_slice %get3A_129 {offsets = [13], sizes = [1], strides = [1]} : vector<16xi32> to vector<1xi32>
          %squeeze3A_558 = vector.extract %slice3A_557[0] : i32 from vector<1xi32>
          %jit3A_559 = arith.constant 128 : i32
          %div3A_560 = arith.divsi %squeeze3A_558, %jit3A_559 : i32
          %sign3A_561 = arith.constant 0 : i32
          %sign3A_562 = arith.cmpi sgt, %squeeze3A_558, %sign3A_561 : i32
          %sign3A_563 = arith.extui %sign3A_562 : i1 to i32
          %sign3A_564 = arith.constant 0 : i32
          %sign3A_565 = arith.cmpi slt, %squeeze3A_558, %sign3A_564 : i32
          %sign3A_566 = arith.extui %sign3A_565 : i1 to i32
          %sign3A_567 = arith.subi %sign3A_563, %sign3A_566 : i32
          %sign3A_568 = arith.constant 0 : i32
          %sign3A_569 = arith.cmpi sgt, %jit3A_559, %sign3A_568 : i32
          %sign3A_570 = arith.extui %sign3A_569 : i1 to i32
          %sign3A_571 = arith.constant 0 : i32
          %sign3A_572 = arith.cmpi slt, %jit3A_559, %sign3A_571 : i32
          %sign3A_573 = arith.extui %sign3A_572 : i1 to i32
          %sign3A_574 = arith.subi %sign3A_570, %sign3A_573 : i32
          %ne3A_575 = arith.cmpi ne, %sign3A_567, %sign3A_574 : i32
          %rem3A_576 = arith.remsi %squeeze3A_558, %jit3A_559 : i32
          %ne3A_577 = arith.constant 0 : i32
          %ne3A_578 = arith.cmpi ne, %rem3A_576, %ne3A_577 : i32
          %and3A_579 = arith.andi %ne3A_575, %ne3A_578 : i1
          %sub3A_580 = arith.constant 1 : i32
          %sub3A_581 = arith.subi %div3A_560, %sub3A_580 : i32
          %select_n3A_582 = arith.select %and3A_579, %sub3A_581, %div3A_560 : i32
          %sub3A_583 = arith.subi %select_n3A_582, %mul3A_2 : i32
          %get3A_584 = arith.index_cast %sub3A_583 : i32 to index
          %get3A_585 = memref.load %arg10[%get3A_584] : memref<256xi32, #tpu.memory_space<smem>>
          %add3A_586 = arith.constant 1 : i32
          %add3A_587 = arith.addi %get3A_585, %add3A_586 : i32
          %swap3A_588 = arith.index_cast %sub3A_583 : i32 to index
          %swap3A_589 = memref.load %arg10[%swap3A_588] : memref<256xi32, #tpu.memory_space<smem>>
          memref.store %add3A_587, %arg10[%swap3A_588] : memref<256xi32, #tpu.memory_space<smem>>
          %slice3A_590 = vector.extract_strided_slice %get3A_129 {offsets = [14], sizes = [1], strides = [1]} : vector<16xi32> to vector<1xi32>
          %squeeze3A_591 = vector.extract %slice3A_590[0] : i32 from vector<1xi32>
          %jit3A_592 = arith.constant 128 : i32
          %div3A_593 = arith.divsi %squeeze3A_591, %jit3A_592 : i32
          %sign3A_594 = arith.constant 0 : i32
          %sign3A_595 = arith.cmpi sgt, %squeeze3A_591, %sign3A_594 : i32
          %sign3A_596 = arith.extui %sign3A_595 : i1 to i32
          %sign3A_597 = arith.constant 0 : i32
          %sign3A_598 = arith.cmpi slt, %squeeze3A_591, %sign3A_597 : i32
          %sign3A_599 = arith.extui %sign3A_598 : i1 to i32
          %sign3A_600 = arith.subi %sign3A_596, %sign3A_599 : i32
          %sign3A_601 = arith.constant 0 : i32
          %sign3A_602 = arith.cmpi sgt, %jit3A_592, %sign3A_601 : i32
          %sign3A_603 = arith.extui %sign3A_602 : i1 to i32
          %sign3A_604 = arith.constant 0 : i32
          %sign3A_605 = arith.cmpi slt, %jit3A_592, %sign3A_604 : i32
          %sign3A_606 = arith.extui %sign3A_605 : i1 to i32
          %sign3A_607 = arith.subi %sign3A_603, %sign3A_606 : i32
          %ne3A_608 = arith.cmpi ne, %sign3A_600, %sign3A_607 : i32
          %rem3A_609 = arith.remsi %squeeze3A_591, %jit3A_592 : i32
          %ne3A_610 = arith.constant 0 : i32
          %ne3A_611 = arith.cmpi ne, %rem3A_609, %ne3A_610 : i32
          %and3A_612 = arith.andi %ne3A_608, %ne3A_611 : i1
          %sub3A_613 = arith.constant 1 : i32
          %sub3A_614 = arith.subi %div3A_593, %sub3A_613 : i32
          %select_n3A_615 = arith.select %and3A_612, %sub3A_614, %div3A_593 : i32
          %sub3A_616 = arith.subi %select_n3A_615, %mul3A_2 : i32
          %get3A_617 = arith.index_cast %sub3A_616 : i32 to index
          %get3A_618 = memref.load %arg10[%get3A_617] : memref<256xi32, #tpu.memory_space<smem>>
          %add3A_619 = arith.constant 1 : i32
          %add3A_620 = arith.addi %get3A_618, %add3A_619 : i32
          %swap3A_621 = arith.index_cast %sub3A_616 : i32 to index
          %swap3A_622 = memref.load %arg10[%swap3A_621] : memref<256xi32, #tpu.memory_space<smem>>
          memref.store %add3A_620, %arg10[%swap3A_621] : memref<256xi32, #tpu.memory_space<smem>>
          %slice3A_623 = vector.extract_strided_slice %get3A_129 {offsets = [15], sizes = [1], strides = [1]} : vector<16xi32> to vector<1xi32>
          %squeeze3A_624 = vector.extract %slice3A_623[0] : i32 from vector<1xi32>
          %jit3A_625 = arith.constant 128 : i32
          %div3A_626 = arith.divsi %squeeze3A_624, %jit3A_625 : i32
          %sign3A_627 = arith.constant 0 : i32
          %sign3A_628 = arith.cmpi sgt, %squeeze3A_624, %sign3A_627 : i32
          %sign3A_629 = arith.extui %sign3A_628 : i1 to i32
          %sign3A_630 = arith.constant 0 : i32
          %sign3A_631 = arith.cmpi slt, %squeeze3A_624, %sign3A_630 : i32
          %sign3A_632 = arith.extui %sign3A_631 : i1 to i32
          %sign3A_633 = arith.subi %sign3A_629, %sign3A_632 : i32
          %sign3A_634 = arith.constant 0 : i32
          %sign3A_635 = arith.cmpi sgt, %jit3A_625, %sign3A_634 : i32
          %sign3A_636 = arith.extui %sign3A_635 : i1 to i32
          %sign3A_637 = arith.constant 0 : i32
          %sign3A_638 = arith.cmpi slt, %jit3A_625, %sign3A_637 : i32
          %sign3A_639 = arith.extui %sign3A_638 : i1 to i32
          %sign3A_640 = arith.subi %sign3A_636, %sign3A_639 : i32
          %ne3A_641 = arith.cmpi ne, %sign3A_633, %sign3A_640 : i32
          %rem3A_642 = arith.remsi %squeeze3A_624, %jit3A_625 : i32
          %ne3A_643 = arith.constant 0 : i32
          %ne3A_644 = arith.cmpi ne, %rem3A_642, %ne3A_643 : i32
          %and3A_645 = arith.andi %ne3A_641, %ne3A_644 : i1
          %sub3A_646 = arith.constant 1 : i32
          %sub3A_647 = arith.subi %div3A_626, %sub3A_646 : i32
          %select_n3A_648 = arith.select %and3A_645, %sub3A_647, %div3A_626 : i32
          %sub3A_649 = arith.subi %select_n3A_648, %mul3A_2 : i32
          %get3A_650 = arith.index_cast %sub3A_649 : i32 to index
          %get3A_651 = memref.load %arg10[%get3A_650] : memref<256xi32, #tpu.memory_space<smem>>
          %add3A_652 = arith.constant 1 : i32
          %add3A_653 = arith.addi %get3A_651, %add3A_652 : i32
          %swap3A_654 = arith.index_cast %sub3A_649 : i32 to index
          %swap3A_655 = memref.load %arg10[%swap3A_654] : memref<256xi32, #tpu.memory_space<smem>>
          memref.store %add3A_653, %arg10[%swap3A_654] : memref<256xi32, #tpu.memory_space<smem>>
        }
        %get3A = arith.constant 250 : i32
        %get3A_78 = arith.index_cast %get3A : i32 to index
        %get3A_79 = memref.load %arg10[%get3A_78] : memref<256xi32, #tpu.memory_space<smem>>
        %mul3A_80 = arith.constant 16 : i32
        %mul3A_81 = arith.muli %select_n3A, %mul3A_80 : i32
        %sub3A_82 = arith.subi %mul3A_81, %cond3A_28 : i32
        %sub3A_83 = arith.subi %get3A_79, %sub3A_82 : i32
        %swap3A_84 = arith.constant 250 : i32
        %swap3A_85 = arith.index_cast %swap3A_84 : i32 to index
        %swap3A_86 = memref.load %arg10[%swap3A_85] : memref<256xi32, #tpu.memory_space<smem>>
        memref.store %sub3A_83, %arg10[%swap3A_85] : memref<256xi32, #tpu.memory_space<smem>>
        %scan3A_87 = arith.constant 0 : i32
        %scan3A_88 = arith.constant 0 : i32
        %scan3A_89 = arith.constant 0 : i32
        %scan3A_90 = arith.constant 256 : i32
        %scan3A_91 = arith.addi %scan3A_89, %scan3A_90 : i32
        %scan3A_92 = arith.constant 1 : i32
        %scan3A_93:2 = scf.for %scan3A_125 = %scan3A_89 to %scan3A_91 step %scan3A_92 iter_args(%scan3A_126 = %scan3A_87, %scan3A_127 = %scan3A_88) -> (i32, i32)  : i32 {
          %get3A_128 = arith.index_cast %scan3A_125 : i32 to index
          %get3A_129 = memref.load %arg10[%get3A_128] : memref<256xi32, #tpu.memory_space<smem>>
          %swap3A_130 = arith.index_cast %scan3A_125 : i32 to index
          %swap3A_131 = memref.load %arg11[%swap3A_130] : memref<256xi32, #tpu.memory_space<smem>>
          memref.store %scan3A_126, %arg11[%swap3A_130] : memref<256xi32, #tpu.memory_space<smem>>
          %gt3A_132 = arith.constant 0 : i32
          %gt3A_133 = arith.cmpi sgt, %get3A_129, %gt3A_132 : i32
          %lt3A = arith.constant 245 : i32
          %lt3A_134 = arith.cmpi slt, %scan3A_125, %lt3A : i32
          %and3A_135 = arith.andi %gt3A_133, %lt3A_134 : i1
          %convert_element_type3A_136 = arith.extui %and3A_135 : i1 to i32
          %cond3A_137 = arith.constant 0 : i32
          %cond3A_138 = arith.cmpi ne, %convert_element_type3A_136, %cond3A_137 : i32
          scf.if %cond3A_138 {
            %swap3A_143 = arith.index_cast %scan3A_127 : i32 to index
            %swap3A_144 = memref.load %arg12[%swap3A_143] : memref<258xi32, #tpu.memory_space<smem>>
            memref.store %scan3A_126, %arg12[%swap3A_143] : memref<258xi32, #tpu.memory_space<smem>>
            %add3A_145 = arith.addi %scan3A_125, %mul3A_2 : i32
            %swap3A_146 = arith.index_cast %scan3A_127 : i32 to index
            %swap3A_147 = memref.load %arg13[%swap3A_146] : memref<256xi32, #tpu.memory_space<smem>>
            memref.store %add3A_145, %arg13[%swap3A_146] : memref<256xi32, #tpu.memory_space<smem>>
          } else {
          }
          %add3A_139 = arith.addi %scan3A_126, %get3A_129 : i32
          %add3A_140 = arith.constant 1 : i32
          %add3A_141 = arith.addi %scan3A_127, %add3A_140 : i32
          %select_n3A_142 = arith.select %and3A_135, %add3A_141, %scan3A_127 : i32
          scf.yield %add3A_139, %select_n3A_142 : i32, i32
        }
        %scan3A_94 = arith.constant 256 : i32
        %swap3A_95 = arith.index_cast %scan3A_93#1 : i32 to index
        %swap3A_96 = memref.load %arg12[%swap3A_95] : memref<258xi32, #tpu.memory_space<smem>>
        memref.store %cond3A_28, %arg12[%swap3A_95] : memref<258xi32, #tpu.memory_space<smem>>
        %while3A_97 = arith.constant 0 : i32
        %while3A_98 = arith.subi %select_n3A, %while3A_97 : i32
        %while3A_99 = arith.addi %while3A_97, %while3A_98 : i32
        %while3A_100 = arith.constant 1 : i32
        %while3A_101 = arith.divsi %while3A_98, %while3A_100 : i32
        %while3A_102 = arith.muli %while3A_101, %while3A_100 : i32
        %while3A_103 = arith.addi %while3A_97, %while3A_102 : i32
        %while3A_104 = arith.constant 1 : i32
        scf.for %while3A_125 = %while3A_97 to %while3A_103 step %while3A_104  : i32 {
          %mul3A_126 = arith.constant 16 : i32
          %mul3A_127 = arith.muli %while3A_125, %mul3A_126 : i32
          %get3A_128 = arith.index_cast %mul3A_127 : i32 to index
          %get3A_129 = tpu.vector_load %arg6[%get3A_128] {strides = array<i32>} : memref<2080xi32, #tpu.memory_space<vmem>>, vector<16xi32>,
          %mul3A_130 = arith.constant 16 : i32
          %mul3A_131 = arith.muli %while3A_125, %mul3A_130 : i32
          %get3A_132 = arith.index_cast %mul3A_131 : i32 to index
          %get3A_133 = tpu.vector_load %arg7[%get3A_132] {strides = array<i32>} : memref<2080xi32, #tpu.memory_space<vmem>>, vector<16xi32>,
          %slice3A = vector.extract_strided_slice %get3A_129 {offsets = [0], sizes = [1], strides = [1]} : vector<16xi32> to vector<1xi32>
          %squeeze3A = vector.extract %slice3A[0] : i32 from vector<1xi32>
          %jit3A_134 = arith.constant 128 : i32
          %div3A_135 = arith.divsi %squeeze3A, %jit3A_134 : i32
          %sign3A_136 = arith.constant 0 : i32
          %sign3A_137 = arith.cmpi sgt, %squeeze3A, %sign3A_136 : i32
          %sign3A_138 = arith.extui %sign3A_137 : i1 to i32
          %sign3A_139 = arith.constant 0 : i32
          %sign3A_140 = arith.cmpi slt, %squeeze3A, %sign3A_139 : i32
          %sign3A_141 = arith.extui %sign3A_140 : i1 to i32
          %sign3A_142 = arith.subi %sign3A_138, %sign3A_141 : i32
          %sign3A_143 = arith.constant 0 : i32
          %sign3A_144 = arith.cmpi sgt, %jit3A_134, %sign3A_143 : i32
          %sign3A_145 = arith.extui %sign3A_144 : i1 to i32
          %sign3A_146 = arith.constant 0 : i32
          %sign3A_147 = arith.cmpi slt, %jit3A_134, %sign3A_146 : i32
          %sign3A_148 = arith.extui %sign3A_147 : i1 to i32
          %sign3A_149 = arith.subi %sign3A_145, %sign3A_148 : i32
          %ne3A_150 = arith.cmpi ne, %sign3A_142, %sign3A_149 : i32
          %rem3A_151 = arith.remsi %squeeze3A, %jit3A_134 : i32
          %ne3A_152 = arith.constant 0 : i32
          %ne3A_153 = arith.cmpi ne, %rem3A_151, %ne3A_152 : i32
          %and3A_154 = arith.andi %ne3A_150, %ne3A_153 : i1
          %sub3A_155 = arith.constant 1 : i32
          %sub3A_156 = arith.subi %div3A_135, %sub3A_155 : i32
          %select_n3A_157 = arith.select %and3A_154, %sub3A_156, %div3A_135 : i32
          %sub3A_158 = arith.subi %select_n3A_157, %mul3A_2 : i32
          %get3A_159 = arith.index_cast %sub3A_158 : i32 to index
          %get3A_160 = memref.load %arg11[%get3A_159] : memref<256xi32, #tpu.memory_space<smem>>
          %add3A_161 = arith.constant 1 : i32
          %add3A_162 = arith.addi %get3A_160, %add3A_161 : i32
          %swap3A_163 = arith.index_cast %sub3A_158 : i32 to index
          %swap3A_164 = memref.load %arg11[%swap3A_163] : memref<256xi32, #tpu.memory_space<smem>>
          memref.store %add3A_162, %arg11[%swap3A_163] : memref<256xi32, #tpu.memory_space<smem>>
          %jit3A_165 = arith.constant 128 : i32
          %div3A_166 = arith.divsi %get3A_160, %jit3A_165 : i32
          %sign3A_167 = arith.constant 0 : i32
          %sign3A_168 = arith.cmpi sgt, %get3A_160, %sign3A_167 : i32
          %sign3A_169 = arith.extui %sign3A_168 : i1 to i32
          %sign3A_170 = arith.constant 0 : i32
          %sign3A_171 = arith.cmpi slt, %get3A_160, %sign3A_170 : i32
          %sign3A_172 = arith.extui %sign3A_171 : i1 to i32
          %sign3A_173 = arith.subi %sign3A_169, %sign3A_172 : i32
          %sign3A_174 = arith.constant 0 : i32
          %sign3A_175 = arith.cmpi sgt, %jit3A_165, %sign3A_174 : i32
          %sign3A_176 = arith.extui %sign3A_175 : i1 to i32
          %sign3A_177 = arith.constant 0 : i32
          %sign3A_178 = arith.cmpi slt, %jit3A_165, %sign3A_177 : i32
          %sign3A_179 = arith.extui %sign3A_178 : i1 to i32
          %sign3A_180 = arith.subi %sign3A_176, %sign3A_179 : i32
          %ne3A_181 = arith.cmpi ne, %sign3A_173, %sign3A_180 : i32
          %rem3A_182 = arith.remsi %get3A_160, %jit3A_165 : i32
          %ne3A_183 = arith.constant 0 : i32
          %ne3A_184 = arith.cmpi ne, %rem3A_182, %ne3A_183 : i32
          %and3A_185 = arith.andi %ne3A_181, %ne3A_184 : i1
          %sub3A_186 = arith.constant 1 : i32
          %sub3A_187 = arith.subi %div3A_166, %sub3A_186 : i32
          %select_n3A_188 = arith.select %and3A_185, %sub3A_187, %div3A_166 : i32
          %broadcast_in_dim3A_189 = vector.broadcast %select_n3A_188 : i32 to vector<16xi32>
          %jit3A_190 = arith.constant 128 : i32
          %eq3A_191 = arith.constant 0 : i32
          %eq3A_192 = arith.cmpi eq, %jit3A_190, %eq3A_191 : i32
          %jit3A_193 = arith.constant 1 : i32
          %select_n3A_194 = arith.select %eq3A_192, %jit3A_193, %jit3A_190 : i32
          %rem3A_195 = arith.remsi %get3A_160, %select_n3A_194 : i32
          %ne3A_196 = arith.constant 0 : i32
          %ne3A_197 = arith.cmpi ne, %rem3A_195, %ne3A_196 : i32
          %lt3A = arith.constant 0 : i32
          %lt3A_198 = arith.cmpi slt, %rem3A_195, %lt3A : i32
          %lt3A_199 = arith.constant 0 : i32
          %lt3A_200 = arith.cmpi slt, %select_n3A_194, %lt3A_199 : i32
          %ne3A_201 = arith.xori %lt3A_198, %lt3A_200 : i1
          %and3A_202 = arith.andi %ne3A_201, %ne3A_197 : i1
          %add3A_203 = arith.addi %rem3A_195, %select_n3A_194 : i32
          %select_n3A_204 = arith.select %and3A_202, %add3A_203, %rem3A_195 : i32
          %broadcast_in_dim3A_205 = vector.broadcast %select_n3A_204 : i32 to vector<16xi32>
          %jit3A_206 = arith.constant 128 : i32
          %eq3A_207 = arith.constant 0 : i32
          %eq3A_208 = arith.cmpi eq, %jit3A_206, %eq3A_207 : i32
          %jit3A_209 = arith.constant 1 : i32
          %select_n3A_210 = arith.select %eq3A_208, %jit3A_209, %jit3A_206 : i32
          %rem3A_211 = arith.remsi %squeeze3A, %select_n3A_210 : i32
          %ne3A_212 = arith.constant 0 : i32
          %ne3A_213 = arith.cmpi ne, %rem3A_211, %ne3A_212 : i32
          %lt3A_214 = arith.constant 0 : i32
          %lt3A_215 = arith.cmpi slt, %rem3A_211, %lt3A_214 : i32
          %lt3A_216 = arith.constant 0 : i32
          %lt3A_217 = arith.cmpi slt, %select_n3A_210, %lt3A_216 : i32
          %ne3A_218 = arith.xori %lt3A_215, %lt3A_217 : i1
          %and3A_219 = arith.andi %ne3A_218, %ne3A_213 : i1
          %add3A_220 = arith.addi %rem3A_211, %select_n3A_210 : i32
          %select_n3A_221 = arith.select %and3A_219, %add3A_220, %rem3A_211 : i32
          %broadcast_in_dim3A_222 = vector.broadcast %select_n3A_221 : i32 to vector<16xi32>
          tpu.vector_store_idx %arg8[%broadcast_in_dim3A_189, %broadcast_in_dim3A_205], %broadcast_in_dim3A_222 masked %eq3A_6 : memref<17x128xi32, #tpu.memory_space<vmem>>[vector<16xi32>, vector<16xi32>], vector<16xi32>, vector<16xi1>
          %slice3A_223 = vector.extract_strided_slice %get3A_133 {offsets = [0], sizes = [1], strides = [1]} : vector<16xi32> to vector<1xi32>
          %squeeze3A_224 = vector.extract %slice3A_223[0] : i32 from vector<1xi32>
          %broadcast_in_dim3A_225 = vector.broadcast %squeeze3A_224 : i32 to vector<16xi32>
          tpu.vector_store_idx %arg9[%broadcast_in_dim3A_189, %broadcast_in_dim3A_205], %broadcast_in_dim3A_225 masked %eq3A_6 : memref<17x128xi32, #tpu.memory_space<vmem>>[vector<16xi32>, vector<16xi32>], vector<16xi32>, vector<16xi1>
          %slice3A_226 = vector.extract_strided_slice %get3A_129 {offsets = [1], sizes = [1], strides = [1]} : vector<16xi32> to vector<1xi32>
          %squeeze3A_227 = vector.extract %slice3A_226[0] : i32 from vector<1xi32>
          %jit3A_228 = arith.constant 128 : i32
          %div3A_229 = arith.divsi %squeeze3A_227, %jit3A_228 : i32
          %sign3A_230 = arith.constant 0 : i32
          %sign3A_231 = arith.cmpi sgt, %squeeze3A_227, %sign3A_230 : i32
          %sign3A_232 = arith.extui %sign3A_231 : i1 to i32
          %sign3A_233 = arith.constant 0 : i32
          %sign3A_234 = arith.cmpi slt, %squeeze3A_227, %sign3A_233 : i32
          %sign3A_235 = arith.extui %sign3A_234 : i1 to i32
          %sign3A_236 = arith.subi %sign3A_232, %sign3A_235 : i32
          %sign3A_237 = arith.constant 0 : i32
          %sign3A_238 = arith.cmpi sgt, %jit3A_228, %sign3A_237 : i32
          %sign3A_239 = arith.extui %sign3A_238 : i1 to i32
          %sign3A_240 = arith.constant 0 : i32
          %sign3A_241 = arith.cmpi slt, %jit3A_228, %sign3A_240 : i32
          %sign3A_242 = arith.extui %sign3A_241 : i1 to i32
          %sign3A_243 = arith.subi %sign3A_239, %sign3A_242 : i32
          %ne3A_244 = arith.cmpi ne, %sign3A_236, %sign3A_243 : i32
          %rem3A_245 = arith.remsi %squeeze3A_227, %jit3A_228 : i32
          %ne3A_246 = arith.constant 0 : i32
          %ne3A_247 = arith.cmpi ne, %rem3A_245, %ne3A_246 : i32
          %and3A_248 = arith.andi %ne3A_244, %ne3A_247 : i1
          %sub3A_249 = arith.constant 1 : i32
          %sub3A_250 = arith.subi %div3A_229, %sub3A_249 : i32
          %select_n3A_251 = arith.select %and3A_248, %sub3A_250, %div3A_229 : i32
          %sub3A_252 = arith.subi %select_n3A_251, %mul3A_2 : i32
          %get3A_253 = arith.index_cast %sub3A_252 : i32 to index
          %get3A_254 = memref.load %arg11[%get3A_253] : memref<256xi32, #tpu.memory_space<smem>>
          %add3A_255 = arith.constant 1 : i32
          %add3A_256 = arith.addi %get3A_254, %add3A_255 : i32
          %swap3A_257 = arith.index_cast %sub3A_252 : i32 to index
          %swap3A_258 = memref.load %arg11[%swap3A_257] : memref<256xi32, #tpu.memory_space<smem>>
          memref.store %add3A_256, %arg11[%swap3A_257] : memref<256xi32, #tpu.memory_space<smem>>
          %jit3A_259 = arith.constant 128 : i32
          %div3A_260 = arith.divsi %get3A_254, %jit3A_259 : i32
          %sign3A_261 = arith.constant 0 : i32
          %sign3A_262 = arith.cmpi sgt, %get3A_254, %sign3A_261 : i32
          %sign3A_263 = arith.extui %sign3A_262 : i1 to i32
          %sign3A_264 = arith.constant 0 : i32
          %sign3A_265 = arith.cmpi slt, %get3A_254, %sign3A_264 : i32
          %sign3A_266 = arith.extui %sign3A_265 : i1 to i32
          %sign3A_267 = arith.subi %sign3A_263, %sign3A_266 : i32
          %sign3A_268 = arith.constant 0 : i32
          %sign3A_269 = arith.cmpi sgt, %jit3A_259, %sign3A_268 : i32
          %sign3A_270 = arith.extui %sign3A_269 : i1 to i32
          %sign3A_271 = arith.constant 0 : i32
          %sign3A_272 = arith.cmpi slt, %jit3A_259, %sign3A_271 : i32
          %sign3A_273 = arith.extui %sign3A_272 : i1 to i32
          %sign3A_274 = arith.subi %sign3A_270, %sign3A_273 : i32
          %ne3A_275 = arith.cmpi ne, %sign3A_267, %sign3A_274 : i32
          %rem3A_276 = arith.remsi %get3A_254, %jit3A_259 : i32
          %ne3A_277 = arith.constant 0 : i32
          %ne3A_278 = arith.cmpi ne, %rem3A_276, %ne3A_277 : i32
          %and3A_279 = arith.andi %ne3A_275, %ne3A_278 : i1
          %sub3A_280 = arith.constant 1 : i32
          %sub3A_281 = arith.subi %div3A_260, %sub3A_280 : i32
          %select_n3A_282 = arith.select %and3A_279, %sub3A_281, %div3A_260 : i32
          %broadcast_in_dim3A_283 = vector.broadcast %select_n3A_282 : i32 to vector<16xi32>
          %jit3A_284 = arith.constant 128 : i32
          %eq3A_285 = arith.constant 0 : i32
          %eq3A_286 = arith.cmpi eq, %jit3A_284, %eq3A_285 : i32
          %jit3A_287 = arith.constant 1 : i32
          %select_n3A_288 = arith.select %eq3A_286, %jit3A_287, %jit3A_284 : i32
          %rem3A_289 = arith.remsi %get3A_254, %select_n3A_288 : i32
          %ne3A_290 = arith.constant 0 : i32
          %ne3A_291 = arith.cmpi ne, %rem3A_289, %ne3A_290 : i32
          %lt3A_292 = arith.constant 0 : i32
          %lt3A_293 = arith.cmpi slt, %rem3A_289, %lt3A_292 : i32
          %lt3A_294 = arith.constant 0 : i32
          %lt3A_295 = arith.cmpi slt, %select_n3A_288, %lt3A_294 : i32
          %ne3A_296 = arith.xori %lt3A_293, %lt3A_295 : i1
          %and3A_297 = arith.andi %ne3A_296, %ne3A_291 : i1
          %add3A_298 = arith.addi %rem3A_289, %select_n3A_288 : i32
          %select_n3A_299 = arith.select %and3A_297, %add3A_298, %rem3A_289 : i32
          %broadcast_in_dim3A_300 = vector.broadcast %select_n3A_299 : i32 to vector<16xi32>
          %jit3A_301 = arith.constant 128 : i32
          %eq3A_302 = arith.constant 0 : i32
          %eq3A_303 = arith.cmpi eq, %jit3A_301, %eq3A_302 : i32
          %jit3A_304 = arith.constant 1 : i32
          %select_n3A_305 = arith.select %eq3A_303, %jit3A_304, %jit3A_301 : i32
          %rem3A_306 = arith.remsi %squeeze3A_227, %select_n3A_305 : i32
          %ne3A_307 = arith.constant 0 : i32
          %ne3A_308 = arith.cmpi ne, %rem3A_306, %ne3A_307 : i32
          %lt3A_309 = arith.constant 0 : i32
          %lt3A_310 = arith.cmpi slt, %rem3A_306, %lt3A_309 : i32
          %lt3A_311 = arith.constant 0 : i32
          %lt3A_312 = arith.cmpi slt, %select_n3A_305, %lt3A_311 : i32
          %ne3A_313 = arith.xori %lt3A_310, %lt3A_312 : i1
          %and3A_314 = arith.andi %ne3A_313, %ne3A_308 : i1
          %add3A_315 = arith.addi %rem3A_306, %select_n3A_305 : i32
          %select_n3A_316 = arith.select %and3A_314, %add3A_315, %rem3A_306 : i32
          %broadcast_in_dim3A_317 = vector.broadcast %select_n3A_316 : i32 to vector<16xi32>
          tpu.vector_store_idx %arg8[%broadcast_in_dim3A_283, %broadcast_in_dim3A_300], %broadcast_in_dim3A_317 masked %eq3A_6 : memref<17x128xi32, #tpu.memory_space<vmem>>[vector<16xi32>, vector<16xi32>], vector<16xi32>, vector<16xi1>
          %slice3A_318 = vector.extract_strided_slice %get3A_133 {offsets = [1], sizes = [1], strides = [1]} : vector<16xi32> to vector<1xi32>
          %squeeze3A_319 = vector.extract %slice3A_318[0] : i32 from vector<1xi32>
          %broadcast_in_dim3A_320 = vector.broadcast %squeeze3A_319 : i32 to vector<16xi32>
          tpu.vector_store_idx %arg9[%broadcast_in_dim3A_283, %broadcast_in_dim3A_300], %broadcast_in_dim3A_320 masked %eq3A_6 : memref<17x128xi32, #tpu.memory_space<vmem>>[vector<16xi32>, vector<16xi32>], vector<16xi32>, vector<16xi1>
          %slice3A_321 = vector.extract_strided_slice %get3A_129 {offsets = [2], sizes = [1], strides = [1]} : vector<16xi32> to vector<1xi32>
          %squeeze3A_322 = vector.extract %slice3A_321[0] : i32 from vector<1xi32>
          %jit3A_323 = arith.constant 128 : i32
          %div3A_324 = arith.divsi %squeeze3A_322, %jit3A_323 : i32
          %sign3A_325 = arith.constant 0 : i32
          %sign3A_326 = arith.cmpi sgt, %squeeze3A_322, %sign3A_325 : i32
          %sign3A_327 = arith.extui %sign3A_326 : i1 to i32
          %sign3A_328 = arith.constant 0 : i32
          %sign3A_329 = arith.cmpi slt, %squeeze3A_322, %sign3A_328 : i32
          %sign3A_330 = arith.extui %sign3A_329 : i1 to i32
          %sign3A_331 = arith.subi %sign3A_327, %sign3A_330 : i32
          %sign3A_332 = arith.constant 0 : i32
          %sign3A_333 = arith.cmpi sgt, %jit3A_323, %sign3A_332 : i32
          %sign3A_334 = arith.extui %sign3A_333 : i1 to i32
          %sign3A_335 = arith.constant 0 : i32
          %sign3A_336 = arith.cmpi slt, %jit3A_323, %sign3A_335 : i32
          %sign3A_337 = arith.extui %sign3A_336 : i1 to i32
          %sign3A_338 = arith.subi %sign3A_334, %sign3A_337 : i32
          %ne3A_339 = arith.cmpi ne, %sign3A_331, %sign3A_338 : i32
          %rem3A_340 = arith.remsi %squeeze3A_322, %jit3A_323 : i32
          %ne3A_341 = arith.constant 0 : i32
          %ne3A_342 = arith.cmpi ne, %rem3A_340, %ne3A_341 : i32
          %and3A_343 = arith.andi %ne3A_339, %ne3A_342 : i1
          %sub3A_344 = arith.constant 1 : i32
          %sub3A_345 = arith.subi %div3A_324, %sub3A_344 : i32
          %select_n3A_346 = arith.select %and3A_343, %sub3A_345, %div3A_324 : i32
          %sub3A_347 = arith.subi %select_n3A_346, %mul3A_2 : i32
          %get3A_348 = arith.index_cast %sub3A_347 : i32 to index
          %get3A_349 = memref.load %arg11[%get3A_348] : memref<256xi32, #tpu.memory_space<smem>>
          %add3A_350 = arith.constant 1 : i32
          %add3A_351 = arith.addi %get3A_349, %add3A_350 : i32
          %swap3A_352 = arith.index_cast %sub3A_347 : i32 to index
          %swap3A_353 = memref.load %arg11[%swap3A_352] : memref<256xi32, #tpu.memory_space<smem>>
          memref.store %add3A_351, %arg11[%swap3A_352] : memref<256xi32, #tpu.memory_space<smem>>
          %jit3A_354 = arith.constant 128 : i32
          %div3A_355 = arith.divsi %get3A_349, %jit3A_354 : i32
          %sign3A_356 = arith.constant 0 : i32
          %sign3A_357 = arith.cmpi sgt, %get3A_349, %sign3A_356 : i32
          %sign3A_358 = arith.extui %sign3A_357 : i1 to i32
          %sign3A_359 = arith.constant 0 : i32
          %sign3A_360 = arith.cmpi slt, %get3A_349, %sign3A_359 : i32
          %sign3A_361 = arith.extui %sign3A_360 : i1 to i32
          %sign3A_362 = arith.subi %sign3A_358, %sign3A_361 : i32
          %sign3A_363 = arith.constant 0 : i32
          %sign3A_364 = arith.cmpi sgt, %jit3A_354, %sign3A_363 : i32
          %sign3A_365 = arith.extui %sign3A_364 : i1 to i32
          %sign3A_366 = arith.constant 0 : i32
          %sign3A_367 = arith.cmpi slt, %jit3A_354, %sign3A_366 : i32
          %sign3A_368 = arith.extui %sign3A_367 : i1 to i32
          %sign3A_369 = arith.subi %sign3A_365, %sign3A_368 : i32
          %ne3A_370 = arith.cmpi ne, %sign3A_362, %sign3A_369 : i32
          %rem3A_371 = arith.remsi %get3A_349, %jit3A_354 : i32
          %ne3A_372 = arith.constant 0 : i32
          %ne3A_373 = arith.cmpi ne, %rem3A_371, %ne3A_372 : i32
          %and3A_374 = arith.andi %ne3A_370, %ne3A_373 : i1
          %sub3A_375 = arith.constant 1 : i32
          %sub3A_376 = arith.subi %div3A_355, %sub3A_375 : i32
          %select_n3A_377 = arith.select %and3A_374, %sub3A_376, %div3A_355 : i32
          %broadcast_in_dim3A_378 = vector.broadcast %select_n3A_377 : i32 to vector<16xi32>
          %jit3A_379 = arith.constant 128 : i32
          %eq3A_380 = arith.constant 0 : i32
          %eq3A_381 = arith.cmpi eq, %jit3A_379, %eq3A_380 : i32
          %jit3A_382 = arith.constant 1 : i32
          %select_n3A_383 = arith.select %eq3A_381, %jit3A_382, %jit3A_379 : i32
          %rem3A_384 = arith.remsi %get3A_349, %select_n3A_383 : i32
          %ne3A_385 = arith.constant 0 : i32
          %ne3A_386 = arith.cmpi ne, %rem3A_384, %ne3A_385 : i32
          %lt3A_387 = arith.constant 0 : i32
          %lt3A_388 = arith.cmpi slt, %rem3A_384, %lt3A_387 : i32
          %lt3A_389 = arith.constant 0 : i32
          %lt3A_390 = arith.cmpi slt, %select_n3A_383, %lt3A_389 : i32
          %ne3A_391 = arith.xori %lt3A_388, %lt3A_390 : i1
          %and3A_392 = arith.andi %ne3A_391, %ne3A_386 : i1
          %add3A_393 = arith.addi %rem3A_384, %select_n3A_383 : i32
          %select_n3A_394 = arith.select %and3A_392, %add3A_393, %rem3A_384 : i32
          %broadcast_in_dim3A_395 = vector.broadcast %select_n3A_394 : i32 to vector<16xi32>
          %jit3A_396 = arith.constant 128 : i32
          %eq3A_397 = arith.constant 0 : i32
          %eq3A_398 = arith.cmpi eq, %jit3A_396, %eq3A_397 : i32
          %jit3A_399 = arith.constant 1 : i32
          %select_n3A_400 = arith.select %eq3A_398, %jit3A_399, %jit3A_396 : i32
          %rem3A_401 = arith.remsi %squeeze3A_322, %select_n3A_400 : i32
          %ne3A_402 = arith.constant 0 : i32
          %ne3A_403 = arith.cmpi ne, %rem3A_401, %ne3A_402 : i32
          %lt3A_404 = arith.constant 0 : i32
          %lt3A_405 = arith.cmpi slt, %rem3A_401, %lt3A_404 : i32
          %lt3A_406 = arith.constant 0 : i32
          %lt3A_407 = arith.cmpi slt, %select_n3A_400, %lt3A_406 : i32
          %ne3A_408 = arith.xori %lt3A_405, %lt3A_407 : i1
          %and3A_409 = arith.andi %ne3A_408, %ne3A_403 : i1
          %add3A_410 = arith.addi %rem3A_401, %select_n3A_400 : i32
          %select_n3A_411 = arith.select %and3A_409, %add3A_410, %rem3A_401 : i32
          %broadcast_in_dim3A_412 = vector.broadcast %select_n3A_411 : i32 to vector<16xi32>
          tpu.vector_store_idx %arg8[%broadcast_in_dim3A_378, %broadcast_in_dim3A_395], %broadcast_in_dim3A_412 masked %eq3A_6 : memref<17x128xi32, #tpu.memory_space<vmem>>[vector<16xi32>, vector<16xi32>], vector<16xi32>, vector<16xi1>
          %slice3A_413 = vector.extract_strided_slice %get3A_133 {offsets = [2], sizes = [1], strides = [1]} : vector<16xi32> to vector<1xi32>
          %squeeze3A_414 = vector.extract %slice3A_413[0] : i32 from vector<1xi32>
          %broadcast_in_dim3A_415 = vector.broadcast %squeeze3A_414 : i32 to vector<16xi32>
          tpu.vector_store_idx %arg9[%broadcast_in_dim3A_378, %broadcast_in_dim3A_395], %broadcast_in_dim3A_415 masked %eq3A_6 : memref<17x128xi32, #tpu.memory_space<vmem>>[vector<16xi32>, vector<16xi32>], vector<16xi32>, vector<16xi1>
          %slice3A_416 = vector.extract_strided_slice %get3A_129 {offsets = [3], sizes = [1], strides = [1]} : vector<16xi32> to vector<1xi32>
          %squeeze3A_417 = vector.extract %slice3A_416[0] : i32 from vector<1xi32>
          %jit3A_418 = arith.constant 128 : i32
          %div3A_419 = arith.divsi %squeeze3A_417, %jit3A_418 : i32
          %sign3A_420 = arith.constant 0 : i32
          %sign3A_421 = arith.cmpi sgt, %squeeze3A_417, %sign3A_420 : i32
          %sign3A_422 = arith.extui %sign3A_421 : i1 to i32
          %sign3A_423 = arith.constant 0 : i32
          %sign3A_424 = arith.cmpi slt, %squeeze3A_417, %sign3A_423 : i32
          %sign3A_425 = arith.extui %sign3A_424 : i1 to i32
          %sign3A_426 = arith.subi %sign3A_422, %sign3A_425 : i32
          %sign3A_427 = arith.constant 0 : i32
          %sign3A_428 = arith.cmpi sgt, %jit3A_418, %sign3A_427 : i32
          %sign3A_429 = arith.extui %sign3A_428 : i1 to i32
          %sign3A_430 = arith.constant 0 : i32
          %sign3A_431 = arith.cmpi slt, %jit3A_418, %sign3A_430 : i32
          %sign3A_432 = arith.extui %sign3A_431 : i1 to i32
          %sign3A_433 = arith.subi %sign3A_429, %sign3A_432 : i32
          %ne3A_434 = arith.cmpi ne, %sign3A_426, %sign3A_433 : i32
          %rem3A_435 = arith.remsi %squeeze3A_417, %jit3A_418 : i32
          %ne3A_436 = arith.constant 0 : i32
          %ne3A_437 = arith.cmpi ne, %rem3A_435, %ne3A_436 : i32
          %and3A_438 = arith.andi %ne3A_434, %ne3A_437 : i1
          %sub3A_439 = arith.constant 1 : i32
          %sub3A_440 = arith.subi %div3A_419, %sub3A_439 : i32
          %select_n3A_441 = arith.select %and3A_438, %sub3A_440, %div3A_419 : i32
          %sub3A_442 = arith.subi %select_n3A_441, %mul3A_2 : i32
          %get3A_443 = arith.index_cast %sub3A_442 : i32 to index
          %get3A_444 = memref.load %arg11[%get3A_443] : memref<256xi32, #tpu.memory_space<smem>>
          %add3A_445 = arith.constant 1 : i32
          %add3A_446 = arith.addi %get3A_444, %add3A_445 : i32
          %swap3A_447 = arith.index_cast %sub3A_442 : i32 to index
          %swap3A_448 = memref.load %arg11[%swap3A_447] : memref<256xi32, #tpu.memory_space<smem>>
          memref.store %add3A_446, %arg11[%swap3A_447] : memref<256xi32, #tpu.memory_space<smem>>
          %jit3A_449 = arith.constant 128 : i32
          %div3A_450 = arith.divsi %get3A_444, %jit3A_449 : i32
          %sign3A_451 = arith.constant 0 : i32
          %sign3A_452 = arith.cmpi sgt, %get3A_444, %sign3A_451 : i32
          %sign3A_453 = arith.extui %sign3A_452 : i1 to i32
          %sign3A_454 = arith.constant 0 : i32
          %sign3A_455 = arith.cmpi slt, %get3A_444, %sign3A_454 : i32
          %sign3A_456 = arith.extui %sign3A_455 : i1 to i32
          %sign3A_457 = arith.subi %sign3A_453, %sign3A_456 : i32
          %sign3A_458 = arith.constant 0 : i32
          %sign3A_459 = arith.cmpi sgt, %jit3A_449, %sign3A_458 : i32
          %sign3A_460 = arith.extui %sign3A_459 : i1 to i32
          %sign3A_461 = arith.constant 0 : i32
          %sign3A_462 = arith.cmpi slt, %jit3A_449, %sign3A_461 : i32
          %sign3A_463 = arith.extui %sign3A_462 : i1 to i32
          %sign3A_464 = arith.subi %sign3A_460, %sign3A_463 : i32
          %ne3A_465 = arith.cmpi ne, %sign3A_457, %sign3A_464 : i32
          %rem3A_466 = arith.remsi %get3A_444, %jit3A_449 : i32
          %ne3A_467 = arith.constant 0 : i32
          %ne3A_468 = arith.cmpi ne, %rem3A_466, %ne3A_467 : i32
          %and3A_469 = arith.andi %ne3A_465, %ne3A_468 : i1
          %sub3A_470 = arith.constant 1 : i32
          %sub3A_471 = arith.subi %div3A_450, %sub3A_470 : i32
          %select_n3A_472 = arith.select %and3A_469, %sub3A_471, %div3A_450 : i32
          %broadcast_in_dim3A_473 = vector.broadcast %select_n3A_472 : i32 to vector<16xi32>
          %jit3A_474 = arith.constant 128 : i32
          %eq3A_475 = arith.constant 0 : i32
          %eq3A_476 = arith.cmpi eq, %jit3A_474, %eq3A_475 : i32
          %jit3A_477 = arith.constant 1 : i32
          %select_n3A_478 = arith.select %eq3A_476, %jit3A_477, %jit3A_474 : i32
          %rem3A_479 = arith.remsi %get3A_444, %select_n3A_478 : i32
          %ne3A_480 = arith.constant 0 : i32
          %ne3A_481 = arith.cmpi ne, %rem3A_479, %ne3A_480 : i32
          %lt3A_482 = arith.constant 0 : i32
          %lt3A_483 = arith.cmpi slt, %rem3A_479, %lt3A_482 : i32
          %lt3A_484 = arith.constant 0 : i32
          %lt3A_485 = arith.cmpi slt, %select_n3A_478, %lt3A_484 : i32
          %ne3A_486 = arith.xori %lt3A_483, %lt3A_485 : i1
          %and3A_487 = arith.andi %ne3A_486, %ne3A_481 : i1
          %add3A_488 = arith.addi %rem3A_479, %select_n3A_478 : i32
          %select_n3A_489 = arith.select %and3A_487, %add3A_488, %rem3A_479 : i32
          %broadcast_in_dim3A_490 = vector.broadcast %select_n3A_489 : i32 to vector<16xi32>
          %jit3A_491 = arith.constant 128 : i32
          %eq3A_492 = arith.constant 0 : i32
          %eq3A_493 = arith.cmpi eq, %jit3A_491, %eq3A_492 : i32
          %jit3A_494 = arith.constant 1 : i32
          %select_n3A_495 = arith.select %eq3A_493, %jit3A_494, %jit3A_491 : i32
          %rem3A_496 = arith.remsi %squeeze3A_417, %select_n3A_495 : i32
          %ne3A_497 = arith.constant 0 : i32
          %ne3A_498 = arith.cmpi ne, %rem3A_496, %ne3A_497 : i32
          %lt3A_499 = arith.constant 0 : i32
          %lt3A_500 = arith.cmpi slt, %rem3A_496, %lt3A_499 : i32
          %lt3A_501 = arith.constant 0 : i32
          %lt3A_502 = arith.cmpi slt, %select_n3A_495, %lt3A_501 : i32
          %ne3A_503 = arith.xori %lt3A_500, %lt3A_502 : i1
          %and3A_504 = arith.andi %ne3A_503, %ne3A_498 : i1
          %add3A_505 = arith.addi %rem3A_496, %select_n3A_495 : i32
          %select_n3A_506 = arith.select %and3A_504, %add3A_505, %rem3A_496 : i32
          %broadcast_in_dim3A_507 = vector.broadcast %select_n3A_506 : i32 to vector<16xi32>
          tpu.vector_store_idx %arg8[%broadcast_in_dim3A_473, %broadcast_in_dim3A_490], %broadcast_in_dim3A_507 masked %eq3A_6 : memref<17x128xi32, #tpu.memory_space<vmem>>[vector<16xi32>, vector<16xi32>], vector<16xi32>, vector<16xi1>
          %slice3A_508 = vector.extract_strided_slice %get3A_133 {offsets = [3], sizes = [1], strides = [1]} : vector<16xi32> to vector<1xi32>
          %squeeze3A_509 = vector.extract %slice3A_508[0] : i32 from vector<1xi32>
          %broadcast_in_dim3A_510 = vector.broadcast %squeeze3A_509 : i32 to vector<16xi32>
          tpu.vector_store_idx %arg9[%broadcast_in_dim3A_473, %broadcast_in_dim3A_490], %broadcast_in_dim3A_510 masked %eq3A_6 : memref<17x128xi32, #tpu.memory_space<vmem>>[vector<16xi32>, vector<16xi32>], vector<16xi32>, vector<16xi1>
          %slice3A_511 = vector.extract_strided_slice %get3A_129 {offsets = [4], sizes = [1], strides = [1]} : vector<16xi32> to vector<1xi32>
          %squeeze3A_512 = vector.extract %slice3A_511[0] : i32 from vector<1xi32>
          %jit3A_513 = arith.constant 128 : i32
          %div3A_514 = arith.divsi %squeeze3A_512, %jit3A_513 : i32
          %sign3A_515 = arith.constant 0 : i32
          %sign3A_516 = arith.cmpi sgt, %squeeze3A_512, %sign3A_515 : i32
          %sign3A_517 = arith.extui %sign3A_516 : i1 to i32
          %sign3A_518 = arith.constant 0 : i32
          %sign3A_519 = arith.cmpi slt, %squeeze3A_512, %sign3A_518 : i32
          %sign3A_520 = arith.extui %sign3A_519 : i1 to i32
          %sign3A_521 = arith.subi %sign3A_517, %sign3A_520 : i32
          %sign3A_522 = arith.constant 0 : i32
          %sign3A_523 = arith.cmpi sgt, %jit3A_513, %sign3A_522 : i32
          %sign3A_524 = arith.extui %sign3A_523 : i1 to i32
          %sign3A_525 = arith.constant 0 : i32
          %sign3A_526 = arith.cmpi slt, %jit3A_513, %sign3A_525 : i32
          %sign3A_527 = arith.extui %sign3A_526 : i1 to i32
          %sign3A_528 = arith.subi %sign3A_524, %sign3A_527 : i32
          %ne3A_529 = arith.cmpi ne, %sign3A_521, %sign3A_528 : i32
          %rem3A_530 = arith.remsi %squeeze3A_512, %jit3A_513 : i32
          %ne3A_531 = arith.constant 0 : i32
          %ne3A_532 = arith.cmpi ne, %rem3A_530, %ne3A_531 : i32
          %and3A_533 = arith.andi %ne3A_529, %ne3A_532 : i1
          %sub3A_534 = arith.constant 1 : i32
          %sub3A_535 = arith.subi %div3A_514, %sub3A_534 : i32
          %select_n3A_536 = arith.select %and3A_533, %sub3A_535, %div3A_514 : i32
          %sub3A_537 = arith.subi %select_n3A_536, %mul3A_2 : i32
          %get3A_538 = arith.index_cast %sub3A_537 : i32 to index
          %get3A_539 = memref.load %arg11[%get3A_538] : memref<256xi32, #tpu.memory_space<smem>>
          %add3A_540 = arith.constant 1 : i32
          %add3A_541 = arith.addi %get3A_539, %add3A_540 : i32
          %swap3A_542 = arith.index_cast %sub3A_537 : i32 to index
          %swap3A_543 = memref.load %arg11[%swap3A_542] : memref<256xi32, #tpu.memory_space<smem>>
          memref.store %add3A_541, %arg11[%swap3A_542] : memref<256xi32, #tpu.memory_space<smem>>
          %jit3A_544 = arith.constant 128 : i32
          %div3A_545 = arith.divsi %get3A_539, %jit3A_544 : i32
          %sign3A_546 = arith.constant 0 : i32
          %sign3A_547 = arith.cmpi sgt, %get3A_539, %sign3A_546 : i32
          %sign3A_548 = arith.extui %sign3A_547 : i1 to i32
          %sign3A_549 = arith.constant 0 : i32
          %sign3A_550 = arith.cmpi slt, %get3A_539, %sign3A_549 : i32
          %sign3A_551 = arith.extui %sign3A_550 : i1 to i32
          %sign3A_552 = arith.subi %sign3A_548, %sign3A_551 : i32
          %sign3A_553 = arith.constant 0 : i32
          %sign3A_554 = arith.cmpi sgt, %jit3A_544, %sign3A_553 : i32
          %sign3A_555 = arith.extui %sign3A_554 : i1 to i32
          %sign3A_556 = arith.constant 0 : i32
          %sign3A_557 = arith.cmpi slt, %jit3A_544, %sign3A_556 : i32
          %sign3A_558 = arith.extui %sign3A_557 : i1 to i32
          %sign3A_559 = arith.subi %sign3A_555, %sign3A_558 : i32
          %ne3A_560 = arith.cmpi ne, %sign3A_552, %sign3A_559 : i32
          %rem3A_561 = arith.remsi %get3A_539, %jit3A_544 : i32
          %ne3A_562 = arith.constant 0 : i32
          %ne3A_563 = arith.cmpi ne, %rem3A_561, %ne3A_562 : i32
          %and3A_564 = arith.andi %ne3A_560, %ne3A_563 : i1
          %sub3A_565 = arith.constant 1 : i32
          %sub3A_566 = arith.subi %div3A_545, %sub3A_565 : i32
          %select_n3A_567 = arith.select %and3A_564, %sub3A_566, %div3A_545 : i32
          %broadcast_in_dim3A_568 = vector.broadcast %select_n3A_567 : i32 to vector<16xi32>
          %jit3A_569 = arith.constant 128 : i32
          %eq3A_570 = arith.constant 0 : i32
          %eq3A_571 = arith.cmpi eq, %jit3A_569, %eq3A_570 : i32
          %jit3A_572 = arith.constant 1 : i32
          %select_n3A_573 = arith.select %eq3A_571, %jit3A_572, %jit3A_569 : i32
          %rem3A_574 = arith.remsi %get3A_539, %select_n3A_573 : i32
          %ne3A_575 = arith.constant 0 : i32
          %ne3A_576 = arith.cmpi ne, %rem3A_574, %ne3A_575 : i32
          %lt3A_577 = arith.constant 0 : i32
          %lt3A_578 = arith.cmpi slt, %rem3A_574, %lt3A_577 : i32
          %lt3A_579 = arith.constant 0 : i32
          %lt3A_580 = arith.cmpi slt, %select_n3A_573, %lt3A_579 : i32
          %ne3A_581 = arith.xori %lt3A_578, %lt3A_580 : i1
          %and3A_582 = arith.andi %ne3A_581, %ne3A_576 : i1
          %add3A_583 = arith.addi %rem3A_574, %select_n3A_573 : i32
          %select_n3A_584 = arith.select %and3A_582, %add3A_583, %rem3A_574 : i32
          %broadcast_in_dim3A_585 = vector.broadcast %select_n3A_584 : i32 to vector<16xi32>
          %jit3A_586 = arith.constant 128 : i32
          %eq3A_587 = arith.constant 0 : i32
          %eq3A_588 = arith.cmpi eq, %jit3A_586, %eq3A_587 : i32
          %jit3A_589 = arith.constant 1 : i32
          %select_n3A_590 = arith.select %eq3A_588, %jit3A_589, %jit3A_586 : i32
          %rem3A_591 = arith.remsi %squeeze3A_512, %select_n3A_590 : i32
          %ne3A_592 = arith.constant 0 : i32
          %ne3A_593 = arith.cmpi ne, %rem3A_591, %ne3A_592 : i32
          %lt3A_594 = arith.constant 0 : i32
          %lt3A_595 = arith.cmpi slt, %rem3A_591, %lt3A_594 : i32
          %lt3A_596 = arith.constant 0 : i32
          %lt3A_597 = arith.cmpi slt, %select_n3A_590, %lt3A_596 : i32
          %ne3A_598 = arith.xori %lt3A_595, %lt3A_597 : i1
          %and3A_599 = arith.andi %ne3A_598, %ne3A_593 : i1
          %add3A_600 = arith.addi %rem3A_591, %select_n3A_590 : i32
          %select_n3A_601 = arith.select %and3A_599, %add3A_600, %rem3A_591 : i32
          %broadcast_in_dim3A_602 = vector.broadcast %select_n3A_601 : i32 to vector<16xi32>
          tpu.vector_store_idx %arg8[%broadcast_in_dim3A_568, %broadcast_in_dim3A_585], %broadcast_in_dim3A_602 masked %eq3A_6 : memref<17x128xi32, #tpu.memory_space<vmem>>[vector<16xi32>, vector<16xi32>], vector<16xi32>, vector<16xi1>
          %slice3A_603 = vector.extract_strided_slice %get3A_133 {offsets = [4], sizes = [1], strides = [1]} : vector<16xi32> to vector<1xi32>
          %squeeze3A_604 = vector.extract %slice3A_603[0] : i32 from vector<1xi32>
          %broadcast_in_dim3A_605 = vector.broadcast %squeeze3A_604 : i32 to vector<16xi32>
          tpu.vector_store_idx %arg9[%broadcast_in_dim3A_568, %broadcast_in_dim3A_585], %broadcast_in_dim3A_605 masked %eq3A_6 : memref<17x128xi32, #tpu.memory_space<vmem>>[vector<16xi32>, vector<16xi32>], vector<16xi32>, vector<16xi1>
          %slice3A_606 = vector.extract_strided_slice %get3A_129 {offsets = [5], sizes = [1], strides = [1]} : vector<16xi32> to vector<1xi32>
          %squeeze3A_607 = vector.extract %slice3A_606[0] : i32 from vector<1xi32>
          %jit3A_608 = arith.constant 128 : i32
          %div3A_609 = arith.divsi %squeeze3A_607, %jit3A_608 : i32
          %sign3A_610 = arith.constant 0 : i32
          %sign3A_611 = arith.cmpi sgt, %squeeze3A_607, %sign3A_610 : i32
          %sign3A_612 = arith.extui %sign3A_611 : i1 to i32
          %sign3A_613 = arith.constant 0 : i32
          %sign3A_614 = arith.cmpi slt, %squeeze3A_607, %sign3A_613 : i32
          %sign3A_615 = arith.extui %sign3A_614 : i1 to i32
          %sign3A_616 = arith.subi %sign3A_612, %sign3A_615 : i32
          %sign3A_617 = arith.constant 0 : i32
          %sign3A_618 = arith.cmpi sgt, %jit3A_608, %sign3A_617 : i32
          %sign3A_619 = arith.extui %sign3A_618 : i1 to i32
          %sign3A_620 = arith.constant 0 : i32
          %sign3A_621 = arith.cmpi slt, %jit3A_608, %sign3A_620 : i32
          %sign3A_622 = arith.extui %sign3A_621 : i1 to i32
          %sign3A_623 = arith.subi %sign3A_619, %sign3A_622 : i32
          %ne3A_624 = arith.cmpi ne, %sign3A_616, %sign3A_623 : i32
          %rem3A_625 = arith.remsi %squeeze3A_607, %jit3A_608 : i32
          %ne3A_626 = arith.constant 0 : i32
          %ne3A_627 = arith.cmpi ne, %rem3A_625, %ne3A_626 : i32
          %and3A_628 = arith.andi %ne3A_624, %ne3A_627 : i1
          %sub3A_629 = arith.constant 1 : i32
          %sub3A_630 = arith.subi %div3A_609, %sub3A_629 : i32
          %select_n3A_631 = arith.select %and3A_628, %sub3A_630, %div3A_609 : i32
          %sub3A_632 = arith.subi %select_n3A_631, %mul3A_2 : i32
          %get3A_633 = arith.index_cast %sub3A_632 : i32 to index
          %get3A_634 = memref.load %arg11[%get3A_633] : memref<256xi32, #tpu.memory_space<smem>>
          %add3A_635 = arith.constant 1 : i32
          %add3A_636 = arith.addi %get3A_634, %add3A_635 : i32
          %swap3A_637 = arith.index_cast %sub3A_632 : i32 to index
          %swap3A_638 = memref.load %arg11[%swap3A_637] : memref<256xi32, #tpu.memory_space<smem>>
          memref.store %add3A_636, %arg11[%swap3A_637] : memref<256xi32, #tpu.memory_space<smem>>
          %jit3A_639 = arith.constant 128 : i32
          %div3A_640 = arith.divsi %get3A_634, %jit3A_639 : i32
          %sign3A_641 = arith.constant 0 : i32
          %sign3A_642 = arith.cmpi sgt, %get3A_634, %sign3A_641 : i32
          %sign3A_643 = arith.extui %sign3A_642 : i1 to i32
          %sign3A_644 = arith.constant 0 : i32
          %sign3A_645 = arith.cmpi slt, %get3A_634, %sign3A_644 : i32
          %sign3A_646 = arith.extui %sign3A_645 : i1 to i32
          %sign3A_647 = arith.subi %sign3A_643, %sign3A_646 : i32
          %sign3A_648 = arith.constant 0 : i32
          %sign3A_649 = arith.cmpi sgt, %jit3A_639, %sign3A_648 : i32
          %sign3A_650 = arith.extui %sign3A_649 : i1 to i32
          %sign3A_651 = arith.constant 0 : i32
          %sign3A_652 = arith.cmpi slt, %jit3A_639, %sign3A_651 : i32
          %sign3A_653 = arith.extui %sign3A_652 : i1 to i32
          %sign3A_654 = arith.subi %sign3A_650, %sign3A_653 : i32
          %ne3A_655 = arith.cmpi ne, %sign3A_647, %sign3A_654 : i32
          %rem3A_656 = arith.remsi %get3A_634, %jit3A_639 : i32
          %ne3A_657 = arith.constant 0 : i32
          %ne3A_658 = arith.cmpi ne, %rem3A_656, %ne3A_657 : i32
          %and3A_659 = arith.andi %ne3A_655, %ne3A_658 : i1
          %sub3A_660 = arith.constant 1 : i32
          %sub3A_661 = arith.subi %div3A_640, %sub3A_660 : i32
          %select_n3A_662 = arith.select %and3A_659, %sub3A_661, %div3A_640 : i32
          %broadcast_in_dim3A_663 = vector.broadcast %select_n3A_662 : i32 to vector<16xi32>
          %jit3A_664 = arith.constant 128 : i32
          %eq3A_665 = arith.constant 0 : i32
          %eq3A_666 = arith.cmpi eq, %jit3A_664, %eq3A_665 : i32
          %jit3A_667 = arith.constant 1 : i32
          %select_n3A_668 = arith.select %eq3A_666, %jit3A_667, %jit3A_664 : i32
          %rem3A_669 = arith.remsi %get3A_634, %select_n3A_668 : i32
          %ne3A_670 = arith.constant 0 : i32
          %ne3A_671 = arith.cmpi ne, %rem3A_669, %ne3A_670 : i32
          %lt3A_672 = arith.constant 0 : i32
          %lt3A_673 = arith.cmpi slt, %rem3A_669, %lt3A_672 : i32
          %lt3A_674 = arith.constant 0 : i32
          %lt3A_675 = arith.cmpi slt, %select_n3A_668, %lt3A_674 : i32
          %ne3A_676 = arith.xori %lt3A_673, %lt3A_675 : i1
          %and3A_677 = arith.andi %ne3A_676, %ne3A_671 : i1
          %add3A_678 = arith.addi %rem3A_669, %select_n3A_668 : i32
          %select_n3A_679 = arith.select %and3A_677, %add3A_678, %rem3A_669 : i32
          %broadcast_in_dim3A_680 = vector.broadcast %select_n3A_679 : i32 to vector<16xi32>
          %jit3A_681 = arith.constant 128 : i32
          %eq3A_682 = arith.constant 0 : i32
          %eq3A_683 = arith.cmpi eq, %jit3A_681, %eq3A_682 : i32
          %jit3A_684 = arith.constant 1 : i32
          %select_n3A_685 = arith.select %eq3A_683, %jit3A_684, %jit3A_681 : i32
          %rem3A_686 = arith.remsi %squeeze3A_607, %select_n3A_685 : i32
          %ne3A_687 = arith.constant 0 : i32
          %ne3A_688 = arith.cmpi ne, %rem3A_686, %ne3A_687 : i32
          %lt3A_689 = arith.constant 0 : i32
          %lt3A_690 = arith.cmpi slt, %rem3A_686, %lt3A_689 : i32
          %lt3A_691 = arith.constant 0 : i32
          %lt3A_692 = arith.cmpi slt, %select_n3A_685, %lt3A_691 : i32
          %ne3A_693 = arith.xori %lt3A_690, %lt3A_692 : i1
          %and3A_694 = arith.andi %ne3A_693, %ne3A_688 : i1
          %add3A_695 = arith.addi %rem3A_686, %select_n3A_685 : i32
          %select_n3A_696 = arith.select %and3A_694, %add3A_695, %rem3A_686 : i32
          %broadcast_in_dim3A_697 = vector.broadcast %select_n3A_696 : i32 to vector<16xi32>
          tpu.vector_store_idx %arg8[%broadcast_in_dim3A_663, %broadcast_in_dim3A_680], %broadcast_in_dim3A_697 masked %eq3A_6 : memref<17x128xi32, #tpu.memory_space<vmem>>[vector<16xi32>, vector<16xi32>], vector<16xi32>, vector<16xi1>
          %slice3A_698 = vector.extract_strided_slice %get3A_133 {offsets = [5], sizes = [1], strides = [1]} : vector<16xi32> to vector<1xi32>
          %squeeze3A_699 = vector.extract %slice3A_698[0] : i32 from vector<1xi32>
          %broadcast_in_dim3A_700 = vector.broadcast %squeeze3A_699 : i32 to vector<16xi32>
          tpu.vector_store_idx %arg9[%broadcast_in_dim3A_663, %broadcast_in_dim3A_680], %broadcast_in_dim3A_700 masked %eq3A_6 : memref<17x128xi32, #tpu.memory_space<vmem>>[vector<16xi32>, vector<16xi32>], vector<16xi32>, vector<16xi1>
          %slice3A_701 = vector.extract_strided_slice %get3A_129 {offsets = [6], sizes = [1], strides = [1]} : vector<16xi32> to vector<1xi32>
          %squeeze3A_702 = vector.extract %slice3A_701[0] : i32 from vector<1xi32>
          %jit3A_703 = arith.constant 128 : i32
          %div3A_704 = arith.divsi %squeeze3A_702, %jit3A_703 : i32
          %sign3A_705 = arith.constant 0 : i32
          %sign3A_706 = arith.cmpi sgt, %squeeze3A_702, %sign3A_705 : i32
          %sign3A_707 = arith.extui %sign3A_706 : i1 to i32
          %sign3A_708 = arith.constant 0 : i32
          %sign3A_709 = arith.cmpi slt, %squeeze3A_702, %sign3A_708 : i32
          %sign3A_710 = arith.extui %sign3A_709 : i1 to i32
          %sign3A_711 = arith.subi %sign3A_707, %sign3A_710 : i32
          %sign3A_712 = arith.constant 0 : i32
          %sign3A_713 = arith.cmpi sgt, %jit3A_703, %sign3A_712 : i32
          %sign3A_714 = arith.extui %sign3A_713 : i1 to i32
          %sign3A_715 = arith.constant 0 : i32
          %sign3A_716 = arith.cmpi slt, %jit3A_703, %sign3A_715 : i32
          %sign3A_717 = arith.extui %sign3A_716 : i1 to i32
          %sign3A_718 = arith.subi %sign3A_714, %sign3A_717 : i32
          %ne3A_719 = arith.cmpi ne, %sign3A_711, %sign3A_718 : i32
          %rem3A_720 = arith.remsi %squeeze3A_702, %jit3A_703 : i32
          %ne3A_721 = arith.constant 0 : i32
          %ne3A_722 = arith.cmpi ne, %rem3A_720, %ne3A_721 : i32
          %and3A_723 = arith.andi %ne3A_719, %ne3A_722 : i1
          %sub3A_724 = arith.constant 1 : i32
          %sub3A_725 = arith.subi %div3A_704, %sub3A_724 : i32
          %select_n3A_726 = arith.select %and3A_723, %sub3A_725, %div3A_704 : i32
          %sub3A_727 = arith.subi %select_n3A_726, %mul3A_2 : i32
          %get3A_728 = arith.index_cast %sub3A_727 : i32 to index
          %get3A_729 = memref.load %arg11[%get3A_728] : memref<256xi32, #tpu.memory_space<smem>>
          %add3A_730 = arith.constant 1 : i32
          %add3A_731 = arith.addi %get3A_729, %add3A_730 : i32
          %swap3A_732 = arith.index_cast %sub3A_727 : i32 to index
          %swap3A_733 = memref.load %arg11[%swap3A_732] : memref<256xi32, #tpu.memory_space<smem>>
          memref.store %add3A_731, %arg11[%swap3A_732] : memref<256xi32, #tpu.memory_space<smem>>
          %jit3A_734 = arith.constant 128 : i32
          %div3A_735 = arith.divsi %get3A_729, %jit3A_734 : i32
          %sign3A_736 = arith.constant 0 : i32
          %sign3A_737 = arith.cmpi sgt, %get3A_729, %sign3A_736 : i32
          %sign3A_738 = arith.extui %sign3A_737 : i1 to i32
          %sign3A_739 = arith.constant 0 : i32
          %sign3A_740 = arith.cmpi slt, %get3A_729, %sign3A_739 : i32
          %sign3A_741 = arith.extui %sign3A_740 : i1 to i32
          %sign3A_742 = arith.subi %sign3A_738, %sign3A_741 : i32
          %sign3A_743 = arith.constant 0 : i32
          %sign3A_744 = arith.cmpi sgt, %jit3A_734, %sign3A_743 : i32
          %sign3A_745 = arith.extui %sign3A_744 : i1 to i32
          %sign3A_746 = arith.constant 0 : i32
          %sign3A_747 = arith.cmpi slt, %jit3A_734, %sign3A_746 : i32
          %sign3A_748 = arith.extui %sign3A_747 : i1 to i32
          %sign3A_749 = arith.subi %sign3A_745, %sign3A_748 : i32
          %ne3A_750 = arith.cmpi ne, %sign3A_742, %sign3A_749 : i32
          %rem3A_751 = arith.remsi %get3A_729, %jit3A_734 : i32
          %ne3A_752 = arith.constant 0 : i32
          %ne3A_753 = arith.cmpi ne, %rem3A_751, %ne3A_752 : i32
          %and3A_754 = arith.andi %ne3A_750, %ne3A_753 : i1
          %sub3A_755 = arith.constant 1 : i32
          %sub3A_756 = arith.subi %div3A_735, %sub3A_755 : i32
          %select_n3A_757 = arith.select %and3A_754, %sub3A_756, %div3A_735 : i32
          %broadcast_in_dim3A_758 = vector.broadcast %select_n3A_757 : i32 to vector<16xi32>
          %jit3A_759 = arith.constant 128 : i32
          %eq3A_760 = arith.constant 0 : i32
          %eq3A_761 = arith.cmpi eq, %jit3A_759, %eq3A_760 : i32
          %jit3A_762 = arith.constant 1 : i32
          %select_n3A_763 = arith.select %eq3A_761, %jit3A_762, %jit3A_759 : i32
          %rem3A_764 = arith.remsi %get3A_729, %select_n3A_763 : i32
          %ne3A_765 = arith.constant 0 : i32
          %ne3A_766 = arith.cmpi ne, %rem3A_764, %ne3A_765 : i32
          %lt3A_767 = arith.constant 0 : i32
          %lt3A_768 = arith.cmpi slt, %rem3A_764, %lt3A_767 : i32
          %lt3A_769 = arith.constant 0 : i32
          %lt3A_770 = arith.cmpi slt, %select_n3A_763, %lt3A_769 : i32
          %ne3A_771 = arith.xori %lt3A_768, %lt3A_770 : i1
          %and3A_772 = arith.andi %ne3A_771, %ne3A_766 : i1
          %add3A_773 = arith.addi %rem3A_764, %select_n3A_763 : i32
          %select_n3A_774 = arith.select %and3A_772, %add3A_773, %rem3A_764 : i32
          %broadcast_in_dim3A_775 = vector.broadcast %select_n3A_774 : i32 to vector<16xi32>
          %jit3A_776 = arith.constant 128 : i32
          %eq3A_777 = arith.constant 0 : i32
          %eq3A_778 = arith.cmpi eq, %jit3A_776, %eq3A_777 : i32
          %jit3A_779 = arith.constant 1 : i32
          %select_n3A_780 = arith.select %eq3A_778, %jit3A_779, %jit3A_776 : i32
          %rem3A_781 = arith.remsi %squeeze3A_702, %select_n3A_780 : i32
          %ne3A_782 = arith.constant 0 : i32
          %ne3A_783 = arith.cmpi ne, %rem3A_781, %ne3A_782 : i32
          %lt3A_784 = arith.constant 0 : i32
          %lt3A_785 = arith.cmpi slt, %rem3A_781, %lt3A_784 : i32
          %lt3A_786 = arith.constant 0 : i32
          %lt3A_787 = arith.cmpi slt, %select_n3A_780, %lt3A_786 : i32
          %ne3A_788 = arith.xori %lt3A_785, %lt3A_787 : i1
          %and3A_789 = arith.andi %ne3A_788, %ne3A_783 : i1
          %add3A_790 = arith.addi %rem3A_781, %select_n3A_780 : i32
          %select_n3A_791 = arith.select %and3A_789, %add3A_790, %rem3A_781 : i32
          %broadcast_in_dim3A_792 = vector.broadcast %select_n3A_791 : i32 to vector<16xi32>
          tpu.vector_store_idx %arg8[%broadcast_in_dim3A_758, %broadcast_in_dim3A_775], %broadcast_in_dim3A_792 masked %eq3A_6 : memref<17x128xi32, #tpu.memory_space<vmem>>[vector<16xi32>, vector<16xi32>], vector<16xi32>, vector<16xi1>
          %slice3A_793 = vector.extract_strided_slice %get3A_133 {offsets = [6], sizes = [1], strides = [1]} : vector<16xi32> to vector<1xi32>
          %squeeze3A_794 = vector.extract %slice3A_793[0] : i32 from vector<1xi32>
          %broadcast_in_dim3A_795 = vector.broadcast %squeeze3A_794 : i32 to vector<16xi32>
          tpu.vector_store_idx %arg9[%broadcast_in_dim3A_758, %broadcast_in_dim3A_775], %broadcast_in_dim3A_795 masked %eq3A_6 : memref<17x128xi32, #tpu.memory_space<vmem>>[vector<16xi32>, vector<16xi32>], vector<16xi32>, vector<16xi1>
          %slice3A_796 = vector.extract_strided_slice %get3A_129 {offsets = [7], sizes = [1], strides = [1]} : vector<16xi32> to vector<1xi32>
          %squeeze3A_797 = vector.extract %slice3A_796[0] : i32 from vector<1xi32>
          %jit3A_798 = arith.constant 128 : i32
          %div3A_799 = arith.divsi %squeeze3A_797, %jit3A_798 : i32
          %sign3A_800 = arith.constant 0 : i32
          %sign3A_801 = arith.cmpi sgt, %squeeze3A_797, %sign3A_800 : i32
          %sign3A_802 = arith.extui %sign3A_801 : i1 to i32
          %sign3A_803 = arith.constant 0 : i32
          %sign3A_804 = arith.cmpi slt, %squeeze3A_797, %sign3A_803 : i32
          %sign3A_805 = arith.extui %sign3A_804 : i1 to i32
          %sign3A_806 = arith.subi %sign3A_802, %sign3A_805 : i32
          %sign3A_807 = arith.constant 0 : i32
          %sign3A_808 = arith.cmpi sgt, %jit3A_798, %sign3A_807 : i32
          %sign3A_809 = arith.extui %sign3A_808 : i1 to i32
          %sign3A_810 = arith.constant 0 : i32
          %sign3A_811 = arith.cmpi slt, %jit3A_798, %sign3A_810 : i32
          %sign3A_812 = arith.extui %sign3A_811 : i1 to i32
          %sign3A_813 = arith.subi %sign3A_809, %sign3A_812 : i32
          %ne3A_814 = arith.cmpi ne, %sign3A_806, %sign3A_813 : i32
          %rem3A_815 = arith.remsi %squeeze3A_797, %jit3A_798 : i32
          %ne3A_816 = arith.constant 0 : i32
          %ne3A_817 = arith.cmpi ne, %rem3A_815, %ne3A_816 : i32
          %and3A_818 = arith.andi %ne3A_814, %ne3A_817 : i1
          %sub3A_819 = arith.constant 1 : i32
          %sub3A_820 = arith.subi %div3A_799, %sub3A_819 : i32
          %select_n3A_821 = arith.select %and3A_818, %sub3A_820, %div3A_799 : i32
          %sub3A_822 = arith.subi %select_n3A_821, %mul3A_2 : i32
          %get3A_823 = arith.index_cast %sub3A_822 : i32 to index
          %get3A_824 = memref.load %arg11[%get3A_823] : memref<256xi32, #tpu.memory_space<smem>>
          %add3A_825 = arith.constant 1 : i32
          %add3A_826 = arith.addi %get3A_824, %add3A_825 : i32
          %swap3A_827 = arith.index_cast %sub3A_822 : i32 to index
          %swap3A_828 = memref.load %arg11[%swap3A_827] : memref<256xi32, #tpu.memory_space<smem>>
          memref.store %add3A_826, %arg11[%swap3A_827] : memref<256xi32, #tpu.memory_space<smem>>
          %jit3A_829 = arith.constant 128 : i32
          %div3A_830 = arith.divsi %get3A_824, %jit3A_829 : i32
          %sign3A_831 = arith.constant 0 : i32
          %sign3A_832 = arith.cmpi sgt, %get3A_824, %sign3A_831 : i32
          %sign3A_833 = arith.extui %sign3A_832 : i1 to i32
          %sign3A_834 = arith.constant 0 : i32
          %sign3A_835 = arith.cmpi slt, %get3A_824, %sign3A_834 : i32
          %sign3A_836 = arith.extui %sign3A_835 : i1 to i32
          %sign3A_837 = arith.subi %sign3A_833, %sign3A_836 : i32
          %sign3A_838 = arith.constant 0 : i32
          %sign3A_839 = arith.cmpi sgt, %jit3A_829, %sign3A_838 : i32
          %sign3A_840 = arith.extui %sign3A_839 : i1 to i32
          %sign3A_841 = arith.constant 0 : i32
          %sign3A_842 = arith.cmpi slt, %jit3A_829, %sign3A_841 : i32
          %sign3A_843 = arith.extui %sign3A_842 : i1 to i32
          %sign3A_844 = arith.subi %sign3A_840, %sign3A_843 : i32
          %ne3A_845 = arith.cmpi ne, %sign3A_837, %sign3A_844 : i32
          %rem3A_846 = arith.remsi %get3A_824, %jit3A_829 : i32
          %ne3A_847 = arith.constant 0 : i32
          %ne3A_848 = arith.cmpi ne, %rem3A_846, %ne3A_847 : i32
          %and3A_849 = arith.andi %ne3A_845, %ne3A_848 : i1
          %sub3A_850 = arith.constant 1 : i32
          %sub3A_851 = arith.subi %div3A_830, %sub3A_850 : i32
          %select_n3A_852 = arith.select %and3A_849, %sub3A_851, %div3A_830 : i32
          %broadcast_in_dim3A_853 = vector.broadcast %select_n3A_852 : i32 to vector<16xi32>
          %jit3A_854 = arith.constant 128 : i32
          %eq3A_855 = arith.constant 0 : i32
          %eq3A_856 = arith.cmpi eq, %jit3A_854, %eq3A_855 : i32
          %jit3A_857 = arith.constant 1 : i32
          %select_n3A_858 = arith.select %eq3A_856, %jit3A_857, %jit3A_854 : i32
          %rem3A_859 = arith.remsi %get3A_824, %select_n3A_858 : i32
          %ne3A_860 = arith.constant 0 : i32
          %ne3A_861 = arith.cmpi ne, %rem3A_859, %ne3A_860 : i32
          %lt3A_862 = arith.constant 0 : i32
          %lt3A_863 = arith.cmpi slt, %rem3A_859, %lt3A_862 : i32
          %lt3A_864 = arith.constant 0 : i32
          %lt3A_865 = arith.cmpi slt, %select_n3A_858, %lt3A_864 : i32
          %ne3A_866 = arith.xori %lt3A_863, %lt3A_865 : i1
          %and3A_867 = arith.andi %ne3A_866, %ne3A_861 : i1
          %add3A_868 = arith.addi %rem3A_859, %select_n3A_858 : i32
          %select_n3A_869 = arith.select %and3A_867, %add3A_868, %rem3A_859 : i32
          %broadcast_in_dim3A_870 = vector.broadcast %select_n3A_869 : i32 to vector<16xi32>
          %jit3A_871 = arith.constant 128 : i32
          %eq3A_872 = arith.constant 0 : i32
          %eq3A_873 = arith.cmpi eq, %jit3A_871, %eq3A_872 : i32
          %jit3A_874 = arith.constant 1 : i32
          %select_n3A_875 = arith.select %eq3A_873, %jit3A_874, %jit3A_871 : i32
          %rem3A_876 = arith.remsi %squeeze3A_797, %select_n3A_875 : i32
          %ne3A_877 = arith.constant 0 : i32
          %ne3A_878 = arith.cmpi ne, %rem3A_876, %ne3A_877 : i32
          %lt3A_879 = arith.constant 0 : i32
          %lt3A_880 = arith.cmpi slt, %rem3A_876, %lt3A_879 : i32
          %lt3A_881 = arith.constant 0 : i32
          %lt3A_882 = arith.cmpi slt, %select_n3A_875, %lt3A_881 : i32
          %ne3A_883 = arith.xori %lt3A_880, %lt3A_882 : i1
          %and3A_884 = arith.andi %ne3A_883, %ne3A_878 : i1
          %add3A_885 = arith.addi %rem3A_876, %select_n3A_875 : i32
          %select_n3A_886 = arith.select %and3A_884, %add3A_885, %rem3A_876 : i32
          %broadcast_in_dim3A_887 = vector.broadcast %select_n3A_886 : i32 to vector<16xi32>
          tpu.vector_store_idx %arg8[%broadcast_in_dim3A_853, %broadcast_in_dim3A_870], %broadcast_in_dim3A_887 masked %eq3A_6 : memref<17x128xi32, #tpu.memory_space<vmem>>[vector<16xi32>, vector<16xi32>], vector<16xi32>, vector<16xi1>
          %slice3A_888 = vector.extract_strided_slice %get3A_133 {offsets = [7], sizes = [1], strides = [1]} : vector<16xi32> to vector<1xi32>
          %squeeze3A_889 = vector.extract %slice3A_888[0] : i32 from vector<1xi32>
          %broadcast_in_dim3A_890 = vector.broadcast %squeeze3A_889 : i32 to vector<16xi32>
          tpu.vector_store_idx %arg9[%broadcast_in_dim3A_853, %broadcast_in_dim3A_870], %broadcast_in_dim3A_890 masked %eq3A_6 : memref<17x128xi32, #tpu.memory_space<vmem>>[vector<16xi32>, vector<16xi32>], vector<16xi32>, vector<16xi1>
          %slice3A_891 = vector.extract_strided_slice %get3A_129 {offsets = [8], sizes = [1], strides = [1]} : vector<16xi32> to vector<1xi32>
          %squeeze3A_892 = vector.extract %slice3A_891[0] : i32 from vector<1xi32>
          %jit3A_893 = arith.constant 128 : i32
          %div3A_894 = arith.divsi %squeeze3A_892, %jit3A_893 : i32
          %sign3A_895 = arith.constant 0 : i32
          %sign3A_896 = arith.cmpi sgt, %squeeze3A_892, %sign3A_895 : i32
          %sign3A_897 = arith.extui %sign3A_896 : i1 to i32
          %sign3A_898 = arith.constant 0 : i32
          %sign3A_899 = arith.cmpi slt, %squeeze3A_892, %sign3A_898 : i32
          %sign3A_900 = arith.extui %sign3A_899 : i1 to i32
          %sign3A_901 = arith.subi %sign3A_897, %sign3A_900 : i32
          %sign3A_902 = arith.constant 0 : i32
          %sign3A_903 = arith.cmpi sgt, %jit3A_893, %sign3A_902 : i32
          %sign3A_904 = arith.extui %sign3A_903 : i1 to i32
          %sign3A_905 = arith.constant 0 : i32
          %sign3A_906 = arith.cmpi slt, %jit3A_893, %sign3A_905 : i32
          %sign3A_907 = arith.extui %sign3A_906 : i1 to i32
          %sign3A_908 = arith.subi %sign3A_904, %sign3A_907 : i32
          %ne3A_909 = arith.cmpi ne, %sign3A_901, %sign3A_908 : i32
          %rem3A_910 = arith.remsi %squeeze3A_892, %jit3A_893 : i32
          %ne3A_911 = arith.constant 0 : i32
          %ne3A_912 = arith.cmpi ne, %rem3A_910, %ne3A_911 : i32
          %and3A_913 = arith.andi %ne3A_909, %ne3A_912 : i1
          %sub3A_914 = arith.constant 1 : i32
          %sub3A_915 = arith.subi %div3A_894, %sub3A_914 : i32
          %select_n3A_916 = arith.select %and3A_913, %sub3A_915, %div3A_894 : i32
          %sub3A_917 = arith.subi %select_n3A_916, %mul3A_2 : i32
          %get3A_918 = arith.index_cast %sub3A_917 : i32 to index
          %get3A_919 = memref.load %arg11[%get3A_918] : memref<256xi32, #tpu.memory_space<smem>>
          %add3A_920 = arith.constant 1 : i32
          %add3A_921 = arith.addi %get3A_919, %add3A_920 : i32
          %swap3A_922 = arith.index_cast %sub3A_917 : i32 to index
          %swap3A_923 = memref.load %arg11[%swap3A_922] : memref<256xi32, #tpu.memory_space<smem>>
          memref.store %add3A_921, %arg11[%swap3A_922] : memref<256xi32, #tpu.memory_space<smem>>
          %jit3A_924 = arith.constant 128 : i32
          %div3A_925 = arith.divsi %get3A_919, %jit3A_924 : i32
          %sign3A_926 = arith.constant 0 : i32
          %sign3A_927 = arith.cmpi sgt, %get3A_919, %sign3A_926 : i32
          %sign3A_928 = arith.extui %sign3A_927 : i1 to i32
          %sign3A_929 = arith.constant 0 : i32
          %sign3A_930 = arith.cmpi slt, %get3A_919, %sign3A_929 : i32
          %sign3A_931 = arith.extui %sign3A_930 : i1 to i32
          %sign3A_932 = arith.subi %sign3A_928, %sign3A_931 : i32
          %sign3A_933 = arith.constant 0 : i32
          %sign3A_934 = arith.cmpi sgt, %jit3A_924, %sign3A_933 : i32
          %sign3A_935 = arith.extui %sign3A_934 : i1 to i32
          %sign3A_936 = arith.constant 0 : i32
          %sign3A_937 = arith.cmpi slt, %jit3A_924, %sign3A_936 : i32
          %sign3A_938 = arith.extui %sign3A_937 : i1 to i32
          %sign3A_939 = arith.subi %sign3A_935, %sign3A_938 : i32
          %ne3A_940 = arith.cmpi ne, %sign3A_932, %sign3A_939 : i32
          %rem3A_941 = arith.remsi %get3A_919, %jit3A_924 : i32
          %ne3A_942 = arith.constant 0 : i32
          %ne3A_943 = arith.cmpi ne, %rem3A_941, %ne3A_942 : i32
          %and3A_944 = arith.andi %ne3A_940, %ne3A_943 : i1
          %sub3A_945 = arith.constant 1 : i32
          %sub3A_946 = arith.subi %div3A_925, %sub3A_945 : i32
          %select_n3A_947 = arith.select %and3A_944, %sub3A_946, %div3A_925 : i32
          %broadcast_in_dim3A_948 = vector.broadcast %select_n3A_947 : i32 to vector<16xi32>
          %jit3A_949 = arith.constant 128 : i32
          %eq3A_950 = arith.constant 0 : i32
          %eq3A_951 = arith.cmpi eq, %jit3A_949, %eq3A_950 : i32
          %jit3A_952 = arith.constant 1 : i32
          %select_n3A_953 = arith.select %eq3A_951, %jit3A_952, %jit3A_949 : i32
          %rem3A_954 = arith.remsi %get3A_919, %select_n3A_953 : i32
          %ne3A_955 = arith.constant 0 : i32
          %ne3A_956 = arith.cmpi ne, %rem3A_954, %ne3A_955 : i32
          %lt3A_957 = arith.constant 0 : i32
          %lt3A_958 = arith.cmpi slt, %rem3A_954, %lt3A_957 : i32
          %lt3A_959 = arith.constant 0 : i32
          %lt3A_960 = arith.cmpi slt, %select_n3A_953, %lt3A_959 : i32
          %ne3A_961 = arith.xori %lt3A_958, %lt3A_960 : i1
          %and3A_962 = arith.andi %ne3A_961, %ne3A_956 : i1
          %add3A_963 = arith.addi %rem3A_954, %select_n3A_953 : i32
          %select_n3A_964 = arith.select %and3A_962, %add3A_963, %rem3A_954 : i32
          %broadcast_in_dim3A_965 = vector.broadcast %select_n3A_964 : i32 to vector<16xi32>
          %jit3A_966 = arith.constant 128 : i32
          %eq3A_967 = arith.constant 0 : i32
          %eq3A_968 = arith.cmpi eq, %jit3A_966, %eq3A_967 : i32
          %jit3A_969 = arith.constant 1 : i32
          %select_n3A_970 = arith.select %eq3A_968, %jit3A_969, %jit3A_966 : i32
          %rem3A_971 = arith.remsi %squeeze3A_892, %select_n3A_970 : i32
          %ne3A_972 = arith.constant 0 : i32
          %ne3A_973 = arith.cmpi ne, %rem3A_971, %ne3A_972 : i32
          %lt3A_974 = arith.constant 0 : i32
          %lt3A_975 = arith.cmpi slt, %rem3A_971, %lt3A_974 : i32
          %lt3A_976 = arith.constant 0 : i32
          %lt3A_977 = arith.cmpi slt, %select_n3A_970, %lt3A_976 : i32
          %ne3A_978 = arith.xori %lt3A_975, %lt3A_977 : i1
          %and3A_979 = arith.andi %ne3A_978, %ne3A_973 : i1
          %add3A_980 = arith.addi %rem3A_971, %select_n3A_970 : i32
          %select_n3A_981 = arith.select %and3A_979, %add3A_980, %rem3A_971 : i32
          %broadcast_in_dim3A_982 = vector.broadcast %select_n3A_981 : i32 to vector<16xi32>
          tpu.vector_store_idx %arg8[%broadcast_in_dim3A_948, %broadcast_in_dim3A_965], %broadcast_in_dim3A_982 masked %eq3A_6 : memref<17x128xi32, #tpu.memory_space<vmem>>[vector<16xi32>, vector<16xi32>], vector<16xi32>, vector<16xi1>
          %slice3A_983 = vector.extract_strided_slice %get3A_133 {offsets = [8], sizes = [1], strides = [1]} : vector<16xi32> to vector<1xi32>
          %squeeze3A_984 = vector.extract %slice3A_983[0] : i32 from vector<1xi32>
          %broadcast_in_dim3A_985 = vector.broadcast %squeeze3A_984 : i32 to vector<16xi32>
          tpu.vector_store_idx %arg9[%broadcast_in_dim3A_948, %broadcast_in_dim3A_965], %broadcast_in_dim3A_985 masked %eq3A_6 : memref<17x128xi32, #tpu.memory_space<vmem>>[vector<16xi32>, vector<16xi32>], vector<16xi32>, vector<16xi1>
          %slice3A_986 = vector.extract_strided_slice %get3A_129 {offsets = [9], sizes = [1], strides = [1]} : vector<16xi32> to vector<1xi32>
          %squeeze3A_987 = vector.extract %slice3A_986[0] : i32 from vector<1xi32>
          %jit3A_988 = arith.constant 128 : i32
          %div3A_989 = arith.divsi %squeeze3A_987, %jit3A_988 : i32
          %sign3A_990 = arith.constant 0 : i32
          %sign3A_991 = arith.cmpi sgt, %squeeze3A_987, %sign3A_990 : i32
          %sign3A_992 = arith.extui %sign3A_991 : i1 to i32
          %sign3A_993 = arith.constant 0 : i32
          %sign3A_994 = arith.cmpi slt, %squeeze3A_987, %sign3A_993 : i32
          %sign3A_995 = arith.extui %sign3A_994 : i1 to i32
          %sign3A_996 = arith.subi %sign3A_992, %sign3A_995 : i32
          %sign3A_997 = arith.constant 0 : i32
          %sign3A_998 = arith.cmpi sgt, %jit3A_988, %sign3A_997 : i32
          %sign3A_999 = arith.extui %sign3A_998 : i1 to i32
          %sign3A_1000 = arith.constant 0 : i32
          %sign3A_1001 = arith.cmpi slt, %jit3A_988, %sign3A_1000 : i32
          %sign3A_1002 = arith.extui %sign3A_1001 : i1 to i32
          %sign3A_1003 = arith.subi %sign3A_999, %sign3A_1002 : i32
          %ne3A_1004 = arith.cmpi ne, %sign3A_996, %sign3A_1003 : i32
          %rem3A_1005 = arith.remsi %squeeze3A_987, %jit3A_988 : i32
          %ne3A_1006 = arith.constant 0 : i32
          %ne3A_1007 = arith.cmpi ne, %rem3A_1005, %ne3A_1006 : i32
          %and3A_1008 = arith.andi %ne3A_1004, %ne3A_1007 : i1
          %sub3A_1009 = arith.constant 1 : i32
          %sub3A_1010 = arith.subi %div3A_989, %sub3A_1009 : i32
          %select_n3A_1011 = arith.select %and3A_1008, %sub3A_1010, %div3A_989 : i32
          %sub3A_1012 = arith.subi %select_n3A_1011, %mul3A_2 : i32
          %get3A_1013 = arith.index_cast %sub3A_1012 : i32 to index
          %get3A_1014 = memref.load %arg11[%get3A_1013] : memref<256xi32, #tpu.memory_space<smem>>
          %add3A_1015 = arith.constant 1 : i32
          %add3A_1016 = arith.addi %get3A_1014, %add3A_1015 : i32
          %swap3A_1017 = arith.index_cast %sub3A_1012 : i32 to index
          %swap3A_1018 = memref.load %arg11[%swap3A_1017] : memref<256xi32, #tpu.memory_space<smem>>
          memref.store %add3A_1016, %arg11[%swap3A_1017] : memref<256xi32, #tpu.memory_space<smem>>
          %jit3A_1019 = arith.constant 128 : i32
          %div3A_1020 = arith.divsi %get3A_1014, %jit3A_1019 : i32
          %sign3A_1021 = arith.constant 0 : i32
          %sign3A_1022 = arith.cmpi sgt, %get3A_1014, %sign3A_1021 : i32
          %sign3A_1023 = arith.extui %sign3A_1022 : i1 to i32
          %sign3A_1024 = arith.constant 0 : i32
          %sign3A_1025 = arith.cmpi slt, %get3A_1014, %sign3A_1024 : i32
          %sign3A_1026 = arith.extui %sign3A_1025 : i1 to i32
          %sign3A_1027 = arith.subi %sign3A_1023, %sign3A_1026 : i32
          %sign3A_1028 = arith.constant 0 : i32
          %sign3A_1029 = arith.cmpi sgt, %jit3A_1019, %sign3A_1028 : i32
          %sign3A_1030 = arith.extui %sign3A_1029 : i1 to i32
          %sign3A_1031 = arith.constant 0 : i32
          %sign3A_1032 = arith.cmpi slt, %jit3A_1019, %sign3A_1031 : i32
          %sign3A_1033 = arith.extui %sign3A_1032 : i1 to i32
          %sign3A_1034 = arith.subi %sign3A_1030, %sign3A_1033 : i32
          %ne3A_1035 = arith.cmpi ne, %sign3A_1027, %sign3A_1034 : i32
          %rem3A_1036 = arith.remsi %get3A_1014, %jit3A_1019 : i32
          %ne3A_1037 = arith.constant 0 : i32
          %ne3A_1038 = arith.cmpi ne, %rem3A_1036, %ne3A_1037 : i32
          %and3A_1039 = arith.andi %ne3A_1035, %ne3A_1038 : i1
          %sub3A_1040 = arith.constant 1 : i32
          %sub3A_1041 = arith.subi %div3A_1020, %sub3A_1040 : i32
          %select_n3A_1042 = arith.select %and3A_1039, %sub3A_1041, %div3A_1020 : i32
          %broadcast_in_dim3A_1043 = vector.broadcast %select_n3A_1042 : i32 to vector<16xi32>
          %jit3A_1044 = arith.constant 128 : i32
          %eq3A_1045 = arith.constant 0 : i32
          %eq3A_1046 = arith.cmpi eq, %jit3A_1044, %eq3A_1045 : i32
          %jit3A_1047 = arith.constant 1 : i32
          %select_n3A_1048 = arith.select %eq3A_1046, %jit3A_1047, %jit3A_1044 : i32
          %rem3A_1049 = arith.remsi %get3A_1014, %select_n3A_1048 : i32
          %ne3A_1050 = arith.constant 0 : i32
          %ne3A_1051 = arith.cmpi ne, %rem3A_1049, %ne3A_1050 : i32
          %lt3A_1052 = arith.constant 0 : i32
          %lt3A_1053 = arith.cmpi slt, %rem3A_1049, %lt3A_1052 : i32
          %lt3A_1054 = arith.constant 0 : i32
          %lt3A_1055 = arith.cmpi slt, %select_n3A_1048, %lt3A_1054 : i32
          %ne3A_1056 = arith.xori %lt3A_1053, %lt3A_1055 : i1
          %and3A_1057 = arith.andi %ne3A_1056, %ne3A_1051 : i1
          %add3A_1058 = arith.addi %rem3A_1049, %select_n3A_1048 : i32
          %select_n3A_1059 = arith.select %and3A_1057, %add3A_1058, %rem3A_1049 : i32
          %broadcast_in_dim3A_1060 = vector.broadcast %select_n3A_1059 : i32 to vector<16xi32>
          %jit3A_1061 = arith.constant 128 : i32
          %eq3A_1062 = arith.constant 0 : i32
          %eq3A_1063 = arith.cmpi eq, %jit3A_1061, %eq3A_1062 : i32
          %jit3A_1064 = arith.constant 1 : i32
          %select_n3A_1065 = arith.select %eq3A_1063, %jit3A_1064, %jit3A_1061 : i32
          %rem3A_1066 = arith.remsi %squeeze3A_987, %select_n3A_1065 : i32
          %ne3A_1067 = arith.constant 0 : i32
          %ne3A_1068 = arith.cmpi ne, %rem3A_1066, %ne3A_1067 : i32
          %lt3A_1069 = arith.constant 0 : i32
          %lt3A_1070 = arith.cmpi slt, %rem3A_1066, %lt3A_1069 : i32
          %lt3A_1071 = arith.constant 0 : i32
          %lt3A_1072 = arith.cmpi slt, %select_n3A_1065, %lt3A_1071 : i32
          %ne3A_1073 = arith.xori %lt3A_1070, %lt3A_1072 : i1
          %and3A_1074 = arith.andi %ne3A_1073, %ne3A_1068 : i1
          %add3A_1075 = arith.addi %rem3A_1066, %select_n3A_1065 : i32
          %select_n3A_1076 = arith.select %and3A_1074, %add3A_1075, %rem3A_1066 : i32
          %broadcast_in_dim3A_1077 = vector.broadcast %select_n3A_1076 : i32 to vector<16xi32>
          tpu.vector_store_idx %arg8[%broadcast_in_dim3A_1043, %broadcast_in_dim3A_1060], %broadcast_in_dim3A_1077 masked %eq3A_6 : memref<17x128xi32, #tpu.memory_space<vmem>>[vector<16xi32>, vector<16xi32>], vector<16xi32>, vector<16xi1>
          %slice3A_1078 = vector.extract_strided_slice %get3A_133 {offsets = [9], sizes = [1], strides = [1]} : vector<16xi32> to vector<1xi32>
          %squeeze3A_1079 = vector.extract %slice3A_1078[0] : i32 from vector<1xi32>
          %broadcast_in_dim3A_1080 = vector.broadcast %squeeze3A_1079 : i32 to vector<16xi32>
          tpu.vector_store_idx %arg9[%broadcast_in_dim3A_1043, %broadcast_in_dim3A_1060], %broadcast_in_dim3A_1080 masked %eq3A_6 : memref<17x128xi32, #tpu.memory_space<vmem>>[vector<16xi32>, vector<16xi32>], vector<16xi32>, vector<16xi1>
          %slice3A_1081 = vector.extract_strided_slice %get3A_129 {offsets = [10], sizes = [1], strides = [1]} : vector<16xi32> to vector<1xi32>
          %squeeze3A_1082 = vector.extract %slice3A_1081[0] : i32 from vector<1xi32>
          %jit3A_1083 = arith.constant 128 : i32
          %div3A_1084 = arith.divsi %squeeze3A_1082, %jit3A_1083 : i32
          %sign3A_1085 = arith.constant 0 : i32
          %sign3A_1086 = arith.cmpi sgt, %squeeze3A_1082, %sign3A_1085 : i32
          %sign3A_1087 = arith.extui %sign3A_1086 : i1 to i32
          %sign3A_1088 = arith.constant 0 : i32
          %sign3A_1089 = arith.cmpi slt, %squeeze3A_1082, %sign3A_1088 : i32
          %sign3A_1090 = arith.extui %sign3A_1089 : i1 to i32
          %sign3A_1091 = arith.subi %sign3A_1087, %sign3A_1090 : i32
          %sign3A_1092 = arith.constant 0 : i32
          %sign3A_1093 = arith.cmpi sgt, %jit3A_1083, %sign3A_1092 : i32
          %sign3A_1094 = arith.extui %sign3A_1093 : i1 to i32
          %sign3A_1095 = arith.constant 0 : i32
          %sign3A_1096 = arith.cmpi slt, %jit3A_1083, %sign3A_1095 : i32
          %sign3A_1097 = arith.extui %sign3A_1096 : i1 to i32
          %sign3A_1098 = arith.subi %sign3A_1094, %sign3A_1097 : i32
          %ne3A_1099 = arith.cmpi ne, %sign3A_1091, %sign3A_1098 : i32
          %rem3A_1100 = arith.remsi %squeeze3A_1082, %jit3A_1083 : i32
          %ne3A_1101 = arith.constant 0 : i32
          %ne3A_1102 = arith.cmpi ne, %rem3A_1100, %ne3A_1101 : i32
          %and3A_1103 = arith.andi %ne3A_1099, %ne3A_1102 : i1
          %sub3A_1104 = arith.constant 1 : i32
          %sub3A_1105 = arith.subi %div3A_1084, %sub3A_1104 : i32
          %select_n3A_1106 = arith.select %and3A_1103, %sub3A_1105, %div3A_1084 : i32
          %sub3A_1107 = arith.subi %select_n3A_1106, %mul3A_2 : i32
          %get3A_1108 = arith.index_cast %sub3A_1107 : i32 to index
          %get3A_1109 = memref.load %arg11[%get3A_1108] : memref<256xi32, #tpu.memory_space<smem>>
          %add3A_1110 = arith.constant 1 : i32
          %add3A_1111 = arith.addi %get3A_1109, %add3A_1110 : i32
          %swap3A_1112 = arith.index_cast %sub3A_1107 : i32 to index
          %swap3A_1113 = memref.load %arg11[%swap3A_1112] : memref<256xi32, #tpu.memory_space<smem>>
          memref.store %add3A_1111, %arg11[%swap3A_1112] : memref<256xi32, #tpu.memory_space<smem>>
          %jit3A_1114 = arith.constant 128 : i32
          %div3A_1115 = arith.divsi %get3A_1109, %jit3A_1114 : i32
          %sign3A_1116 = arith.constant 0 : i32
          %sign3A_1117 = arith.cmpi sgt, %get3A_1109, %sign3A_1116 : i32
          %sign3A_1118 = arith.extui %sign3A_1117 : i1 to i32
          %sign3A_1119 = arith.constant 0 : i32
          %sign3A_1120 = arith.cmpi slt, %get3A_1109, %sign3A_1119 : i32
          %sign3A_1121 = arith.extui %sign3A_1120 : i1 to i32
          %sign3A_1122 = arith.subi %sign3A_1118, %sign3A_1121 : i32
          %sign3A_1123 = arith.constant 0 : i32
          %sign3A_1124 = arith.cmpi sgt, %jit3A_1114, %sign3A_1123 : i32
          %sign3A_1125 = arith.extui %sign3A_1124 : i1 to i32
          %sign3A_1126 = arith.constant 0 : i32
          %sign3A_1127 = arith.cmpi slt, %jit3A_1114, %sign3A_1126 : i32
          %sign3A_1128 = arith.extui %sign3A_1127 : i1 to i32
          %sign3A_1129 = arith.subi %sign3A_1125, %sign3A_1128 : i32
          %ne3A_1130 = arith.cmpi ne, %sign3A_1122, %sign3A_1129 : i32
          %rem3A_1131 = arith.remsi %get3A_1109, %jit3A_1114 : i32
          %ne3A_1132 = arith.constant 0 : i32
          %ne3A_1133 = arith.cmpi ne, %rem3A_1131, %ne3A_1132 : i32
          %and3A_1134 = arith.andi %ne3A_1130, %ne3A_1133 : i1
          %sub3A_1135 = arith.constant 1 : i32
          %sub3A_1136 = arith.subi %div3A_1115, %sub3A_1135 : i32
          %select_n3A_1137 = arith.select %and3A_1134, %sub3A_1136, %div3A_1115 : i32
          %broadcast_in_dim3A_1138 = vector.broadcast %select_n3A_1137 : i32 to vector<16xi32>
          %jit3A_1139 = arith.constant 128 : i32
          %eq3A_1140 = arith.constant 0 : i32
          %eq3A_1141 = arith.cmpi eq, %jit3A_1139, %eq3A_1140 : i32
          %jit3A_1142 = arith.constant 1 : i32
          %select_n3A_1143 = arith.select %eq3A_1141, %jit3A_1142, %jit3A_1139 : i32
          %rem3A_1144 = arith.remsi %get3A_1109, %select_n3A_1143 : i32
          %ne3A_1145 = arith.constant 0 : i32
          %ne3A_1146 = arith.cmpi ne, %rem3A_1144, %ne3A_1145 : i32
          %lt3A_1147 = arith.constant 0 : i32
          %lt3A_1148 = arith.cmpi slt, %rem3A_1144, %lt3A_1147 : i32
          %lt3A_1149 = arith.constant 0 : i32
          %lt3A_1150 = arith.cmpi slt, %select_n3A_1143, %lt3A_1149 : i32
          %ne3A_1151 = arith.xori %lt3A_1148, %lt3A_1150 : i1
          %and3A_1152 = arith.andi %ne3A_1151, %ne3A_1146 : i1
          %add3A_1153 = arith.addi %rem3A_1144, %select_n3A_1143 : i32
          %select_n3A_1154 = arith.select %and3A_1152, %add3A_1153, %rem3A_1144 : i32
          %broadcast_in_dim3A_1155 = vector.broadcast %select_n3A_1154 : i32 to vector<16xi32>
          %jit3A_1156 = arith.constant 128 : i32
          %eq3A_1157 = arith.constant 0 : i32
          %eq3A_1158 = arith.cmpi eq, %jit3A_1156, %eq3A_1157 : i32
          %jit3A_1159 = arith.constant 1 : i32
          %select_n3A_1160 = arith.select %eq3A_1158, %jit3A_1159, %jit3A_1156 : i32
          %rem3A_1161 = arith.remsi %squeeze3A_1082, %select_n3A_1160 : i32
          %ne3A_1162 = arith.constant 0 : i32
          %ne3A_1163 = arith.cmpi ne, %rem3A_1161, %ne3A_1162 : i32
          %lt3A_1164 = arith.constant 0 : i32
          %lt3A_1165 = arith.cmpi slt, %rem3A_1161, %lt3A_1164 : i32
          %lt3A_1166 = arith.constant 0 : i32
          %lt3A_1167 = arith.cmpi slt, %select_n3A_1160, %lt3A_1166 : i32
          %ne3A_1168 = arith.xori %lt3A_1165, %lt3A_1167 : i1
          %and3A_1169 = arith.andi %ne3A_1168, %ne3A_1163 : i1
          %add3A_1170 = arith.addi %rem3A_1161, %select_n3A_1160 : i32
          %select_n3A_1171 = arith.select %and3A_1169, %add3A_1170, %rem3A_1161 : i32
          %broadcast_in_dim3A_1172 = vector.broadcast %select_n3A_1171 : i32 to vector<16xi32>
          tpu.vector_store_idx %arg8[%broadcast_in_dim3A_1138, %broadcast_in_dim3A_1155], %broadcast_in_dim3A_1172 masked %eq3A_6 : memref<17x128xi32, #tpu.memory_space<vmem>>[vector<16xi32>, vector<16xi32>], vector<16xi32>, vector<16xi1>
          %slice3A_1173 = vector.extract_strided_slice %get3A_133 {offsets = [10], sizes = [1], strides = [1]} : vector<16xi32> to vector<1xi32>
          %squeeze3A_1174 = vector.extract %slice3A_1173[0] : i32 from vector<1xi32>
          %broadcast_in_dim3A_1175 = vector.broadcast %squeeze3A_1174 : i32 to vector<16xi32>
          tpu.vector_store_idx %arg9[%broadcast_in_dim3A_1138, %broadcast_in_dim3A_1155], %broadcast_in_dim3A_1175 masked %eq3A_6 : memref<17x128xi32, #tpu.memory_space<vmem>>[vector<16xi32>, vector<16xi32>], vector<16xi32>, vector<16xi1>
          %slice3A_1176 = vector.extract_strided_slice %get3A_129 {offsets = [11], sizes = [1], strides = [1]} : vector<16xi32> to vector<1xi32>
          %squeeze3A_1177 = vector.extract %slice3A_1176[0] : i32 from vector<1xi32>
          %jit3A_1178 = arith.constant 128 : i32
          %div3A_1179 = arith.divsi %squeeze3A_1177, %jit3A_1178 : i32
          %sign3A_1180 = arith.constant 0 : i32
          %sign3A_1181 = arith.cmpi sgt, %squeeze3A_1177, %sign3A_1180 : i32
          %sign3A_1182 = arith.extui %sign3A_1181 : i1 to i32
          %sign3A_1183 = arith.constant 0 : i32
          %sign3A_1184 = arith.cmpi slt, %squeeze3A_1177, %sign3A_1183 : i32
          %sign3A_1185 = arith.extui %sign3A_1184 : i1 to i32
          %sign3A_1186 = arith.subi %sign3A_1182, %sign3A_1185 : i32
          %sign3A_1187 = arith.constant 0 : i32
          %sign3A_1188 = arith.cmpi sgt, %jit3A_1178, %sign3A_1187 : i32
          %sign3A_1189 = arith.extui %sign3A_1188 : i1 to i32
          %sign3A_1190 = arith.constant 0 : i32
          %sign3A_1191 = arith.cmpi slt, %jit3A_1178, %sign3A_1190 : i32
          %sign3A_1192 = arith.extui %sign3A_1191 : i1 to i32
          %sign3A_1193 = arith.subi %sign3A_1189, %sign3A_1192 : i32
          %ne3A_1194 = arith.cmpi ne, %sign3A_1186, %sign3A_1193 : i32
          %rem3A_1195 = arith.remsi %squeeze3A_1177, %jit3A_1178 : i32
          %ne3A_1196 = arith.constant 0 : i32
          %ne3A_1197 = arith.cmpi ne, %rem3A_1195, %ne3A_1196 : i32
          %and3A_1198 = arith.andi %ne3A_1194, %ne3A_1197 : i1
          %sub3A_1199 = arith.constant 1 : i32
          %sub3A_1200 = arith.subi %div3A_1179, %sub3A_1199 : i32
          %select_n3A_1201 = arith.select %and3A_1198, %sub3A_1200, %div3A_1179 : i32
          %sub3A_1202 = arith.subi %select_n3A_1201, %mul3A_2 : i32
          %get3A_1203 = arith.index_cast %sub3A_1202 : i32 to index
          %get3A_1204 = memref.load %arg11[%get3A_1203] : memref<256xi32, #tpu.memory_space<smem>>
          %add3A_1205 = arith.constant 1 : i32
          %add3A_1206 = arith.addi %get3A_1204, %add3A_1205 : i32
          %swap3A_1207 = arith.index_cast %sub3A_1202 : i32 to index
          %swap3A_1208 = memref.load %arg11[%swap3A_1207] : memref<256xi32, #tpu.memory_space<smem>>
          memref.store %add3A_1206, %arg11[%swap3A_1207] : memref<256xi32, #tpu.memory_space<smem>>
          %jit3A_1209 = arith.constant 128 : i32
          %div3A_1210 = arith.divsi %get3A_1204, %jit3A_1209 : i32
          %sign3A_1211 = arith.constant 0 : i32
          %sign3A_1212 = arith.cmpi sgt, %get3A_1204, %sign3A_1211 : i32
          %sign3A_1213 = arith.extui %sign3A_1212 : i1 to i32
          %sign3A_1214 = arith.constant 0 : i32
          %sign3A_1215 = arith.cmpi slt, %get3A_1204, %sign3A_1214 : i32
          %sign3A_1216 = arith.extui %sign3A_1215 : i1 to i32
          %sign3A_1217 = arith.subi %sign3A_1213, %sign3A_1216 : i32
          %sign3A_1218 = arith.constant 0 : i32
          %sign3A_1219 = arith.cmpi sgt, %jit3A_1209, %sign3A_1218 : i32
          %sign3A_1220 = arith.extui %sign3A_1219 : i1 to i32
          %sign3A_1221 = arith.constant 0 : i32
          %sign3A_1222 = arith.cmpi slt, %jit3A_1209, %sign3A_1221 : i32
          %sign3A_1223 = arith.extui %sign3A_1222 : i1 to i32
          %sign3A_1224 = arith.subi %sign3A_1220, %sign3A_1223 : i32
          %ne3A_1225 = arith.cmpi ne, %sign3A_1217, %sign3A_1224 : i32
          %rem3A_1226 = arith.remsi %get3A_1204, %jit3A_1209 : i32
          %ne3A_1227 = arith.constant 0 : i32
          %ne3A_1228 = arith.cmpi ne, %rem3A_1226, %ne3A_1227 : i32
          %and3A_1229 = arith.andi %ne3A_1225, %ne3A_1228 : i1
          %sub3A_1230 = arith.constant 1 : i32
          %sub3A_1231 = arith.subi %div3A_1210, %sub3A_1230 : i32
          %select_n3A_1232 = arith.select %and3A_1229, %sub3A_1231, %div3A_1210 : i32
          %broadcast_in_dim3A_1233 = vector.broadcast %select_n3A_1232 : i32 to vector<16xi32>
          %jit3A_1234 = arith.constant 128 : i32
          %eq3A_1235 = arith.constant 0 : i32
          %eq3A_1236 = arith.cmpi eq, %jit3A_1234, %eq3A_1235 : i32
          %jit3A_1237 = arith.constant 1 : i32
          %select_n3A_1238 = arith.select %eq3A_1236, %jit3A_1237, %jit3A_1234 : i32
          %rem3A_1239 = arith.remsi %get3A_1204, %select_n3A_1238 : i32
          %ne3A_1240 = arith.constant 0 : i32
          %ne3A_1241 = arith.cmpi ne, %rem3A_1239, %ne3A_1240 : i32
          %lt3A_1242 = arith.constant 0 : i32
          %lt3A_1243 = arith.cmpi slt, %rem3A_1239, %lt3A_1242 : i32
          %lt3A_1244 = arith.constant 0 : i32
          %lt3A_1245 = arith.cmpi slt, %select_n3A_1238, %lt3A_1244 : i32
          %ne3A_1246 = arith.xori %lt3A_1243, %lt3A_1245 : i1
          %and3A_1247 = arith.andi %ne3A_1246, %ne3A_1241 : i1
          %add3A_1248 = arith.addi %rem3A_1239, %select_n3A_1238 : i32
          %select_n3A_1249 = arith.select %and3A_1247, %add3A_1248, %rem3A_1239 : i32
          %broadcast_in_dim3A_1250 = vector.broadcast %select_n3A_1249 : i32 to vector<16xi32>
          %jit3A_1251 = arith.constant 128 : i32
          %eq3A_1252 = arith.constant 0 : i32
          %eq3A_1253 = arith.cmpi eq, %jit3A_1251, %eq3A_1252 : i32
          %jit3A_1254 = arith.constant 1 : i32
          %select_n3A_1255 = arith.select %eq3A_1253, %jit3A_1254, %jit3A_1251 : i32
          %rem3A_1256 = arith.remsi %squeeze3A_1177, %select_n3A_1255 : i32
          %ne3A_1257 = arith.constant 0 : i32
          %ne3A_1258 = arith.cmpi ne, %rem3A_1256, %ne3A_1257 : i32
          %lt3A_1259 = arith.constant 0 : i32
          %lt3A_1260 = arith.cmpi slt, %rem3A_1256, %lt3A_1259 : i32
          %lt3A_1261 = arith.constant 0 : i32
          %lt3A_1262 = arith.cmpi slt, %select_n3A_1255, %lt3A_1261 : i32
          %ne3A_1263 = arith.xori %lt3A_1260, %lt3A_1262 : i1
          %and3A_1264 = arith.andi %ne3A_1263, %ne3A_1258 : i1
          %add3A_1265 = arith.addi %rem3A_1256, %select_n3A_1255 : i32
          %select_n3A_1266 = arith.select %and3A_1264, %add3A_1265, %rem3A_1256 : i32
          %broadcast_in_dim3A_1267 = vector.broadcast %select_n3A_1266 : i32 to vector<16xi32>
          tpu.vector_store_idx %arg8[%broadcast_in_dim3A_1233, %broadcast_in_dim3A_1250], %broadcast_in_dim3A_1267 masked %eq3A_6 : memref<17x128xi32, #tpu.memory_space<vmem>>[vector<16xi32>, vector<16xi32>], vector<16xi32>, vector<16xi1>
          %slice3A_1268 = vector.extract_strided_slice %get3A_133 {offsets = [11], sizes = [1], strides = [1]} : vector<16xi32> to vector<1xi32>
          %squeeze3A_1269 = vector.extract %slice3A_1268[0] : i32 from vector<1xi32>
          %broadcast_in_dim3A_1270 = vector.broadcast %squeeze3A_1269 : i32 to vector<16xi32>
          tpu.vector_store_idx %arg9[%broadcast_in_dim3A_1233, %broadcast_in_dim3A_1250], %broadcast_in_dim3A_1270 masked %eq3A_6 : memref<17x128xi32, #tpu.memory_space<vmem>>[vector<16xi32>, vector<16xi32>], vector<16xi32>, vector<16xi1>
          %slice3A_1271 = vector.extract_strided_slice %get3A_129 {offsets = [12], sizes = [1], strides = [1]} : vector<16xi32> to vector<1xi32>
          %squeeze3A_1272 = vector.extract %slice3A_1271[0] : i32 from vector<1xi32>
          %jit3A_1273 = arith.constant 128 : i32
          %div3A_1274 = arith.divsi %squeeze3A_1272, %jit3A_1273 : i32
          %sign3A_1275 = arith.constant 0 : i32
          %sign3A_1276 = arith.cmpi sgt, %squeeze3A_1272, %sign3A_1275 : i32
          %sign3A_1277 = arith.extui %sign3A_1276 : i1 to i32
          %sign3A_1278 = arith.constant 0 : i32
          %sign3A_1279 = arith.cmpi slt, %squeeze3A_1272, %sign3A_1278 : i32
          %sign3A_1280 = arith.extui %sign3A_1279 : i1 to i32
          %sign3A_1281 = arith.subi %sign3A_1277, %sign3A_1280 : i32
          %sign3A_1282 = arith.constant 0 : i32
          %sign3A_1283 = arith.cmpi sgt, %jit3A_1273, %sign3A_1282 : i32
          %sign3A_1284 = arith.extui %sign3A_1283 : i1 to i32
          %sign3A_1285 = arith.constant 0 : i32
          %sign3A_1286 = arith.cmpi slt, %jit3A_1273, %sign3A_1285 : i32
          %sign3A_1287 = arith.extui %sign3A_1286 : i1 to i32
          %sign3A_1288 = arith.subi %sign3A_1284, %sign3A_1287 : i32
          %ne3A_1289 = arith.cmpi ne, %sign3A_1281, %sign3A_1288 : i32
          %rem3A_1290 = arith.remsi %squeeze3A_1272, %jit3A_1273 : i32
          %ne3A_1291 = arith.constant 0 : i32
          %ne3A_1292 = arith.cmpi ne, %rem3A_1290, %ne3A_1291 : i32
          %and3A_1293 = arith.andi %ne3A_1289, %ne3A_1292 : i1
          %sub3A_1294 = arith.constant 1 : i32
          %sub3A_1295 = arith.subi %div3A_1274, %sub3A_1294 : i32
          %select_n3A_1296 = arith.select %and3A_1293, %sub3A_1295, %div3A_1274 : i32
          %sub3A_1297 = arith.subi %select_n3A_1296, %mul3A_2 : i32
          %get3A_1298 = arith.index_cast %sub3A_1297 : i32 to index
          %get3A_1299 = memref.load %arg11[%get3A_1298] : memref<256xi32, #tpu.memory_space<smem>>
          %add3A_1300 = arith.constant 1 : i32
          %add3A_1301 = arith.addi %get3A_1299, %add3A_1300 : i32
          %swap3A_1302 = arith.index_cast %sub3A_1297 : i32 to index
          %swap3A_1303 = memref.load %arg11[%swap3A_1302] : memref<256xi32, #tpu.memory_space<smem>>
          memref.store %add3A_1301, %arg11[%swap3A_1302] : memref<256xi32, #tpu.memory_space<smem>>
          %jit3A_1304 = arith.constant 128 : i32
          %div3A_1305 = arith.divsi %get3A_1299, %jit3A_1304 : i32
          %sign3A_1306 = arith.constant 0 : i32
          %sign3A_1307 = arith.cmpi sgt, %get3A_1299, %sign3A_1306 : i32
          %sign3A_1308 = arith.extui %sign3A_1307 : i1 to i32
          %sign3A_1309 = arith.constant 0 : i32
          %sign3A_1310 = arith.cmpi slt, %get3A_1299, %sign3A_1309 : i32
          %sign3A_1311 = arith.extui %sign3A_1310 : i1 to i32
          %sign3A_1312 = arith.subi %sign3A_1308, %sign3A_1311 : i32
          %sign3A_1313 = arith.constant 0 : i32
          %sign3A_1314 = arith.cmpi sgt, %jit3A_1304, %sign3A_1313 : i32
          %sign3A_1315 = arith.extui %sign3A_1314 : i1 to i32
          %sign3A_1316 = arith.constant 0 : i32
          %sign3A_1317 = arith.cmpi slt, %jit3A_1304, %sign3A_1316 : i32
          %sign3A_1318 = arith.extui %sign3A_1317 : i1 to i32
          %sign3A_1319 = arith.subi %sign3A_1315, %sign3A_1318 : i32
          %ne3A_1320 = arith.cmpi ne, %sign3A_1312, %sign3A_1319 : i32
          %rem3A_1321 = arith.remsi %get3A_1299, %jit3A_1304 : i32
          %ne3A_1322 = arith.constant 0 : i32
          %ne3A_1323 = arith.cmpi ne, %rem3A_1321, %ne3A_1322 : i32
          %and3A_1324 = arith.andi %ne3A_1320, %ne3A_1323 : i1
          %sub3A_1325 = arith.constant 1 : i32
          %sub3A_1326 = arith.subi %div3A_1305, %sub3A_1325 : i32
          %select_n3A_1327 = arith.select %and3A_1324, %sub3A_1326, %div3A_1305 : i32
          %broadcast_in_dim3A_1328 = vector.broadcast %select_n3A_1327 : i32 to vector<16xi32>
          %jit3A_1329 = arith.constant 128 : i32
          %eq3A_1330 = arith.constant 0 : i32
          %eq3A_1331 = arith.cmpi eq, %jit3A_1329, %eq3A_1330 : i32
          %jit3A_1332 = arith.constant 1 : i32
          %select_n3A_1333 = arith.select %eq3A_1331, %jit3A_1332, %jit3A_1329 : i32
          %rem3A_1334 = arith.remsi %get3A_1299, %select_n3A_1333 : i32
          %ne3A_1335 = arith.constant 0 : i32
          %ne3A_1336 = arith.cmpi ne, %rem3A_1334, %ne3A_1335 : i32
          %lt3A_1337 = arith.constant 0 : i32
          %lt3A_1338 = arith.cmpi slt, %rem3A_1334, %lt3A_1337 : i32
          %lt3A_1339 = arith.constant 0 : i32
          %lt3A_1340 = arith.cmpi slt, %select_n3A_1333, %lt3A_1339 : i32
          %ne3A_1341 = arith.xori %lt3A_1338, %lt3A_1340 : i1
          %and3A_1342 = arith.andi %ne3A_1341, %ne3A_1336 : i1
          %add3A_1343 = arith.addi %rem3A_1334, %select_n3A_1333 : i32
          %select_n3A_1344 = arith.select %and3A_1342, %add3A_1343, %rem3A_1334 : i32
          %broadcast_in_dim3A_1345 = vector.broadcast %select_n3A_1344 : i32 to vector<16xi32>
          %jit3A_1346 = arith.constant 128 : i32
          %eq3A_1347 = arith.constant 0 : i32
          %eq3A_1348 = arith.cmpi eq, %jit3A_1346, %eq3A_1347 : i32
          %jit3A_1349 = arith.constant 1 : i32
          %select_n3A_1350 = arith.select %eq3A_1348, %jit3A_1349, %jit3A_1346 : i32
          %rem3A_1351 = arith.remsi %squeeze3A_1272, %select_n3A_1350 : i32
          %ne3A_1352 = arith.constant 0 : i32
          %ne3A_1353 = arith.cmpi ne, %rem3A_1351, %ne3A_1352 : i32
          %lt3A_1354 = arith.constant 0 : i32
          %lt3A_1355 = arith.cmpi slt, %rem3A_1351, %lt3A_1354 : i32
          %lt3A_1356 = arith.constant 0 : i32
          %lt3A_1357 = arith.cmpi slt, %select_n3A_1350, %lt3A_1356 : i32
          %ne3A_1358 = arith.xori %lt3A_1355, %lt3A_1357 : i1
          %and3A_1359 = arith.andi %ne3A_1358, %ne3A_1353 : i1
          %add3A_1360 = arith.addi %rem3A_1351, %select_n3A_1350 : i32
          %select_n3A_1361 = arith.select %and3A_1359, %add3A_1360, %rem3A_1351 : i32
          %broadcast_in_dim3A_1362 = vector.broadcast %select_n3A_1361 : i32 to vector<16xi32>
          tpu.vector_store_idx %arg8[%broadcast_in_dim3A_1328, %broadcast_in_dim3A_1345], %broadcast_in_dim3A_1362 masked %eq3A_6 : memref<17x128xi32, #tpu.memory_space<vmem>>[vector<16xi32>, vector<16xi32>], vector<16xi32>, vector<16xi1>
          %slice3A_1363 = vector.extract_strided_slice %get3A_133 {offsets = [12], sizes = [1], strides = [1]} : vector<16xi32> to vector<1xi32>
          %squeeze3A_1364 = vector.extract %slice3A_1363[0] : i32 from vector<1xi32>
          %broadcast_in_dim3A_1365 = vector.broadcast %squeeze3A_1364 : i32 to vector<16xi32>
          tpu.vector_store_idx %arg9[%broadcast_in_dim3A_1328, %broadcast_in_dim3A_1345], %broadcast_in_dim3A_1365 masked %eq3A_6 : memref<17x128xi32, #tpu.memory_space<vmem>>[vector<16xi32>, vector<16xi32>], vector<16xi32>, vector<16xi1>
          %slice3A_1366 = vector.extract_strided_slice %get3A_129 {offsets = [13], sizes = [1], strides = [1]} : vector<16xi32> to vector<1xi32>
          %squeeze3A_1367 = vector.extract %slice3A_1366[0] : i32 from vector<1xi32>
          %jit3A_1368 = arith.constant 128 : i32
          %div3A_1369 = arith.divsi %squeeze3A_1367, %jit3A_1368 : i32
          %sign3A_1370 = arith.constant 0 : i32
          %sign3A_1371 = arith.cmpi sgt, %squeeze3A_1367, %sign3A_1370 : i32
          %sign3A_1372 = arith.extui %sign3A_1371 : i1 to i32
          %sign3A_1373 = arith.constant 0 : i32
          %sign3A_1374 = arith.cmpi slt, %squeeze3A_1367, %sign3A_1373 : i32
          %sign3A_1375 = arith.extui %sign3A_1374 : i1 to i32
          %sign3A_1376 = arith.subi %sign3A_1372, %sign3A_1375 : i32
          %sign3A_1377 = arith.constant 0 : i32
          %sign3A_1378 = arith.cmpi sgt, %jit3A_1368, %sign3A_1377 : i32
          %sign3A_1379 = arith.extui %sign3A_1378 : i1 to i32
          %sign3A_1380 = arith.constant 0 : i32
          %sign3A_1381 = arith.cmpi slt, %jit3A_1368, %sign3A_1380 : i32
          %sign3A_1382 = arith.extui %sign3A_1381 : i1 to i32
          %sign3A_1383 = arith.subi %sign3A_1379, %sign3A_1382 : i32
          %ne3A_1384 = arith.cmpi ne, %sign3A_1376, %sign3A_1383 : i32
          %rem3A_1385 = arith.remsi %squeeze3A_1367, %jit3A_1368 : i32
          %ne3A_1386 = arith.constant 0 : i32
          %ne3A_1387 = arith.cmpi ne, %rem3A_1385, %ne3A_1386 : i32
          %and3A_1388 = arith.andi %ne3A_1384, %ne3A_1387 : i1
          %sub3A_1389 = arith.constant 1 : i32
          %sub3A_1390 = arith.subi %div3A_1369, %sub3A_1389 : i32
          %select_n3A_1391 = arith.select %and3A_1388, %sub3A_1390, %div3A_1369 : i32
          %sub3A_1392 = arith.subi %select_n3A_1391, %mul3A_2 : i32
          %get3A_1393 = arith.index_cast %sub3A_1392 : i32 to index
          %get3A_1394 = memref.load %arg11[%get3A_1393] : memref<256xi32, #tpu.memory_space<smem>>
          %add3A_1395 = arith.constant 1 : i32
          %add3A_1396 = arith.addi %get3A_1394, %add3A_1395 : i32
          %swap3A_1397 = arith.index_cast %sub3A_1392 : i32 to index
          %swap3A_1398 = memref.load %arg11[%swap3A_1397] : memref<256xi32, #tpu.memory_space<smem>>
          memref.store %add3A_1396, %arg11[%swap3A_1397] : memref<256xi32, #tpu.memory_space<smem>>
          %jit3A_1399 = arith.constant 128 : i32
          %div3A_1400 = arith.divsi %get3A_1394, %jit3A_1399 : i32
          %sign3A_1401 = arith.constant 0 : i32
          %sign3A_1402 = arith.cmpi sgt, %get3A_1394, %sign3A_1401 : i32
          %sign3A_1403 = arith.extui %sign3A_1402 : i1 to i32
          %sign3A_1404 = arith.constant 0 : i32
          %sign3A_1405 = arith.cmpi slt, %get3A_1394, %sign3A_1404 : i32
          %sign3A_1406 = arith.extui %sign3A_1405 : i1 to i32
          %sign3A_1407 = arith.subi %sign3A_1403, %sign3A_1406 : i32
          %sign3A_1408 = arith.constant 0 : i32
          %sign3A_1409 = arith.cmpi sgt, %jit3A_1399, %sign3A_1408 : i32
          %sign3A_1410 = arith.extui %sign3A_1409 : i1 to i32
          %sign3A_1411 = arith.constant 0 : i32
          %sign3A_1412 = arith.cmpi slt, %jit3A_1399, %sign3A_1411 : i32
          %sign3A_1413 = arith.extui %sign3A_1412 : i1 to i32
          %sign3A_1414 = arith.subi %sign3A_1410, %sign3A_1413 : i32
          %ne3A_1415 = arith.cmpi ne, %sign3A_1407, %sign3A_1414 : i32
          %rem3A_1416 = arith.remsi %get3A_1394, %jit3A_1399 : i32
          %ne3A_1417 = arith.constant 0 : i32
          %ne3A_1418 = arith.cmpi ne, %rem3A_1416, %ne3A_1417 : i32
          %and3A_1419 = arith.andi %ne3A_1415, %ne3A_1418 : i1
          %sub3A_1420 = arith.constant 1 : i32
          %sub3A_1421 = arith.subi %div3A_1400, %sub3A_1420 : i32
          %select_n3A_1422 = arith.select %and3A_1419, %sub3A_1421, %div3A_1400 : i32
          %broadcast_in_dim3A_1423 = vector.broadcast %select_n3A_1422 : i32 to vector<16xi32>
          %jit3A_1424 = arith.constant 128 : i32
          %eq3A_1425 = arith.constant 0 : i32
          %eq3A_1426 = arith.cmpi eq, %jit3A_1424, %eq3A_1425 : i32
          %jit3A_1427 = arith.constant 1 : i32
          %select_n3A_1428 = arith.select %eq3A_1426, %jit3A_1427, %jit3A_1424 : i32
          %rem3A_1429 = arith.remsi %get3A_1394, %select_n3A_1428 : i32
          %ne3A_1430 = arith.constant 0 : i32
          %ne3A_1431 = arith.cmpi ne, %rem3A_1429, %ne3A_1430 : i32
          %lt3A_1432 = arith.constant 0 : i32
          %lt3A_1433 = arith.cmpi slt, %rem3A_1429, %lt3A_1432 : i32
          %lt3A_1434 = arith.constant 0 : i32
          %lt3A_1435 = arith.cmpi slt, %select_n3A_1428, %lt3A_1434 : i32
          %ne3A_1436 = arith.xori %lt3A_1433, %lt3A_1435 : i1
          %and3A_1437 = arith.andi %ne3A_1436, %ne3A_1431 : i1
          %add3A_1438 = arith.addi %rem3A_1429, %select_n3A_1428 : i32
          %select_n3A_1439 = arith.select %and3A_1437, %add3A_1438, %rem3A_1429 : i32
          %broadcast_in_dim3A_1440 = vector.broadcast %select_n3A_1439 : i32 to vector<16xi32>
          %jit3A_1441 = arith.constant 128 : i32
          %eq3A_1442 = arith.constant 0 : i32
          %eq3A_1443 = arith.cmpi eq, %jit3A_1441, %eq3A_1442 : i32
          %jit3A_1444 = arith.constant 1 : i32
          %select_n3A_1445 = arith.select %eq3A_1443, %jit3A_1444, %jit3A_1441 : i32
          %rem3A_1446 = arith.remsi %squeeze3A_1367, %select_n3A_1445 : i32
          %ne3A_1447 = arith.constant 0 : i32
          %ne3A_1448 = arith.cmpi ne, %rem3A_1446, %ne3A_1447 : i32
          %lt3A_1449 = arith.constant 0 : i32
          %lt3A_1450 = arith.cmpi slt, %rem3A_1446, %lt3A_1449 : i32
          %lt3A_1451 = arith.constant 0 : i32
          %lt3A_1452 = arith.cmpi slt, %select_n3A_1445, %lt3A_1451 : i32
          %ne3A_1453 = arith.xori %lt3A_1450, %lt3A_1452 : i1
          %and3A_1454 = arith.andi %ne3A_1453, %ne3A_1448 : i1
          %add3A_1455 = arith.addi %rem3A_1446, %select_n3A_1445 : i32
          %select_n3A_1456 = arith.select %and3A_1454, %add3A_1455, %rem3A_1446 : i32
          %broadcast_in_dim3A_1457 = vector.broadcast %select_n3A_1456 : i32 to vector<16xi32>
          tpu.vector_store_idx %arg8[%broadcast_in_dim3A_1423, %broadcast_in_dim3A_1440], %broadcast_in_dim3A_1457 masked %eq3A_6 : memref<17x128xi32, #tpu.memory_space<vmem>>[vector<16xi32>, vector<16xi32>], vector<16xi32>, vector<16xi1>
          %slice3A_1458 = vector.extract_strided_slice %get3A_133 {offsets = [13], sizes = [1], strides = [1]} : vector<16xi32> to vector<1xi32>
          %squeeze3A_1459 = vector.extract %slice3A_1458[0] : i32 from vector<1xi32>
          %broadcast_in_dim3A_1460 = vector.broadcast %squeeze3A_1459 : i32 to vector<16xi32>
          tpu.vector_store_idx %arg9[%broadcast_in_dim3A_1423, %broadcast_in_dim3A_1440], %broadcast_in_dim3A_1460 masked %eq3A_6 : memref<17x128xi32, #tpu.memory_space<vmem>>[vector<16xi32>, vector<16xi32>], vector<16xi32>, vector<16xi1>
          %slice3A_1461 = vector.extract_strided_slice %get3A_129 {offsets = [14], sizes = [1], strides = [1]} : vector<16xi32> to vector<1xi32>
          %squeeze3A_1462 = vector.extract %slice3A_1461[0] : i32 from vector<1xi32>
          %jit3A_1463 = arith.constant 128 : i32
          %div3A_1464 = arith.divsi %squeeze3A_1462, %jit3A_1463 : i32
          %sign3A_1465 = arith.constant 0 : i32
          %sign3A_1466 = arith.cmpi sgt, %squeeze3A_1462, %sign3A_1465 : i32
          %sign3A_1467 = arith.extui %sign3A_1466 : i1 to i32
          %sign3A_1468 = arith.constant 0 : i32
          %sign3A_1469 = arith.cmpi slt, %squeeze3A_1462, %sign3A_1468 : i32
          %sign3A_1470 = arith.extui %sign3A_1469 : i1 to i32
          %sign3A_1471 = arith.subi %sign3A_1467, %sign3A_1470 : i32
          %sign3A_1472 = arith.constant 0 : i32
          %sign3A_1473 = arith.cmpi sgt, %jit3A_1463, %sign3A_1472 : i32
          %sign3A_1474 = arith.extui %sign3A_1473 : i1 to i32
          %sign3A_1475 = arith.constant 0 : i32
          %sign3A_1476 = arith.cmpi slt, %jit3A_1463, %sign3A_1475 : i32
          %sign3A_1477 = arith.extui %sign3A_1476 : i1 to i32
          %sign3A_1478 = arith.subi %sign3A_1474, %sign3A_1477 : i32
          %ne3A_1479 = arith.cmpi ne, %sign3A_1471, %sign3A_1478 : i32
          %rem3A_1480 = arith.remsi %squeeze3A_1462, %jit3A_1463 : i32
          %ne3A_1481 = arith.constant 0 : i32
          %ne3A_1482 = arith.cmpi ne, %rem3A_1480, %ne3A_1481 : i32
          %and3A_1483 = arith.andi %ne3A_1479, %ne3A_1482 : i1
          %sub3A_1484 = arith.constant 1 : i32
          %sub3A_1485 = arith.subi %div3A_1464, %sub3A_1484 : i32
          %select_n3A_1486 = arith.select %and3A_1483, %sub3A_1485, %div3A_1464 : i32
          %sub3A_1487 = arith.subi %select_n3A_1486, %mul3A_2 : i32
          %get3A_1488 = arith.index_cast %sub3A_1487 : i32 to index
          %get3A_1489 = memref.load %arg11[%get3A_1488] : memref<256xi32, #tpu.memory_space<smem>>
          %add3A_1490 = arith.constant 1 : i32
          %add3A_1491 = arith.addi %get3A_1489, %add3A_1490 : i32
          %swap3A_1492 = arith.index_cast %sub3A_1487 : i32 to index
          %swap3A_1493 = memref.load %arg11[%swap3A_1492] : memref<256xi32, #tpu.memory_space<smem>>
          memref.store %add3A_1491, %arg11[%swap3A_1492] : memref<256xi32, #tpu.memory_space<smem>>
          %jit3A_1494 = arith.constant 128 : i32
          %div3A_1495 = arith.divsi %get3A_1489, %jit3A_1494 : i32
          %sign3A_1496 = arith.constant 0 : i32
          %sign3A_1497 = arith.cmpi sgt, %get3A_1489, %sign3A_1496 : i32
          %sign3A_1498 = arith.extui %sign3A_1497 : i1 to i32
          %sign3A_1499 = arith.constant 0 : i32
          %sign3A_1500 = arith.cmpi slt, %get3A_1489, %sign3A_1499 : i32
          %sign3A_1501 = arith.extui %sign3A_1500 : i1 to i32
          %sign3A_1502 = arith.subi %sign3A_1498, %sign3A_1501 : i32
          %sign3A_1503 = arith.constant 0 : i32
          %sign3A_1504 = arith.cmpi sgt, %jit3A_1494, %sign3A_1503 : i32
          %sign3A_1505 = arith.extui %sign3A_1504 : i1 to i32
          %sign3A_1506 = arith.constant 0 : i32
          %sign3A_1507 = arith.cmpi slt, %jit3A_1494, %sign3A_1506 : i32
          %sign3A_1508 = arith.extui %sign3A_1507 : i1 to i32
          %sign3A_1509 = arith.subi %sign3A_1505, %sign3A_1508 : i32
          %ne3A_1510 = arith.cmpi ne, %sign3A_1502, %sign3A_1509 : i32
          %rem3A_1511 = arith.remsi %get3A_1489, %jit3A_1494 : i32
          %ne3A_1512 = arith.constant 0 : i32
          %ne3A_1513 = arith.cmpi ne, %rem3A_1511, %ne3A_1512 : i32
          %and3A_1514 = arith.andi %ne3A_1510, %ne3A_1513 : i1
          %sub3A_1515 = arith.constant 1 : i32
          %sub3A_1516 = arith.subi %div3A_1495, %sub3A_1515 : i32
          %select_n3A_1517 = arith.select %and3A_1514, %sub3A_1516, %div3A_1495 : i32
          %broadcast_in_dim3A_1518 = vector.broadcast %select_n3A_1517 : i32 to vector<16xi32>
          %jit3A_1519 = arith.constant 128 : i32
          %eq3A_1520 = arith.constant 0 : i32
          %eq3A_1521 = arith.cmpi eq, %jit3A_1519, %eq3A_1520 : i32
          %jit3A_1522 = arith.constant 1 : i32
          %select_n3A_1523 = arith.select %eq3A_1521, %jit3A_1522, %jit3A_1519 : i32
          %rem3A_1524 = arith.remsi %get3A_1489, %select_n3A_1523 : i32
          %ne3A_1525 = arith.constant 0 : i32
          %ne3A_1526 = arith.cmpi ne, %rem3A_1524, %ne3A_1525 : i32
          %lt3A_1527 = arith.constant 0 : i32
          %lt3A_1528 = arith.cmpi slt, %rem3A_1524, %lt3A_1527 : i32
          %lt3A_1529 = arith.constant 0 : i32
          %lt3A_1530 = arith.cmpi slt, %select_n3A_1523, %lt3A_1529 : i32
          %ne3A_1531 = arith.xori %lt3A_1528, %lt3A_1530 : i1
          %and3A_1532 = arith.andi %ne3A_1531, %ne3A_1526 : i1
          %add3A_1533 = arith.addi %rem3A_1524, %select_n3A_1523 : i32
          %select_n3A_1534 = arith.select %and3A_1532, %add3A_1533, %rem3A_1524 : i32
          %broadcast_in_dim3A_1535 = vector.broadcast %select_n3A_1534 : i32 to vector<16xi32>
          %jit3A_1536 = arith.constant 128 : i32
          %eq3A_1537 = arith.constant 0 : i32
          %eq3A_1538 = arith.cmpi eq, %jit3A_1536, %eq3A_1537 : i32
          %jit3A_1539 = arith.constant 1 : i32
          %select_n3A_1540 = arith.select %eq3A_1538, %jit3A_1539, %jit3A_1536 : i32
          %rem3A_1541 = arith.remsi %squeeze3A_1462, %select_n3A_1540 : i32
          %ne3A_1542 = arith.constant 0 : i32
          %ne3A_1543 = arith.cmpi ne, %rem3A_1541, %ne3A_1542 : i32
          %lt3A_1544 = arith.constant 0 : i32
          %lt3A_1545 = arith.cmpi slt, %rem3A_1541, %lt3A_1544 : i32
          %lt3A_1546 = arith.constant 0 : i32
          %lt3A_1547 = arith.cmpi slt, %select_n3A_1540, %lt3A_1546 : i32
          %ne3A_1548 = arith.xori %lt3A_1545, %lt3A_1547 : i1
          %and3A_1549 = arith.andi %ne3A_1548, %ne3A_1543 : i1
          %add3A_1550 = arith.addi %rem3A_1541, %select_n3A_1540 : i32
          %select_n3A_1551 = arith.select %and3A_1549, %add3A_1550, %rem3A_1541 : i32
          %broadcast_in_dim3A_1552 = vector.broadcast %select_n3A_1551 : i32 to vector<16xi32>
          tpu.vector_store_idx %arg8[%broadcast_in_dim3A_1518, %broadcast_in_dim3A_1535], %broadcast_in_dim3A_1552 masked %eq3A_6 : memref<17x128xi32, #tpu.memory_space<vmem>>[vector<16xi32>, vector<16xi32>], vector<16xi32>, vector<16xi1>
          %slice3A_1553 = vector.extract_strided_slice %get3A_133 {offsets = [14], sizes = [1], strides = [1]} : vector<16xi32> to vector<1xi32>
          %squeeze3A_1554 = vector.extract %slice3A_1553[0] : i32 from vector<1xi32>
          %broadcast_in_dim3A_1555 = vector.broadcast %squeeze3A_1554 : i32 to vector<16xi32>
          tpu.vector_store_idx %arg9[%broadcast_in_dim3A_1518, %broadcast_in_dim3A_1535], %broadcast_in_dim3A_1555 masked %eq3A_6 : memref<17x128xi32, #tpu.memory_space<vmem>>[vector<16xi32>, vector<16xi32>], vector<16xi32>, vector<16xi1>
          %slice3A_1556 = vector.extract_strided_slice %get3A_129 {offsets = [15], sizes = [1], strides = [1]} : vector<16xi32> to vector<1xi32>
          %squeeze3A_1557 = vector.extract %slice3A_1556[0] : i32 from vector<1xi32>
          %jit3A_1558 = arith.constant 128 : i32
          %div3A_1559 = arith.divsi %squeeze3A_1557, %jit3A_1558 : i32
          %sign3A_1560 = arith.constant 0 : i32
          %sign3A_1561 = arith.cmpi sgt, %squeeze3A_1557, %sign3A_1560 : i32
          %sign3A_1562 = arith.extui %sign3A_1561 : i1 to i32
          %sign3A_1563 = arith.constant 0 : i32
          %sign3A_1564 = arith.cmpi slt, %squeeze3A_1557, %sign3A_1563 : i32
          %sign3A_1565 = arith.extui %sign3A_1564 : i1 to i32
          %sign3A_1566 = arith.subi %sign3A_1562, %sign3A_1565 : i32
          %sign3A_1567 = arith.constant 0 : i32
          %sign3A_1568 = arith.cmpi sgt, %jit3A_1558, %sign3A_1567 : i32
          %sign3A_1569 = arith.extui %sign3A_1568 : i1 to i32
          %sign3A_1570 = arith.constant 0 : i32
          %sign3A_1571 = arith.cmpi slt, %jit3A_1558, %sign3A_1570 : i32
          %sign3A_1572 = arith.extui %sign3A_1571 : i1 to i32
          %sign3A_1573 = arith.subi %sign3A_1569, %sign3A_1572 : i32
          %ne3A_1574 = arith.cmpi ne, %sign3A_1566, %sign3A_1573 : i32
          %rem3A_1575 = arith.remsi %squeeze3A_1557, %jit3A_1558 : i32
          %ne3A_1576 = arith.constant 0 : i32
          %ne3A_1577 = arith.cmpi ne, %rem3A_1575, %ne3A_1576 : i32
          %and3A_1578 = arith.andi %ne3A_1574, %ne3A_1577 : i1
          %sub3A_1579 = arith.constant 1 : i32
          %sub3A_1580 = arith.subi %div3A_1559, %sub3A_1579 : i32
          %select_n3A_1581 = arith.select %and3A_1578, %sub3A_1580, %div3A_1559 : i32
          %sub3A_1582 = arith.subi %select_n3A_1581, %mul3A_2 : i32
          %get3A_1583 = arith.index_cast %sub3A_1582 : i32 to index
          %get3A_1584 = memref.load %arg11[%get3A_1583] : memref<256xi32, #tpu.memory_space<smem>>
          %add3A_1585 = arith.constant 1 : i32
          %add3A_1586 = arith.addi %get3A_1584, %add3A_1585 : i32
          %swap3A_1587 = arith.index_cast %sub3A_1582 : i32 to index
          %swap3A_1588 = memref.load %arg11[%swap3A_1587] : memref<256xi32, #tpu.memory_space<smem>>
          memref.store %add3A_1586, %arg11[%swap3A_1587] : memref<256xi32, #tpu.memory_space<smem>>
          %jit3A_1589 = arith.constant 128 : i32
          %div3A_1590 = arith.divsi %get3A_1584, %jit3A_1589 : i32
          %sign3A_1591 = arith.constant 0 : i32
          %sign3A_1592 = arith.cmpi sgt, %get3A_1584, %sign3A_1591 : i32
          %sign3A_1593 = arith.extui %sign3A_1592 : i1 to i32
          %sign3A_1594 = arith.constant 0 : i32
          %sign3A_1595 = arith.cmpi slt, %get3A_1584, %sign3A_1594 : i32
          %sign3A_1596 = arith.extui %sign3A_1595 : i1 to i32
          %sign3A_1597 = arith.subi %sign3A_1593, %sign3A_1596 : i32
          %sign3A_1598 = arith.constant 0 : i32
          %sign3A_1599 = arith.cmpi sgt, %jit3A_1589, %sign3A_1598 : i32
          %sign3A_1600 = arith.extui %sign3A_1599 : i1 to i32
          %sign3A_1601 = arith.constant 0 : i32
          %sign3A_1602 = arith.cmpi slt, %jit3A_1589, %sign3A_1601 : i32
          %sign3A_1603 = arith.extui %sign3A_1602 : i1 to i32
          %sign3A_1604 = arith.subi %sign3A_1600, %sign3A_1603 : i32
          %ne3A_1605 = arith.cmpi ne, %sign3A_1597, %sign3A_1604 : i32
          %rem3A_1606 = arith.remsi %get3A_1584, %jit3A_1589 : i32
          %ne3A_1607 = arith.constant 0 : i32
          %ne3A_1608 = arith.cmpi ne, %rem3A_1606, %ne3A_1607 : i32
          %and3A_1609 = arith.andi %ne3A_1605, %ne3A_1608 : i1
          %sub3A_1610 = arith.constant 1 : i32
          %sub3A_1611 = arith.subi %div3A_1590, %sub3A_1610 : i32
          %select_n3A_1612 = arith.select %and3A_1609, %sub3A_1611, %div3A_1590 : i32
          %broadcast_in_dim3A_1613 = vector.broadcast %select_n3A_1612 : i32 to vector<16xi32>
          %jit3A_1614 = arith.constant 128 : i32
          %eq3A_1615 = arith.constant 0 : i32
          %eq3A_1616 = arith.cmpi eq, %jit3A_1614, %eq3A_1615 : i32
          %jit3A_1617 = arith.constant 1 : i32
          %select_n3A_1618 = arith.select %eq3A_1616, %jit3A_1617, %jit3A_1614 : i32
          %rem3A_1619 = arith.remsi %get3A_1584, %select_n3A_1618 : i32
          %ne3A_1620 = arith.constant 0 : i32
          %ne3A_1621 = arith.cmpi ne, %rem3A_1619, %ne3A_1620 : i32
          %lt3A_1622 = arith.constant 0 : i32
          %lt3A_1623 = arith.cmpi slt, %rem3A_1619, %lt3A_1622 : i32
          %lt3A_1624 = arith.constant 0 : i32
          %lt3A_1625 = arith.cmpi slt, %select_n3A_1618, %lt3A_1624 : i32
          %ne3A_1626 = arith.xori %lt3A_1623, %lt3A_1625 : i1
          %and3A_1627 = arith.andi %ne3A_1626, %ne3A_1621 : i1
          %add3A_1628 = arith.addi %rem3A_1619, %select_n3A_1618 : i32
          %select_n3A_1629 = arith.select %and3A_1627, %add3A_1628, %rem3A_1619 : i32
          %broadcast_in_dim3A_1630 = vector.broadcast %select_n3A_1629 : i32 to vector<16xi32>
          %jit3A_1631 = arith.constant 128 : i32
          %eq3A_1632 = arith.constant 0 : i32
          %eq3A_1633 = arith.cmpi eq, %jit3A_1631, %eq3A_1632 : i32
          %jit3A_1634 = arith.constant 1 : i32
          %select_n3A_1635 = arith.select %eq3A_1633, %jit3A_1634, %jit3A_1631 : i32
          %rem3A_1636 = arith.remsi %squeeze3A_1557, %select_n3A_1635 : i32
          %ne3A_1637 = arith.constant 0 : i32
          %ne3A_1638 = arith.cmpi ne, %rem3A_1636, %ne3A_1637 : i32
          %lt3A_1639 = arith.constant 0 : i32
          %lt3A_1640 = arith.cmpi slt, %rem3A_1636, %lt3A_1639 : i32
          %lt3A_1641 = arith.constant 0 : i32
          %lt3A_1642 = arith.cmpi slt, %select_n3A_1635, %lt3A_1641 : i32
          %ne3A_1643 = arith.xori %lt3A_1640, %lt3A_1642 : i1
          %and3A_1644 = arith.andi %ne3A_1643, %ne3A_1638 : i1
          %add3A_1645 = arith.addi %rem3A_1636, %select_n3A_1635 : i32
          %select_n3A_1646 = arith.select %and3A_1644, %add3A_1645, %rem3A_1636 : i32
          %broadcast_in_dim3A_1647 = vector.broadcast %select_n3A_1646 : i32 to vector<16xi32>
          tpu.vector_store_idx %arg8[%broadcast_in_dim3A_1613, %broadcast_in_dim3A_1630], %broadcast_in_dim3A_1647 masked %eq3A_6 : memref<17x128xi32, #tpu.memory_space<vmem>>[vector<16xi32>, vector<16xi32>], vector<16xi32>, vector<16xi1>
          %slice3A_1648 = vector.extract_strided_slice %get3A_133 {offsets = [15], sizes = [1], strides = [1]} : vector<16xi32> to vector<1xi32>
          %squeeze3A_1649 = vector.extract %slice3A_1648[0] : i32 from vector<1xi32>
          %broadcast_in_dim3A_1650 = vector.broadcast %squeeze3A_1649 : i32 to vector<16xi32>
          tpu.vector_store_idx %arg9[%broadcast_in_dim3A_1613, %broadcast_in_dim3A_1630], %broadcast_in_dim3A_1650 masked %eq3A_6 : memref<17x128xi32, #tpu.memory_space<vmem>>[vector<16xi32>, vector<16xi32>], vector<16xi32>, vector<16xi1>
        }
        %while3A_105 = arith.constant 1 : i32
        scf.for %while3A_125 = %while3A_103 to %while3A_99 step %while3A_105  : i32 {
          %mul3A_126 = arith.constant 16 : i32
          %mul3A_127 = arith.muli %while3A_125, %mul3A_126 : i32
          %get3A_128 = arith.index_cast %mul3A_127 : i32 to index
          %get3A_129 = tpu.vector_load %arg6[%get3A_128] {strides = array<i32>} : memref<2080xi32, #tpu.memory_space<vmem>>, vector<16xi32>,
          %mul3A_130 = arith.constant 16 : i32
          %mul3A_131 = arith.muli %while3A_125, %mul3A_130 : i32
          %get3A_132 = arith.index_cast %mul3A_131 : i32 to index
          %get3A_133 = tpu.vector_load %arg7[%get3A_132] {strides = array<i32>} : memref<2080xi32, #tpu.memory_space<vmem>>, vector<16xi32>,
          %slice3A = vector.extract_strided_slice %get3A_129 {offsets = [0], sizes = [1], strides = [1]} : vector<16xi32> to vector<1xi32>
          %squeeze3A = vector.extract %slice3A[0] : i32 from vector<1xi32>
          %jit3A_134 = arith.constant 128 : i32
          %div3A_135 = arith.divsi %squeeze3A, %jit3A_134 : i32
          %sign3A_136 = arith.constant 0 : i32
          %sign3A_137 = arith.cmpi sgt, %squeeze3A, %sign3A_136 : i32
          %sign3A_138 = arith.extui %sign3A_137 : i1 to i32
          %sign3A_139 = arith.constant 0 : i32
          %sign3A_140 = arith.cmpi slt, %squeeze3A, %sign3A_139 : i32
          %sign3A_141 = arith.extui %sign3A_140 : i1 to i32
          %sign3A_142 = arith.subi %sign3A_138, %sign3A_141 : i32
          %sign3A_143 = arith.constant 0 : i32
          %sign3A_144 = arith.cmpi sgt, %jit3A_134, %sign3A_143 : i32
          %sign3A_145 = arith.extui %sign3A_144 : i1 to i32
          %sign3A_146 = arith.constant 0 : i32
          %sign3A_147 = arith.cmpi slt, %jit3A_134, %sign3A_146 : i32
          %sign3A_148 = arith.extui %sign3A_147 : i1 to i32
          %sign3A_149 = arith.subi %sign3A_145, %sign3A_148 : i32
          %ne3A_150 = arith.cmpi ne, %sign3A_142, %sign3A_149 : i32
          %rem3A_151 = arith.remsi %squeeze3A, %jit3A_134 : i32
          %ne3A_152 = arith.constant 0 : i32
          %ne3A_153 = arith.cmpi ne, %rem3A_151, %ne3A_152 : i32
          %and3A_154 = arith.andi %ne3A_150, %ne3A_153 : i1
          %sub3A_155 = arith.constant 1 : i32
          %sub3A_156 = arith.subi %div3A_135, %sub3A_155 : i32
          %select_n3A_157 = arith.select %and3A_154, %sub3A_156, %div3A_135 : i32
          %sub3A_158 = arith.subi %select_n3A_157, %mul3A_2 : i32
          %get3A_159 = arith.index_cast %sub3A_158 : i32 to index
          %get3A_160 = memref.load %arg11[%get3A_159] : memref<256xi32, #tpu.memory_space<smem>>
          %add3A_161 = arith.constant 1 : i32
          %add3A_162 = arith.addi %get3A_160, %add3A_161 : i32
          %swap3A_163 = arith.index_cast %sub3A_158 : i32 to index
          %swap3A_164 = memref.load %arg11[%swap3A_163] : memref<256xi32, #tpu.memory_space<smem>>
          memref.store %add3A_162, %arg11[%swap3A_163] : memref<256xi32, #tpu.memory_space<smem>>
          %jit3A_165 = arith.constant 128 : i32
          %div3A_166 = arith.divsi %get3A_160, %jit3A_165 : i32
          %sign3A_167 = arith.constant 0 : i32
          %sign3A_168 = arith.cmpi sgt, %get3A_160, %sign3A_167 : i32
          %sign3A_169 = arith.extui %sign3A_168 : i1 to i32
          %sign3A_170 = arith.constant 0 : i32
          %sign3A_171 = arith.cmpi slt, %get3A_160, %sign3A_170 : i32
          %sign3A_172 = arith.extui %sign3A_171 : i1 to i32
          %sign3A_173 = arith.subi %sign3A_169, %sign3A_172 : i32
          %sign3A_174 = arith.constant 0 : i32
          %sign3A_175 = arith.cmpi sgt, %jit3A_165, %sign3A_174 : i32
          %sign3A_176 = arith.extui %sign3A_175 : i1 to i32
          %sign3A_177 = arith.constant 0 : i32
          %sign3A_178 = arith.cmpi slt, %jit3A_165, %sign3A_177 : i32
          %sign3A_179 = arith.extui %sign3A_178 : i1 to i32
          %sign3A_180 = arith.subi %sign3A_176, %sign3A_179 : i32
          %ne3A_181 = arith.cmpi ne, %sign3A_173, %sign3A_180 : i32
          %rem3A_182 = arith.remsi %get3A_160, %jit3A_165 : i32
          %ne3A_183 = arith.constant 0 : i32
          %ne3A_184 = arith.cmpi ne, %rem3A_182, %ne3A_183 : i32
          %and3A_185 = arith.andi %ne3A_181, %ne3A_184 : i1
          %sub3A_186 = arith.constant 1 : i32
          %sub3A_187 = arith.subi %div3A_166, %sub3A_186 : i32
          %select_n3A_188 = arith.select %and3A_185, %sub3A_187, %div3A_166 : i32
          %broadcast_in_dim3A_189 = vector.broadcast %select_n3A_188 : i32 to vector<16xi32>
          %jit3A_190 = arith.constant 128 : i32
          %eq3A_191 = arith.constant 0 : i32
          %eq3A_192 = arith.cmpi eq, %jit3A_190, %eq3A_191 : i32
          %jit3A_193 = arith.constant 1 : i32
          %select_n3A_194 = arith.select %eq3A_192, %jit3A_193, %jit3A_190 : i32
          %rem3A_195 = arith.remsi %get3A_160, %select_n3A_194 : i32
          %ne3A_196 = arith.constant 0 : i32
          %ne3A_197 = arith.cmpi ne, %rem3A_195, %ne3A_196 : i32
          %lt3A = arith.constant 0 : i32
          %lt3A_198 = arith.cmpi slt, %rem3A_195, %lt3A : i32
          %lt3A_199 = arith.constant 0 : i32
          %lt3A_200 = arith.cmpi slt, %select_n3A_194, %lt3A_199 : i32
          %ne3A_201 = arith.xori %lt3A_198, %lt3A_200 : i1
          %and3A_202 = arith.andi %ne3A_201, %ne3A_197 : i1
          %add3A_203 = arith.addi %rem3A_195, %select_n3A_194 : i32
          %select_n3A_204 = arith.select %and3A_202, %add3A_203, %rem3A_195 : i32
          %broadcast_in_dim3A_205 = vector.broadcast %select_n3A_204 : i32 to vector<16xi32>
          %jit3A_206 = arith.constant 128 : i32
          %eq3A_207 = arith.constant 0 : i32
          %eq3A_208 = arith.cmpi eq, %jit3A_206, %eq3A_207 : i32
          %jit3A_209 = arith.constant 1 : i32
          %select_n3A_210 = arith.select %eq3A_208, %jit3A_209, %jit3A_206 : i32
          %rem3A_211 = arith.remsi %squeeze3A, %select_n3A_210 : i32
          %ne3A_212 = arith.constant 0 : i32
          %ne3A_213 = arith.cmpi ne, %rem3A_211, %ne3A_212 : i32
          %lt3A_214 = arith.constant 0 : i32
          %lt3A_215 = arith.cmpi slt, %rem3A_211, %lt3A_214 : i32
          %lt3A_216 = arith.constant 0 : i32
          %lt3A_217 = arith.cmpi slt, %select_n3A_210, %lt3A_216 : i32
          %ne3A_218 = arith.xori %lt3A_215, %lt3A_217 : i1
          %and3A_219 = arith.andi %ne3A_218, %ne3A_213 : i1
          %add3A_220 = arith.addi %rem3A_211, %select_n3A_210 : i32
          %select_n3A_221 = arith.select %and3A_219, %add3A_220, %rem3A_211 : i32
          %broadcast_in_dim3A_222 = vector.broadcast %select_n3A_221 : i32 to vector<16xi32>
          tpu.vector_store_idx %arg8[%broadcast_in_dim3A_189, %broadcast_in_dim3A_205], %broadcast_in_dim3A_222 masked %eq3A_6 : memref<17x128xi32, #tpu.memory_space<vmem>>[vector<16xi32>, vector<16xi32>], vector<16xi32>, vector<16xi1>
          %slice3A_223 = vector.extract_strided_slice %get3A_133 {offsets = [0], sizes = [1], strides = [1]} : vector<16xi32> to vector<1xi32>
          %squeeze3A_224 = vector.extract %slice3A_223[0] : i32 from vector<1xi32>
          %broadcast_in_dim3A_225 = vector.broadcast %squeeze3A_224 : i32 to vector<16xi32>
          tpu.vector_store_idx %arg9[%broadcast_in_dim3A_189, %broadcast_in_dim3A_205], %broadcast_in_dim3A_225 masked %eq3A_6 : memref<17x128xi32, #tpu.memory_space<vmem>>[vector<16xi32>, vector<16xi32>], vector<16xi32>, vector<16xi1>
          %slice3A_226 = vector.extract_strided_slice %get3A_129 {offsets = [1], sizes = [1], strides = [1]} : vector<16xi32> to vector<1xi32>
          %squeeze3A_227 = vector.extract %slice3A_226[0] : i32 from vector<1xi32>
          %jit3A_228 = arith.constant 128 : i32
          %div3A_229 = arith.divsi %squeeze3A_227, %jit3A_228 : i32
          %sign3A_230 = arith.constant 0 : i32
          %sign3A_231 = arith.cmpi sgt, %squeeze3A_227, %sign3A_230 : i32
          %sign3A_232 = arith.extui %sign3A_231 : i1 to i32
          %sign3A_233 = arith.constant 0 : i32
          %sign3A_234 = arith.cmpi slt, %squeeze3A_227, %sign3A_233 : i32
          %sign3A_235 = arith.extui %sign3A_234 : i1 to i32
          %sign3A_236 = arith.subi %sign3A_232, %sign3A_235 : i32
          %sign3A_237 = arith.constant 0 : i32
          %sign3A_238 = arith.cmpi sgt, %jit3A_228, %sign3A_237 : i32
          %sign3A_239 = arith.extui %sign3A_238 : i1 to i32
          %sign3A_240 = arith.constant 0 : i32
          %sign3A_241 = arith.cmpi slt, %jit3A_228, %sign3A_240 : i32
          %sign3A_242 = arith.extui %sign3A_241 : i1 to i32
          %sign3A_243 = arith.subi %sign3A_239, %sign3A_242 : i32
          %ne3A_244 = arith.cmpi ne, %sign3A_236, %sign3A_243 : i32
          %rem3A_245 = arith.remsi %squeeze3A_227, %jit3A_228 : i32
          %ne3A_246 = arith.constant 0 : i32
          %ne3A_247 = arith.cmpi ne, %rem3A_245, %ne3A_246 : i32
          %and3A_248 = arith.andi %ne3A_244, %ne3A_247 : i1
          %sub3A_249 = arith.constant 1 : i32
          %sub3A_250 = arith.subi %div3A_229, %sub3A_249 : i32
          %select_n3A_251 = arith.select %and3A_248, %sub3A_250, %div3A_229 : i32
          %sub3A_252 = arith.subi %select_n3A_251, %mul3A_2 : i32
          %get3A_253 = arith.index_cast %sub3A_252 : i32 to index
          %get3A_254 = memref.load %arg11[%get3A_253] : memref<256xi32, #tpu.memory_space<smem>>
          %add3A_255 = arith.constant 1 : i32
          %add3A_256 = arith.addi %get3A_254, %add3A_255 : i32
          %swap3A_257 = arith.index_cast %sub3A_252 : i32 to index
          %swap3A_258 = memref.load %arg11[%swap3A_257] : memref<256xi32, #tpu.memory_space<smem>>
          memref.store %add3A_256, %arg11[%swap3A_257] : memref<256xi32, #tpu.memory_space<smem>>
          %jit3A_259 = arith.constant 128 : i32
          %div3A_260 = arith.divsi %get3A_254, %jit3A_259 : i32
          %sign3A_261 = arith.constant 0 : i32
          %sign3A_262 = arith.cmpi sgt, %get3A_254, %sign3A_261 : i32
          %sign3A_263 = arith.extui %sign3A_262 : i1 to i32
          %sign3A_264 = arith.constant 0 : i32
          %sign3A_265 = arith.cmpi slt, %get3A_254, %sign3A_264 : i32
          %sign3A_266 = arith.extui %sign3A_265 : i1 to i32
          %sign3A_267 = arith.subi %sign3A_263, %sign3A_266 : i32
          %sign3A_268 = arith.constant 0 : i32
          %sign3A_269 = arith.cmpi sgt, %jit3A_259, %sign3A_268 : i32
          %sign3A_270 = arith.extui %sign3A_269 : i1 to i32
          %sign3A_271 = arith.constant 0 : i32
          %sign3A_272 = arith.cmpi slt, %jit3A_259, %sign3A_271 : i32
          %sign3A_273 = arith.extui %sign3A_272 : i1 to i32
          %sign3A_274 = arith.subi %sign3A_270, %sign3A_273 : i32
          %ne3A_275 = arith.cmpi ne, %sign3A_267, %sign3A_274 : i32
          %rem3A_276 = arith.remsi %get3A_254, %jit3A_259 : i32
          %ne3A_277 = arith.constant 0 : i32
          %ne3A_278 = arith.cmpi ne, %rem3A_276, %ne3A_277 : i32
          %and3A_279 = arith.andi %ne3A_275, %ne3A_278 : i1
          %sub3A_280 = arith.constant 1 : i32
          %sub3A_281 = arith.subi %div3A_260, %sub3A_280 : i32
          %select_n3A_282 = arith.select %and3A_279, %sub3A_281, %div3A_260 : i32
          %broadcast_in_dim3A_283 = vector.broadcast %select_n3A_282 : i32 to vector<16xi32>
          %jit3A_284 = arith.constant 128 : i32
          %eq3A_285 = arith.constant 0 : i32
          %eq3A_286 = arith.cmpi eq, %jit3A_284, %eq3A_285 : i32
          %jit3A_287 = arith.constant 1 : i32
          %select_n3A_288 = arith.select %eq3A_286, %jit3A_287, %jit3A_284 : i32
          %rem3A_289 = arith.remsi %get3A_254, %select_n3A_288 : i32
          %ne3A_290 = arith.constant 0 : i32
          %ne3A_291 = arith.cmpi ne, %rem3A_289, %ne3A_290 : i32
          %lt3A_292 = arith.constant 0 : i32
          %lt3A_293 = arith.cmpi slt, %rem3A_289, %lt3A_292 : i32
          %lt3A_294 = arith.constant 0 : i32
          %lt3A_295 = arith.cmpi slt, %select_n3A_288, %lt3A_294 : i32
          %ne3A_296 = arith.xori %lt3A_293, %lt3A_295 : i1
          %and3A_297 = arith.andi %ne3A_296, %ne3A_291 : i1
          %add3A_298 = arith.addi %rem3A_289, %select_n3A_288 : i32
          %select_n3A_299 = arith.select %and3A_297, %add3A_298, %rem3A_289 : i32
          %broadcast_in_dim3A_300 = vector.broadcast %select_n3A_299 : i32 to vector<16xi32>
          %jit3A_301 = arith.constant 128 : i32
          %eq3A_302 = arith.constant 0 : i32
          %eq3A_303 = arith.cmpi eq, %jit3A_301, %eq3A_302 : i32
          %jit3A_304 = arith.constant 1 : i32
          %select_n3A_305 = arith.select %eq3A_303, %jit3A_304, %jit3A_301 : i32
          %rem3A_306 = arith.remsi %squeeze3A_227, %select_n3A_305 : i32
          %ne3A_307 = arith.constant 0 : i32
          %ne3A_308 = arith.cmpi ne, %rem3A_306, %ne3A_307 : i32
          %lt3A_309 = arith.constant 0 : i32
          %lt3A_310 = arith.cmpi slt, %rem3A_306, %lt3A_309 : i32
          %lt3A_311 = arith.constant 0 : i32
          %lt3A_312 = arith.cmpi slt, %select_n3A_305, %lt3A_311 : i32
          %ne3A_313 = arith.xori %lt3A_310, %lt3A_312 : i1
          %and3A_314 = arith.andi %ne3A_313, %ne3A_308 : i1
          %add3A_315 = arith.addi %rem3A_306, %select_n3A_305 : i32
          %select_n3A_316 = arith.select %and3A_314, %add3A_315, %rem3A_306 : i32
          %broadcast_in_dim3A_317 = vector.broadcast %select_n3A_316 : i32 to vector<16xi32>
          tpu.vector_store_idx %arg8[%broadcast_in_dim3A_283, %broadcast_in_dim3A_300], %broadcast_in_dim3A_317 masked %eq3A_6 : memref<17x128xi32, #tpu.memory_space<vmem>>[vector<16xi32>, vector<16xi32>], vector<16xi32>, vector<16xi1>
          %slice3A_318 = vector.extract_strided_slice %get3A_133 {offsets = [1], sizes = [1], strides = [1]} : vector<16xi32> to vector<1xi32>
          %squeeze3A_319 = vector.extract %slice3A_318[0] : i32 from vector<1xi32>
          %broadcast_in_dim3A_320 = vector.broadcast %squeeze3A_319 : i32 to vector<16xi32>
          tpu.vector_store_idx %arg9[%broadcast_in_dim3A_283, %broadcast_in_dim3A_300], %broadcast_in_dim3A_320 masked %eq3A_6 : memref<17x128xi32, #tpu.memory_space<vmem>>[vector<16xi32>, vector<16xi32>], vector<16xi32>, vector<16xi1>
          %slice3A_321 = vector.extract_strided_slice %get3A_129 {offsets = [2], sizes = [1], strides = [1]} : vector<16xi32> to vector<1xi32>
          %squeeze3A_322 = vector.extract %slice3A_321[0] : i32 from vector<1xi32>
          %jit3A_323 = arith.constant 128 : i32
          %div3A_324 = arith.divsi %squeeze3A_322, %jit3A_323 : i32
          %sign3A_325 = arith.constant 0 : i32
          %sign3A_326 = arith.cmpi sgt, %squeeze3A_322, %sign3A_325 : i32
          %sign3A_327 = arith.extui %sign3A_326 : i1 to i32
          %sign3A_328 = arith.constant 0 : i32
          %sign3A_329 = arith.cmpi slt, %squeeze3A_322, %sign3A_328 : i32
          %sign3A_330 = arith.extui %sign3A_329 : i1 to i32
          %sign3A_331 = arith.subi %sign3A_327, %sign3A_330 : i32
          %sign3A_332 = arith.constant 0 : i32
          %sign3A_333 = arith.cmpi sgt, %jit3A_323, %sign3A_332 : i32
          %sign3A_334 = arith.extui %sign3A_333 : i1 to i32
          %sign3A_335 = arith.constant 0 : i32
          %sign3A_336 = arith.cmpi slt, %jit3A_323, %sign3A_335 : i32
          %sign3A_337 = arith.extui %sign3A_336 : i1 to i32
          %sign3A_338 = arith.subi %sign3A_334, %sign3A_337 : i32
          %ne3A_339 = arith.cmpi ne, %sign3A_331, %sign3A_338 : i32
          %rem3A_340 = arith.remsi %squeeze3A_322, %jit3A_323 : i32
          %ne3A_341 = arith.constant 0 : i32
          %ne3A_342 = arith.cmpi ne, %rem3A_340, %ne3A_341 : i32
          %and3A_343 = arith.andi %ne3A_339, %ne3A_342 : i1
          %sub3A_344 = arith.constant 1 : i32
          %sub3A_345 = arith.subi %div3A_324, %sub3A_344 : i32
          %select_n3A_346 = arith.select %and3A_343, %sub3A_345, %div3A_324 : i32
          %sub3A_347 = arith.subi %select_n3A_346, %mul3A_2 : i32
          %get3A_348 = arith.index_cast %sub3A_347 : i32 to index
          %get3A_349 = memref.load %arg11[%get3A_348] : memref<256xi32, #tpu.memory_space<smem>>
          %add3A_350 = arith.constant 1 : i32
          %add3A_351 = arith.addi %get3A_349, %add3A_350 : i32
          %swap3A_352 = arith.index_cast %sub3A_347 : i32 to index
          %swap3A_353 = memref.load %arg11[%swap3A_352] : memref<256xi32, #tpu.memory_space<smem>>
          memref.store %add3A_351, %arg11[%swap3A_352] : memref<256xi32, #tpu.memory_space<smem>>
          %jit3A_354 = arith.constant 128 : i32
          %div3A_355 = arith.divsi %get3A_349, %jit3A_354 : i32
          %sign3A_356 = arith.constant 0 : i32
          %sign3A_357 = arith.cmpi sgt, %get3A_349, %sign3A_356 : i32
          %sign3A_358 = arith.extui %sign3A_357 : i1 to i32
          %sign3A_359 = arith.constant 0 : i32
          %sign3A_360 = arith.cmpi slt, %get3A_349, %sign3A_359 : i32
          %sign3A_361 = arith.extui %sign3A_360 : i1 to i32
          %sign3A_362 = arith.subi %sign3A_358, %sign3A_361 : i32
          %sign3A_363 = arith.constant 0 : i32
          %sign3A_364 = arith.cmpi sgt, %jit3A_354, %sign3A_363 : i32
          %sign3A_365 = arith.extui %sign3A_364 : i1 to i32
          %sign3A_366 = arith.constant 0 : i32
          %sign3A_367 = arith.cmpi slt, %jit3A_354, %sign3A_366 : i32
          %sign3A_368 = arith.extui %sign3A_367 : i1 to i32
          %sign3A_369 = arith.subi %sign3A_365, %sign3A_368 : i32
          %ne3A_370 = arith.cmpi ne, %sign3A_362, %sign3A_369 : i32
          %rem3A_371 = arith.remsi %get3A_349, %jit3A_354 : i32
          %ne3A_372 = arith.constant 0 : i32
          %ne3A_373 = arith.cmpi ne, %rem3A_371, %ne3A_372 : i32
          %and3A_374 = arith.andi %ne3A_370, %ne3A_373 : i1
          %sub3A_375 = arith.constant 1 : i32
          %sub3A_376 = arith.subi %div3A_355, %sub3A_375 : i32
          %select_n3A_377 = arith.select %and3A_374, %sub3A_376, %div3A_355 : i32
          %broadcast_in_dim3A_378 = vector.broadcast %select_n3A_377 : i32 to vector<16xi32>
          %jit3A_379 = arith.constant 128 : i32
          %eq3A_380 = arith.constant 0 : i32
          %eq3A_381 = arith.cmpi eq, %jit3A_379, %eq3A_380 : i32
          %jit3A_382 = arith.constant 1 : i32
          %select_n3A_383 = arith.select %eq3A_381, %jit3A_382, %jit3A_379 : i32
          %rem3A_384 = arith.remsi %get3A_349, %select_n3A_383 : i32
          %ne3A_385 = arith.constant 0 : i32
          %ne3A_386 = arith.cmpi ne, %rem3A_384, %ne3A_385 : i32
          %lt3A_387 = arith.constant 0 : i32
          %lt3A_388 = arith.cmpi slt, %rem3A_384, %lt3A_387 : i32
          %lt3A_389 = arith.constant 0 : i32
          %lt3A_390 = arith.cmpi slt, %select_n3A_383, %lt3A_389 : i32
          %ne3A_391 = arith.xori %lt3A_388, %lt3A_390 : i1
          %and3A_392 = arith.andi %ne3A_391, %ne3A_386 : i1
          %add3A_393 = arith.addi %rem3A_384, %select_n3A_383 : i32
          %select_n3A_394 = arith.select %and3A_392, %add3A_393, %rem3A_384 : i32
          %broadcast_in_dim3A_395 = vector.broadcast %select_n3A_394 : i32 to vector<16xi32>
          %jit3A_396 = arith.constant 128 : i32
          %eq3A_397 = arith.constant 0 : i32
          %eq3A_398 = arith.cmpi eq, %jit3A_396, %eq3A_397 : i32
          %jit3A_399 = arith.constant 1 : i32
          %select_n3A_400 = arith.select %eq3A_398, %jit3A_399, %jit3A_396 : i32
          %rem3A_401 = arith.remsi %squeeze3A_322, %select_n3A_400 : i32
          %ne3A_402 = arith.constant 0 : i32
          %ne3A_403 = arith.cmpi ne, %rem3A_401, %ne3A_402 : i32
          %lt3A_404 = arith.constant 0 : i32
          %lt3A_405 = arith.cmpi slt, %rem3A_401, %lt3A_404 : i32
          %lt3A_406 = arith.constant 0 : i32
          %lt3A_407 = arith.cmpi slt, %select_n3A_400, %lt3A_406 : i32
          %ne3A_408 = arith.xori %lt3A_405, %lt3A_407 : i1
          %and3A_409 = arith.andi %ne3A_408, %ne3A_403 : i1
          %add3A_410 = arith.addi %rem3A_401, %select_n3A_400 : i32
          %select_n3A_411 = arith.select %and3A_409, %add3A_410, %rem3A_401 : i32
          %broadcast_in_dim3A_412 = vector.broadcast %select_n3A_411 : i32 to vector<16xi32>
          tpu.vector_store_idx %arg8[%broadcast_in_dim3A_378, %broadcast_in_dim3A_395], %broadcast_in_dim3A_412 masked %eq3A_6 : memref<17x128xi32, #tpu.memory_space<vmem>>[vector<16xi32>, vector<16xi32>], vector<16xi32>, vector<16xi1>
          %slice3A_413 = vector.extract_strided_slice %get3A_133 {offsets = [2], sizes = [1], strides = [1]} : vector<16xi32> to vector<1xi32>
          %squeeze3A_414 = vector.extract %slice3A_413[0] : i32 from vector<1xi32>
          %broadcast_in_dim3A_415 = vector.broadcast %squeeze3A_414 : i32 to vector<16xi32>
          tpu.vector_store_idx %arg9[%broadcast_in_dim3A_378, %broadcast_in_dim3A_395], %broadcast_in_dim3A_415 masked %eq3A_6 : memref<17x128xi32, #tpu.memory_space<vmem>>[vector<16xi32>, vector<16xi32>], vector<16xi32>, vector<16xi1>
          %slice3A_416 = vector.extract_strided_slice %get3A_129 {offsets = [3], sizes = [1], strides = [1]} : vector<16xi32> to vector<1xi32>
          %squeeze3A_417 = vector.extract %slice3A_416[0] : i32 from vector<1xi32>
          %jit3A_418 = arith.constant 128 : i32
          %div3A_419 = arith.divsi %squeeze3A_417, %jit3A_418 : i32
          %sign3A_420 = arith.constant 0 : i32
          %sign3A_421 = arith.cmpi sgt, %squeeze3A_417, %sign3A_420 : i32
          %sign3A_422 = arith.extui %sign3A_421 : i1 to i32
          %sign3A_423 = arith.constant 0 : i32
          %sign3A_424 = arith.cmpi slt, %squeeze3A_417, %sign3A_423 : i32
          %sign3A_425 = arith.extui %sign3A_424 : i1 to i32
          %sign3A_426 = arith.subi %sign3A_422, %sign3A_425 : i32
          %sign3A_427 = arith.constant 0 : i32
          %sign3A_428 = arith.cmpi sgt, %jit3A_418, %sign3A_427 : i32
          %sign3A_429 = arith.extui %sign3A_428 : i1 to i32
          %sign3A_430 = arith.constant 0 : i32
          %sign3A_431 = arith.cmpi slt, %jit3A_418, %sign3A_430 : i32
          %sign3A_432 = arith.extui %sign3A_431 : i1 to i32
          %sign3A_433 = arith.subi %sign3A_429, %sign3A_432 : i32
          %ne3A_434 = arith.cmpi ne, %sign3A_426, %sign3A_433 : i32
          %rem3A_435 = arith.remsi %squeeze3A_417, %jit3A_418 : i32
          %ne3A_436 = arith.constant 0 : i32
          %ne3A_437 = arith.cmpi ne, %rem3A_435, %ne3A_436 : i32
          %and3A_438 = arith.andi %ne3A_434, %ne3A_437 : i1
          %sub3A_439 = arith.constant 1 : i32
          %sub3A_440 = arith.subi %div3A_419, %sub3A_439 : i32
          %select_n3A_441 = arith.select %and3A_438, %sub3A_440, %div3A_419 : i32
          %sub3A_442 = arith.subi %select_n3A_441, %mul3A_2 : i32
          %get3A_443 = arith.index_cast %sub3A_442 : i32 to index
          %get3A_444 = memref.load %arg11[%get3A_443] : memref<256xi32, #tpu.memory_space<smem>>
          %add3A_445 = arith.constant 1 : i32
          %add3A_446 = arith.addi %get3A_444, %add3A_445 : i32
          %swap3A_447 = arith.index_cast %sub3A_442 : i32 to index
          %swap3A_448 = memref.load %arg11[%swap3A_447] : memref<256xi32, #tpu.memory_space<smem>>
          memref.store %add3A_446, %arg11[%swap3A_447] : memref<256xi32, #tpu.memory_space<smem>>
          %jit3A_449 = arith.constant 128 : i32
          %div3A_450 = arith.divsi %get3A_444, %jit3A_449 : i32
          %sign3A_451 = arith.constant 0 : i32
          %sign3A_452 = arith.cmpi sgt, %get3A_444, %sign3A_451 : i32
          %sign3A_453 = arith.extui %sign3A_452 : i1 to i32
          %sign3A_454 = arith.constant 0 : i32
          %sign3A_455 = arith.cmpi slt, %get3A_444, %sign3A_454 : i32
          %sign3A_456 = arith.extui %sign3A_455 : i1 to i32
          %sign3A_457 = arith.subi %sign3A_453, %sign3A_456 : i32
          %sign3A_458 = arith.constant 0 : i32
          %sign3A_459 = arith.cmpi sgt, %jit3A_449, %sign3A_458 : i32
          %sign3A_460 = arith.extui %sign3A_459 : i1 to i32
          %sign3A_461 = arith.constant 0 : i32
          %sign3A_462 = arith.cmpi slt, %jit3A_449, %sign3A_461 : i32
          %sign3A_463 = arith.extui %sign3A_462 : i1 to i32
          %sign3A_464 = arith.subi %sign3A_460, %sign3A_463 : i32
          %ne3A_465 = arith.cmpi ne, %sign3A_457, %sign3A_464 : i32
          %rem3A_466 = arith.remsi %get3A_444, %jit3A_449 : i32
          %ne3A_467 = arith.constant 0 : i32
          %ne3A_468 = arith.cmpi ne, %rem3A_466, %ne3A_467 : i32
          %and3A_469 = arith.andi %ne3A_465, %ne3A_468 : i1
          %sub3A_470 = arith.constant 1 : i32
          %sub3A_471 = arith.subi %div3A_450, %sub3A_470 : i32
          %select_n3A_472 = arith.select %and3A_469, %sub3A_471, %div3A_450 : i32
          %broadcast_in_dim3A_473 = vector.broadcast %select_n3A_472 : i32 to vector<16xi32>
          %jit3A_474 = arith.constant 128 : i32
          %eq3A_475 = arith.constant 0 : i32
          %eq3A_476 = arith.cmpi eq, %jit3A_474, %eq3A_475 : i32
          %jit3A_477 = arith.constant 1 : i32
          %select_n3A_478 = arith.select %eq3A_476, %jit3A_477, %jit3A_474 : i32
          %rem3A_479 = arith.remsi %get3A_444, %select_n3A_478 : i32
          %ne3A_480 = arith.constant 0 : i32
          %ne3A_481 = arith.cmpi ne, %rem3A_479, %ne3A_480 : i32
          %lt3A_482 = arith.constant 0 : i32
          %lt3A_483 = arith.cmpi slt, %rem3A_479, %lt3A_482 : i32
          %lt3A_484 = arith.constant 0 : i32
          %lt3A_485 = arith.cmpi slt, %select_n3A_478, %lt3A_484 : i32
          %ne3A_486 = arith.xori %lt3A_483, %lt3A_485 : i1
          %and3A_487 = arith.andi %ne3A_486, %ne3A_481 : i1
          %add3A_488 = arith.addi %rem3A_479, %select_n3A_478 : i32
          %select_n3A_489 = arith.select %and3A_487, %add3A_488, %rem3A_479 : i32
          %broadcast_in_dim3A_490 = vector.broadcast %select_n3A_489 : i32 to vector<16xi32>
          %jit3A_491 = arith.constant 128 : i32
          %eq3A_492 = arith.constant 0 : i32
          %eq3A_493 = arith.cmpi eq, %jit3A_491, %eq3A_492 : i32
          %jit3A_494 = arith.constant 1 : i32
          %select_n3A_495 = arith.select %eq3A_493, %jit3A_494, %jit3A_491 : i32
          %rem3A_496 = arith.remsi %squeeze3A_417, %select_n3A_495 : i32
          %ne3A_497 = arith.constant 0 : i32
          %ne3A_498 = arith.cmpi ne, %rem3A_496, %ne3A_497 : i32
          %lt3A_499 = arith.constant 0 : i32
          %lt3A_500 = arith.cmpi slt, %rem3A_496, %lt3A_499 : i32
          %lt3A_501 = arith.constant 0 : i32
          %lt3A_502 = arith.cmpi slt, %select_n3A_495, %lt3A_501 : i32
          %ne3A_503 = arith.xori %lt3A_500, %lt3A_502 : i1
          %and3A_504 = arith.andi %ne3A_503, %ne3A_498 : i1
          %add3A_505 = arith.addi %rem3A_496, %select_n3A_495 : i32
          %select_n3A_506 = arith.select %and3A_504, %add3A_505, %rem3A_496 : i32
          %broadcast_in_dim3A_507 = vector.broadcast %select_n3A_506 : i32 to vector<16xi32>
          tpu.vector_store_idx %arg8[%broadcast_in_dim3A_473, %broadcast_in_dim3A_490], %broadcast_in_dim3A_507 masked %eq3A_6 : memref<17x128xi32, #tpu.memory_space<vmem>>[vector<16xi32>, vector<16xi32>], vector<16xi32>, vector<16xi1>
          %slice3A_508 = vector.extract_strided_slice %get3A_133 {offsets = [3], sizes = [1], strides = [1]} : vector<16xi32> to vector<1xi32>
          %squeeze3A_509 = vector.extract %slice3A_508[0] : i32 from vector<1xi32>
          %broadcast_in_dim3A_510 = vector.broadcast %squeeze3A_509 : i32 to vector<16xi32>
          tpu.vector_store_idx %arg9[%broadcast_in_dim3A_473, %broadcast_in_dim3A_490], %broadcast_in_dim3A_510 masked %eq3A_6 : memref<17x128xi32, #tpu.memory_space<vmem>>[vector<16xi32>, vector<16xi32>], vector<16xi32>, vector<16xi1>
          %slice3A_511 = vector.extract_strided_slice %get3A_129 {offsets = [4], sizes = [1], strides = [1]} : vector<16xi32> to vector<1xi32>
          %squeeze3A_512 = vector.extract %slice3A_511[0] : i32 from vector<1xi32>
          %jit3A_513 = arith.constant 128 : i32
          %div3A_514 = arith.divsi %squeeze3A_512, %jit3A_513 : i32
          %sign3A_515 = arith.constant 0 : i32
          %sign3A_516 = arith.cmpi sgt, %squeeze3A_512, %sign3A_515 : i32
          %sign3A_517 = arith.extui %sign3A_516 : i1 to i32
          %sign3A_518 = arith.constant 0 : i32
          %sign3A_519 = arith.cmpi slt, %squeeze3A_512, %sign3A_518 : i32
          %sign3A_520 = arith.extui %sign3A_519 : i1 to i32
          %sign3A_521 = arith.subi %sign3A_517, %sign3A_520 : i32
          %sign3A_522 = arith.constant 0 : i32
          %sign3A_523 = arith.cmpi sgt, %jit3A_513, %sign3A_522 : i32
          %sign3A_524 = arith.extui %sign3A_523 : i1 to i32
          %sign3A_525 = arith.constant 0 : i32
          %sign3A_526 = arith.cmpi slt, %jit3A_513, %sign3A_525 : i32
          %sign3A_527 = arith.extui %sign3A_526 : i1 to i32
          %sign3A_528 = arith.subi %sign3A_524, %sign3A_527 : i32
          %ne3A_529 = arith.cmpi ne, %sign3A_521, %sign3A_528 : i32
          %rem3A_530 = arith.remsi %squeeze3A_512, %jit3A_513 : i32
          %ne3A_531 = arith.constant 0 : i32
          %ne3A_532 = arith.cmpi ne, %rem3A_530, %ne3A_531 : i32
          %and3A_533 = arith.andi %ne3A_529, %ne3A_532 : i1
          %sub3A_534 = arith.constant 1 : i32
          %sub3A_535 = arith.subi %div3A_514, %sub3A_534 : i32
          %select_n3A_536 = arith.select %and3A_533, %sub3A_535, %div3A_514 : i32
          %sub3A_537 = arith.subi %select_n3A_536, %mul3A_2 : i32
          %get3A_538 = arith.index_cast %sub3A_537 : i32 to index
          %get3A_539 = memref.load %arg11[%get3A_538] : memref<256xi32, #tpu.memory_space<smem>>
          %add3A_540 = arith.constant 1 : i32
          %add3A_541 = arith.addi %get3A_539, %add3A_540 : i32
          %swap3A_542 = arith.index_cast %sub3A_537 : i32 to index
          %swap3A_543 = memref.load %arg11[%swap3A_542] : memref<256xi32, #tpu.memory_space<smem>>
          memref.store %add3A_541, %arg11[%swap3A_542] : memref<256xi32, #tpu.memory_space<smem>>
          %jit3A_544 = arith.constant 128 : i32
          %div3A_545 = arith.divsi %get3A_539, %jit3A_544 : i32
          %sign3A_546 = arith.constant 0 : i32
          %sign3A_547 = arith.cmpi sgt, %get3A_539, %sign3A_546 : i32
          %sign3A_548 = arith.extui %sign3A_547 : i1 to i32
          %sign3A_549 = arith.constant 0 : i32
          %sign3A_550 = arith.cmpi slt, %get3A_539, %sign3A_549 : i32
          %sign3A_551 = arith.extui %sign3A_550 : i1 to i32
          %sign3A_552 = arith.subi %sign3A_548, %sign3A_551 : i32
          %sign3A_553 = arith.constant 0 : i32
          %sign3A_554 = arith.cmpi sgt, %jit3A_544, %sign3A_553 : i32
          %sign3A_555 = arith.extui %sign3A_554 : i1 to i32
          %sign3A_556 = arith.constant 0 : i32
          %sign3A_557 = arith.cmpi slt, %jit3A_544, %sign3A_556 : i32
          %sign3A_558 = arith.extui %sign3A_557 : i1 to i32
          %sign3A_559 = arith.subi %sign3A_555, %sign3A_558 : i32
          %ne3A_560 = arith.cmpi ne, %sign3A_552, %sign3A_559 : i32
          %rem3A_561 = arith.remsi %get3A_539, %jit3A_544 : i32
          %ne3A_562 = arith.constant 0 : i32
          %ne3A_563 = arith.cmpi ne, %rem3A_561, %ne3A_562 : i32
          %and3A_564 = arith.andi %ne3A_560, %ne3A_563 : i1
          %sub3A_565 = arith.constant 1 : i32
          %sub3A_566 = arith.subi %div3A_545, %sub3A_565 : i32
          %select_n3A_567 = arith.select %and3A_564, %sub3A_566, %div3A_545 : i32
          %broadcast_in_dim3A_568 = vector.broadcast %select_n3A_567 : i32 to vector<16xi32>
          %jit3A_569 = arith.constant 128 : i32
          %eq3A_570 = arith.constant 0 : i32
          %eq3A_571 = arith.cmpi eq, %jit3A_569, %eq3A_570 : i32
          %jit3A_572 = arith.constant 1 : i32
          %select_n3A_573 = arith.select %eq3A_571, %jit3A_572, %jit3A_569 : i32
          %rem3A_574 = arith.remsi %get3A_539, %select_n3A_573 : i32
          %ne3A_575 = arith.constant 0 : i32
          %ne3A_576 = arith.cmpi ne, %rem3A_574, %ne3A_575 : i32
          %lt3A_577 = arith.constant 0 : i32
          %lt3A_578 = arith.cmpi slt, %rem3A_574, %lt3A_577 : i32
          %lt3A_579 = arith.constant 0 : i32
          %lt3A_580 = arith.cmpi slt, %select_n3A_573, %lt3A_579 : i32
          %ne3A_581 = arith.xori %lt3A_578, %lt3A_580 : i1
          %and3A_582 = arith.andi %ne3A_581, %ne3A_576 : i1
          %add3A_583 = arith.addi %rem3A_574, %select_n3A_573 : i32
          %select_n3A_584 = arith.select %and3A_582, %add3A_583, %rem3A_574 : i32
          %broadcast_in_dim3A_585 = vector.broadcast %select_n3A_584 : i32 to vector<16xi32>
          %jit3A_586 = arith.constant 128 : i32
          %eq3A_587 = arith.constant 0 : i32
          %eq3A_588 = arith.cmpi eq, %jit3A_586, %eq3A_587 : i32
          %jit3A_589 = arith.constant 1 : i32
          %select_n3A_590 = arith.select %eq3A_588, %jit3A_589, %jit3A_586 : i32
          %rem3A_591 = arith.remsi %squeeze3A_512, %select_n3A_590 : i32
          %ne3A_592 = arith.constant 0 : i32
          %ne3A_593 = arith.cmpi ne, %rem3A_591, %ne3A_592 : i32
          %lt3A_594 = arith.constant 0 : i32
          %lt3A_595 = arith.cmpi slt, %rem3A_591, %lt3A_594 : i32
          %lt3A_596 = arith.constant 0 : i32
          %lt3A_597 = arith.cmpi slt, %select_n3A_590, %lt3A_596 : i32
          %ne3A_598 = arith.xori %lt3A_595, %lt3A_597 : i1
          %and3A_599 = arith.andi %ne3A_598, %ne3A_593 : i1
          %add3A_600 = arith.addi %rem3A_591, %select_n3A_590 : i32
          %select_n3A_601 = arith.select %and3A_599, %add3A_600, %rem3A_591 : i32
          %broadcast_in_dim3A_602 = vector.broadcast %select_n3A_601 : i32 to vector<16xi32>
          tpu.vector_store_idx %arg8[%broadcast_in_dim3A_568, %broadcast_in_dim3A_585], %broadcast_in_dim3A_602 masked %eq3A_6 : memref<17x128xi32, #tpu.memory_space<vmem>>[vector<16xi32>, vector<16xi32>], vector<16xi32>, vector<16xi1>
          %slice3A_603 = vector.extract_strided_slice %get3A_133 {offsets = [4], sizes = [1], strides = [1]} : vector<16xi32> to vector<1xi32>
          %squeeze3A_604 = vector.extract %slice3A_603[0] : i32 from vector<1xi32>
          %broadcast_in_dim3A_605 = vector.broadcast %squeeze3A_604 : i32 to vector<16xi32>
          tpu.vector_store_idx %arg9[%broadcast_in_dim3A_568, %broadcast_in_dim3A_585], %broadcast_in_dim3A_605 masked %eq3A_6 : memref<17x128xi32, #tpu.memory_space<vmem>>[vector<16xi32>, vector<16xi32>], vector<16xi32>, vector<16xi1>
          %slice3A_606 = vector.extract_strided_slice %get3A_129 {offsets = [5], sizes = [1], strides = [1]} : vector<16xi32> to vector<1xi32>
          %squeeze3A_607 = vector.extract %slice3A_606[0] : i32 from vector<1xi32>
          %jit3A_608 = arith.constant 128 : i32
          %div3A_609 = arith.divsi %squeeze3A_607, %jit3A_608 : i32
          %sign3A_610 = arith.constant 0 : i32
          %sign3A_611 = arith.cmpi sgt, %squeeze3A_607, %sign3A_610 : i32
          %sign3A_612 = arith.extui %sign3A_611 : i1 to i32
          %sign3A_613 = arith.constant 0 : i32
          %sign3A_614 = arith.cmpi slt, %squeeze3A_607, %sign3A_613 : i32
          %sign3A_615 = arith.extui %sign3A_614 : i1 to i32
          %sign3A_616 = arith.subi %sign3A_612, %sign3A_615 : i32
          %sign3A_617 = arith.constant 0 : i32
          %sign3A_618 = arith.cmpi sgt, %jit3A_608, %sign3A_617 : i32
          %sign3A_619 = arith.extui %sign3A_618 : i1 to i32
          %sign3A_620 = arith.constant 0 : i32
          %sign3A_621 = arith.cmpi slt, %jit3A_608, %sign3A_620 : i32
          %sign3A_622 = arith.extui %sign3A_621 : i1 to i32
          %sign3A_623 = arith.subi %sign3A_619, %sign3A_622 : i32
          %ne3A_624 = arith.cmpi ne, %sign3A_616, %sign3A_623 : i32
          %rem3A_625 = arith.remsi %squeeze3A_607, %jit3A_608 : i32
          %ne3A_626 = arith.constant 0 : i32
          %ne3A_627 = arith.cmpi ne, %rem3A_625, %ne3A_626 : i32
          %and3A_628 = arith.andi %ne3A_624, %ne3A_627 : i1
          %sub3A_629 = arith.constant 1 : i32
          %sub3A_630 = arith.subi %div3A_609, %sub3A_629 : i32
          %select_n3A_631 = arith.select %and3A_628, %sub3A_630, %div3A_609 : i32
          %sub3A_632 = arith.subi %select_n3A_631, %mul3A_2 : i32
          %get3A_633 = arith.index_cast %sub3A_632 : i32 to index
          %get3A_634 = memref.load %arg11[%get3A_633] : memref<256xi32, #tpu.memory_space<smem>>
          %add3A_635 = arith.constant 1 : i32
          %add3A_636 = arith.addi %get3A_634, %add3A_635 : i32
          %swap3A_637 = arith.index_cast %sub3A_632 : i32 to index
          %swap3A_638 = memref.load %arg11[%swap3A_637] : memref<256xi32, #tpu.memory_space<smem>>
          memref.store %add3A_636, %arg11[%swap3A_637] : memref<256xi32, #tpu.memory_space<smem>>
          %jit3A_639 = arith.constant 128 : i32
          %div3A_640 = arith.divsi %get3A_634, %jit3A_639 : i32
          %sign3A_641 = arith.constant 0 : i32
          %sign3A_642 = arith.cmpi sgt, %get3A_634, %sign3A_641 : i32
          %sign3A_643 = arith.extui %sign3A_642 : i1 to i32
          %sign3A_644 = arith.constant 0 : i32
          %sign3A_645 = arith.cmpi slt, %get3A_634, %sign3A_644 : i32
          %sign3A_646 = arith.extui %sign3A_645 : i1 to i32
          %sign3A_647 = arith.subi %sign3A_643, %sign3A_646 : i32
          %sign3A_648 = arith.constant 0 : i32
          %sign3A_649 = arith.cmpi sgt, %jit3A_639, %sign3A_648 : i32
          %sign3A_650 = arith.extui %sign3A_649 : i1 to i32
          %sign3A_651 = arith.constant 0 : i32
          %sign3A_652 = arith.cmpi slt, %jit3A_639, %sign3A_651 : i32
          %sign3A_653 = arith.extui %sign3A_652 : i1 to i32
          %sign3A_654 = arith.subi %sign3A_650, %sign3A_653 : i32
          %ne3A_655 = arith.cmpi ne, %sign3A_647, %sign3A_654 : i32
          %rem3A_656 = arith.remsi %get3A_634, %jit3A_639 : i32
          %ne3A_657 = arith.constant 0 : i32
          %ne3A_658 = arith.cmpi ne, %rem3A_656, %ne3A_657 : i32
          %and3A_659 = arith.andi %ne3A_655, %ne3A_658 : i1
          %sub3A_660 = arith.constant 1 : i32
          %sub3A_661 = arith.subi %div3A_640, %sub3A_660 : i32
          %select_n3A_662 = arith.select %and3A_659, %sub3A_661, %div3A_640 : i32
          %broadcast_in_dim3A_663 = vector.broadcast %select_n3A_662 : i32 to vector<16xi32>
          %jit3A_664 = arith.constant 128 : i32
          %eq3A_665 = arith.constant 0 : i32
          %eq3A_666 = arith.cmpi eq, %jit3A_664, %eq3A_665 : i32
          %jit3A_667 = arith.constant 1 : i32
          %select_n3A_668 = arith.select %eq3A_666, %jit3A_667, %jit3A_664 : i32
          %rem3A_669 = arith.remsi %get3A_634, %select_n3A_668 : i32
          %ne3A_670 = arith.constant 0 : i32
          %ne3A_671 = arith.cmpi ne, %rem3A_669, %ne3A_670 : i32
          %lt3A_672 = arith.constant 0 : i32
          %lt3A_673 = arith.cmpi slt, %rem3A_669, %lt3A_672 : i32
          %lt3A_674 = arith.constant 0 : i32
          %lt3A_675 = arith.cmpi slt, %select_n3A_668, %lt3A_674 : i32
          %ne3A_676 = arith.xori %lt3A_673, %lt3A_675 : i1
          %and3A_677 = arith.andi %ne3A_676, %ne3A_671 : i1
          %add3A_678 = arith.addi %rem3A_669, %select_n3A_668 : i32
          %select_n3A_679 = arith.select %and3A_677, %add3A_678, %rem3A_669 : i32
          %broadcast_in_dim3A_680 = vector.broadcast %select_n3A_679 : i32 to vector<16xi32>
          %jit3A_681 = arith.constant 128 : i32
          %eq3A_682 = arith.constant 0 : i32
          %eq3A_683 = arith.cmpi eq, %jit3A_681, %eq3A_682 : i32
          %jit3A_684 = arith.constant 1 : i32
          %select_n3A_685 = arith.select %eq3A_683, %jit3A_684, %jit3A_681 : i32
          %rem3A_686 = arith.remsi %squeeze3A_607, %select_n3A_685 : i32
          %ne3A_687 = arith.constant 0 : i32
          %ne3A_688 = arith.cmpi ne, %rem3A_686, %ne3A_687 : i32
          %lt3A_689 = arith.constant 0 : i32
          %lt3A_690 = arith.cmpi slt, %rem3A_686, %lt3A_689 : i32
          %lt3A_691 = arith.constant 0 : i32
          %lt3A_692 = arith.cmpi slt, %select_n3A_685, %lt3A_691 : i32
          %ne3A_693 = arith.xori %lt3A_690, %lt3A_692 : i1
          %and3A_694 = arith.andi %ne3A_693, %ne3A_688 : i1
          %add3A_695 = arith.addi %rem3A_686, %select_n3A_685 : i32
          %select_n3A_696 = arith.select %and3A_694, %add3A_695, %rem3A_686 : i32
          %broadcast_in_dim3A_697 = vector.broadcast %select_n3A_696 : i32 to vector<16xi32>
          tpu.vector_store_idx %arg8[%broadcast_in_dim3A_663, %broadcast_in_dim3A_680], %broadcast_in_dim3A_697 masked %eq3A_6 : memref<17x128xi32, #tpu.memory_space<vmem>>[vector<16xi32>, vector<16xi32>], vector<16xi32>, vector<16xi1>
          %slice3A_698 = vector.extract_strided_slice %get3A_133 {offsets = [5], sizes = [1], strides = [1]} : vector<16xi32> to vector<1xi32>
          %squeeze3A_699 = vector.extract %slice3A_698[0] : i32 from vector<1xi32>
          %broadcast_in_dim3A_700 = vector.broadcast %squeeze3A_699 : i32 to vector<16xi32>
          tpu.vector_store_idx %arg9[%broadcast_in_dim3A_663, %broadcast_in_dim3A_680], %broadcast_in_dim3A_700 masked %eq3A_6 : memref<17x128xi32, #tpu.memory_space<vmem>>[vector<16xi32>, vector<16xi32>], vector<16xi32>, vector<16xi1>
          %slice3A_701 = vector.extract_strided_slice %get3A_129 {offsets = [6], sizes = [1], strides = [1]} : vector<16xi32> to vector<1xi32>
          %squeeze3A_702 = vector.extract %slice3A_701[0] : i32 from vector<1xi32>
          %jit3A_703 = arith.constant 128 : i32
          %div3A_704 = arith.divsi %squeeze3A_702, %jit3A_703 : i32
          %sign3A_705 = arith.constant 0 : i32
          %sign3A_706 = arith.cmpi sgt, %squeeze3A_702, %sign3A_705 : i32
          %sign3A_707 = arith.extui %sign3A_706 : i1 to i32
          %sign3A_708 = arith.constant 0 : i32
          %sign3A_709 = arith.cmpi slt, %squeeze3A_702, %sign3A_708 : i32
          %sign3A_710 = arith.extui %sign3A_709 : i1 to i32
          %sign3A_711 = arith.subi %sign3A_707, %sign3A_710 : i32
          %sign3A_712 = arith.constant 0 : i32
          %sign3A_713 = arith.cmpi sgt, %jit3A_703, %sign3A_712 : i32
          %sign3A_714 = arith.extui %sign3A_713 : i1 to i32
          %sign3A_715 = arith.constant 0 : i32
          %sign3A_716 = arith.cmpi slt, %jit3A_703, %sign3A_715 : i32
          %sign3A_717 = arith.extui %sign3A_716 : i1 to i32
          %sign3A_718 = arith.subi %sign3A_714, %sign3A_717 : i32
          %ne3A_719 = arith.cmpi ne, %sign3A_711, %sign3A_718 : i32
          %rem3A_720 = arith.remsi %squeeze3A_702, %jit3A_703 : i32
          %ne3A_721 = arith.constant 0 : i32
          %ne3A_722 = arith.cmpi ne, %rem3A_720, %ne3A_721 : i32
          %and3A_723 = arith.andi %ne3A_719, %ne3A_722 : i1
          %sub3A_724 = arith.constant 1 : i32
          %sub3A_725 = arith.subi %div3A_704, %sub3A_724 : i32
          %select_n3A_726 = arith.select %and3A_723, %sub3A_725, %div3A_704 : i32
          %sub3A_727 = arith.subi %select_n3A_726, %mul3A_2 : i32
          %get3A_728 = arith.index_cast %sub3A_727 : i32 to index
          %get3A_729 = memref.load %arg11[%get3A_728] : memref<256xi32, #tpu.memory_space<smem>>
          %add3A_730 = arith.constant 1 : i32
          %add3A_731 = arith.addi %get3A_729, %add3A_730 : i32
          %swap3A_732 = arith.index_cast %sub3A_727 : i32 to index
          %swap3A_733 = memref.load %arg11[%swap3A_732] : memref<256xi32, #tpu.memory_space<smem>>
          memref.store %add3A_731, %arg11[%swap3A_732] : memref<256xi32, #tpu.memory_space<smem>>
          %jit3A_734 = arith.constant 128 : i32
          %div3A_735 = arith.divsi %get3A_729, %jit3A_734 : i32
          %sign3A_736 = arith.constant 0 : i32
          %sign3A_737 = arith.cmpi sgt, %get3A_729, %sign3A_736 : i32
          %sign3A_738 = arith.extui %sign3A_737 : i1 to i32
          %sign3A_739 = arith.constant 0 : i32
          %sign3A_740 = arith.cmpi slt, %get3A_729, %sign3A_739 : i32
          %sign3A_741 = arith.extui %sign3A_740 : i1 to i32
          %sign3A_742 = arith.subi %sign3A_738, %sign3A_741 : i32
          %sign3A_743 = arith.constant 0 : i32
          %sign3A_744 = arith.cmpi sgt, %jit3A_734, %sign3A_743 : i32
          %sign3A_745 = arith.extui %sign3A_744 : i1 to i32
          %sign3A_746 = arith.constant 0 : i32
          %sign3A_747 = arith.cmpi slt, %jit3A_734, %sign3A_746 : i32
          %sign3A_748 = arith.extui %sign3A_747 : i1 to i32
          %sign3A_749 = arith.subi %sign3A_745, %sign3A_748 : i32
          %ne3A_750 = arith.cmpi ne, %sign3A_742, %sign3A_749 : i32
          %rem3A_751 = arith.remsi %get3A_729, %jit3A_734 : i32
          %ne3A_752 = arith.constant 0 : i32
          %ne3A_753 = arith.cmpi ne, %rem3A_751, %ne3A_752 : i32
          %and3A_754 = arith.andi %ne3A_750, %ne3A_753 : i1
          %sub3A_755 = arith.constant 1 : i32
          %sub3A_756 = arith.subi %div3A_735, %sub3A_755 : i32
          %select_n3A_757 = arith.select %and3A_754, %sub3A_756, %div3A_735 : i32
          %broadcast_in_dim3A_758 = vector.broadcast %select_n3A_757 : i32 to vector<16xi32>
          %jit3A_759 = arith.constant 128 : i32
          %eq3A_760 = arith.constant 0 : i32
          %eq3A_761 = arith.cmpi eq, %jit3A_759, %eq3A_760 : i32
          %jit3A_762 = arith.constant 1 : i32
          %select_n3A_763 = arith.select %eq3A_761, %jit3A_762, %jit3A_759 : i32
          %rem3A_764 = arith.remsi %get3A_729, %select_n3A_763 : i32
          %ne3A_765 = arith.constant 0 : i32
          %ne3A_766 = arith.cmpi ne, %rem3A_764, %ne3A_765 : i32
          %lt3A_767 = arith.constant 0 : i32
          %lt3A_768 = arith.cmpi slt, %rem3A_764, %lt3A_767 : i32
          %lt3A_769 = arith.constant 0 : i32
          %lt3A_770 = arith.cmpi slt, %select_n3A_763, %lt3A_769 : i32
          %ne3A_771 = arith.xori %lt3A_768, %lt3A_770 : i1
          %and3A_772 = arith.andi %ne3A_771, %ne3A_766 : i1
          %add3A_773 = arith.addi %rem3A_764, %select_n3A_763 : i32
          %select_n3A_774 = arith.select %and3A_772, %add3A_773, %rem3A_764 : i32
          %broadcast_in_dim3A_775 = vector.broadcast %select_n3A_774 : i32 to vector<16xi32>
          %jit3A_776 = arith.constant 128 : i32
          %eq3A_777 = arith.constant 0 : i32
          %eq3A_778 = arith.cmpi eq, %jit3A_776, %eq3A_777 : i32
          %jit3A_779 = arith.constant 1 : i32
          %select_n3A_780 = arith.select %eq3A_778, %jit3A_779, %jit3A_776 : i32
          %rem3A_781 = arith.remsi %squeeze3A_702, %select_n3A_780 : i32
          %ne3A_782 = arith.constant 0 : i32
          %ne3A_783 = arith.cmpi ne, %rem3A_781, %ne3A_782 : i32
          %lt3A_784 = arith.constant 0 : i32
          %lt3A_785 = arith.cmpi slt, %rem3A_781, %lt3A_784 : i32
          %lt3A_786 = arith.constant 0 : i32
          %lt3A_787 = arith.cmpi slt, %select_n3A_780, %lt3A_786 : i32
          %ne3A_788 = arith.xori %lt3A_785, %lt3A_787 : i1
          %and3A_789 = arith.andi %ne3A_788, %ne3A_783 : i1
          %add3A_790 = arith.addi %rem3A_781, %select_n3A_780 : i32
          %select_n3A_791 = arith.select %and3A_789, %add3A_790, %rem3A_781 : i32
          %broadcast_in_dim3A_792 = vector.broadcast %select_n3A_791 : i32 to vector<16xi32>
          tpu.vector_store_idx %arg8[%broadcast_in_dim3A_758, %broadcast_in_dim3A_775], %broadcast_in_dim3A_792 masked %eq3A_6 : memref<17x128xi32, #tpu.memory_space<vmem>>[vector<16xi32>, vector<16xi32>], vector<16xi32>, vector<16xi1>
          %slice3A_793 = vector.extract_strided_slice %get3A_133 {offsets = [6], sizes = [1], strides = [1]} : vector<16xi32> to vector<1xi32>
          %squeeze3A_794 = vector.extract %slice3A_793[0] : i32 from vector<1xi32>
          %broadcast_in_dim3A_795 = vector.broadcast %squeeze3A_794 : i32 to vector<16xi32>
          tpu.vector_store_idx %arg9[%broadcast_in_dim3A_758, %broadcast_in_dim3A_775], %broadcast_in_dim3A_795 masked %eq3A_6 : memref<17x128xi32, #tpu.memory_space<vmem>>[vector<16xi32>, vector<16xi32>], vector<16xi32>, vector<16xi1>
          %slice3A_796 = vector.extract_strided_slice %get3A_129 {offsets = [7], sizes = [1], strides = [1]} : vector<16xi32> to vector<1xi32>
          %squeeze3A_797 = vector.extract %slice3A_796[0] : i32 from vector<1xi32>
          %jit3A_798 = arith.constant 128 : i32
          %div3A_799 = arith.divsi %squeeze3A_797, %jit3A_798 : i32
          %sign3A_800 = arith.constant 0 : i32
          %sign3A_801 = arith.cmpi sgt, %squeeze3A_797, %sign3A_800 : i32
          %sign3A_802 = arith.extui %sign3A_801 : i1 to i32
          %sign3A_803 = arith.constant 0 : i32
          %sign3A_804 = arith.cmpi slt, %squeeze3A_797, %sign3A_803 : i32
          %sign3A_805 = arith.extui %sign3A_804 : i1 to i32
          %sign3A_806 = arith.subi %sign3A_802, %sign3A_805 : i32
          %sign3A_807 = arith.constant 0 : i32
          %sign3A_808 = arith.cmpi sgt, %jit3A_798, %sign3A_807 : i32
          %sign3A_809 = arith.extui %sign3A_808 : i1 to i32
          %sign3A_810 = arith.constant 0 : i32
          %sign3A_811 = arith.cmpi slt, %jit3A_798, %sign3A_810 : i32
          %sign3A_812 = arith.extui %sign3A_811 : i1 to i32
          %sign3A_813 = arith.subi %sign3A_809, %sign3A_812 : i32
          %ne3A_814 = arith.cmpi ne, %sign3A_806, %sign3A_813 : i32
          %rem3A_815 = arith.remsi %squeeze3A_797, %jit3A_798 : i32
          %ne3A_816 = arith.constant 0 : i32
          %ne3A_817 = arith.cmpi ne, %rem3A_815, %ne3A_816 : i32
          %and3A_818 = arith.andi %ne3A_814, %ne3A_817 : i1
          %sub3A_819 = arith.constant 1 : i32
          %sub3A_820 = arith.subi %div3A_799, %sub3A_819 : i32
          %select_n3A_821 = arith.select %and3A_818, %sub3A_820, %div3A_799 : i32
          %sub3A_822 = arith.subi %select_n3A_821, %mul3A_2 : i32
          %get3A_823 = arith.index_cast %sub3A_822 : i32 to index
          %get3A_824 = memref.load %arg11[%get3A_823] : memref<256xi32, #tpu.memory_space<smem>>
          %add3A_825 = arith.constant 1 : i32
          %add3A_826 = arith.addi %get3A_824, %add3A_825 : i32
          %swap3A_827 = arith.index_cast %sub3A_822 : i32 to index
          %swap3A_828 = memref.load %arg11[%swap3A_827] : memref<256xi32, #tpu.memory_space<smem>>
          memref.store %add3A_826, %arg11[%swap3A_827] : memref<256xi32, #tpu.memory_space<smem>>
          %jit3A_829 = arith.constant 128 : i32
          %div3A_830 = arith.divsi %get3A_824, %jit3A_829 : i32
          %sign3A_831 = arith.constant 0 : i32
          %sign3A_832 = arith.cmpi sgt, %get3A_824, %sign3A_831 : i32
          %sign3A_833 = arith.extui %sign3A_832 : i1 to i32
          %sign3A_834 = arith.constant 0 : i32
          %sign3A_835 = arith.cmpi slt, %get3A_824, %sign3A_834 : i32
          %sign3A_836 = arith.extui %sign3A_835 : i1 to i32
          %sign3A_837 = arith.subi %sign3A_833, %sign3A_836 : i32
          %sign3A_838 = arith.constant 0 : i32
          %sign3A_839 = arith.cmpi sgt, %jit3A_829, %sign3A_838 : i32
          %sign3A_840 = arith.extui %sign3A_839 : i1 to i32
          %sign3A_841 = arith.constant 0 : i32
          %sign3A_842 = arith.cmpi slt, %jit3A_829, %sign3A_841 : i32
          %sign3A_843 = arith.extui %sign3A_842 : i1 to i32
          %sign3A_844 = arith.subi %sign3A_840, %sign3A_843 : i32
          %ne3A_845 = arith.cmpi ne, %sign3A_837, %sign3A_844 : i32
          %rem3A_846 = arith.remsi %get3A_824, %jit3A_829 : i32
          %ne3A_847 = arith.constant 0 : i32
          %ne3A_848 = arith.cmpi ne, %rem3A_846, %ne3A_847 : i32
          %and3A_849 = arith.andi %ne3A_845, %ne3A_848 : i1
          %sub3A_850 = arith.constant 1 : i32
          %sub3A_851 = arith.subi %div3A_830, %sub3A_850 : i32
          %select_n3A_852 = arith.select %and3A_849, %sub3A_851, %div3A_830 : i32
          %broadcast_in_dim3A_853 = vector.broadcast %select_n3A_852 : i32 to vector<16xi32>
          %jit3A_854 = arith.constant 128 : i32
          %eq3A_855 = arith.constant 0 : i32
          %eq3A_856 = arith.cmpi eq, %jit3A_854, %eq3A_855 : i32
          %jit3A_857 = arith.constant 1 : i32
          %select_n3A_858 = arith.select %eq3A_856, %jit3A_857, %jit3A_854 : i32
          %rem3A_859 = arith.remsi %get3A_824, %select_n3A_858 : i32
          %ne3A_860 = arith.constant 0 : i32
          %ne3A_861 = arith.cmpi ne, %rem3A_859, %ne3A_860 : i32
          %lt3A_862 = arith.constant 0 : i32
          %lt3A_863 = arith.cmpi slt, %rem3A_859, %lt3A_862 : i32
          %lt3A_864 = arith.constant 0 : i32
          %lt3A_865 = arith.cmpi slt, %select_n3A_858, %lt3A_864 : i32
          %ne3A_866 = arith.xori %lt3A_863, %lt3A_865 : i1
          %and3A_867 = arith.andi %ne3A_866, %ne3A_861 : i1
          %add3A_868 = arith.addi %rem3A_859, %select_n3A_858 : i32
          %select_n3A_869 = arith.select %and3A_867, %add3A_868, %rem3A_859 : i32
          %broadcast_in_dim3A_870 = vector.broadcast %select_n3A_869 : i32 to vector<16xi32>
          %jit3A_871 = arith.constant 128 : i32
          %eq3A_872 = arith.constant 0 : i32
          %eq3A_873 = arith.cmpi eq, %jit3A_871, %eq3A_872 : i32
          %jit3A_874 = arith.constant 1 : i32
          %select_n3A_875 = arith.select %eq3A_873, %jit3A_874, %jit3A_871 : i32
          %rem3A_876 = arith.remsi %squeeze3A_797, %select_n3A_875 : i32
          %ne3A_877 = arith.constant 0 : i32
          %ne3A_878 = arith.cmpi ne, %rem3A_876, %ne3A_877 : i32
          %lt3A_879 = arith.constant 0 : i32
          %lt3A_880 = arith.cmpi slt, %rem3A_876, %lt3A_879 : i32
          %lt3A_881 = arith.constant 0 : i32
          %lt3A_882 = arith.cmpi slt, %select_n3A_875, %lt3A_881 : i32
          %ne3A_883 = arith.xori %lt3A_880, %lt3A_882 : i1
          %and3A_884 = arith.andi %ne3A_883, %ne3A_878 : i1
          %add3A_885 = arith.addi %rem3A_876, %select_n3A_875 : i32
          %select_n3A_886 = arith.select %and3A_884, %add3A_885, %rem3A_876 : i32
          %broadcast_in_dim3A_887 = vector.broadcast %select_n3A_886 : i32 to vector<16xi32>
          tpu.vector_store_idx %arg8[%broadcast_in_dim3A_853, %broadcast_in_dim3A_870], %broadcast_in_dim3A_887 masked %eq3A_6 : memref<17x128xi32, #tpu.memory_space<vmem>>[vector<16xi32>, vector<16xi32>], vector<16xi32>, vector<16xi1>
          %slice3A_888 = vector.extract_strided_slice %get3A_133 {offsets = [7], sizes = [1], strides = [1]} : vector<16xi32> to vector<1xi32>
          %squeeze3A_889 = vector.extract %slice3A_888[0] : i32 from vector<1xi32>
          %broadcast_in_dim3A_890 = vector.broadcast %squeeze3A_889 : i32 to vector<16xi32>
          tpu.vector_store_idx %arg9[%broadcast_in_dim3A_853, %broadcast_in_dim3A_870], %broadcast_in_dim3A_890 masked %eq3A_6 : memref<17x128xi32, #tpu.memory_space<vmem>>[vector<16xi32>, vector<16xi32>], vector<16xi32>, vector<16xi1>
          %slice3A_891 = vector.extract_strided_slice %get3A_129 {offsets = [8], sizes = [1], strides = [1]} : vector<16xi32> to vector<1xi32>
          %squeeze3A_892 = vector.extract %slice3A_891[0] : i32 from vector<1xi32>
          %jit3A_893 = arith.constant 128 : i32
          %div3A_894 = arith.divsi %squeeze3A_892, %jit3A_893 : i32
          %sign3A_895 = arith.constant 0 : i32
          %sign3A_896 = arith.cmpi sgt, %squeeze3A_892, %sign3A_895 : i32
          %sign3A_897 = arith.extui %sign3A_896 : i1 to i32
          %sign3A_898 = arith.constant 0 : i32
          %sign3A_899 = arith.cmpi slt, %squeeze3A_892, %sign3A_898 : i32
          %sign3A_900 = arith.extui %sign3A_899 : i1 to i32
          %sign3A_901 = arith.subi %sign3A_897, %sign3A_900 : i32
          %sign3A_902 = arith.constant 0 : i32
          %sign3A_903 = arith.cmpi sgt, %jit3A_893, %sign3A_902 : i32
          %sign3A_904 = arith.extui %sign3A_903 : i1 to i32
          %sign3A_905 = arith.constant 0 : i32
          %sign3A_906 = arith.cmpi slt, %jit3A_893, %sign3A_905 : i32
          %sign3A_907 = arith.extui %sign3A_906 : i1 to i32
          %sign3A_908 = arith.subi %sign3A_904, %sign3A_907 : i32
          %ne3A_909 = arith.cmpi ne, %sign3A_901, %sign3A_908 : i32
          %rem3A_910 = arith.remsi %squeeze3A_892, %jit3A_893 : i32
          %ne3A_911 = arith.constant 0 : i32
          %ne3A_912 = arith.cmpi ne, %rem3A_910, %ne3A_911 : i32
          %and3A_913 = arith.andi %ne3A_909, %ne3A_912 : i1
          %sub3A_914 = arith.constant 1 : i32
          %sub3A_915 = arith.subi %div3A_894, %sub3A_914 : i32
          %select_n3A_916 = arith.select %and3A_913, %sub3A_915, %div3A_894 : i32
          %sub3A_917 = arith.subi %select_n3A_916, %mul3A_2 : i32
          %get3A_918 = arith.index_cast %sub3A_917 : i32 to index
          %get3A_919 = memref.load %arg11[%get3A_918] : memref<256xi32, #tpu.memory_space<smem>>
          %add3A_920 = arith.constant 1 : i32
          %add3A_921 = arith.addi %get3A_919, %add3A_920 : i32
          %swap3A_922 = arith.index_cast %sub3A_917 : i32 to index
          %swap3A_923 = memref.load %arg11[%swap3A_922] : memref<256xi32, #tpu.memory_space<smem>>
          memref.store %add3A_921, %arg11[%swap3A_922] : memref<256xi32, #tpu.memory_space<smem>>
          %jit3A_924 = arith.constant 128 : i32
          %div3A_925 = arith.divsi %get3A_919, %jit3A_924 : i32
          %sign3A_926 = arith.constant 0 : i32
          %sign3A_927 = arith.cmpi sgt, %get3A_919, %sign3A_926 : i32
          %sign3A_928 = arith.extui %sign3A_927 : i1 to i32
          %sign3A_929 = arith.constant 0 : i32
          %sign3A_930 = arith.cmpi slt, %get3A_919, %sign3A_929 : i32
          %sign3A_931 = arith.extui %sign3A_930 : i1 to i32
          %sign3A_932 = arith.subi %sign3A_928, %sign3A_931 : i32
          %sign3A_933 = arith.constant 0 : i32
          %sign3A_934 = arith.cmpi sgt, %jit3A_924, %sign3A_933 : i32
          %sign3A_935 = arith.extui %sign3A_934 : i1 to i32
          %sign3A_936 = arith.constant 0 : i32
          %sign3A_937 = arith.cmpi slt, %jit3A_924, %sign3A_936 : i32
          %sign3A_938 = arith.extui %sign3A_937 : i1 to i32
          %sign3A_939 = arith.subi %sign3A_935, %sign3A_938 : i32
          %ne3A_940 = arith.cmpi ne, %sign3A_932, %sign3A_939 : i32
          %rem3A_941 = arith.remsi %get3A_919, %jit3A_924 : i32
          %ne3A_942 = arith.constant 0 : i32
          %ne3A_943 = arith.cmpi ne, %rem3A_941, %ne3A_942 : i32
          %and3A_944 = arith.andi %ne3A_940, %ne3A_943 : i1
          %sub3A_945 = arith.constant 1 : i32
          %sub3A_946 = arith.subi %div3A_925, %sub3A_945 : i32
          %select_n3A_947 = arith.select %and3A_944, %sub3A_946, %div3A_925 : i32
          %broadcast_in_dim3A_948 = vector.broadcast %select_n3A_947 : i32 to vector<16xi32>
          %jit3A_949 = arith.constant 128 : i32
          %eq3A_950 = arith.constant 0 : i32
          %eq3A_951 = arith.cmpi eq, %jit3A_949, %eq3A_950 : i32
          %jit3A_952 = arith.constant 1 : i32
          %select_n3A_953 = arith.select %eq3A_951, %jit3A_952, %jit3A_949 : i32
          %rem3A_954 = arith.remsi %get3A_919, %select_n3A_953 : i32
          %ne3A_955 = arith.constant 0 : i32
          %ne3A_956 = arith.cmpi ne, %rem3A_954, %ne3A_955 : i32
          %lt3A_957 = arith.constant 0 : i32
          %lt3A_958 = arith.cmpi slt, %rem3A_954, %lt3A_957 : i32
          %lt3A_959 = arith.constant 0 : i32
          %lt3A_960 = arith.cmpi slt, %select_n3A_953, %lt3A_959 : i32
          %ne3A_961 = arith.xori %lt3A_958, %lt3A_960 : i1
          %and3A_962 = arith.andi %ne3A_961, %ne3A_956 : i1
          %add3A_963 = arith.addi %rem3A_954, %select_n3A_953 : i32
          %select_n3A_964 = arith.select %and3A_962, %add3A_963, %rem3A_954 : i32
          %broadcast_in_dim3A_965 = vector.broadcast %select_n3A_964 : i32 to vector<16xi32>
          %jit3A_966 = arith.constant 128 : i32
          %eq3A_967 = arith.constant 0 : i32
          %eq3A_968 = arith.cmpi eq, %jit3A_966, %eq3A_967 : i32
          %jit3A_969 = arith.constant 1 : i32
          %select_n3A_970 = arith.select %eq3A_968, %jit3A_969, %jit3A_966 : i32
          %rem3A_971 = arith.remsi %squeeze3A_892, %select_n3A_970 : i32
          %ne3A_972 = arith.constant 0 : i32
          %ne3A_973 = arith.cmpi ne, %rem3A_971, %ne3A_972 : i32
          %lt3A_974 = arith.constant 0 : i32
          %lt3A_975 = arith.cmpi slt, %rem3A_971, %lt3A_974 : i32
          %lt3A_976 = arith.constant 0 : i32
          %lt3A_977 = arith.cmpi slt, %select_n3A_970, %lt3A_976 : i32
          %ne3A_978 = arith.xori %lt3A_975, %lt3A_977 : i1
          %and3A_979 = arith.andi %ne3A_978, %ne3A_973 : i1
          %add3A_980 = arith.addi %rem3A_971, %select_n3A_970 : i32
          %select_n3A_981 = arith.select %and3A_979, %add3A_980, %rem3A_971 : i32
          %broadcast_in_dim3A_982 = vector.broadcast %select_n3A_981 : i32 to vector<16xi32>
          tpu.vector_store_idx %arg8[%broadcast_in_dim3A_948, %broadcast_in_dim3A_965], %broadcast_in_dim3A_982 masked %eq3A_6 : memref<17x128xi32, #tpu.memory_space<vmem>>[vector<16xi32>, vector<16xi32>], vector<16xi32>, vector<16xi1>
          %slice3A_983 = vector.extract_strided_slice %get3A_133 {offsets = [8], sizes = [1], strides = [1]} : vector<16xi32> to vector<1xi32>
          %squeeze3A_984 = vector.extract %slice3A_983[0] : i32 from vector<1xi32>
          %broadcast_in_dim3A_985 = vector.broadcast %squeeze3A_984 : i32 to vector<16xi32>
          tpu.vector_store_idx %arg9[%broadcast_in_dim3A_948, %broadcast_in_dim3A_965], %broadcast_in_dim3A_985 masked %eq3A_6 : memref<17x128xi32, #tpu.memory_space<vmem>>[vector<16xi32>, vector<16xi32>], vector<16xi32>, vector<16xi1>
          %slice3A_986 = vector.extract_strided_slice %get3A_129 {offsets = [9], sizes = [1], strides = [1]} : vector<16xi32> to vector<1xi32>
          %squeeze3A_987 = vector.extract %slice3A_986[0] : i32 from vector<1xi32>
          %jit3A_988 = arith.constant 128 : i32
          %div3A_989 = arith.divsi %squeeze3A_987, %jit3A_988 : i32
          %sign3A_990 = arith.constant 0 : i32
          %sign3A_991 = arith.cmpi sgt, %squeeze3A_987, %sign3A_990 : i32
          %sign3A_992 = arith.extui %sign3A_991 : i1 to i32
          %sign3A_993 = arith.constant 0 : i32
          %sign3A_994 = arith.cmpi slt, %squeeze3A_987, %sign3A_993 : i32
          %sign3A_995 = arith.extui %sign3A_994 : i1 to i32
          %sign3A_996 = arith.subi %sign3A_992, %sign3A_995 : i32
          %sign3A_997 = arith.constant 0 : i32
          %sign3A_998 = arith.cmpi sgt, %jit3A_988, %sign3A_997 : i32
          %sign3A_999 = arith.extui %sign3A_998 : i1 to i32
          %sign3A_1000 = arith.constant 0 : i32
          %sign3A_1001 = arith.cmpi slt, %jit3A_988, %sign3A_1000 : i32
          %sign3A_1002 = arith.extui %sign3A_1001 : i1 to i32
          %sign3A_1003 = arith.subi %sign3A_999, %sign3A_1002 : i32
          %ne3A_1004 = arith.cmpi ne, %sign3A_996, %sign3A_1003 : i32
          %rem3A_1005 = arith.remsi %squeeze3A_987, %jit3A_988 : i32
          %ne3A_1006 = arith.constant 0 : i32
          %ne3A_1007 = arith.cmpi ne, %rem3A_1005, %ne3A_1006 : i32
          %and3A_1008 = arith.andi %ne3A_1004, %ne3A_1007 : i1
          %sub3A_1009 = arith.constant 1 : i32
          %sub3A_1010 = arith.subi %div3A_989, %sub3A_1009 : i32
          %select_n3A_1011 = arith.select %and3A_1008, %sub3A_1010, %div3A_989 : i32
          %sub3A_1012 = arith.subi %select_n3A_1011, %mul3A_2 : i32
          %get3A_1013 = arith.index_cast %sub3A_1012 : i32 to index
          %get3A_1014 = memref.load %arg11[%get3A_1013] : memref<256xi32, #tpu.memory_space<smem>>
          %add3A_1015 = arith.constant 1 : i32
          %add3A_1016 = arith.addi %get3A_1014, %add3A_1015 : i32
          %swap3A_1017 = arith.index_cast %sub3A_1012 : i32 to index
          %swap3A_1018 = memref.load %arg11[%swap3A_1017] : memref<256xi32, #tpu.memory_space<smem>>
          memref.store %add3A_1016, %arg11[%swap3A_1017] : memref<256xi32, #tpu.memory_space<smem>>
          %jit3A_1019 = arith.constant 128 : i32
          %div3A_1020 = arith.divsi %get3A_1014, %jit3A_1019 : i32
          %sign3A_1021 = arith.constant 0 : i32
          %sign3A_1022 = arith.cmpi sgt, %get3A_1014, %sign3A_1021 : i32
          %sign3A_1023 = arith.extui %sign3A_1022 : i1 to i32
          %sign3A_1024 = arith.constant 0 : i32
          %sign3A_1025 = arith.cmpi slt, %get3A_1014, %sign3A_1024 : i32
          %sign3A_1026 = arith.extui %sign3A_1025 : i1 to i32
          %sign3A_1027 = arith.subi %sign3A_1023, %sign3A_1026 : i32
          %sign3A_1028 = arith.constant 0 : i32
          %sign3A_1029 = arith.cmpi sgt, %jit3A_1019, %sign3A_1028 : i32
          %sign3A_1030 = arith.extui %sign3A_1029 : i1 to i32
          %sign3A_1031 = arith.constant 0 : i32
          %sign3A_1032 = arith.cmpi slt, %jit3A_1019, %sign3A_1031 : i32
          %sign3A_1033 = arith.extui %sign3A_1032 : i1 to i32
          %sign3A_1034 = arith.subi %sign3A_1030, %sign3A_1033 : i32
          %ne3A_1035 = arith.cmpi ne, %sign3A_1027, %sign3A_1034 : i32
          %rem3A_1036 = arith.remsi %get3A_1014, %jit3A_1019 : i32
          %ne3A_1037 = arith.constant 0 : i32
          %ne3A_1038 = arith.cmpi ne, %rem3A_1036, %ne3A_1037 : i32
          %and3A_1039 = arith.andi %ne3A_1035, %ne3A_1038 : i1
          %sub3A_1040 = arith.constant 1 : i32
          %sub3A_1041 = arith.subi %div3A_1020, %sub3A_1040 : i32
          %select_n3A_1042 = arith.select %and3A_1039, %sub3A_1041, %div3A_1020 : i32
          %broadcast_in_dim3A_1043 = vector.broadcast %select_n3A_1042 : i32 to vector<16xi32>
          %jit3A_1044 = arith.constant 128 : i32
          %eq3A_1045 = arith.constant 0 : i32
          %eq3A_1046 = arith.cmpi eq, %jit3A_1044, %eq3A_1045 : i32
          %jit3A_1047 = arith.constant 1 : i32
          %select_n3A_1048 = arith.select %eq3A_1046, %jit3A_1047, %jit3A_1044 : i32
          %rem3A_1049 = arith.remsi %get3A_1014, %select_n3A_1048 : i32
          %ne3A_1050 = arith.constant 0 : i32
          %ne3A_1051 = arith.cmpi ne, %rem3A_1049, %ne3A_1050 : i32
          %lt3A_1052 = arith.constant 0 : i32
          %lt3A_1053 = arith.cmpi slt, %rem3A_1049, %lt3A_1052 : i32
          %lt3A_1054 = arith.constant 0 : i32
          %lt3A_1055 = arith.cmpi slt, %select_n3A_1048, %lt3A_1054 : i32
          %ne3A_1056 = arith.xori %lt3A_1053, %lt3A_1055 : i1
          %and3A_1057 = arith.andi %ne3A_1056, %ne3A_1051 : i1
          %add3A_1058 = arith.addi %rem3A_1049, %select_n3A_1048 : i32
          %select_n3A_1059 = arith.select %and3A_1057, %add3A_1058, %rem3A_1049 : i32
          %broadcast_in_dim3A_1060 = vector.broadcast %select_n3A_1059 : i32 to vector<16xi32>
          %jit3A_1061 = arith.constant 128 : i32
          %eq3A_1062 = arith.constant 0 : i32
          %eq3A_1063 = arith.cmpi eq, %jit3A_1061, %eq3A_1062 : i32
          %jit3A_1064 = arith.constant 1 : i32
          %select_n3A_1065 = arith.select %eq3A_1063, %jit3A_1064, %jit3A_1061 : i32
          %rem3A_1066 = arith.remsi %squeeze3A_987, %select_n3A_1065 : i32
          %ne3A_1067 = arith.constant 0 : i32
          %ne3A_1068 = arith.cmpi ne, %rem3A_1066, %ne3A_1067 : i32
          %lt3A_1069 = arith.constant 0 : i32
          %lt3A_1070 = arith.cmpi slt, %rem3A_1066, %lt3A_1069 : i32
          %lt3A_1071 = arith.constant 0 : i32
          %lt3A_1072 = arith.cmpi slt, %select_n3A_1065, %lt3A_1071 : i32
          %ne3A_1073 = arith.xori %lt3A_1070, %lt3A_1072 : i1
          %and3A_1074 = arith.andi %ne3A_1073, %ne3A_1068 : i1
          %add3A_1075 = arith.addi %rem3A_1066, %select_n3A_1065 : i32
          %select_n3A_1076 = arith.select %and3A_1074, %add3A_1075, %rem3A_1066 : i32
          %broadcast_in_dim3A_1077 = vector.broadcast %select_n3A_1076 : i32 to vector<16xi32>
          tpu.vector_store_idx %arg8[%broadcast_in_dim3A_1043, %broadcast_in_dim3A_1060], %broadcast_in_dim3A_1077 masked %eq3A_6 : memref<17x128xi32, #tpu.memory_space<vmem>>[vector<16xi32>, vector<16xi32>], vector<16xi32>, vector<16xi1>
          %slice3A_1078 = vector.extract_strided_slice %get3A_133 {offsets = [9], sizes = [1], strides = [1]} : vector<16xi32> to vector<1xi32>
          %squeeze3A_1079 = vector.extract %slice3A_1078[0] : i32 from vector<1xi32>
          %broadcast_in_dim3A_1080 = vector.broadcast %squeeze3A_1079 : i32 to vector<16xi32>
          tpu.vector_store_idx %arg9[%broadcast_in_dim3A_1043, %broadcast_in_dim3A_1060], %broadcast_in_dim3A_1080 masked %eq3A_6 : memref<17x128xi32, #tpu.memory_space<vmem>>[vector<16xi32>, vector<16xi32>], vector<16xi32>, vector<16xi1>
          %slice3A_1081 = vector.extract_strided_slice %get3A_129 {offsets = [10], sizes = [1], strides = [1]} : vector<16xi32> to vector<1xi32>
          %squeeze3A_1082 = vector.extract %slice3A_1081[0] : i32 from vector<1xi32>
          %jit3A_1083 = arith.constant 128 : i32
          %div3A_1084 = arith.divsi %squeeze3A_1082, %jit3A_1083 : i32
          %sign3A_1085 = arith.constant 0 : i32
          %sign3A_1086 = arith.cmpi sgt, %squeeze3A_1082, %sign3A_1085 : i32
          %sign3A_1087 = arith.extui %sign3A_1086 : i1 to i32
          %sign3A_1088 = arith.constant 0 : i32
          %sign3A_1089 = arith.cmpi slt, %squeeze3A_1082, %sign3A_1088 : i32
          %sign3A_1090 = arith.extui %sign3A_1089 : i1 to i32
          %sign3A_1091 = arith.subi %sign3A_1087, %sign3A_1090 : i32
          %sign3A_1092 = arith.constant 0 : i32
          %sign3A_1093 = arith.cmpi sgt, %jit3A_1083, %sign3A_1092 : i32
          %sign3A_1094 = arith.extui %sign3A_1093 : i1 to i32
          %sign3A_1095 = arith.constant 0 : i32
          %sign3A_1096 = arith.cmpi slt, %jit3A_1083, %sign3A_1095 : i32
          %sign3A_1097 = arith.extui %sign3A_1096 : i1 to i32
          %sign3A_1098 = arith.subi %sign3A_1094, %sign3A_1097 : i32
          %ne3A_1099 = arith.cmpi ne, %sign3A_1091, %sign3A_1098 : i32
          %rem3A_1100 = arith.remsi %squeeze3A_1082, %jit3A_1083 : i32
          %ne3A_1101 = arith.constant 0 : i32
          %ne3A_1102 = arith.cmpi ne, %rem3A_1100, %ne3A_1101 : i32
          %and3A_1103 = arith.andi %ne3A_1099, %ne3A_1102 : i1
          %sub3A_1104 = arith.constant 1 : i32
          %sub3A_1105 = arith.subi %div3A_1084, %sub3A_1104 : i32
          %select_n3A_1106 = arith.select %and3A_1103, %sub3A_1105, %div3A_1084 : i32
          %sub3A_1107 = arith.subi %select_n3A_1106, %mul3A_2 : i32
          %get3A_1108 = arith.index_cast %sub3A_1107 : i32 to index
          %get3A_1109 = memref.load %arg11[%get3A_1108] : memref<256xi32, #tpu.memory_space<smem>>
          %add3A_1110 = arith.constant 1 : i32
          %add3A_1111 = arith.addi %get3A_1109, %add3A_1110 : i32
          %swap3A_1112 = arith.index_cast %sub3A_1107 : i32 to index
          %swap3A_1113 = memref.load %arg11[%swap3A_1112] : memref<256xi32, #tpu.memory_space<smem>>
          memref.store %add3A_1111, %arg11[%swap3A_1112] : memref<256xi32, #tpu.memory_space<smem>>
          %jit3A_1114 = arith.constant 128 : i32
          %div3A_1115 = arith.divsi %get3A_1109, %jit3A_1114 : i32
          %sign3A_1116 = arith.constant 0 : i32
          %sign3A_1117 = arith.cmpi sgt, %get3A_1109, %sign3A_1116 : i32
          %sign3A_1118 = arith.extui %sign3A_1117 : i1 to i32
          %sign3A_1119 = arith.constant 0 : i32
          %sign3A_1120 = arith.cmpi slt, %get3A_1109, %sign3A_1119 : i32
          %sign3A_1121 = arith.extui %sign3A_1120 : i1 to i32
          %sign3A_1122 = arith.subi %sign3A_1118, %sign3A_1121 : i32
          %sign3A_1123 = arith.constant 0 : i32
          %sign3A_1124 = arith.cmpi sgt, %jit3A_1114, %sign3A_1123 : i32
          %sign3A_1125 = arith.extui %sign3A_1124 : i1 to i32
          %sign3A_1126 = arith.constant 0 : i32
          %sign3A_1127 = arith.cmpi slt, %jit3A_1114, %sign3A_1126 : i32
          %sign3A_1128 = arith.extui %sign3A_1127 : i1 to i32
          %sign3A_1129 = arith.subi %sign3A_1125, %sign3A_1128 : i32
          %ne3A_1130 = arith.cmpi ne, %sign3A_1122, %sign3A_1129 : i32
          %rem3A_1131 = arith.remsi %get3A_1109, %jit3A_1114 : i32
          %ne3A_1132 = arith.constant 0 : i32
          %ne3A_1133 = arith.cmpi ne, %rem3A_1131, %ne3A_1132 : i32
          %and3A_1134 = arith.andi %ne3A_1130, %ne3A_1133 : i1
          %sub3A_1135 = arith.constant 1 : i32
          %sub3A_1136 = arith.subi %div3A_1115, %sub3A_1135 : i32
          %select_n3A_1137 = arith.select %and3A_1134, %sub3A_1136, %div3A_1115 : i32
          %broadcast_in_dim3A_1138 = vector.broadcast %select_n3A_1137 : i32 to vector<16xi32>
          %jit3A_1139 = arith.constant 128 : i32
          %eq3A_1140 = arith.constant 0 : i32
          %eq3A_1141 = arith.cmpi eq, %jit3A_1139, %eq3A_1140 : i32
          %jit3A_1142 = arith.constant 1 : i32
          %select_n3A_1143 = arith.select %eq3A_1141, %jit3A_1142, %jit3A_1139 : i32
          %rem3A_1144 = arith.remsi %get3A_1109, %select_n3A_1143 : i32
          %ne3A_1145 = arith.constant 0 : i32
          %ne3A_1146 = arith.cmpi ne, %rem3A_1144, %ne3A_1145 : i32
          %lt3A_1147 = arith.constant 0 : i32
          %lt3A_1148 = arith.cmpi slt, %rem3A_1144, %lt3A_1147 : i32
          %lt3A_1149 = arith.constant 0 : i32
          %lt3A_1150 = arith.cmpi slt, %select_n3A_1143, %lt3A_1149 : i32
          %ne3A_1151 = arith.xori %lt3A_1148, %lt3A_1150 : i1
          %and3A_1152 = arith.andi %ne3A_1151, %ne3A_1146 : i1
          %add3A_1153 = arith.addi %rem3A_1144, %select_n3A_1143 : i32
          %select_n3A_1154 = arith.select %and3A_1152, %add3A_1153, %rem3A_1144 : i32
          %broadcast_in_dim3A_1155 = vector.broadcast %select_n3A_1154 : i32 to vector<16xi32>
          %jit3A_1156 = arith.constant 128 : i32
          %eq3A_1157 = arith.constant 0 : i32
          %eq3A_1158 = arith.cmpi eq, %jit3A_1156, %eq3A_1157 : i32
          %jit3A_1159 = arith.constant 1 : i32
          %select_n3A_1160 = arith.select %eq3A_1158, %jit3A_1159, %jit3A_1156 : i32
          %rem3A_1161 = arith.remsi %squeeze3A_1082, %select_n3A_1160 : i32
          %ne3A_1162 = arith.constant 0 : i32
          %ne3A_1163 = arith.cmpi ne, %rem3A_1161, %ne3A_1162 : i32
          %lt3A_1164 = arith.constant 0 : i32
          %lt3A_1165 = arith.cmpi slt, %rem3A_1161, %lt3A_1164 : i32
          %lt3A_1166 = arith.constant 0 : i32
          %lt3A_1167 = arith.cmpi slt, %select_n3A_1160, %lt3A_1166 : i32
          %ne3A_1168 = arith.xori %lt3A_1165, %lt3A_1167 : i1
          %and3A_1169 = arith.andi %ne3A_1168, %ne3A_1163 : i1
          %add3A_1170 = arith.addi %rem3A_1161, %select_n3A_1160 : i32
          %select_n3A_1171 = arith.select %and3A_1169, %add3A_1170, %rem3A_1161 : i32
          %broadcast_in_dim3A_1172 = vector.broadcast %select_n3A_1171 : i32 to vector<16xi32>
          tpu.vector_store_idx %arg8[%broadcast_in_dim3A_1138, %broadcast_in_dim3A_1155], %broadcast_in_dim3A_1172 masked %eq3A_6 : memref<17x128xi32, #tpu.memory_space<vmem>>[vector<16xi32>, vector<16xi32>], vector<16xi32>, vector<16xi1>
          %slice3A_1173 = vector.extract_strided_slice %get3A_133 {offsets = [10], sizes = [1], strides = [1]} : vector<16xi32> to vector<1xi32>
          %squeeze3A_1174 = vector.extract %slice3A_1173[0] : i32 from vector<1xi32>
          %broadcast_in_dim3A_1175 = vector.broadcast %squeeze3A_1174 : i32 to vector<16xi32>
          tpu.vector_store_idx %arg9[%broadcast_in_dim3A_1138, %broadcast_in_dim3A_1155], %broadcast_in_dim3A_1175 masked %eq3A_6 : memref<17x128xi32, #tpu.memory_space<vmem>>[vector<16xi32>, vector<16xi32>], vector<16xi32>, vector<16xi1>
          %slice3A_1176 = vector.extract_strided_slice %get3A_129 {offsets = [11], sizes = [1], strides = [1]} : vector<16xi32> to vector<1xi32>
          %squeeze3A_1177 = vector.extract %slice3A_1176[0] : i32 from vector<1xi32>
          %jit3A_1178 = arith.constant 128 : i32
          %div3A_1179 = arith.divsi %squeeze3A_1177, %jit3A_1178 : i32
          %sign3A_1180 = arith.constant 0 : i32
          %sign3A_1181 = arith.cmpi sgt, %squeeze3A_1177, %sign3A_1180 : i32
          %sign3A_1182 = arith.extui %sign3A_1181 : i1 to i32
          %sign3A_1183 = arith.constant 0 : i32
          %sign3A_1184 = arith.cmpi slt, %squeeze3A_1177, %sign3A_1183 : i32
          %sign3A_1185 = arith.extui %sign3A_1184 : i1 to i32
          %sign3A_1186 = arith.subi %sign3A_1182, %sign3A_1185 : i32
          %sign3A_1187 = arith.constant 0 : i32
          %sign3A_1188 = arith.cmpi sgt, %jit3A_1178, %sign3A_1187 : i32
          %sign3A_1189 = arith.extui %sign3A_1188 : i1 to i32
          %sign3A_1190 = arith.constant 0 : i32
          %sign3A_1191 = arith.cmpi slt, %jit3A_1178, %sign3A_1190 : i32
          %sign3A_1192 = arith.extui %sign3A_1191 : i1 to i32
          %sign3A_1193 = arith.subi %sign3A_1189, %sign3A_1192 : i32
          %ne3A_1194 = arith.cmpi ne, %sign3A_1186, %sign3A_1193 : i32
          %rem3A_1195 = arith.remsi %squeeze3A_1177, %jit3A_1178 : i32
          %ne3A_1196 = arith.constant 0 : i32
          %ne3A_1197 = arith.cmpi ne, %rem3A_1195, %ne3A_1196 : i32
          %and3A_1198 = arith.andi %ne3A_1194, %ne3A_1197 : i1
          %sub3A_1199 = arith.constant 1 : i32
          %sub3A_1200 = arith.subi %div3A_1179, %sub3A_1199 : i32
          %select_n3A_1201 = arith.select %and3A_1198, %sub3A_1200, %div3A_1179 : i32
          %sub3A_1202 = arith.subi %select_n3A_1201, %mul3A_2 : i32
          %get3A_1203 = arith.index_cast %sub3A_1202 : i32 to index
          %get3A_1204 = memref.load %arg11[%get3A_1203] : memref<256xi32, #tpu.memory_space<smem>>
          %add3A_1205 = arith.constant 1 : i32
          %add3A_1206 = arith.addi %get3A_1204, %add3A_1205 : i32
          %swap3A_1207 = arith.index_cast %sub3A_1202 : i32 to index
          %swap3A_1208 = memref.load %arg11[%swap3A_1207] : memref<256xi32, #tpu.memory_space<smem>>
          memref.store %add3A_1206, %arg11[%swap3A_1207] : memref<256xi32, #tpu.memory_space<smem>>
          %jit3A_1209 = arith.constant 128 : i32
          %div3A_1210 = arith.divsi %get3A_1204, %jit3A_1209 : i32
          %sign3A_1211 = arith.constant 0 : i32
          %sign3A_1212 = arith.cmpi sgt, %get3A_1204, %sign3A_1211 : i32
          %sign3A_1213 = arith.extui %sign3A_1212 : i1 to i32
          %sign3A_1214 = arith.constant 0 : i32
          %sign3A_1215 = arith.cmpi slt, %get3A_1204, %sign3A_1214 : i32
          %sign3A_1216 = arith.extui %sign3A_1215 : i1 to i32
          %sign3A_1217 = arith.subi %sign3A_1213, %sign3A_1216 : i32
          %sign3A_1218 = arith.constant 0 : i32
          %sign3A_1219 = arith.cmpi sgt, %jit3A_1209, %sign3A_1218 : i32
          %sign3A_1220 = arith.extui %sign3A_1219 : i1 to i32
          %sign3A_1221 = arith.constant 0 : i32
          %sign3A_1222 = arith.cmpi slt, %jit3A_1209, %sign3A_1221 : i32
          %sign3A_1223 = arith.extui %sign3A_1222 : i1 to i32
          %sign3A_1224 = arith.subi %sign3A_1220, %sign3A_1223 : i32
          %ne3A_1225 = arith.cmpi ne, %sign3A_1217, %sign3A_1224 : i32
          %rem3A_1226 = arith.remsi %get3A_1204, %jit3A_1209 : i32
          %ne3A_1227 = arith.constant 0 : i32
          %ne3A_1228 = arith.cmpi ne, %rem3A_1226, %ne3A_1227 : i32
          %and3A_1229 = arith.andi %ne3A_1225, %ne3A_1228 : i1
          %sub3A_1230 = arith.constant 1 : i32
          %sub3A_1231 = arith.subi %div3A_1210, %sub3A_1230 : i32
          %select_n3A_1232 = arith.select %and3A_1229, %sub3A_1231, %div3A_1210 : i32
          %broadcast_in_dim3A_1233 = vector.broadcast %select_n3A_1232 : i32 to vector<16xi32>
          %jit3A_1234 = arith.constant 128 : i32
          %eq3A_1235 = arith.constant 0 : i32
          %eq3A_1236 = arith.cmpi eq, %jit3A_1234, %eq3A_1235 : i32
          %jit3A_1237 = arith.constant 1 : i32
          %select_n3A_1238 = arith.select %eq3A_1236, %jit3A_1237, %jit3A_1234 : i32
          %rem3A_1239 = arith.remsi %get3A_1204, %select_n3A_1238 : i32
          %ne3A_1240 = arith.constant 0 : i32
          %ne3A_1241 = arith.cmpi ne, %rem3A_1239, %ne3A_1240 : i32
          %lt3A_1242 = arith.constant 0 : i32
          %lt3A_1243 = arith.cmpi slt, %rem3A_1239, %lt3A_1242 : i32
          %lt3A_1244 = arith.constant 0 : i32
          %lt3A_1245 = arith.cmpi slt, %select_n3A_1238, %lt3A_1244 : i32
          %ne3A_1246 = arith.xori %lt3A_1243, %lt3A_1245 : i1
          %and3A_1247 = arith.andi %ne3A_1246, %ne3A_1241 : i1
          %add3A_1248 = arith.addi %rem3A_1239, %select_n3A_1238 : i32
          %select_n3A_1249 = arith.select %and3A_1247, %add3A_1248, %rem3A_1239 : i32
          %broadcast_in_dim3A_1250 = vector.broadcast %select_n3A_1249 : i32 to vector<16xi32>
          %jit3A_1251 = arith.constant 128 : i32
          %eq3A_1252 = arith.constant 0 : i32
          %eq3A_1253 = arith.cmpi eq, %jit3A_1251, %eq3A_1252 : i32
          %jit3A_1254 = arith.constant 1 : i32
          %select_n3A_1255 = arith.select %eq3A_1253, %jit3A_1254, %jit3A_1251 : i32
          %rem3A_1256 = arith.remsi %squeeze3A_1177, %select_n3A_1255 : i32
          %ne3A_1257 = arith.constant 0 : i32
          %ne3A_1258 = arith.cmpi ne, %rem3A_1256, %ne3A_1257 : i32
          %lt3A_1259 = arith.constant 0 : i32
          %lt3A_1260 = arith.cmpi slt, %rem3A_1256, %lt3A_1259 : i32
          %lt3A_1261 = arith.constant 0 : i32
          %lt3A_1262 = arith.cmpi slt, %select_n3A_1255, %lt3A_1261 : i32
          %ne3A_1263 = arith.xori %lt3A_1260, %lt3A_1262 : i1
          %and3A_1264 = arith.andi %ne3A_1263, %ne3A_1258 : i1
          %add3A_1265 = arith.addi %rem3A_1256, %select_n3A_1255 : i32
          %select_n3A_1266 = arith.select %and3A_1264, %add3A_1265, %rem3A_1256 : i32
          %broadcast_in_dim3A_1267 = vector.broadcast %select_n3A_1266 : i32 to vector<16xi32>
          tpu.vector_store_idx %arg8[%broadcast_in_dim3A_1233, %broadcast_in_dim3A_1250], %broadcast_in_dim3A_1267 masked %eq3A_6 : memref<17x128xi32, #tpu.memory_space<vmem>>[vector<16xi32>, vector<16xi32>], vector<16xi32>, vector<16xi1>
          %slice3A_1268 = vector.extract_strided_slice %get3A_133 {offsets = [11], sizes = [1], strides = [1]} : vector<16xi32> to vector<1xi32>
          %squeeze3A_1269 = vector.extract %slice3A_1268[0] : i32 from vector<1xi32>
          %broadcast_in_dim3A_1270 = vector.broadcast %squeeze3A_1269 : i32 to vector<16xi32>
          tpu.vector_store_idx %arg9[%broadcast_in_dim3A_1233, %broadcast_in_dim3A_1250], %broadcast_in_dim3A_1270 masked %eq3A_6 : memref<17x128xi32, #tpu.memory_space<vmem>>[vector<16xi32>, vector<16xi32>], vector<16xi32>, vector<16xi1>
          %slice3A_1271 = vector.extract_strided_slice %get3A_129 {offsets = [12], sizes = [1], strides = [1]} : vector<16xi32> to vector<1xi32>
          %squeeze3A_1272 = vector.extract %slice3A_1271[0] : i32 from vector<1xi32>
          %jit3A_1273 = arith.constant 128 : i32
          %div3A_1274 = arith.divsi %squeeze3A_1272, %jit3A_1273 : i32
          %sign3A_1275 = arith.constant 0 : i32
          %sign3A_1276 = arith.cmpi sgt, %squeeze3A_1272, %sign3A_1275 : i32
          %sign3A_1277 = arith.extui %sign3A_1276 : i1 to i32
          %sign3A_1278 = arith.constant 0 : i32
          %sign3A_1279 = arith.cmpi slt, %squeeze3A_1272, %sign3A_1278 : i32
          %sign3A_1280 = arith.extui %sign3A_1279 : i1 to i32
          %sign3A_1281 = arith.subi %sign3A_1277, %sign3A_1280 : i32
          %sign3A_1282 = arith.constant 0 : i32
          %sign3A_1283 = arith.cmpi sgt, %jit3A_1273, %sign3A_1282 : i32
          %sign3A_1284 = arith.extui %sign3A_1283 : i1 to i32
          %sign3A_1285 = arith.constant 0 : i32
          %sign3A_1286 = arith.cmpi slt, %jit3A_1273, %sign3A_1285 : i32
          %sign3A_1287 = arith.extui %sign3A_1286 : i1 to i32
          %sign3A_1288 = arith.subi %sign3A_1284, %sign3A_1287 : i32
          %ne3A_1289 = arith.cmpi ne, %sign3A_1281, %sign3A_1288 : i32
          %rem3A_1290 = arith.remsi %squeeze3A_1272, %jit3A_1273 : i32
          %ne3A_1291 = arith.constant 0 : i32
          %ne3A_1292 = arith.cmpi ne, %rem3A_1290, %ne3A_1291 : i32
          %and3A_1293 = arith.andi %ne3A_1289, %ne3A_1292 : i1
          %sub3A_1294 = arith.constant 1 : i32
          %sub3A_1295 = arith.subi %div3A_1274, %sub3A_1294 : i32
          %select_n3A_1296 = arith.select %and3A_1293, %sub3A_1295, %div3A_1274 : i32
          %sub3A_1297 = arith.subi %select_n3A_1296, %mul3A_2 : i32
          %get3A_1298 = arith.index_cast %sub3A_1297 : i32 to index
          %get3A_1299 = memref.load %arg11[%get3A_1298] : memref<256xi32, #tpu.memory_space<smem>>
          %add3A_1300 = arith.constant 1 : i32
          %add3A_1301 = arith.addi %get3A_1299, %add3A_1300 : i32
          %swap3A_1302 = arith.index_cast %sub3A_1297 : i32 to index
          %swap3A_1303 = memref.load %arg11[%swap3A_1302] : memref<256xi32, #tpu.memory_space<smem>>
          memref.store %add3A_1301, %arg11[%swap3A_1302] : memref<256xi32, #tpu.memory_space<smem>>
          %jit3A_1304 = arith.constant 128 : i32
          %div3A_1305 = arith.divsi %get3A_1299, %jit3A_1304 : i32
          %sign3A_1306 = arith.constant 0 : i32
          %sign3A_1307 = arith.cmpi sgt, %get3A_1299, %sign3A_1306 : i32
          %sign3A_1308 = arith.extui %sign3A_1307 : i1 to i32
          %sign3A_1309 = arith.constant 0 : i32
          %sign3A_1310 = arith.cmpi slt, %get3A_1299, %sign3A_1309 : i32
          %sign3A_1311 = arith.extui %sign3A_1310 : i1 to i32
          %sign3A_1312 = arith.subi %sign3A_1308, %sign3A_1311 : i32
          %sign3A_1313 = arith.constant 0 : i32
          %sign3A_1314 = arith.cmpi sgt, %jit3A_1304, %sign3A_1313 : i32
          %sign3A_1315 = arith.extui %sign3A_1314 : i1 to i32
          %sign3A_1316 = arith.constant 0 : i32
          %sign3A_1317 = arith.cmpi slt, %jit3A_1304, %sign3A_1316 : i32
          %sign3A_1318 = arith.extui %sign3A_1317 : i1 to i32
          %sign3A_1319 = arith.subi %sign3A_1315, %sign3A_1318 : i32
          %ne3A_1320 = arith.cmpi ne, %sign3A_1312, %sign3A_1319 : i32
          %rem3A_1321 = arith.remsi %get3A_1299, %jit3A_1304 : i32
          %ne3A_1322 = arith.constant 0 : i32
          %ne3A_1323 = arith.cmpi ne, %rem3A_1321, %ne3A_1322 : i32
          %and3A_1324 = arith.andi %ne3A_1320, %ne3A_1323 : i1
          %sub3A_1325 = arith.constant 1 : i32
          %sub3A_1326 = arith.subi %div3A_1305, %sub3A_1325 : i32
          %select_n3A_1327 = arith.select %and3A_1324, %sub3A_1326, %div3A_1305 : i32
          %broadcast_in_dim3A_1328 = vector.broadcast %select_n3A_1327 : i32 to vector<16xi32>
          %jit3A_1329 = arith.constant 128 : i32
          %eq3A_1330 = arith.constant 0 : i32
          %eq3A_1331 = arith.cmpi eq, %jit3A_1329, %eq3A_1330 : i32
          %jit3A_1332 = arith.constant 1 : i32
          %select_n3A_1333 = arith.select %eq3A_1331, %jit3A_1332, %jit3A_1329 : i32
          %rem3A_1334 = arith.remsi %get3A_1299, %select_n3A_1333 : i32
          %ne3A_1335 = arith.constant 0 : i32
          %ne3A_1336 = arith.cmpi ne, %rem3A_1334, %ne3A_1335 : i32
          %lt3A_1337 = arith.constant 0 : i32
          %lt3A_1338 = arith.cmpi slt, %rem3A_1334, %lt3A_1337 : i32
          %lt3A_1339 = arith.constant 0 : i32
          %lt3A_1340 = arith.cmpi slt, %select_n3A_1333, %lt3A_1339 : i32
          %ne3A_1341 = arith.xori %lt3A_1338, %lt3A_1340 : i1
          %and3A_1342 = arith.andi %ne3A_1341, %ne3A_1336 : i1
          %add3A_1343 = arith.addi %rem3A_1334, %select_n3A_1333 : i32
          %select_n3A_1344 = arith.select %and3A_1342, %add3A_1343, %rem3A_1334 : i32
          %broadcast_in_dim3A_1345 = vector.broadcast %select_n3A_1344 : i32 to vector<16xi32>
          %jit3A_1346 = arith.constant 128 : i32
          %eq3A_1347 = arith.constant 0 : i32
          %eq3A_1348 = arith.cmpi eq, %jit3A_1346, %eq3A_1347 : i32
          %jit3A_1349 = arith.constant 1 : i32
          %select_n3A_1350 = arith.select %eq3A_1348, %jit3A_1349, %jit3A_1346 : i32
          %rem3A_1351 = arith.remsi %squeeze3A_1272, %select_n3A_1350 : i32
          %ne3A_1352 = arith.constant 0 : i32
          %ne3A_1353 = arith.cmpi ne, %rem3A_1351, %ne3A_1352 : i32
          %lt3A_1354 = arith.constant 0 : i32
          %lt3A_1355 = arith.cmpi slt, %rem3A_1351, %lt3A_1354 : i32
          %lt3A_1356 = arith.constant 0 : i32
          %lt3A_1357 = arith.cmpi slt, %select_n3A_1350, %lt3A_1356 : i32
          %ne3A_1358 = arith.xori %lt3A_1355, %lt3A_1357 : i1
          %and3A_1359 = arith.andi %ne3A_1358, %ne3A_1353 : i1
          %add3A_1360 = arith.addi %rem3A_1351, %select_n3A_1350 : i32
          %select_n3A_1361 = arith.select %and3A_1359, %add3A_1360, %rem3A_1351 : i32
          %broadcast_in_dim3A_1362 = vector.broadcast %select_n3A_1361 : i32 to vector<16xi32>
          tpu.vector_store_idx %arg8[%broadcast_in_dim3A_1328, %broadcast_in_dim3A_1345], %broadcast_in_dim3A_1362 masked %eq3A_6 : memref<17x128xi32, #tpu.memory_space<vmem>>[vector<16xi32>, vector<16xi32>], vector<16xi32>, vector<16xi1>
          %slice3A_1363 = vector.extract_strided_slice %get3A_133 {offsets = [12], sizes = [1], strides = [1]} : vector<16xi32> to vector<1xi32>
          %squeeze3A_1364 = vector.extract %slice3A_1363[0] : i32 from vector<1xi32>
          %broadcast_in_dim3A_1365 = vector.broadcast %squeeze3A_1364 : i32 to vector<16xi32>
          tpu.vector_store_idx %arg9[%broadcast_in_dim3A_1328, %broadcast_in_dim3A_1345], %broadcast_in_dim3A_1365 masked %eq3A_6 : memref<17x128xi32, #tpu.memory_space<vmem>>[vector<16xi32>, vector<16xi32>], vector<16xi32>, vector<16xi1>
          %slice3A_1366 = vector.extract_strided_slice %get3A_129 {offsets = [13], sizes = [1], strides = [1]} : vector<16xi32> to vector<1xi32>
          %squeeze3A_1367 = vector.extract %slice3A_1366[0] : i32 from vector<1xi32>
          %jit3A_1368 = arith.constant 128 : i32
          %div3A_1369 = arith.divsi %squeeze3A_1367, %jit3A_1368 : i32
          %sign3A_1370 = arith.constant 0 : i32
          %sign3A_1371 = arith.cmpi sgt, %squeeze3A_1367, %sign3A_1370 : i32
          %sign3A_1372 = arith.extui %sign3A_1371 : i1 to i32
          %sign3A_1373 = arith.constant 0 : i32
          %sign3A_1374 = arith.cmpi slt, %squeeze3A_1367, %sign3A_1373 : i32
          %sign3A_1375 = arith.extui %sign3A_1374 : i1 to i32
          %sign3A_1376 = arith.subi %sign3A_1372, %sign3A_1375 : i32
          %sign3A_1377 = arith.constant 0 : i32
          %sign3A_1378 = arith.cmpi sgt, %jit3A_1368, %sign3A_1377 : i32
          %sign3A_1379 = arith.extui %sign3A_1378 : i1 to i32
          %sign3A_1380 = arith.constant 0 : i32
          %sign3A_1381 = arith.cmpi slt, %jit3A_1368, %sign3A_1380 : i32
          %sign3A_1382 = arith.extui %sign3A_1381 : i1 to i32
          %sign3A_1383 = arith.subi %sign3A_1379, %sign3A_1382 : i32
          %ne3A_1384 = arith.cmpi ne, %sign3A_1376, %sign3A_1383 : i32
          %rem3A_1385 = arith.remsi %squeeze3A_1367, %jit3A_1368 : i32
          %ne3A_1386 = arith.constant 0 : i32
          %ne3A_1387 = arith.cmpi ne, %rem3A_1385, %ne3A_1386 : i32
          %and3A_1388 = arith.andi %ne3A_1384, %ne3A_1387 : i1
          %sub3A_1389 = arith.constant 1 : i32
          %sub3A_1390 = arith.subi %div3A_1369, %sub3A_1389 : i32
          %select_n3A_1391 = arith.select %and3A_1388, %sub3A_1390, %div3A_1369 : i32
          %sub3A_1392 = arith.subi %select_n3A_1391, %mul3A_2 : i32
          %get3A_1393 = arith.index_cast %sub3A_1392 : i32 to index
          %get3A_1394 = memref.load %arg11[%get3A_1393] : memref<256xi32, #tpu.memory_space<smem>>
          %add3A_1395 = arith.constant 1 : i32
          %add3A_1396 = arith.addi %get3A_1394, %add3A_1395 : i32
          %swap3A_1397 = arith.index_cast %sub3A_1392 : i32 to index
          %swap3A_1398 = memref.load %arg11[%swap3A_1397] : memref<256xi32, #tpu.memory_space<smem>>
          memref.store %add3A_1396, %arg11[%swap3A_1397] : memref<256xi32, #tpu.memory_space<smem>>
          %jit3A_1399 = arith.constant 128 : i32
          %div3A_1400 = arith.divsi %get3A_1394, %jit3A_1399 : i32
          %sign3A_1401 = arith.constant 0 : i32
          %sign3A_1402 = arith.cmpi sgt, %get3A_1394, %sign3A_1401 : i32
          %sign3A_1403 = arith.extui %sign3A_1402 : i1 to i32
          %sign3A_1404 = arith.constant 0 : i32
          %sign3A_1405 = arith.cmpi slt, %get3A_1394, %sign3A_1404 : i32
          %sign3A_1406 = arith.extui %sign3A_1405 : i1 to i32
          %sign3A_1407 = arith.subi %sign3A_1403, %sign3A_1406 : i32
          %sign3A_1408 = arith.constant 0 : i32
          %sign3A_1409 = arith.cmpi sgt, %jit3A_1399, %sign3A_1408 : i32
          %sign3A_1410 = arith.extui %sign3A_1409 : i1 to i32
          %sign3A_1411 = arith.constant 0 : i32
          %sign3A_1412 = arith.cmpi slt, %jit3A_1399, %sign3A_1411 : i32
          %sign3A_1413 = arith.extui %sign3A_1412 : i1 to i32
          %sign3A_1414 = arith.subi %sign3A_1410, %sign3A_1413 : i32
          %ne3A_1415 = arith.cmpi ne, %sign3A_1407, %sign3A_1414 : i32
          %rem3A_1416 = arith.remsi %get3A_1394, %jit3A_1399 : i32
          %ne3A_1417 = arith.constant 0 : i32
          %ne3A_1418 = arith.cmpi ne, %rem3A_1416, %ne3A_1417 : i32
          %and3A_1419 = arith.andi %ne3A_1415, %ne3A_1418 : i1
          %sub3A_1420 = arith.constant 1 : i32
          %sub3A_1421 = arith.subi %div3A_1400, %sub3A_1420 : i32
          %select_n3A_1422 = arith.select %and3A_1419, %sub3A_1421, %div3A_1400 : i32
          %broadcast_in_dim3A_1423 = vector.broadcast %select_n3A_1422 : i32 to vector<16xi32>
          %jit3A_1424 = arith.constant 128 : i32
          %eq3A_1425 = arith.constant 0 : i32
          %eq3A_1426 = arith.cmpi eq, %jit3A_1424, %eq3A_1425 : i32
          %jit3A_1427 = arith.constant 1 : i32
          %select_n3A_1428 = arith.select %eq3A_1426, %jit3A_1427, %jit3A_1424 : i32
          %rem3A_1429 = arith.remsi %get3A_1394, %select_n3A_1428 : i32
          %ne3A_1430 = arith.constant 0 : i32
          %ne3A_1431 = arith.cmpi ne, %rem3A_1429, %ne3A_1430 : i32
          %lt3A_1432 = arith.constant 0 : i32
          %lt3A_1433 = arith.cmpi slt, %rem3A_1429, %lt3A_1432 : i32
          %lt3A_1434 = arith.constant 0 : i32
          %lt3A_1435 = arith.cmpi slt, %select_n3A_1428, %lt3A_1434 : i32
          %ne3A_1436 = arith.xori %lt3A_1433, %lt3A_1435 : i1
          %and3A_1437 = arith.andi %ne3A_1436, %ne3A_1431 : i1
          %add3A_1438 = arith.addi %rem3A_1429, %select_n3A_1428 : i32
          %select_n3A_1439 = arith.select %and3A_1437, %add3A_1438, %rem3A_1429 : i32
          %broadcast_in_dim3A_1440 = vector.broadcast %select_n3A_1439 : i32 to vector<16xi32>
          %jit3A_1441 = arith.constant 128 : i32
          %eq3A_1442 = arith.constant 0 : i32
          %eq3A_1443 = arith.cmpi eq, %jit3A_1441, %eq3A_1442 : i32
          %jit3A_1444 = arith.constant 1 : i32
          %select_n3A_1445 = arith.select %eq3A_1443, %jit3A_1444, %jit3A_1441 : i32
          %rem3A_1446 = arith.remsi %squeeze3A_1367, %select_n3A_1445 : i32
          %ne3A_1447 = arith.constant 0 : i32
          %ne3A_1448 = arith.cmpi ne, %rem3A_1446, %ne3A_1447 : i32
          %lt3A_1449 = arith.constant 0 : i32
          %lt3A_1450 = arith.cmpi slt, %rem3A_1446, %lt3A_1449 : i32
          %lt3A_1451 = arith.constant 0 : i32
          %lt3A_1452 = arith.cmpi slt, %select_n3A_1445, %lt3A_1451 : i32
          %ne3A_1453 = arith.xori %lt3A_1450, %lt3A_1452 : i1
          %and3A_1454 = arith.andi %ne3A_1453, %ne3A_1448 : i1
          %add3A_1455 = arith.addi %rem3A_1446, %select_n3A_1445 : i32
          %select_n3A_1456 = arith.select %and3A_1454, %add3A_1455, %rem3A_1446 : i32
          %broadcast_in_dim3A_1457 = vector.broadcast %select_n3A_1456 : i32 to vector<16xi32>
          tpu.vector_store_idx %arg8[%broadcast_in_dim3A_1423, %broadcast_in_dim3A_1440], %broadcast_in_dim3A_1457 masked %eq3A_6 : memref<17x128xi32, #tpu.memory_space<vmem>>[vector<16xi32>, vector<16xi32>], vector<16xi32>, vector<16xi1>
          %slice3A_1458 = vector.extract_strided_slice %get3A_133 {offsets = [13], sizes = [1], strides = [1]} : vector<16xi32> to vector<1xi32>
          %squeeze3A_1459 = vector.extract %slice3A_1458[0] : i32 from vector<1xi32>
          %broadcast_in_dim3A_1460 = vector.broadcast %squeeze3A_1459 : i32 to vector<16xi32>
          tpu.vector_store_idx %arg9[%broadcast_in_dim3A_1423, %broadcast_in_dim3A_1440], %broadcast_in_dim3A_1460 masked %eq3A_6 : memref<17x128xi32, #tpu.memory_space<vmem>>[vector<16xi32>, vector<16xi32>], vector<16xi32>, vector<16xi1>
          %slice3A_1461 = vector.extract_strided_slice %get3A_129 {offsets = [14], sizes = [1], strides = [1]} : vector<16xi32> to vector<1xi32>
          %squeeze3A_1462 = vector.extract %slice3A_1461[0] : i32 from vector<1xi32>
          %jit3A_1463 = arith.constant 128 : i32
          %div3A_1464 = arith.divsi %squeeze3A_1462, %jit3A_1463 : i32
          %sign3A_1465 = arith.constant 0 : i32
          %sign3A_1466 = arith.cmpi sgt, %squeeze3A_1462, %sign3A_1465 : i32
          %sign3A_1467 = arith.extui %sign3A_1466 : i1 to i32
          %sign3A_1468 = arith.constant 0 : i32
          %sign3A_1469 = arith.cmpi slt, %squeeze3A_1462, %sign3A_1468 : i32
          %sign3A_1470 = arith.extui %sign3A_1469 : i1 to i32
          %sign3A_1471 = arith.subi %sign3A_1467, %sign3A_1470 : i32
          %sign3A_1472 = arith.constant 0 : i32
          %sign3A_1473 = arith.cmpi sgt, %jit3A_1463, %sign3A_1472 : i32
          %sign3A_1474 = arith.extui %sign3A_1473 : i1 to i32
          %sign3A_1475 = arith.constant 0 : i32
          %sign3A_1476 = arith.cmpi slt, %jit3A_1463, %sign3A_1475 : i32
          %sign3A_1477 = arith.extui %sign3A_1476 : i1 to i32
          %sign3A_1478 = arith.subi %sign3A_1474, %sign3A_1477 : i32
          %ne3A_1479 = arith.cmpi ne, %sign3A_1471, %sign3A_1478 : i32
          %rem3A_1480 = arith.remsi %squeeze3A_1462, %jit3A_1463 : i32
          %ne3A_1481 = arith.constant 0 : i32
          %ne3A_1482 = arith.cmpi ne, %rem3A_1480, %ne3A_1481 : i32
          %and3A_1483 = arith.andi %ne3A_1479, %ne3A_1482 : i1
          %sub3A_1484 = arith.constant 1 : i32
          %sub3A_1485 = arith.subi %div3A_1464, %sub3A_1484 : i32
          %select_n3A_1486 = arith.select %and3A_1483, %sub3A_1485, %div3A_1464 : i32
          %sub3A_1487 = arith.subi %select_n3A_1486, %mul3A_2 : i32
          %get3A_1488 = arith.index_cast %sub3A_1487 : i32 to index
          %get3A_1489 = memref.load %arg11[%get3A_1488] : memref<256xi32, #tpu.memory_space<smem>>
          %add3A_1490 = arith.constant 1 : i32
          %add3A_1491 = arith.addi %get3A_1489, %add3A_1490 : i32
          %swap3A_1492 = arith.index_cast %sub3A_1487 : i32 to index
          %swap3A_1493 = memref.load %arg11[%swap3A_1492] : memref<256xi32, #tpu.memory_space<smem>>
          memref.store %add3A_1491, %arg11[%swap3A_1492] : memref<256xi32, #tpu.memory_space<smem>>
          %jit3A_1494 = arith.constant 128 : i32
          %div3A_1495 = arith.divsi %get3A_1489, %jit3A_1494 : i32
          %sign3A_1496 = arith.constant 0 : i32
          %sign3A_1497 = arith.cmpi sgt, %get3A_1489, %sign3A_1496 : i32
          %sign3A_1498 = arith.extui %sign3A_1497 : i1 to i32
          %sign3A_1499 = arith.constant 0 : i32
          %sign3A_1500 = arith.cmpi slt, %get3A_1489, %sign3A_1499 : i32
          %sign3A_1501 = arith.extui %sign3A_1500 : i1 to i32
          %sign3A_1502 = arith.subi %sign3A_1498, %sign3A_1501 : i32
          %sign3A_1503 = arith.constant 0 : i32
          %sign3A_1504 = arith.cmpi sgt, %jit3A_1494, %sign3A_1503 : i32
          %sign3A_1505 = arith.extui %sign3A_1504 : i1 to i32
          %sign3A_1506 = arith.constant 0 : i32
          %sign3A_1507 = arith.cmpi slt, %jit3A_1494, %sign3A_1506 : i32
          %sign3A_1508 = arith.extui %sign3A_1507 : i1 to i32
          %sign3A_1509 = arith.subi %sign3A_1505, %sign3A_1508 : i32
          %ne3A_1510 = arith.cmpi ne, %sign3A_1502, %sign3A_1509 : i32
          %rem3A_1511 = arith.remsi %get3A_1489, %jit3A_1494 : i32
          %ne3A_1512 = arith.constant 0 : i32
          %ne3A_1513 = arith.cmpi ne, %rem3A_1511, %ne3A_1512 : i32
          %and3A_1514 = arith.andi %ne3A_1510, %ne3A_1513 : i1
          %sub3A_1515 = arith.constant 1 : i32
          %sub3A_1516 = arith.subi %div3A_1495, %sub3A_1515 : i32
          %select_n3A_1517 = arith.select %and3A_1514, %sub3A_1516, %div3A_1495 : i32
          %broadcast_in_dim3A_1518 = vector.broadcast %select_n3A_1517 : i32 to vector<16xi32>
          %jit3A_1519 = arith.constant 128 : i32
          %eq3A_1520 = arith.constant 0 : i32
          %eq3A_1521 = arith.cmpi eq, %jit3A_1519, %eq3A_1520 : i32
          %jit3A_1522 = arith.constant 1 : i32
          %select_n3A_1523 = arith.select %eq3A_1521, %jit3A_1522, %jit3A_1519 : i32
          %rem3A_1524 = arith.remsi %get3A_1489, %select_n3A_1523 : i32
          %ne3A_1525 = arith.constant 0 : i32
          %ne3A_1526 = arith.cmpi ne, %rem3A_1524, %ne3A_1525 : i32
          %lt3A_1527 = arith.constant 0 : i32
          %lt3A_1528 = arith.cmpi slt, %rem3A_1524, %lt3A_1527 : i32
          %lt3A_1529 = arith.constant 0 : i32
          %lt3A_1530 = arith.cmpi slt, %select_n3A_1523, %lt3A_1529 : i32
          %ne3A_1531 = arith.xori %lt3A_1528, %lt3A_1530 : i1
          %and3A_1532 = arith.andi %ne3A_1531, %ne3A_1526 : i1
          %add3A_1533 = arith.addi %rem3A_1524, %select_n3A_1523 : i32
          %select_n3A_1534 = arith.select %and3A_1532, %add3A_1533, %rem3A_1524 : i32
          %broadcast_in_dim3A_1535 = vector.broadcast %select_n3A_1534 : i32 to vector<16xi32>
          %jit3A_1536 = arith.constant 128 : i32
          %eq3A_1537 = arith.constant 0 : i32
          %eq3A_1538 = arith.cmpi eq, %jit3A_1536, %eq3A_1537 : i32
          %jit3A_1539 = arith.constant 1 : i32
          %select_n3A_1540 = arith.select %eq3A_1538, %jit3A_1539, %jit3A_1536 : i32
          %rem3A_1541 = arith.remsi %squeeze3A_1462, %select_n3A_1540 : i32
          %ne3A_1542 = arith.constant 0 : i32
          %ne3A_1543 = arith.cmpi ne, %rem3A_1541, %ne3A_1542 : i32
          %lt3A_1544 = arith.constant 0 : i32
          %lt3A_1545 = arith.cmpi slt, %rem3A_1541, %lt3A_1544 : i32
          %lt3A_1546 = arith.constant 0 : i32
          %lt3A_1547 = arith.cmpi slt, %select_n3A_1540, %lt3A_1546 : i32
          %ne3A_1548 = arith.xori %lt3A_1545, %lt3A_1547 : i1
          %and3A_1549 = arith.andi %ne3A_1548, %ne3A_1543 : i1
          %add3A_1550 = arith.addi %rem3A_1541, %select_n3A_1540 : i32
          %select_n3A_1551 = arith.select %and3A_1549, %add3A_1550, %rem3A_1541 : i32
          %broadcast_in_dim3A_1552 = vector.broadcast %select_n3A_1551 : i32 to vector<16xi32>
          tpu.vector_store_idx %arg8[%broadcast_in_dim3A_1518, %broadcast_in_dim3A_1535], %broadcast_in_dim3A_1552 masked %eq3A_6 : memref<17x128xi32, #tpu.memory_space<vmem>>[vector<16xi32>, vector<16xi32>], vector<16xi32>, vector<16xi1>
          %slice3A_1553 = vector.extract_strided_slice %get3A_133 {offsets = [14], sizes = [1], strides = [1]} : vector<16xi32> to vector<1xi32>
          %squeeze3A_1554 = vector.extract %slice3A_1553[0] : i32 from vector<1xi32>
          %broadcast_in_dim3A_1555 = vector.broadcast %squeeze3A_1554 : i32 to vector<16xi32>
          tpu.vector_store_idx %arg9[%broadcast_in_dim3A_1518, %broadcast_in_dim3A_1535], %broadcast_in_dim3A_1555 masked %eq3A_6 : memref<17x128xi32, #tpu.memory_space<vmem>>[vector<16xi32>, vector<16xi32>], vector<16xi32>, vector<16xi1>
          %slice3A_1556 = vector.extract_strided_slice %get3A_129 {offsets = [15], sizes = [1], strides = [1]} : vector<16xi32> to vector<1xi32>
          %squeeze3A_1557 = vector.extract %slice3A_1556[0] : i32 from vector<1xi32>
          %jit3A_1558 = arith.constant 128 : i32
          %div3A_1559 = arith.divsi %squeeze3A_1557, %jit3A_1558 : i32
          %sign3A_1560 = arith.constant 0 : i32
          %sign3A_1561 = arith.cmpi sgt, %squeeze3A_1557, %sign3A_1560 : i32
          %sign3A_1562 = arith.extui %sign3A_1561 : i1 to i32
          %sign3A_1563 = arith.constant 0 : i32
          %sign3A_1564 = arith.cmpi slt, %squeeze3A_1557, %sign3A_1563 : i32
          %sign3A_1565 = arith.extui %sign3A_1564 : i1 to i32
          %sign3A_1566 = arith.subi %sign3A_1562, %sign3A_1565 : i32
          %sign3A_1567 = arith.constant 0 : i32
          %sign3A_1568 = arith.cmpi sgt, %jit3A_1558, %sign3A_1567 : i32
          %sign3A_1569 = arith.extui %sign3A_1568 : i1 to i32
          %sign3A_1570 = arith.constant 0 : i32
          %sign3A_1571 = arith.cmpi slt, %jit3A_1558, %sign3A_1570 : i32
          %sign3A_1572 = arith.extui %sign3A_1571 : i1 to i32
          %sign3A_1573 = arith.subi %sign3A_1569, %sign3A_1572 : i32
          %ne3A_1574 = arith.cmpi ne, %sign3A_1566, %sign3A_1573 : i32
          %rem3A_1575 = arith.remsi %squeeze3A_1557, %jit3A_1558 : i32
          %ne3A_1576 = arith.constant 0 : i32
          %ne3A_1577 = arith.cmpi ne, %rem3A_1575, %ne3A_1576 : i32
          %and3A_1578 = arith.andi %ne3A_1574, %ne3A_1577 : i1
          %sub3A_1579 = arith.constant 1 : i32
          %sub3A_1580 = arith.subi %div3A_1559, %sub3A_1579 : i32
          %select_n3A_1581 = arith.select %and3A_1578, %sub3A_1580, %div3A_1559 : i32
          %sub3A_1582 = arith.subi %select_n3A_1581, %mul3A_2 : i32
          %get3A_1583 = arith.index_cast %sub3A_1582 : i32 to index
          %get3A_1584 = memref.load %arg11[%get3A_1583] : memref<256xi32, #tpu.memory_space<smem>>
          %add3A_1585 = arith.constant 1 : i32
          %add3A_1586 = arith.addi %get3A_1584, %add3A_1585 : i32
          %swap3A_1587 = arith.index_cast %sub3A_1582 : i32 to index
          %swap3A_1588 = memref.load %arg11[%swap3A_1587] : memref<256xi32, #tpu.memory_space<smem>>
          memref.store %add3A_1586, %arg11[%swap3A_1587] : memref<256xi32, #tpu.memory_space<smem>>
          %jit3A_1589 = arith.constant 128 : i32
          %div3A_1590 = arith.divsi %get3A_1584, %jit3A_1589 : i32
          %sign3A_1591 = arith.constant 0 : i32
          %sign3A_1592 = arith.cmpi sgt, %get3A_1584, %sign3A_1591 : i32
          %sign3A_1593 = arith.extui %sign3A_1592 : i1 to i32
          %sign3A_1594 = arith.constant 0 : i32
          %sign3A_1595 = arith.cmpi slt, %get3A_1584, %sign3A_1594 : i32
          %sign3A_1596 = arith.extui %sign3A_1595 : i1 to i32
          %sign3A_1597 = arith.subi %sign3A_1593, %sign3A_1596 : i32
          %sign3A_1598 = arith.constant 0 : i32
          %sign3A_1599 = arith.cmpi sgt, %jit3A_1589, %sign3A_1598 : i32
          %sign3A_1600 = arith.extui %sign3A_1599 : i1 to i32
          %sign3A_1601 = arith.constant 0 : i32
          %sign3A_1602 = arith.cmpi slt, %jit3A_1589, %sign3A_1601 : i32
          %sign3A_1603 = arith.extui %sign3A_1602 : i1 to i32
          %sign3A_1604 = arith.subi %sign3A_1600, %sign3A_1603 : i32
          %ne3A_1605 = arith.cmpi ne, %sign3A_1597, %sign3A_1604 : i32
          %rem3A_1606 = arith.remsi %get3A_1584, %jit3A_1589 : i32
          %ne3A_1607 = arith.constant 0 : i32
          %ne3A_1608 = arith.cmpi ne, %rem3A_1606, %ne3A_1607 : i32
          %and3A_1609 = arith.andi %ne3A_1605, %ne3A_1608 : i1
          %sub3A_1610 = arith.constant 1 : i32
          %sub3A_1611 = arith.subi %div3A_1590, %sub3A_1610 : i32
          %select_n3A_1612 = arith.select %and3A_1609, %sub3A_1611, %div3A_1590 : i32
          %broadcast_in_dim3A_1613 = vector.broadcast %select_n3A_1612 : i32 to vector<16xi32>
          %jit3A_1614 = arith.constant 128 : i32
          %eq3A_1615 = arith.constant 0 : i32
          %eq3A_1616 = arith.cmpi eq, %jit3A_1614, %eq3A_1615 : i32
          %jit3A_1617 = arith.constant 1 : i32
          %select_n3A_1618 = arith.select %eq3A_1616, %jit3A_1617, %jit3A_1614 : i32
          %rem3A_1619 = arith.remsi %get3A_1584, %select_n3A_1618 : i32
          %ne3A_1620 = arith.constant 0 : i32
          %ne3A_1621 = arith.cmpi ne, %rem3A_1619, %ne3A_1620 : i32
          %lt3A_1622 = arith.constant 0 : i32
          %lt3A_1623 = arith.cmpi slt, %rem3A_1619, %lt3A_1622 : i32
          %lt3A_1624 = arith.constant 0 : i32
          %lt3A_1625 = arith.cmpi slt, %select_n3A_1618, %lt3A_1624 : i32
          %ne3A_1626 = arith.xori %lt3A_1623, %lt3A_1625 : i1
          %and3A_1627 = arith.andi %ne3A_1626, %ne3A_1621 : i1
          %add3A_1628 = arith.addi %rem3A_1619, %select_n3A_1618 : i32
          %select_n3A_1629 = arith.select %and3A_1627, %add3A_1628, %rem3A_1619 : i32
          %broadcast_in_dim3A_1630 = vector.broadcast %select_n3A_1629 : i32 to vector<16xi32>
          %jit3A_1631 = arith.constant 128 : i32
          %eq3A_1632 = arith.constant 0 : i32
          %eq3A_1633 = arith.cmpi eq, %jit3A_1631, %eq3A_1632 : i32
          %jit3A_1634 = arith.constant 1 : i32
          %select_n3A_1635 = arith.select %eq3A_1633, %jit3A_1634, %jit3A_1631 : i32
          %rem3A_1636 = arith.remsi %squeeze3A_1557, %select_n3A_1635 : i32
          %ne3A_1637 = arith.constant 0 : i32
          %ne3A_1638 = arith.cmpi ne, %rem3A_1636, %ne3A_1637 : i32
          %lt3A_1639 = arith.constant 0 : i32
          %lt3A_1640 = arith.cmpi slt, %rem3A_1636, %lt3A_1639 : i32
          %lt3A_1641 = arith.constant 0 : i32
          %lt3A_1642 = arith.cmpi slt, %select_n3A_1635, %lt3A_1641 : i32
          %ne3A_1643 = arith.xori %lt3A_1640, %lt3A_1642 : i1
          %and3A_1644 = arith.andi %ne3A_1643, %ne3A_1638 : i1
          %add3A_1645 = arith.addi %rem3A_1636, %select_n3A_1635 : i32
          %select_n3A_1646 = arith.select %and3A_1644, %add3A_1645, %rem3A_1636 : i32
          %broadcast_in_dim3A_1647 = vector.broadcast %select_n3A_1646 : i32 to vector<16xi32>
          tpu.vector_store_idx %arg8[%broadcast_in_dim3A_1613, %broadcast_in_dim3A_1630], %broadcast_in_dim3A_1647 masked %eq3A_6 : memref<17x128xi32, #tpu.memory_space<vmem>>[vector<16xi32>, vector<16xi32>], vector<16xi32>, vector<16xi1>
          %slice3A_1648 = vector.extract_strided_slice %get3A_133 {offsets = [15], sizes = [1], strides = [1]} : vector<16xi32> to vector<1xi32>
          %squeeze3A_1649 = vector.extract %slice3A_1648[0] : i32 from vector<1xi32>
          %broadcast_in_dim3A_1650 = vector.broadcast %squeeze3A_1649 : i32 to vector<16xi32>
          tpu.vector_store_idx %arg9[%broadcast_in_dim3A_1613, %broadcast_in_dim3A_1630], %broadcast_in_dim3A_1650 masked %eq3A_6 : memref<17x128xi32, #tpu.memory_space<vmem>>[vector<16xi32>, vector<16xi32>], vector<16xi32>, vector<16xi1>
        }
        %min3A = arith.constant 8 : i32
        %min3A_106 = arith.minsi %scan3A_93#1, %min3A : i32
        %while3A_107 = arith.constant 0 : i32
        %while3A_108 = arith.subi %min3A_106, %while3A_107 : i32
        %while3A_109 = arith.addi %while3A_107, %while3A_108 : i32
        %while3A_110 = arith.constant 1 : i32
        %while3A_111 = arith.divsi %while3A_108, %while3A_110 : i32
        %while3A_112 = arith.muli %while3A_111, %while3A_110 : i32
        %while3A_113 = arith.addi %while3A_107, %while3A_112 : i32
        %while3A_114 = arith.constant 1 : i32
        scf.for %while3A_125 = %while3A_107 to %while3A_113 step %while3A_114  : i32 {
          %get3A_126 = arith.index_cast %while3A_125 : i32 to index
          %get3A_127 = memref.load %arg13[%get3A_126] : memref<256xi32, #tpu.memory_space<smem>>
          %mul3A_128 = arith.constant 128 : i32
          %mul3A_129 = arith.muli %get3A_127, %mul3A_128 : i32
          %multiple_of3A = tpu.assume_multiple %mul3A_129, 128 : i32
          %dma_start3A = arith.constant 0 : i32
          %dma_start3A_130 = arith.constant 0 : i32
          %dma_start3A_131 = tpu.memref_slice %arg15[%while3A_125, %dma_start3A, %dma_start3A_130] : memref<9x64x128xf32, #tpu.memory_space<vmem>> -> memref<1x64x128xf32, #tpu.memory_space<vmem>>
          %dma_start3A_132 = tpu.memref_squeeze %dma_start3A_131 : memref<1x64x128xf32, #tpu.memory_space<vmem>> -> memref<64x128xf32, #tpu.memory_space<vmem>>
          %dma_start3A_133 = arith.constant 0 : i32
          %dma_start3A_134 = tpu.memref_slice %arg3[%dma_start3A_133, %multiple_of3A] : memref<64x1000000xf32, #tpu.memory_space<hbm>> -> memref<64x128xf32, #tpu.memory_space<hbm>>
          %dma_start3A_135 = tpu.memref_slice %arg16[%while3A_125] : memref<9x!tpu.dma_semaphore, #tpu.memory_space<semaphore_mem>> -> memref<1x!tpu.dma_semaphore, #tpu.memory_space<semaphore_mem>>
          %dma_start3A_136 = tpu.memref_squeeze %dma_start3A_135 : memref<1x!tpu.dma_semaphore, #tpu.memory_space<semaphore_mem>> -> memref<!tpu.dma_semaphore, #tpu.memory_space<semaphore_mem>>
          %dma_start3A_137 = arith.constant 0 : i32
          %dma_start3A_138 = arith.constant 0 : i32
          %dma_start3A_139 = tpu.memref_slice %arg15[%while3A_125, %dma_start3A_137, %dma_start3A_138] : memref<9x64x128xf32, #tpu.memory_space<vmem>> -> memref<1x64x128xf32, #tpu.memory_space<vmem>>
          %dma_start3A_140 = tpu.memref_squeeze %dma_start3A_139 : memref<1x64x128xf32, #tpu.memory_space<vmem>> -> memref<64x128xf32, #tpu.memory_space<vmem>>
          %dma_start3A_141 = arith.constant 0 : i32
          %dma_start3A_142 = tpu.memref_slice %arg3[%dma_start3A_141, %multiple_of3A] : memref<64x1000000xf32, #tpu.memory_space<hbm>> -> memref<64x128xf32, #tpu.memory_space<hbm>>
          tpu.enqueue_dma source(%dma_start3A_142 : memref<64x128xf32, #tpu.memory_space<hbm>>) target(%dma_start3A_140 : memref<64x128xf32, #tpu.memory_space<vmem>>) target_semaphore(%dma_start3A_136 : memref<!tpu.dma_semaphore, #tpu.memory_space<semaphore_mem>>)
        }
        %while3A_115 = arith.constant 1 : i32
        scf.for %while3A_125 = %while3A_113 to %while3A_109 step %while3A_115  : i32 {
          %get3A_126 = arith.index_cast %while3A_125 : i32 to index
          %get3A_127 = memref.load %arg13[%get3A_126] : memref<256xi32, #tpu.memory_space<smem>>
          %mul3A_128 = arith.constant 128 : i32
          %mul3A_129 = arith.muli %get3A_127, %mul3A_128 : i32
          %multiple_of3A = tpu.assume_multiple %mul3A_129, 128 : i32
          %dma_start3A = arith.constant 0 : i32
          %dma_start3A_130 = arith.constant 0 : i32
          %dma_start3A_131 = tpu.memref_slice %arg15[%while3A_125, %dma_start3A, %dma_start3A_130] : memref<9x64x128xf32, #tpu.memory_space<vmem>> -> memref<1x64x128xf32, #tpu.memory_space<vmem>>
          %dma_start3A_132 = tpu.memref_squeeze %dma_start3A_131 : memref<1x64x128xf32, #tpu.memory_space<vmem>> -> memref<64x128xf32, #tpu.memory_space<vmem>>
          %dma_start3A_133 = arith.constant 0 : i32
          %dma_start3A_134 = tpu.memref_slice %arg3[%dma_start3A_133, %multiple_of3A] : memref<64x1000000xf32, #tpu.memory_space<hbm>> -> memref<64x128xf32, #tpu.memory_space<hbm>>
          %dma_start3A_135 = tpu.memref_slice %arg16[%while3A_125] : memref<9x!tpu.dma_semaphore, #tpu.memory_space<semaphore_mem>> -> memref<1x!tpu.dma_semaphore, #tpu.memory_space<semaphore_mem>>
          %dma_start3A_136 = tpu.memref_squeeze %dma_start3A_135 : memref<1x!tpu.dma_semaphore, #tpu.memory_space<semaphore_mem>> -> memref<!tpu.dma_semaphore, #tpu.memory_space<semaphore_mem>>
          %dma_start3A_137 = arith.constant 0 : i32
          %dma_start3A_138 = arith.constant 0 : i32
          %dma_start3A_139 = tpu.memref_slice %arg15[%while3A_125, %dma_start3A_137, %dma_start3A_138] : memref<9x64x128xf32, #tpu.memory_space<vmem>> -> memref<1x64x128xf32, #tpu.memory_space<vmem>>
          %dma_start3A_140 = tpu.memref_squeeze %dma_start3A_139 : memref<1x64x128xf32, #tpu.memory_space<vmem>> -> memref<64x128xf32, #tpu.memory_space<vmem>>
          %dma_start3A_141 = arith.constant 0 : i32
          %dma_start3A_142 = tpu.memref_slice %arg3[%dma_start3A_141, %multiple_of3A] : memref<64x1000000xf32, #tpu.memory_space<hbm>> -> memref<64x128xf32, #tpu.memory_space<hbm>>
          tpu.enqueue_dma source(%dma_start3A_142 : memref<64x128xf32, #tpu.memory_space<hbm>>) target(%dma_start3A_140 : memref<64x128xf32, #tpu.memory_space<vmem>>) target_semaphore(%dma_start3A_136 : memref<!tpu.dma_semaphore, #tpu.memory_space<semaphore_mem>>)
        }
        %while3A_116 = arith.constant 0 : i32
        %while3A_117 = arith.subi %scan3A_93#1, %while3A_116 : i32
        %while3A_118 = arith.addi %while3A_116, %while3A_117 : i32
        %while3A_119 = arith.constant 1 : i32
        %while3A_120 = arith.divsi %while3A_117, %while3A_119 : i32
        %while3A_121 = arith.muli %while3A_120, %while3A_119 : i32
        %while3A_122 = arith.addi %while3A_116, %while3A_121 : i32
        %while3A_123 = arith.constant 1 : i32
        scf.for %while3A_125 = %while3A_116 to %while3A_122 step %while3A_123  : i32 {
          %rem3A_126 = arith.constant 9 : i32
          %rem3A_127 = arith.remsi %while3A_125, %rem3A_126 : i32
          %dma_wait3A = arith.constant 0 : i32
          %dma_wait3A_128 = arith.constant 0 : i32
          %dma_wait3A_129 = tpu.memref_slice %arg15[%rem3A_127, %dma_wait3A, %dma_wait3A_128] : memref<9x64x128xf32, #tpu.memory_space<vmem>> -> memref<1x64x128xf32, #tpu.memory_space<vmem>>
          %dma_wait3A_130 = tpu.memref_squeeze %dma_wait3A_129 : memref<1x64x128xf32, #tpu.memory_space<vmem>> -> memref<64x128xf32, #tpu.memory_space<vmem>>
          %dma_wait3A_131 = arith.constant 0 : i32
          %dma_wait3A_132 = arith.constant 0 : i32
          %dma_wait3A_133 = tpu.memref_slice %arg3[%dma_wait3A_131, %dma_wait3A_132] : memref<64x1000000xf32, #tpu.memory_space<hbm>> -> memref<64x128xf32, #tpu.memory_space<hbm>>
          %dma_wait3A_134 = tpu.memref_slice %arg16[%rem3A_127] : memref<9x!tpu.dma_semaphore, #tpu.memory_space<semaphore_mem>> -> memref<1x!tpu.dma_semaphore, #tpu.memory_space<semaphore_mem>>
          %dma_wait3A_135 = tpu.memref_squeeze %dma_wait3A_134 : memref<1x!tpu.dma_semaphore, #tpu.memory_space<semaphore_mem>> -> memref<!tpu.dma_semaphore, #tpu.memory_space<semaphore_mem>>
          %dma_wait3A_136 = arith.constant 0 : i32
          %dma_wait3A_137 = arith.constant 0 : i32
          %dma_wait3A_138 = tpu.memref_slice %arg15[%rem3A_127, %dma_wait3A_136, %dma_wait3A_137] : memref<9x64x128xf32, #tpu.memory_space<vmem>> -> memref<1x64x128xf32, #tpu.memory_space<vmem>>
          %dma_wait3A_139 = tpu.memref_squeeze %dma_wait3A_138 : memref<1x64x128xf32, #tpu.memory_space<vmem>> -> memref<64x128xf32, #tpu.memory_space<vmem>>
          %dma_wait3A_140 = arith.constant 0 : i32
          %dma_wait3A_141 = arith.constant 0 : i32
          %dma_wait3A_142 = tpu.memref_slice %arg3[%dma_wait3A_140, %dma_wait3A_141] : memref<64x1000000xf32, #tpu.memory_space<hbm>> -> memref<64x128xf32, #tpu.memory_space<hbm>>
          tpu.wait_dma2 semaphore(%dma_wait3A_135 : memref<!tpu.dma_semaphore, #tpu.memory_space<semaphore_mem>>) src(%dma_wait3A_142 : memref<64x128xf32, #tpu.memory_space<hbm>>) dst(%dma_wait3A_139 : memref<64x128xf32, #tpu.memory_space<vmem>>)
          %add3A_143 = arith.constant 9 : i32
          %add3A_144 = arith.addi %while3A_125, %add3A_143 : i32
          %sub3A_145 = arith.constant 1 : i32
          %sub3A_146 = arith.subi %add3A_144, %sub3A_145 : i32
          %lt3A = arith.cmpi slt, %sub3A_146, %scan3A_93#1 : i32
          %convert_element_type3A_147 = arith.extui %lt3A : i1 to i32
          %cond3A_148 = arith.constant 0 : i32
          %cond3A_149 = arith.cmpi ne, %convert_element_type3A_147, %cond3A_148 : i32
          scf.if %cond3A_149 {
            %add3A_164 = arith.constant 9 : i32
            %add3A_165 = arith.addi %while3A_125, %add3A_164 : i32
            %sub3A_166 = arith.constant 1 : i32
            %sub3A_167 = arith.subi %add3A_165, %sub3A_166 : i32
            %rem3A_168 = arith.constant 9 : i32
            %rem3A_169 = arith.remsi %sub3A_167, %rem3A_168 : i32
            %get3A_170 = arith.index_cast %sub3A_167 : i32 to index
            %get3A_171 = memref.load %arg13[%get3A_170] : memref<256xi32, #tpu.memory_space<smem>>
            %mul3A_172 = arith.constant 128 : i32
            %mul3A_173 = arith.muli %get3A_171, %mul3A_172 : i32
            %multiple_of3A = tpu.assume_multiple %mul3A_173, 128 : i32
            %dma_start3A = arith.constant 0 : i32
            %dma_start3A_174 = arith.constant 0 : i32
            %dma_start3A_175 = tpu.memref_slice %arg15[%rem3A_169, %dma_start3A, %dma_start3A_174] : memref<9x64x128xf32, #tpu.memory_space<vmem>> -> memref<1x64x128xf32, #tpu.memory_space<vmem>>
            %dma_start3A_176 = tpu.memref_squeeze %dma_start3A_175 : memref<1x64x128xf32, #tpu.memory_space<vmem>> -> memref<64x128xf32, #tpu.memory_space<vmem>>
            %dma_start3A_177 = arith.constant 0 : i32
            %dma_start3A_178 = tpu.memref_slice %arg3[%dma_start3A_177, %multiple_of3A] : memref<64x1000000xf32, #tpu.memory_space<hbm>> -> memref<64x128xf32, #tpu.memory_space<hbm>>
            %dma_start3A_179 = tpu.memref_slice %arg16[%rem3A_169] : memref<9x!tpu.dma_semaphore, #tpu.memory_space<semaphore_mem>> -> memref<1x!tpu.dma_semaphore, #tpu.memory_space<semaphore_mem>>
            %dma_start3A_180 = tpu.memref_squeeze %dma_start3A_179 : memref<1x!tpu.dma_semaphore, #tpu.memory_space<semaphore_mem>> -> memref<!tpu.dma_semaphore, #tpu.memory_space<semaphore_mem>>
            %dma_start3A_181 = arith.constant 0 : i32
            %dma_start3A_182 = arith.constant 0 : i32
            %dma_start3A_183 = tpu.memref_slice %arg15[%rem3A_169, %dma_start3A_181, %dma_start3A_182] : memref<9x64x128xf32, #tpu.memory_space<vmem>> -> memref<1x64x128xf32, #tpu.memory_space<vmem>>
            %dma_start3A_184 = tpu.memref_squeeze %dma_start3A_183 : memref<1x64x128xf32, #tpu.memory_space<vmem>> -> memref<64x128xf32, #tpu.memory_space<vmem>>
            %dma_start3A_185 = arith.constant 0 : i32
            %dma_start3A_186 = tpu.memref_slice %arg3[%dma_start3A_185, %multiple_of3A] : memref<64x1000000xf32, #tpu.memory_space<hbm>> -> memref<64x128xf32, #tpu.memory_space<hbm>>
            tpu.enqueue_dma source(%dma_start3A_186 : memref<64x128xf32, #tpu.memory_space<hbm>>) target(%dma_start3A_184 : memref<64x128xf32, #tpu.memory_space<vmem>>) target_semaphore(%dma_start3A_180 : memref<!tpu.dma_semaphore, #tpu.memory_space<semaphore_mem>>)
          } else {
          }
          %get3A_150 = arith.index_cast %while3A_125 : i32 to index
          %get3A_151 = memref.load %arg12[%get3A_150] : memref<258xi32, #tpu.memory_space<smem>>
          %add3A_152 = arith.constant 1 : i32
          %add3A_153 = arith.addi %while3A_125, %add3A_152 : i32
          %get3A_154 = arith.index_cast %add3A_153 : i32 to index
          %get3A_155 = memref.load %arg12[%get3A_154] : memref<258xi32, #tpu.memory_space<smem>>
          %while3A_156 = arith.subi %get3A_155, %get3A_151 : i32
          %while3A_157 = arith.addi %get3A_151, %while3A_156 : i32
          %while3A_158 = arith.constant 1 : i32
          %while3A_159 = arith.divsi %while3A_156, %while3A_158 : i32
          %while3A_160 = arith.muli %while3A_159, %while3A_158 : i32
          %while3A_161 = arith.addi %get3A_151, %while3A_160 : i32
          %while3A_162 = arith.constant 1 : i32
          scf.for %while3A_164 = %get3A_151 to %while3A_161 step %while3A_162  : i32 {
            %jit3A_165 = arith.constant 128 : i32
            %div3A_166 = arith.divsi %while3A_164, %jit3A_165 : i32
            %sign3A_167 = arith.constant 0 : i32
            %sign3A_168 = arith.cmpi sgt, %while3A_164, %sign3A_167 : i32
            %sign3A_169 = arith.extui %sign3A_168 : i1 to i32
            %sign3A_170 = arith.constant 0 : i32
            %sign3A_171 = arith.cmpi slt, %while3A_164, %sign3A_170 : i32
            %sign3A_172 = arith.extui %sign3A_171 : i1 to i32
            %sign3A_173 = arith.subi %sign3A_169, %sign3A_172 : i32
            %sign3A_174 = arith.constant 0 : i32
            %sign3A_175 = arith.cmpi sgt, %jit3A_165, %sign3A_174 : i32
            %sign3A_176 = arith.extui %sign3A_175 : i1 to i32
            %sign3A_177 = arith.constant 0 : i32
            %sign3A_178 = arith.cmpi slt, %jit3A_165, %sign3A_177 : i32
            %sign3A_179 = arith.extui %sign3A_178 : i1 to i32
            %sign3A_180 = arith.subi %sign3A_176, %sign3A_179 : i32
            %ne3A_181 = arith.cmpi ne, %sign3A_173, %sign3A_180 : i32
            %rem3A_182 = arith.remsi %while3A_164, %jit3A_165 : i32
            %ne3A_183 = arith.constant 0 : i32
            %ne3A_184 = arith.cmpi ne, %rem3A_182, %ne3A_183 : i32
            %and3A_185 = arith.andi %ne3A_181, %ne3A_184 : i1
            %sub3A_186 = arith.constant 1 : i32
            %sub3A_187 = arith.subi %div3A_166, %sub3A_186 : i32
            %select_n3A_188 = arith.select %and3A_185, %sub3A_187, %div3A_166 : i32
            %rem3A_189 = arith.constant 128 : i32
            %rem3A_190 = arith.remsi %while3A_164, %rem3A_189 : i32
            %broadcast_in_dim3A_191 = vector.broadcast %select_n3A_188 : i32 to vector<16xi32>
            %jit3A_192 = arith.constant 128 : i32
            %eq3A_193 = arith.constant 0 : i32
            %eq3A_194 = arith.cmpi eq, %jit3A_192, %eq3A_193 : i32
            %jit3A_195 = arith.constant 1 : i32
            %select_n3A_196 = arith.select %eq3A_194, %jit3A_195, %jit3A_192 : i32
            %rem3A_197 = arith.remsi %while3A_164, %select_n3A_196 : i32
            %ne3A_198 = arith.constant 0 : i32
            %ne3A_199 = arith.cmpi ne, %rem3A_197, %ne3A_198 : i32
            %lt3A_200 = arith.constant 0 : i32
            %lt3A_201 = arith.cmpi slt, %rem3A_197, %lt3A_200 : i32
            %lt3A_202 = arith.constant 0 : i32
            %lt3A_203 = arith.cmpi slt, %select_n3A_196, %lt3A_202 : i32
            %ne3A_204 = arith.xori %lt3A_201, %lt3A_203 : i1
            %and3A_205 = arith.andi %ne3A_204, %ne3A_199 : i1
            %add3A_206 = arith.addi %rem3A_197, %select_n3A_196 : i32
            %select_n3A_207 = arith.select %and3A_205, %add3A_206, %rem3A_197 : i32
            %broadcast_in_dim3A_208 = vector.broadcast %select_n3A_207 : i32 to vector<16xi32>
            %gather3A = tpu.vector_load_idx %arg8[%broadcast_in_dim3A_191, %broadcast_in_dim3A_208] : memref<17x128xi32, #tpu.memory_space<vmem>>[vector<16xi32>, vector<16xi32>], vector<16xi32>,
            %add3A_209 = arith.constant 0 : i32
            %add3A_210 = vector.broadcast %add3A_209 : i32 to vector<16xi32>
            %add3A_211 = arith.addi %iota3A, %add3A_210 : vector<16xi32>
            %gather3A_212 = arith.constant 0 : i32
            %gather3A_213 = arith.constant 0 : i32
            %gather3A_214 = tpu.memref_slice %arg15[%rem3A_127, %gather3A_212, %gather3A_213] : memref<9x64x128xf32, #tpu.memory_space<vmem>> -> memref<1x64x128xf32, #tpu.memory_space<vmem>>
            %gather3A_215 = tpu.memref_squeeze %gather3A_214 : memref<1x64x128xf32, #tpu.memory_space<vmem>> -> memref<64x128xf32, #tpu.memory_space<vmem>>
            %gather3A_216 = tpu.vector_load_idx %gather3A_215[%add3A_211, %gather3A] : memref<64x128xf32, #tpu.memory_space<vmem>>[vector<16xi32>, vector<16xi32>], vector<16xf32>,
            %swap3A_217 = arith.index_cast %rem3A_190 : i32 to index
            %swap3A_218 = arith.constant 0 : index
            %swap3A_219 = tpu.vector_load %arg14[%swap3A_217, %swap3A_218] {strides = array<i32>} : memref<128x128xf32, #tpu.memory_space<vmem>>, vector<16xf32>,
            tpu.vector_store %arg14[%swap3A_217, %swap3A_218], %gather3A_216 {strides = array<i32>} : memref<128x128xf32, #tpu.memory_space<vmem>>, vector<16xf32>,
            %add3A_220 = arith.constant 16 : i32
            %add3A_221 = vector.broadcast %add3A_220 : i32 to vector<16xi32>
            %add3A_222 = arith.addi %iota3A, %add3A_221 : vector<16xi32>
            %gather3A_223 = arith.constant 0 : i32
            %gather3A_224 = arith.constant 0 : i32
            %gather3A_225 = tpu.memref_slice %arg15[%rem3A_127, %gather3A_223, %gather3A_224] : memref<9x64x128xf32, #tpu.memory_space<vmem>> -> memref<1x64x128xf32, #tpu.memory_space<vmem>>
            %gather3A_226 = tpu.memref_squeeze %gather3A_225 : memref<1x64x128xf32, #tpu.memory_space<vmem>> -> memref<64x128xf32, #tpu.memory_space<vmem>>
            %gather3A_227 = tpu.vector_load_idx %gather3A_226[%add3A_222, %gather3A] : memref<64x128xf32, #tpu.memory_space<vmem>>[vector<16xi32>, vector<16xi32>], vector<16xf32>,
            %swap3A_228 = arith.index_cast %rem3A_190 : i32 to index
            %swap3A_229 = arith.constant 16 : index
            %swap3A_230 = tpu.vector_load %arg14[%swap3A_228, %swap3A_229] {strides = array<i32>} : memref<128x128xf32, #tpu.memory_space<vmem>>, vector<16xf32>,
            tpu.vector_store %arg14[%swap3A_228, %swap3A_229], %gather3A_227 {strides = array<i32>} : memref<128x128xf32, #tpu.memory_space<vmem>>, vector<16xf32>,
            %add3A_231 = arith.constant 32 : i32
            %add3A_232 = vector.broadcast %add3A_231 : i32 to vector<16xi32>
            %add3A_233 = arith.addi %iota3A, %add3A_232 : vector<16xi32>
            %gather3A_234 = arith.constant 0 : i32
            %gather3A_235 = arith.constant 0 : i32
            %gather3A_236 = tpu.memref_slice %arg15[%rem3A_127, %gather3A_234, %gather3A_235] : memref<9x64x128xf32, #tpu.memory_space<vmem>> -> memref<1x64x128xf32, #tpu.memory_space<vmem>>
            %gather3A_237 = tpu.memref_squeeze %gather3A_236 : memref<1x64x128xf32, #tpu.memory_space<vmem>> -> memref<64x128xf32, #tpu.memory_space<vmem>>
            %gather3A_238 = tpu.vector_load_idx %gather3A_237[%add3A_233, %gather3A] : memref<64x128xf32, #tpu.memory_space<vmem>>[vector<16xi32>, vector<16xi32>], vector<16xf32>,
            %swap3A_239 = arith.index_cast %rem3A_190 : i32 to index
            %swap3A_240 = arith.constant 32 : index
            %swap3A_241 = tpu.vector_load %arg14[%swap3A_239, %swap3A_240] {strides = array<i32>} : memref<128x128xf32, #tpu.memory_space<vmem>>, vector<16xf32>,
            tpu.vector_store %arg14[%swap3A_239, %swap3A_240], %gather3A_238 {strides = array<i32>} : memref<128x128xf32, #tpu.memory_space<vmem>>, vector<16xf32>,
            %add3A_242 = arith.constant 48 : i32
            %add3A_243 = vector.broadcast %add3A_242 : i32 to vector<16xi32>
            %add3A_244 = arith.addi %iota3A, %add3A_243 : vector<16xi32>
            %gather3A_245 = arith.constant 0 : i32
            %gather3A_246 = arith.constant 0 : i32
            %gather3A_247 = tpu.memref_slice %arg15[%rem3A_127, %gather3A_245, %gather3A_246] : memref<9x64x128xf32, #tpu.memory_space<vmem>> -> memref<1x64x128xf32, #tpu.memory_space<vmem>>
            %gather3A_248 = tpu.memref_squeeze %gather3A_247 : memref<1x64x128xf32, #tpu.memory_space<vmem>> -> memref<64x128xf32, #tpu.memory_space<vmem>>
            %gather3A_249 = tpu.vector_load_idx %gather3A_248[%add3A_244, %gather3A] : memref<64x128xf32, #tpu.memory_space<vmem>>[vector<16xi32>, vector<16xi32>], vector<16xf32>,
            %swap3A_250 = arith.index_cast %rem3A_190 : i32 to index
            %swap3A_251 = arith.constant 48 : index
            %swap3A_252 = tpu.vector_load %arg14[%swap3A_250, %swap3A_251] {strides = array<i32>} : memref<128x128xf32, #tpu.memory_space<vmem>>, vector<16xf32>,
            tpu.vector_store %arg14[%swap3A_250, %swap3A_251], %gather3A_249 {strides = array<i32>} : memref<128x128xf32, #tpu.memory_space<vmem>>, vector<16xf32>,
            %eq3A_253 = arith.constant 127 : i32
            %eq3A_254 = arith.cmpi eq, %rem3A_190, %eq3A_253 : i32
            %sub3A_255 = arith.constant 1 : i32
            %sub3A_256 = arith.subi %cond3A_28, %sub3A_255 : i32
            %eq3A_257 = arith.cmpi eq, %while3A_164, %sub3A_256 : i32
            %or3A = arith.ori %eq3A_254, %eq3A_257 : i1
            %convert_element_type3A_258 = arith.extui %or3A : i1 to i32
            %cond3A_259 = arith.constant 0 : i32
            %cond3A_260 = arith.cmpi ne, %convert_element_type3A_258, %cond3A_259 : i32
            scf.if %cond3A_260 {
              %dma_start3A = arith.constant 0 : i32
              %dma_start3A_261 = tpu.memref_slice %arg9[%select_n3A_188, %dma_start3A] : memref<17x128xi32, #tpu.memory_space<vmem>> -> memref<1x128xi32, #tpu.memory_space<vmem>>
              %dma_start3A_262 = tpu.memref_squeeze %dma_start3A_261 : memref<1x128xi32, #tpu.memory_space<vmem>> -> memref<128xi32, #tpu.memory_space<vmem>>
              %dma_start3A_263 = arith.constant 0 : i32
              %dma_start3A_264 = arith.constant 0 : i32
              %dma_start3A_265 = tpu.memref_slice %arg4[%dma_start3A_263, %dma_start3A_264] : memref<16392x128xf32, #tpu.memory_space<hbm>> -> memref<16392x128xf32, #tpu.memory_space<hbm>>
              tpu.enqueue_indirect_dma source(%arg14 : memref<128x128xf32, #tpu.memory_space<vmem>>) target(%dma_start3A_265 : memref<16392x128xf32, #tpu.memory_space<hbm>>) offsets(%dma_start3A_262 : memref<128xi32, #tpu.memory_space<vmem>>) semaphore(%arg17 : memref<!tpu.dma_semaphore, #tpu.memory_space<semaphore_mem>>)
              %dma_wait3A_266 = arith.constant 0 : i32
              %dma_wait3A_267 = tpu.memref_slice %arg9[%select_n3A_188, %dma_wait3A_266] : memref<17x128xi32, #tpu.memory_space<vmem>> -> memref<1x128xi32, #tpu.memory_space<vmem>>
              %dma_wait3A_268 = tpu.memref_squeeze %dma_wait3A_267 : memref<1x128xi32, #tpu.memory_space<vmem>> -> memref<128xi32, #tpu.memory_space<vmem>>
              %dma_wait3A_269 = arith.constant 0 : i32
              %dma_wait3A_270 = arith.constant 0 : i32
              %dma_wait3A_271 = tpu.memref_slice %arg4[%dma_wait3A_269, %dma_wait3A_270] : memref<16392x128xf32, #tpu.memory_space<hbm>> -> memref<16392x128xf32, #tpu.memory_space<hbm>>
              tpu.wait_indirect_dma semaphore(%arg17 : memref<!tpu.dma_semaphore, #tpu.memory_space<semaphore_mem>>) src(%arg14 : memref<128x128xf32, #tpu.memory_space<vmem>>) dst(%dma_wait3A_271 : memref<16392x128xf32, #tpu.memory_space<hbm>>)
            } else {
            }
          }
          %while3A_163 = arith.constant 1 : i32
          scf.for %while3A_164 = %while3A_161 to %while3A_157 step %while3A_163  : i32 {
            %jit3A_165 = arith.constant 128 : i32
            %div3A_166 = arith.divsi %while3A_164, %jit3A_165 : i32
            %sign3A_167 = arith.constant 0 : i32
            %sign3A_168 = arith.cmpi sgt, %while3A_164, %sign3A_167 : i32
            %sign3A_169 = arith.extui %sign3A_168 : i1 to i32
            %sign3A_170 = arith.constant 0 : i32
            %sign3A_171 = arith.cmpi slt, %while3A_164, %sign3A_170 : i32
            %sign3A_172 = arith.extui %sign3A_171 : i1 to i32
            %sign3A_173 = arith.subi %sign3A_169, %sign3A_172 : i32
            %sign3A_174 = arith.constant 0 : i32
            %sign3A_175 = arith.cmpi sgt, %jit3A_165, %sign3A_174 : i32
            %sign3A_176 = arith.extui %sign3A_175 : i1 to i32
            %sign3A_177 = arith.constant 0 : i32
            %sign3A_178 = arith.cmpi slt, %jit3A_165, %sign3A_177 : i32
            %sign3A_179 = arith.extui %sign3A_178 : i1 to i32
            %sign3A_180 = arith.subi %sign3A_176, %sign3A_179 : i32
            %ne3A_181 = arith.cmpi ne, %sign3A_173, %sign3A_180 : i32
            %rem3A_182 = arith.remsi %while3A_164, %jit3A_165 : i32
            %ne3A_183 = arith.constant 0 : i32
            %ne3A_184 = arith.cmpi ne, %rem3A_182, %ne3A_183 : i32
            %and3A_185 = arith.andi %ne3A_181, %ne3A_184 : i1
            %sub3A_186 = arith.constant 1 : i32
            %sub3A_187 = arith.subi %div3A_166, %sub3A_186 : i32
            %select_n3A_188 = arith.select %and3A_185, %sub3A_187, %div3A_166 : i32
            %rem3A_189 = arith.constant 128 : i32
            %rem3A_190 = arith.remsi %while3A_164, %rem3A_189 : i32
            %broadcast_in_dim3A_191 = vector.broadcast %select_n3A_188 : i32 to vector<16xi32>
            %jit3A_192 = arith.constant 128 : i32
            %eq3A_193 = arith.constant 0 : i32
            %eq3A_194 = arith.cmpi eq, %jit3A_192, %eq3A_193 : i32
            %jit3A_195 = arith.constant 1 : i32
            %select_n3A_196 = arith.select %eq3A_194, %jit3A_195, %jit3A_192 : i32
            %rem3A_197 = arith.remsi %while3A_164, %select_n3A_196 : i32
            %ne3A_198 = arith.constant 0 : i32
            %ne3A_199 = arith.cmpi ne, %rem3A_197, %ne3A_198 : i32
            %lt3A_200 = arith.constant 0 : i32
            %lt3A_201 = arith.cmpi slt, %rem3A_197, %lt3A_200 : i32
            %lt3A_202 = arith.constant 0 : i32
            %lt3A_203 = arith.cmpi slt, %select_n3A_196, %lt3A_202 : i32
            %ne3A_204 = arith.xori %lt3A_201, %lt3A_203 : i1
            %and3A_205 = arith.andi %ne3A_204, %ne3A_199 : i1
            %add3A_206 = arith.addi %rem3A_197, %select_n3A_196 : i32
            %select_n3A_207 = arith.select %and3A_205, %add3A_206, %rem3A_197 : i32
            %broadcast_in_dim3A_208 = vector.broadcast %select_n3A_207 : i32 to vector<16xi32>
            %gather3A = tpu.vector_load_idx %arg8[%broadcast_in_dim3A_191, %broadcast_in_dim3A_208] : memref<17x128xi32, #tpu.memory_space<vmem>>[vector<16xi32>, vector<16xi32>], vector<16xi32>,
            %add3A_209 = arith.constant 0 : i32
            %add3A_210 = vector.broadcast %add3A_209 : i32 to vector<16xi32>
            %add3A_211 = arith.addi %iota3A, %add3A_210 : vector<16xi32>
            %gather3A_212 = arith.constant 0 : i32
            %gather3A_213 = arith.constant 0 : i32
            %gather3A_214 = tpu.memref_slice %arg15[%rem3A_127, %gather3A_212, %gather3A_213] : memref<9x64x128xf32, #tpu.memory_space<vmem>> -> memref<1x64x128xf32, #tpu.memory_space<vmem>>
            %gather3A_215 = tpu.memref_squeeze %gather3A_214 : memref<1x64x128xf32, #tpu.memory_space<vmem>> -> memref<64x128xf32, #tpu.memory_space<vmem>>
            %gather3A_216 = tpu.vector_load_idx %gather3A_215[%add3A_211, %gather3A] : memref<64x128xf32, #tpu.memory_space<vmem>>[vector<16xi32>, vector<16xi32>], vector<16xf32>,
            %swap3A_217 = arith.index_cast %rem3A_190 : i32 to index
            %swap3A_218 = arith.constant 0 : index
            %swap3A_219 = tpu.vector_load %arg14[%swap3A_217, %swap3A_218] {strides = array<i32>} : memref<128x128xf32, #tpu.memory_space<vmem>>, vector<16xf32>,
            tpu.vector_store %arg14[%swap3A_217, %swap3A_218], %gather3A_216 {strides = array<i32>} : memref<128x128xf32, #tpu.memory_space<vmem>>, vector<16xf32>,
            %add3A_220 = arith.constant 16 : i32
            %add3A_221 = vector.broadcast %add3A_220 : i32 to vector<16xi32>
            %add3A_222 = arith.addi %iota3A, %add3A_221 : vector<16xi32>
            %gather3A_223 = arith.constant 0 : i32
            %gather3A_224 = arith.constant 0 : i32
            %gather3A_225 = tpu.memref_slice %arg15[%rem3A_127, %gather3A_223, %gather3A_224] : memref<9x64x128xf32, #tpu.memory_space<vmem>> -> memref<1x64x128xf32, #tpu.memory_space<vmem>>
            %gather3A_226 = tpu.memref_squeeze %gather3A_225 : memref<1x64x128xf32, #tpu.memory_space<vmem>> -> memref<64x128xf32, #tpu.memory_space<vmem>>
            %gather3A_227 = tpu.vector_load_idx %gather3A_226[%add3A_222, %gather3A] : memref<64x128xf32, #tpu.memory_space<vmem>>[vector<16xi32>, vector<16xi32>], vector<16xf32>,
            %swap3A_228 = arith.index_cast %rem3A_190 : i32 to index
            %swap3A_229 = arith.constant 16 : index
            %swap3A_230 = tpu.vector_load %arg14[%swap3A_228, %swap3A_229] {strides = array<i32>} : memref<128x128xf32, #tpu.memory_space<vmem>>, vector<16xf32>,
            tpu.vector_store %arg14[%swap3A_228, %swap3A_229], %gather3A_227 {strides = array<i32>} : memref<128x128xf32, #tpu.memory_space<vmem>>, vector<16xf32>,
            %add3A_231 = arith.constant 32 : i32
            %add3A_232 = vector.broadcast %add3A_231 : i32 to vector<16xi32>
            %add3A_233 = arith.addi %iota3A, %add3A_232 : vector<16xi32>
            %gather3A_234 = arith.constant 0 : i32
            %gather3A_235 = arith.constant 0 : i32
            %gather3A_236 = tpu.memref_slice %arg15[%rem3A_127, %gather3A_234, %gather3A_235] : memref<9x64x128xf32, #tpu.memory_space<vmem>> -> memref<1x64x128xf32, #tpu.memory_space<vmem>>
            %gather3A_237 = tpu.memref_squeeze %gather3A_236 : memref<1x64x128xf32, #tpu.memory_space<vmem>> -> memref<64x128xf32, #tpu.memory_space<vmem>>
            %gather3A_238 = tpu.vector_load_idx %gather3A_237[%add3A_233, %gather3A] : memref<64x128xf32, #tpu.memory_space<vmem>>[vector<16xi32>, vector<16xi32>], vector<16xf32>,
            %swap3A_239 = arith.index_cast %rem3A_190 : i32 to index
            %swap3A_240 = arith.constant 32 : index
            %swap3A_241 = tpu.vector_load %arg14[%swap3A_239, %swap3A_240] {strides = array<i32>} : memref<128x128xf32, #tpu.memory_space<vmem>>, vector<16xf32>,
            tpu.vector_store %arg14[%swap3A_239, %swap3A_240], %gather3A_238 {strides = array<i32>} : memref<128x128xf32, #tpu.memory_space<vmem>>, vector<16xf32>,
            %add3A_242 = arith.constant 48 : i32
            %add3A_243 = vector.broadcast %add3A_242 : i32 to vector<16xi32>
            %add3A_244 = arith.addi %iota3A, %add3A_243 : vector<16xi32>
            %gather3A_245 = arith.constant 0 : i32
            %gather3A_246 = arith.constant 0 : i32
            %gather3A_247 = tpu.memref_slice %arg15[%rem3A_127, %gather3A_245, %gather3A_246] : memref<9x64x128xf32, #tpu.memory_space<vmem>> -> memref<1x64x128xf32, #tpu.memory_space<vmem>>
            %gather3A_248 = tpu.memref_squeeze %gather3A_247 : memref<1x64x128xf32, #tpu.memory_space<vmem>> -> memref<64x128xf32, #tpu.memory_space<vmem>>
            %gather3A_249 = tpu.vector_load_idx %gather3A_248[%add3A_244, %gather3A] : memref<64x128xf32, #tpu.memory_space<vmem>>[vector<16xi32>, vector<16xi32>], vector<16xf32>,
            %swap3A_250 = arith.index_cast %rem3A_190 : i32 to index
            %swap3A_251 = arith.constant 48 : index
            %swap3A_252 = tpu.vector_load %arg14[%swap3A_250, %swap3A_251] {strides = array<i32>} : memref<128x128xf32, #tpu.memory_space<vmem>>, vector<16xf32>,
            tpu.vector_store %arg14[%swap3A_250, %swap3A_251], %gather3A_249 {strides = array<i32>} : memref<128x128xf32, #tpu.memory_space<vmem>>, vector<16xf32>,
            %eq3A_253 = arith.constant 127 : i32
            %eq3A_254 = arith.cmpi eq, %rem3A_190, %eq3A_253 : i32
            %sub3A_255 = arith.constant 1 : i32
            %sub3A_256 = arith.subi %cond3A_28, %sub3A_255 : i32
            %eq3A_257 = arith.cmpi eq, %while3A_164, %sub3A_256 : i32
            %or3A = arith.ori %eq3A_254, %eq3A_257 : i1
            %convert_element_type3A_258 = arith.extui %or3A : i1 to i32
            %cond3A_259 = arith.constant 0 : i32
            %cond3A_260 = arith.cmpi ne, %convert_element_type3A_258, %cond3A_259 : i32
            scf.if %cond3A_260 {
              %dma_start3A = arith.constant 0 : i32
              %dma_start3A_261 = tpu.memref_slice %arg9[%select_n3A_188, %dma_start3A] : memref<17x128xi32, #tpu.memory_space<vmem>> -> memref<1x128xi32, #tpu.memory_space<vmem>>
              %dma_start3A_262 = tpu.memref_squeeze %dma_start3A_261 : memref<1x128xi32, #tpu.memory_space<vmem>> -> memref<128xi32, #tpu.memory_space<vmem>>
              %dma_start3A_263 = arith.constant 0 : i32
              %dma_start3A_264 = arith.constant 0 : i32
              %dma_start3A_265 = tpu.memref_slice %arg4[%dma_start3A_263, %dma_start3A_264] : memref<16392x128xf32, #tpu.memory_space<hbm>> -> memref<16392x128xf32, #tpu.memory_space<hbm>>
              tpu.enqueue_indirect_dma source(%arg14 : memref<128x128xf32, #tpu.memory_space<vmem>>) target(%dma_start3A_265 : memref<16392x128xf32, #tpu.memory_space<hbm>>) offsets(%dma_start3A_262 : memref<128xi32, #tpu.memory_space<vmem>>) semaphore(%arg17 : memref<!tpu.dma_semaphore, #tpu.memory_space<semaphore_mem>>)
              %dma_wait3A_266 = arith.constant 0 : i32
              %dma_wait3A_267 = tpu.memref_slice %arg9[%select_n3A_188, %dma_wait3A_266] : memref<17x128xi32, #tpu.memory_space<vmem>> -> memref<1x128xi32, #tpu.memory_space<vmem>>
              %dma_wait3A_268 = tpu.memref_squeeze %dma_wait3A_267 : memref<1x128xi32, #tpu.memory_space<vmem>> -> memref<128xi32, #tpu.memory_space<vmem>>
              %dma_wait3A_269 = arith.constant 0 : i32
              %dma_wait3A_270 = arith.constant 0 : i32
              %dma_wait3A_271 = tpu.memref_slice %arg4[%dma_wait3A_269, %dma_wait3A_270] : memref<16392x128xf32, #tpu.memory_space<hbm>> -> memref<16392x128xf32, #tpu.memory_space<hbm>>
              tpu.wait_indirect_dma semaphore(%arg17 : memref<!tpu.dma_semaphore, #tpu.memory_space<semaphore_mem>>) src(%arg14 : memref<128x128xf32, #tpu.memory_space<vmem>>) dst(%dma_wait3A_271 : memref<16392x128xf32, #tpu.memory_space<hbm>>)
            } else {
            }
          }
        }
        %while3A_124 = arith.constant 1 : i32
        scf.for %while3A_125 = %while3A_122 to %while3A_118 step %while3A_124  : i32 {
          %rem3A_126 = arith.constant 9 : i32
          %rem3A_127 = arith.remsi %while3A_125, %rem3A_126 : i32
          %dma_wait3A = arith.constant 0 : i32
          %dma_wait3A_128 = arith.constant 0 : i32
          %dma_wait3A_129 = tpu.memref_slice %arg15[%rem3A_127, %dma_wait3A, %dma_wait3A_128] : memref<9x64x128xf32, #tpu.memory_space<vmem>> -> memref<1x64x128xf32, #tpu.memory_space<vmem>>
          %dma_wait3A_130 = tpu.memref_squeeze %dma_wait3A_129 : memref<1x64x128xf32, #tpu.memory_space<vmem>> -> memref<64x128xf32, #tpu.memory_space<vmem>>
          %dma_wait3A_131 = arith.constant 0 : i32
          %dma_wait3A_132 = arith.constant 0 : i32
          %dma_wait3A_133 = tpu.memref_slice %arg3[%dma_wait3A_131, %dma_wait3A_132] : memref<64x1000000xf32, #tpu.memory_space<hbm>> -> memref<64x128xf32, #tpu.memory_space<hbm>>
          %dma_wait3A_134 = tpu.memref_slice %arg16[%rem3A_127] : memref<9x!tpu.dma_semaphore, #tpu.memory_space<semaphore_mem>> -> memref<1x!tpu.dma_semaphore, #tpu.memory_space<semaphore_mem>>
          %dma_wait3A_135 = tpu.memref_squeeze %dma_wait3A_134 : memref<1x!tpu.dma_semaphore, #tpu.memory_space<semaphore_mem>> -> memref<!tpu.dma_semaphore, #tpu.memory_space<semaphore_mem>>
          %dma_wait3A_136 = arith.constant 0 : i32
          %dma_wait3A_137 = arith.constant 0 : i32
          %dma_wait3A_138 = tpu.memref_slice %arg15[%rem3A_127, %dma_wait3A_136, %dma_wait3A_137] : memref<9x64x128xf32, #tpu.memory_space<vmem>> -> memref<1x64x128xf32, #tpu.memory_space<vmem>>
          %dma_wait3A_139 = tpu.memref_squeeze %dma_wait3A_138 : memref<1x64x128xf32, #tpu.memory_space<vmem>> -> memref<64x128xf32, #tpu.memory_space<vmem>>
          %dma_wait3A_140 = arith.constant 0 : i32
          %dma_wait3A_141 = arith.constant 0 : i32
          %dma_wait3A_142 = tpu.memref_slice %arg3[%dma_wait3A_140, %dma_wait3A_141] : memref<64x1000000xf32, #tpu.memory_space<hbm>> -> memref<64x128xf32, #tpu.memory_space<hbm>>
          tpu.wait_dma2 semaphore(%dma_wait3A_135 : memref<!tpu.dma_semaphore, #tpu.memory_space<semaphore_mem>>) src(%dma_wait3A_142 : memref<64x128xf32, #tpu.memory_space<hbm>>) dst(%dma_wait3A_139 : memref<64x128xf32, #tpu.memory_space<vmem>>)
          %add3A_143 = arith.constant 9 : i32
          %add3A_144 = arith.addi %while3A_125, %add3A_143 : i32
          %sub3A_145 = arith.constant 1 : i32
          %sub3A_146 = arith.subi %add3A_144, %sub3A_145 : i32
          %lt3A = arith.cmpi slt, %sub3A_146, %scan3A_93#1 : i32
          %convert_element_type3A_147 = arith.extui %lt3A : i1 to i32
          %cond3A_148 = arith.constant 0 : i32
          %cond3A_149 = arith.cmpi ne, %convert_element_type3A_147, %cond3A_148 : i32
          scf.if %cond3A_149 {
            %add3A_164 = arith.constant 9 : i32
            %add3A_165 = arith.addi %while3A_125, %add3A_164 : i32
            %sub3A_166 = arith.constant 1 : i32
            %sub3A_167 = arith.subi %add3A_165, %sub3A_166 : i32
            %rem3A_168 = arith.constant 9 : i32
            %rem3A_169 = arith.remsi %sub3A_167, %rem3A_168 : i32
            %get3A_170 = arith.index_cast %sub3A_167 : i32 to index
            %get3A_171 = memref.load %arg13[%get3A_170] : memref<256xi32, #tpu.memory_space<smem>>
            %mul3A_172 = arith.constant 128 : i32
            %mul3A_173 = arith.muli %get3A_171, %mul3A_172 : i32
            %multiple_of3A = tpu.assume_multiple %mul3A_173, 128 : i32
            %dma_start3A = arith.constant 0 : i32
            %dma_start3A_174 = arith.constant 0 : i32
            %dma_start3A_175 = tpu.memref_slice %arg15[%rem3A_169, %dma_start3A, %dma_start3A_174] : memref<9x64x128xf32, #tpu.memory_space<vmem>> -> memref<1x64x128xf32, #tpu.memory_space<vmem>>
            %dma_start3A_176 = tpu.memref_squeeze %dma_start3A_175 : memref<1x64x128xf32, #tpu.memory_space<vmem>> -> memref<64x128xf32, #tpu.memory_space<vmem>>
            %dma_start3A_177 = arith.constant 0 : i32
            %dma_start3A_178 = tpu.memref_slice %arg3[%dma_start3A_177, %multiple_of3A] : memref<64x1000000xf32, #tpu.memory_space<hbm>> -> memref<64x128xf32, #tpu.memory_space<hbm>>
            %dma_start3A_179 = tpu.memref_slice %arg16[%rem3A_169] : memref<9x!tpu.dma_semaphore, #tpu.memory_space<semaphore_mem>> -> memref<1x!tpu.dma_semaphore, #tpu.memory_space<semaphore_mem>>
            %dma_start3A_180 = tpu.memref_squeeze %dma_start3A_179 : memref<1x!tpu.dma_semaphore, #tpu.memory_space<semaphore_mem>> -> memref<!tpu.dma_semaphore, #tpu.memory_space<semaphore_mem>>
            %dma_start3A_181 = arith.constant 0 : i32
            %dma_start3A_182 = arith.constant 0 : i32
            %dma_start3A_183 = tpu.memref_slice %arg15[%rem3A_169, %dma_start3A_181, %dma_start3A_182] : memref<9x64x128xf32, #tpu.memory_space<vmem>> -> memref<1x64x128xf32, #tpu.memory_space<vmem>>
            %dma_start3A_184 = tpu.memref_squeeze %dma_start3A_183 : memref<1x64x128xf32, #tpu.memory_space<vmem>> -> memref<64x128xf32, #tpu.memory_space<vmem>>
            %dma_start3A_185 = arith.constant 0 : i32
            %dma_start3A_186 = tpu.memref_slice %arg3[%dma_start3A_185, %multiple_of3A] : memref<64x1000000xf32, #tpu.memory_space<hbm>> -> memref<64x128xf32, #tpu.memory_space<hbm>>
            tpu.enqueue_dma source(%dma_start3A_186 : memref<64x128xf32, #tpu.memory_space<hbm>>) target(%dma_start3A_184 : memref<64x128xf32, #tpu.memory_space<vmem>>) target_semaphore(%dma_start3A_180 : memref<!tpu.dma_semaphore, #tpu.memory_space<semaphore_mem>>)
          } else {
          }
          %get3A_150 = arith.index_cast %while3A_125 : i32 to index
          %get3A_151 = memref.load %arg12[%get3A_150] : memref<258xi32, #tpu.memory_space<smem>>
          %add3A_152 = arith.constant 1 : i32
          %add3A_153 = arith.addi %while3A_125, %add3A_152 : i32
          %get3A_154 = arith.index_cast %add3A_153 : i32 to index
          %get3A_155 = memref.load %arg12[%get3A_154] : memref<258xi32, #tpu.memory_space<smem>>
          %while3A_156 = arith.subi %get3A_155, %get3A_151 : i32
          %while3A_157 = arith.addi %get3A_151, %while3A_156 : i32
          %while3A_158 = arith.constant 1 : i32
          %while3A_159 = arith.divsi %while3A_156, %while3A_158 : i32
          %while3A_160 = arith.muli %while3A_159, %while3A_158 : i32
          %while3A_161 = arith.addi %get3A_151, %while3A_160 : i32
          %while3A_162 = arith.constant 1 : i32
          scf.for %while3A_164 = %get3A_151 to %while3A_161 step %while3A_162  : i32 {
            %jit3A_165 = arith.constant 128 : i32
            %div3A_166 = arith.divsi %while3A_164, %jit3A_165 : i32
            %sign3A_167 = arith.constant 0 : i32
            %sign3A_168 = arith.cmpi sgt, %while3A_164, %sign3A_167 : i32
            %sign3A_169 = arith.extui %sign3A_168 : i1 to i32
            %sign3A_170 = arith.constant 0 : i32
            %sign3A_171 = arith.cmpi slt, %while3A_164, %sign3A_170 : i32
            %sign3A_172 = arith.extui %sign3A_171 : i1 to i32
            %sign3A_173 = arith.subi %sign3A_169, %sign3A_172 : i32
            %sign3A_174 = arith.constant 0 : i32
            %sign3A_175 = arith.cmpi sgt, %jit3A_165, %sign3A_174 : i32
            %sign3A_176 = arith.extui %sign3A_175 : i1 to i32
            %sign3A_177 = arith.constant 0 : i32
            %sign3A_178 = arith.cmpi slt, %jit3A_165, %sign3A_177 : i32
            %sign3A_179 = arith.extui %sign3A_178 : i1 to i32
            %sign3A_180 = arith.subi %sign3A_176, %sign3A_179 : i32
            %ne3A_181 = arith.cmpi ne, %sign3A_173, %sign3A_180 : i32
            %rem3A_182 = arith.remsi %while3A_164, %jit3A_165 : i32
            %ne3A_183 = arith.constant 0 : i32
            %ne3A_184 = arith.cmpi ne, %rem3A_182, %ne3A_183 : i32
            %and3A_185 = arith.andi %ne3A_181, %ne3A_184 : i1
            %sub3A_186 = arith.constant 1 : i32
            %sub3A_187 = arith.subi %div3A_166, %sub3A_186 : i32
            %select_n3A_188 = arith.select %and3A_185, %sub3A_187, %div3A_166 : i32
            %rem3A_189 = arith.constant 128 : i32
            %rem3A_190 = arith.remsi %while3A_164, %rem3A_189 : i32
            %broadcast_in_dim3A_191 = vector.broadcast %select_n3A_188 : i32 to vector<16xi32>
            %jit3A_192 = arith.constant 128 : i32
            %eq3A_193 = arith.constant 0 : i32
            %eq3A_194 = arith.cmpi eq, %jit3A_192, %eq3A_193 : i32
            %jit3A_195 = arith.constant 1 : i32
            %select_n3A_196 = arith.select %eq3A_194, %jit3A_195, %jit3A_192 : i32
            %rem3A_197 = arith.remsi %while3A_164, %select_n3A_196 : i32
            %ne3A_198 = arith.constant 0 : i32
            %ne3A_199 = arith.cmpi ne, %rem3A_197, %ne3A_198 : i32
            %lt3A_200 = arith.constant 0 : i32
            %lt3A_201 = arith.cmpi slt, %rem3A_197, %lt3A_200 : i32
            %lt3A_202 = arith.constant 0 : i32
            %lt3A_203 = arith.cmpi slt, %select_n3A_196, %lt3A_202 : i32
            %ne3A_204 = arith.xori %lt3A_201, %lt3A_203 : i1
            %and3A_205 = arith.andi %ne3A_204, %ne3A_199 : i1
            %add3A_206 = arith.addi %rem3A_197, %select_n3A_196 : i32
            %select_n3A_207 = arith.select %and3A_205, %add3A_206, %rem3A_197 : i32
            %broadcast_in_dim3A_208 = vector.broadcast %select_n3A_207 : i32 to vector<16xi32>
            %gather3A = tpu.vector_load_idx %arg8[%broadcast_in_dim3A_191, %broadcast_in_dim3A_208] : memref<17x128xi32, #tpu.memory_space<vmem>>[vector<16xi32>, vector<16xi32>], vector<16xi32>,
            %add3A_209 = arith.constant 0 : i32
            %add3A_210 = vector.broadcast %add3A_209 : i32 to vector<16xi32>
            %add3A_211 = arith.addi %iota3A, %add3A_210 : vector<16xi32>
            %gather3A_212 = arith.constant 0 : i32
            %gather3A_213 = arith.constant 0 : i32
            %gather3A_214 = tpu.memref_slice %arg15[%rem3A_127, %gather3A_212, %gather3A_213] : memref<9x64x128xf32, #tpu.memory_space<vmem>> -> memref<1x64x128xf32, #tpu.memory_space<vmem>>
            %gather3A_215 = tpu.memref_squeeze %gather3A_214 : memref<1x64x128xf32, #tpu.memory_space<vmem>> -> memref<64x128xf32, #tpu.memory_space<vmem>>
            %gather3A_216 = tpu.vector_load_idx %gather3A_215[%add3A_211, %gather3A] : memref<64x128xf32, #tpu.memory_space<vmem>>[vector<16xi32>, vector<16xi32>], vector<16xf32>,
            %swap3A_217 = arith.index_cast %rem3A_190 : i32 to index
            %swap3A_218 = arith.constant 0 : index
            %swap3A_219 = tpu.vector_load %arg14[%swap3A_217, %swap3A_218] {strides = array<i32>} : memref<128x128xf32, #tpu.memory_space<vmem>>, vector<16xf32>,
            tpu.vector_store %arg14[%swap3A_217, %swap3A_218], %gather3A_216 {strides = array<i32>} : memref<128x128xf32, #tpu.memory_space<vmem>>, vector<16xf32>,
            %add3A_220 = arith.constant 16 : i32
            %add3A_221 = vector.broadcast %add3A_220 : i32 to vector<16xi32>
            %add3A_222 = arith.addi %iota3A, %add3A_221 : vector<16xi32>
            %gather3A_223 = arith.constant 0 : i32
            %gather3A_224 = arith.constant 0 : i32
            %gather3A_225 = tpu.memref_slice %arg15[%rem3A_127, %gather3A_223, %gather3A_224] : memref<9x64x128xf32, #tpu.memory_space<vmem>> -> memref<1x64x128xf32, #tpu.memory_space<vmem>>
            %gather3A_226 = tpu.memref_squeeze %gather3A_225 : memref<1x64x128xf32, #tpu.memory_space<vmem>> -> memref<64x128xf32, #tpu.memory_space<vmem>>
            %gather3A_227 = tpu.vector_load_idx %gather3A_226[%add3A_222, %gather3A] : memref<64x128xf32, #tpu.memory_space<vmem>>[vector<16xi32>, vector<16xi32>], vector<16xf32>,
            %swap3A_228 = arith.index_cast %rem3A_190 : i32 to index
            %swap3A_229 = arith.constant 16 : index
            %swap3A_230 = tpu.vector_load %arg14[%swap3A_228, %swap3A_229] {strides = array<i32>} : memref<128x128xf32, #tpu.memory_space<vmem>>, vector<16xf32>,
            tpu.vector_store %arg14[%swap3A_228, %swap3A_229], %gather3A_227 {strides = array<i32>} : memref<128x128xf32, #tpu.memory_space<vmem>>, vector<16xf32>,
            %add3A_231 = arith.constant 32 : i32
            %add3A_232 = vector.broadcast %add3A_231 : i32 to vector<16xi32>
            %add3A_233 = arith.addi %iota3A, %add3A_232 : vector<16xi32>
            %gather3A_234 = arith.constant 0 : i32
            %gather3A_235 = arith.constant 0 : i32
            %gather3A_236 = tpu.memref_slice %arg15[%rem3A_127, %gather3A_234, %gather3A_235] : memref<9x64x128xf32, #tpu.memory_space<vmem>> -> memref<1x64x128xf32, #tpu.memory_space<vmem>>
            %gather3A_237 = tpu.memref_squeeze %gather3A_236 : memref<1x64x128xf32, #tpu.memory_space<vmem>> -> memref<64x128xf32, #tpu.memory_space<vmem>>
            %gather3A_238 = tpu.vector_load_idx %gather3A_237[%add3A_233, %gather3A] : memref<64x128xf32, #tpu.memory_space<vmem>>[vector<16xi32>, vector<16xi32>], vector<16xf32>,
            %swap3A_239 = arith.index_cast %rem3A_190 : i32 to index
            %swap3A_240 = arith.constant 32 : index
            %swap3A_241 = tpu.vector_load %arg14[%swap3A_239, %swap3A_240] {strides = array<i32>} : memref<128x128xf32, #tpu.memory_space<vmem>>, vector<16xf32>,
            tpu.vector_store %arg14[%swap3A_239, %swap3A_240], %gather3A_238 {strides = array<i32>} : memref<128x128xf32, #tpu.memory_space<vmem>>, vector<16xf32>,
            %add3A_242 = arith.constant 48 : i32
            %add3A_243 = vector.broadcast %add3A_242 : i32 to vector<16xi32>
            %add3A_244 = arith.addi %iota3A, %add3A_243 : vector<16xi32>
            %gather3A_245 = arith.constant 0 : i32
            %gather3A_246 = arith.constant 0 : i32
            %gather3A_247 = tpu.memref_slice %arg15[%rem3A_127, %gather3A_245, %gather3A_246] : memref<9x64x128xf32, #tpu.memory_space<vmem>> -> memref<1x64x128xf32, #tpu.memory_space<vmem>>
            %gather3A_248 = tpu.memref_squeeze %gather3A_247 : memref<1x64x128xf32, #tpu.memory_space<vmem>> -> memref<64x128xf32, #tpu.memory_space<vmem>>
            %gather3A_249 = tpu.vector_load_idx %gather3A_248[%add3A_244, %gather3A] : memref<64x128xf32, #tpu.memory_space<vmem>>[vector<16xi32>, vector<16xi32>], vector<16xf32>,
            %swap3A_250 = arith.index_cast %rem3A_190 : i32 to index
            %swap3A_251 = arith.constant 48 : index
            %swap3A_252 = tpu.vector_load %arg14[%swap3A_250, %swap3A_251] {strides = array<i32>} : memref<128x128xf32, #tpu.memory_space<vmem>>, vector<16xf32>,
            tpu.vector_store %arg14[%swap3A_250, %swap3A_251], %gather3A_249 {strides = array<i32>} : memref<128x128xf32, #tpu.memory_space<vmem>>, vector<16xf32>,
            %eq3A_253 = arith.constant 127 : i32
            %eq3A_254 = arith.cmpi eq, %rem3A_190, %eq3A_253 : i32
            %sub3A_255 = arith.constant 1 : i32
            %sub3A_256 = arith.subi %cond3A_28, %sub3A_255 : i32
            %eq3A_257 = arith.cmpi eq, %while3A_164, %sub3A_256 : i32
            %or3A = arith.ori %eq3A_254, %eq3A_257 : i1
            %convert_element_type3A_258 = arith.extui %or3A : i1 to i32
            %cond3A_259 = arith.constant 0 : i32
            %cond3A_260 = arith.cmpi ne, %convert_element_type3A_258, %cond3A_259 : i32
            scf.if %cond3A_260 {
              %dma_start3A = arith.constant 0 : i32
              %dma_start3A_261 = tpu.memref_slice %arg9[%select_n3A_188, %dma_start3A] : memref<17x128xi32, #tpu.memory_space<vmem>> -> memref<1x128xi32, #tpu.memory_space<vmem>>
              %dma_start3A_262 = tpu.memref_squeeze %dma_start3A_261 : memref<1x128xi32, #tpu.memory_space<vmem>> -> memref<128xi32, #tpu.memory_space<vmem>>
              %dma_start3A_263 = arith.constant 0 : i32
              %dma_start3A_264 = arith.constant 0 : i32
              %dma_start3A_265 = tpu.memref_slice %arg4[%dma_start3A_263, %dma_start3A_264] : memref<16392x128xf32, #tpu.memory_space<hbm>> -> memref<16392x128xf32, #tpu.memory_space<hbm>>
              tpu.enqueue_indirect_dma source(%arg14 : memref<128x128xf32, #tpu.memory_space<vmem>>) target(%dma_start3A_265 : memref<16392x128xf32, #tpu.memory_space<hbm>>) offsets(%dma_start3A_262 : memref<128xi32, #tpu.memory_space<vmem>>) semaphore(%arg17 : memref<!tpu.dma_semaphore, #tpu.memory_space<semaphore_mem>>)
              %dma_wait3A_266 = arith.constant 0 : i32
              %dma_wait3A_267 = tpu.memref_slice %arg9[%select_n3A_188, %dma_wait3A_266] : memref<17x128xi32, #tpu.memory_space<vmem>> -> memref<1x128xi32, #tpu.memory_space<vmem>>
              %dma_wait3A_268 = tpu.memref_squeeze %dma_wait3A_267 : memref<1x128xi32, #tpu.memory_space<vmem>> -> memref<128xi32, #tpu.memory_space<vmem>>
              %dma_wait3A_269 = arith.constant 0 : i32
              %dma_wait3A_270 = arith.constant 0 : i32
              %dma_wait3A_271 = tpu.memref_slice %arg4[%dma_wait3A_269, %dma_wait3A_270] : memref<16392x128xf32, #tpu.memory_space<hbm>> -> memref<16392x128xf32, #tpu.memory_space<hbm>>
              tpu.wait_indirect_dma semaphore(%arg17 : memref<!tpu.dma_semaphore, #tpu.memory_space<semaphore_mem>>) src(%arg14 : memref<128x128xf32, #tpu.memory_space<vmem>>) dst(%dma_wait3A_271 : memref<16392x128xf32, #tpu.memory_space<hbm>>)
            } else {
            }
          }
          %while3A_163 = arith.constant 1 : i32
          scf.for %while3A_164 = %while3A_161 to %while3A_157 step %while3A_163  : i32 {
            %jit3A_165 = arith.constant 128 : i32
            %div3A_166 = arith.divsi %while3A_164, %jit3A_165 : i32
            %sign3A_167 = arith.constant 0 : i32
            %sign3A_168 = arith.cmpi sgt, %while3A_164, %sign3A_167 : i32
            %sign3A_169 = arith.extui %sign3A_168 : i1 to i32
            %sign3A_170 = arith.constant 0 : i32
            %sign3A_171 = arith.cmpi slt, %while3A_164, %sign3A_170 : i32
            %sign3A_172 = arith.extui %sign3A_171 : i1 to i32
            %sign3A_173 = arith.subi %sign3A_169, %sign3A_172 : i32
            %sign3A_174 = arith.constant 0 : i32
            %sign3A_175 = arith.cmpi sgt, %jit3A_165, %sign3A_174 : i32
            %sign3A_176 = arith.extui %sign3A_175 : i1 to i32
            %sign3A_177 = arith.constant 0 : i32
            %sign3A_178 = arith.cmpi slt, %jit3A_165, %sign3A_177 : i32
            %sign3A_179 = arith.extui %sign3A_178 : i1 to i32
            %sign3A_180 = arith.subi %sign3A_176, %sign3A_179 : i32
            %ne3A_181 = arith.cmpi ne, %sign3A_173, %sign3A_180 : i32
            %rem3A_182 = arith.remsi %while3A_164, %jit3A_165 : i32
            %ne3A_183 = arith.constant 0 : i32
            %ne3A_184 = arith.cmpi ne, %rem3A_182, %ne3A_183 : i32
            %and3A_185 = arith.andi %ne3A_181, %ne3A_184 : i1
            %sub3A_186 = arith.constant 1 : i32
            %sub3A_187 = arith.subi %div3A_166, %sub3A_186 : i32
            %select_n3A_188 = arith.select %and3A_185, %sub3A_187, %div3A_166 : i32
            %rem3A_189 = arith.constant 128 : i32
            %rem3A_190 = arith.remsi %while3A_164, %rem3A_189 : i32
            %broadcast_in_dim3A_191 = vector.broadcast %select_n3A_188 : i32 to vector<16xi32>
            %jit3A_192 = arith.constant 128 : i32
            %eq3A_193 = arith.constant 0 : i32
            %eq3A_194 = arith.cmpi eq, %jit3A_192, %eq3A_193 : i32
            %jit3A_195 = arith.constant 1 : i32
            %select_n3A_196 = arith.select %eq3A_194, %jit3A_195, %jit3A_192 : i32
            %rem3A_197 = arith.remsi %while3A_164, %select_n3A_196 : i32
            %ne3A_198 = arith.constant 0 : i32
            %ne3A_199 = arith.cmpi ne, %rem3A_197, %ne3A_198 : i32
            %lt3A_200 = arith.constant 0 : i32
            %lt3A_201 = arith.cmpi slt, %rem3A_197, %lt3A_200 : i32
            %lt3A_202 = arith.constant 0 : i32
            %lt3A_203 = arith.cmpi slt, %select_n3A_196, %lt3A_202 : i32
            %ne3A_204 = arith.xori %lt3A_201, %lt3A_203 : i1
            %and3A_205 = arith.andi %ne3A_204, %ne3A_199 : i1
            %add3A_206 = arith.addi %rem3A_197, %select_n3A_196 : i32
            %select_n3A_207 = arith.select %and3A_205, %add3A_206, %rem3A_197 : i32
            %broadcast_in_dim3A_208 = vector.broadcast %select_n3A_207 : i32 to vector<16xi32>
            %gather3A = tpu.vector_load_idx %arg8[%broadcast_in_dim3A_191, %broadcast_in_dim3A_208] : memref<17x128xi32, #tpu.memory_space<vmem>>[vector<16xi32>, vector<16xi32>], vector<16xi32>,
            %add3A_209 = arith.constant 0 : i32
            %add3A_210 = vector.broadcast %add3A_209 : i32 to vector<16xi32>
            %add3A_211 = arith.addi %iota3A, %add3A_210 : vector<16xi32>
            %gather3A_212 = arith.constant 0 : i32
            %gather3A_213 = arith.constant 0 : i32
            %gather3A_214 = tpu.memref_slice %arg15[%rem3A_127, %gather3A_212, %gather3A_213] : memref<9x64x128xf32, #tpu.memory_space<vmem>> -> memref<1x64x128xf32, #tpu.memory_space<vmem>>
            %gather3A_215 = tpu.memref_squeeze %gather3A_214 : memref<1x64x128xf32, #tpu.memory_space<vmem>> -> memref<64x128xf32, #tpu.memory_space<vmem>>
            %gather3A_216 = tpu.vector_load_idx %gather3A_215[%add3A_211, %gather3A] : memref<64x128xf32, #tpu.memory_space<vmem>>[vector<16xi32>, vector<16xi32>], vector<16xf32>,
            %swap3A_217 = arith.index_cast %rem3A_190 : i32 to index
            %swap3A_218 = arith.constant 0 : index
            %swap3A_219 = tpu.vector_load %arg14[%swap3A_217, %swap3A_218] {strides = array<i32>} : memref<128x128xf32, #tpu.memory_space<vmem>>, vector<16xf32>,
            tpu.vector_store %arg14[%swap3A_217, %swap3A_218], %gather3A_216 {strides = array<i32>} : memref<128x128xf32, #tpu.memory_space<vmem>>, vector<16xf32>,
            %add3A_220 = arith.constant 16 : i32
            %add3A_221 = vector.broadcast %add3A_220 : i32 to vector<16xi32>
            %add3A_222 = arith.addi %iota3A, %add3A_221 : vector<16xi32>
            %gather3A_223 = arith.constant 0 : i32
            %gather3A_224 = arith.constant 0 : i32
            %gather3A_225 = tpu.memref_slice %arg15[%rem3A_127, %gather3A_223, %gather3A_224] : memref<9x64x128xf32, #tpu.memory_space<vmem>> -> memref<1x64x128xf32, #tpu.memory_space<vmem>>
            %gather3A_226 = tpu.memref_squeeze %gather3A_225 : memref<1x64x128xf32, #tpu.memory_space<vmem>> -> memref<64x128xf32, #tpu.memory_space<vmem>>
            %gather3A_227 = tpu.vector_load_idx %gather3A_226[%add3A_222, %gather3A] : memref<64x128xf32, #tpu.memory_space<vmem>>[vector<16xi32>, vector<16xi32>], vector<16xf32>,
            %swap3A_228 = arith.index_cast %rem3A_190 : i32 to index
            %swap3A_229 = arith.constant 16 : index
            %swap3A_230 = tpu.vector_load %arg14[%swap3A_228, %swap3A_229] {strides = array<i32>} : memref<128x128xf32, #tpu.memory_space<vmem>>, vector<16xf32>,
            tpu.vector_store %arg14[%swap3A_228, %swap3A_229], %gather3A_227 {strides = array<i32>} : memref<128x128xf32, #tpu.memory_space<vmem>>, vector<16xf32>,
            %add3A_231 = arith.constant 32 : i32
            %add3A_232 = vector.broadcast %add3A_231 : i32 to vector<16xi32>
            %add3A_233 = arith.addi %iota3A, %add3A_232 : vector<16xi32>
            %gather3A_234 = arith.constant 0 : i32
            %gather3A_235 = arith.constant 0 : i32
            %gather3A_236 = tpu.memref_slice %arg15[%rem3A_127, %gather3A_234, %gather3A_235] : memref<9x64x128xf32, #tpu.memory_space<vmem>> -> memref<1x64x128xf32, #tpu.memory_space<vmem>>
            %gather3A_237 = tpu.memref_squeeze %gather3A_236 : memref<1x64x128xf32, #tpu.memory_space<vmem>> -> memref<64x128xf32, #tpu.memory_space<vmem>>
            %gather3A_238 = tpu.vector_load_idx %gather3A_237[%add3A_233, %gather3A] : memref<64x128xf32, #tpu.memory_space<vmem>>[vector<16xi32>, vector<16xi32>], vector<16xf32>,
            %swap3A_239 = arith.index_cast %rem3A_190 : i32 to index
            %swap3A_240 = arith.constant 32 : index
            %swap3A_241 = tpu.vector_load %arg14[%swap3A_239, %swap3A_240] {strides = array<i32>} : memref<128x128xf32, #tpu.memory_space<vmem>>, vector<16xf32>,
            tpu.vector_store %arg14[%swap3A_239, %swap3A_240], %gather3A_238 {strides = array<i32>} : memref<128x128xf32, #tpu.memory_space<vmem>>, vector<16xf32>,
            %add3A_242 = arith.constant 48 : i32
            %add3A_243 = vector.broadcast %add3A_242 : i32 to vector<16xi32>
            %add3A_244 = arith.addi %iota3A, %add3A_243 : vector<16xi32>
            %gather3A_245 = arith.constant 0 : i32
            %gather3A_246 = arith.constant 0 : i32
            %gather3A_247 = tpu.memref_slice %arg15[%rem3A_127, %gather3A_245, %gather3A_246] : memref<9x64x128xf32, #tpu.memory_space<vmem>> -> memref<1x64x128xf32, #tpu.memory_space<vmem>>
            %gather3A_248 = tpu.memref_squeeze %gather3A_247 : memref<1x64x128xf32, #tpu.memory_space<vmem>> -> memref<64x128xf32, #tpu.memory_space<vmem>>
            %gather3A_249 = tpu.vector_load_idx %gather3A_248[%add3A_244, %gather3A] : memref<64x128xf32, #tpu.memory_space<vmem>>[vector<16xi32>, vector<16xi32>], vector<16xf32>,
            %swap3A_250 = arith.index_cast %rem3A_190 : i32 to index
            %swap3A_251 = arith.constant 48 : index
            %swap3A_252 = tpu.vector_load %arg14[%swap3A_250, %swap3A_251] {strides = array<i32>} : memref<128x128xf32, #tpu.memory_space<vmem>>, vector<16xf32>,
            tpu.vector_store %arg14[%swap3A_250, %swap3A_251], %gather3A_249 {strides = array<i32>} : memref<128x128xf32, #tpu.memory_space<vmem>>, vector<16xf32>,
            %eq3A_253 = arith.constant 127 : i32
            %eq3A_254 = arith.cmpi eq, %rem3A_190, %eq3A_253 : i32
            %sub3A_255 = arith.constant 1 : i32
            %sub3A_256 = arith.subi %cond3A_28, %sub3A_255 : i32
            %eq3A_257 = arith.cmpi eq, %while3A_164, %sub3A_256 : i32
            %or3A = arith.ori %eq3A_254, %eq3A_257 : i1
            %convert_element_type3A_258 = arith.extui %or3A : i1 to i32
            %cond3A_259 = arith.constant 0 : i32
            %cond3A_260 = arith.cmpi ne, %convert_element_type3A_258, %cond3A_259 : i32
            scf.if %cond3A_260 {
              %dma_start3A = arith.constant 0 : i32
              %dma_start3A_261 = tpu.memref_slice %arg9[%select_n3A_188, %dma_start3A] : memref<17x128xi32, #tpu.memory_space<vmem>> -> memref<1x128xi32, #tpu.memory_space<vmem>>
              %dma_start3A_262 = tpu.memref_squeeze %dma_start3A_261 : memref<1x128xi32, #tpu.memory_space<vmem>> -> memref<128xi32, #tpu.memory_space<vmem>>
              %dma_start3A_263 = arith.constant 0 : i32
              %dma_start3A_264 = arith.constant 0 : i32
              %dma_start3A_265 = tpu.memref_slice %arg4[%dma_start3A_263, %dma_start3A_264] : memref<16392x128xf32, #tpu.memory_space<hbm>> -> memref<16392x128xf32, #tpu.memory_space<hbm>>
              tpu.enqueue_indirect_dma source(%arg14 : memref<128x128xf32, #tpu.memory_space<vmem>>) target(%dma_start3A_265 : memref<16392x128xf32, #tpu.memory_space<hbm>>) offsets(%dma_start3A_262 : memref<128xi32, #tpu.memory_space<vmem>>) semaphore(%arg17 : memref<!tpu.dma_semaphore, #tpu.memory_space<semaphore_mem>>)
              %dma_wait3A_266 = arith.constant 0 : i32
              %dma_wait3A_267 = tpu.memref_slice %arg9[%select_n3A_188, %dma_wait3A_266] : memref<17x128xi32, #tpu.memory_space<vmem>> -> memref<1x128xi32, #tpu.memory_space<vmem>>
              %dma_wait3A_268 = tpu.memref_squeeze %dma_wait3A_267 : memref<1x128xi32, #tpu.memory_space<vmem>> -> memref<128xi32, #tpu.memory_space<vmem>>
              %dma_wait3A_269 = arith.constant 0 : i32
              %dma_wait3A_270 = arith.constant 0 : i32
              %dma_wait3A_271 = tpu.memref_slice %arg4[%dma_wait3A_269, %dma_wait3A_270] : memref<16392x128xf32, #tpu.memory_space<hbm>> -> memref<16392x128xf32, #tpu.memory_space<hbm>>
              tpu.wait_indirect_dma semaphore(%arg17 : memref<!tpu.dma_semaphore, #tpu.memory_space<semaphore_mem>>) src(%arg14 : memref<128x128xf32, #tpu.memory_space<vmem>>) dst(%dma_wait3A_271 : memref<16392x128xf32, #tpu.memory_space<hbm>>)
            } else {
            }
          }
        }
      } else {
      }
      %add3A_39 = arith.constant 1 : i32
      %add3A_40 = arith.addi %while3A_21, %add3A_39 : i32
      scf.yield %add3A_40 : i32
    }
    return
  }
}

</mosaic_0001>

<sc_bundles>
// kernel: kernel.3.cloned.1.call-start
scs
__scs_entry_jumppad:
0x0: {  	(pc) =	sbr.rel $0x88, $3  }
0x1: {  	(tag) =	ssettag $0x0;
	lr =	simm.s32 $0x1  }
0x2: {  	[smem:$0x3F9F] =	sst lr;
	_ =	strace $0xD0000000  }
0x3: {  	_ = 	snop  }
0x4: {  	_ = 	snop  }
0x5: {  	_ = 	snop  }
0x6: {  	_ = 	snop  }
0x7: {  	_ = 	snop  }
__scs_overlays_trampoline_lowered:
0x8: {  	[smem:$0x3FAE] =	sst s0  }
0x9: {  	[smem:$0x3FAF] =	sst s1  }
0xa: {  	[smem:$0x3FB0] =	sst s2  }
0xb: {  	[smem:$0x3FB1] =	sst s3  }
0xc: {  	[smem:$0x3FB2] =	sst s4  }
0xd: {  	[smem:$0x3FB3] =	sst s5  }
0xe: {  	[smem:$0x3FB4] =	sst s6  }
0xf: {  	[smem:$0x3FB5] =	sst s7  }
0x10: {  	[smem:$0x3FB6] =	sst s8  }
0x11: {  	[smem:$0x3FB7] =	sst s9;
	s0 =	simm.s32 @!p0 $0x0  }
0x12: {  	s1 =	sld [smem:$0x3F9D];
	s0 =	simm.s32 @p0 $0x1  }
0x13: {  	[smem:$0x3FB8] =	sst s0;
	s0 =	simm.s32 @!p1 $0x0  }
0x14: {  	s2 =	sld [smem:$0x3F9C];
	s0 =	simm.s32 @p1 $0x1  }
0x15: {  	[smem:$0x3FB9] =	sst s0;
	s0 =	simm.s32 @!p2 $0x0  }
0x16: {  	s3 =	sld [smem:$0x3FDB];
	s0 =	simm.s32 @p2 $0x1  }
0x17: {  	s4 =	simm.s32 $0x1BF5;
	[smem:$0x3FBB] =	sst s0  }
0x18: {  	s0 =	sld [smem:$0x3F9E];
	_ =	swait.ge [sflag:s4], $0x0  }
0x19: {  	s7 =	sld [smem:$0x3F9F]  }
0x1a: {  	s8 =	sadd.s32 $0xFFFFE003, lr  }
0x1b: {  	s9 =	sadd.s32 $0xFFFFFEF7, lr;
	s5 =	simm.s32 $0xFFFFFFFF;
	p2 =	slt.u32 s8, $0xFFFFF086  }
0x1c: {  	p1 =	slt.u32 s9, $0xF7A;
	s5 =	simm.s32 @!p2 $0x0  }
0x1d: {  	s5 =	simm.s32 @p1 $0x1;
	p0 =	seq.s32 s7, s2  }
0x1e: {  	s7 =	smul.u32 @!p0 $0xF7A, s2;
	p2 =	seq.s32 @!p0 s5, $0x0  }
0x1f: {  	s9 =	smul.u32 $0xF7A, s1;
	s8 =	simm.s32 @!p0 $0x1BF5;
	p2 =	por !p2, p0  }
0x20: {  	[sflag:s8] =	ssyncset.s32 @!p0 $0xFFFFF086;
	s6 =	sadd.s32 @!p0 s3, s7;
	s7 =	simm.s32 @!p0 $0x108  }
0x21: {  	s3 =	sadd.s32 s3, s9;
	s6 =	sadd.s32 @!p0 $0x88, s6;
	s7 =	simm.s32 @p2 $0x1082  }
0x22: {  	[simem:s7], [sflag:s8] =	dma.local @!p0 [hbm:s6], $0xF7A  }
0x23: {  	s9 =	sor.u32 $0xD0000000, s2;
	s6 =	simm.s32 $0x108;
	_ =	swait.ge @!p0 [sflag:s8], $0x0  }
0x24: {  	s3 =	sadd.s32 $0x88, s3;
	s6 =	simm.s32 @!p1 $0x1082;
	[sflag:s4] =	ssyncset.s32 $0xFFFFF086  }
0x25: {  	[simem:s6], [sflag:s4] =	dma.local [hbm:s3], $0xF7A  }
0x26: {  	[smem:$0x3F9F] =	sst s1;
	(tag) =	ssettag s2;
	_ =	strace s9  }
0x27: {  	s1 =	sld [smem:$0x3FAF]  }
0x28: {  	s2 =	sld [smem:$0x3FB0]  }
0x29: {  	s4 =	sld [smem:$0x3FB2]  }
0x2a: {  	p0 =	seq.s32 s5, $0x0;
	s5 =	sld [smem:$0x3FB3]  }
0x2b: {  	s6 =	sld [smem:$0x3FB4]  }
0x2c: {  	s7 =	sld [smem:$0x3FB5]  }
0x2d: {  	s3 =	simm.s32 $0x108;
	s8 =	sld [smem:$0x3FB6]  }
0x2e: {  	s3 =	simm.s32 @!p0 $0x1082;
	s9 =	sld [smem:$0x3FB7]  }
0x2f: {  	lr =	sadd.s32 s0, s3;
	s0 =	sld [smem:$0x3FAE]  }
0x30: {  	s3 =	sld [smem:$0x3FB1]  }
0x31: {  	[smem:$0x3FBA] =	sst s10  }
0x32: {  	s10 =	sld [smem:$0x3FB8];
	_ =	sdelay $0x3  }
0x33: {  	p0 =	seq.s32 s10, $0x1;
	s10 =	sld [smem:$0x3FBA];
	_ =	sdelay $0x3  }
0x34: {  	[smem:$0x3FBA] =	sst s10  }
0x35: {  	s10 =	sld [smem:$0x3FB9];
	_ =	sdelay $0x3  }
0x36: {  	p1 =	seq.s32 s10, $0x1;
	s10 =	sld [smem:$0x3FBA];
	_ =	sdelay $0x3  }
0x37: {  	[smem:$0x3FBA] =	sst s10  }
0x38: {  	s10 =	sld [smem:$0x3FBB]  }
0x39: {  	_ = 	snop;
	(pc) =	sbr.ind lr, $3  }
0x3a: {  	_ = 	snop  }
0x3b: {  	_ = 	snop  }
0x3c: {  	p2 =	seq.s32 s10, $0x1;
	s10 =	sld [smem:$0x3FBA]  }
0x3d: {  	_ =	shalt  }
0x3e: {  	_ =	shalt  }
0x3f: {  	_ =	shalt  }
0x40: {  	_ =	shalt  }
0x41: {  	_ =	shalt  }
0x42: {  	_ =	shalt  }
0x43: {  	_ =	shalt  }
0x44: {  	_ =	shalt  }
0x45: {  	_ =	shalt  }
0x46: {  	_ =	shalt  }
0x47: {  	_ =	shalt  }
0x48: {  	_ =	shalt  }
0x49: {  	_ =	shalt  }
0x4a: {  	_ =	shalt  }
0x4b: {  	_ =	shalt  }
0x4c: {  	_ =	shalt  }
0x4d: {  	_ =	shalt  }
0x4e: {  	_ =	shalt  }
0x4f: {  	_ =	shalt  }
0x50: {  	_ =	shalt  }
0x51: {  	_ =	shalt  }
0x52: {  	_ =	shalt  }
0x53: {  	_ =	shalt  }
0x54: {  	_ =	shalt  }
0x55: {  	_ =	shalt  }
0x56: {  	_ =	shalt  }
0x57: {  	_ =	shalt  }
0x58: {  	_ =	shalt  }
0x59: {  	_ =	shalt  }
0x5a: {  	_ =	shalt  }
0x5b: {  	_ =	shalt  }
0x5c: {  	_ =	shalt  }
0x5d: {  	_ =	shalt  }
0x5e: {  	_ =	shalt  }
0x5f: {  	_ =	shalt  }
0x60: {  	_ =	shalt  }
0x61: {  	_ =	shalt  }
0x62: {  	_ =	shalt  }
0x63: {  	_ =	shalt  }
0x64: {  	_ =	shalt  }
0x65: {  	_ =	shalt  }
0x66: {  	_ =	shalt  }
0x67: {  	_ =	shalt  }
0x68: {  	_ =	shalt  }
0x69: {  	_ =	shalt  }
0x6a: {  	_ =	shalt  }
0x6b: {  	_ =	shalt  }
0x6c: {  	_ =	shalt  }
0x6d: {  	_ =	shalt  }
0x6e: {  	_ =	shalt  }
0x6f: {  	_ =	shalt  }
0x70: {  	_ =	shalt  }
0x71: {  	_ =	shalt  }
0x72: {  	_ =	shalt  }
0x73: {  	_ =	shalt  }
0x74: {  	_ =	shalt  }
0x75: {  	_ =	shalt  }
0x76: {  	_ =	shalt  }
0x77: {  	_ =	shalt  }
0x78: {  	_ =	shalt  }
0x79: {  	_ =	shalt  }
0x7a: {  	_ =	shalt  }
0x7b: {  	_ =	shalt  }
0x7c: {  	_ =	shalt  }
0x7d: {  	_ =	shalt  }
0x7e: {  	_ =	shalt  }
0x7f: {  	_ =	shalt  }
0x80: {  	_ =	shalt  }
0x81: {  	_ =	shalt  }
0x82: {  	_ =	shalt  }
0x83: {  	_ =	shalt  }
0x84: {  	_ =	shalt  }
0x85: {  	_ =	shalt  }
0x86: {  	_ =	shalt  }
0x87: {  	_ =	shalt  }
.Lfunc_end0:
.L_simem_size_0:
called_computation_lowered:
.L_overlay_start_0:
0x88: {  	s2 =	sld [smem:$0x3FD9]  }
0x89: {  	s3 =	sld [smem:$0x3FFE];
	_ =	sdelay $0x1  }
0x8a: {  	s1 =	srdreg.scid  }
0x8b: {  	s0 =	sand.u32 $0x1, s1  }
0x8c: {  	s17 =	sshll.u32 s0, $0xA;
	s2 =	sadd.s32 s3, s2  }
0x8d: {  	s2 =	sadd.s32 s2, s17  }
0x8e: {  	[smem:$0x3FC6] =	sst s2  }
0x8f: {  	_ = 	snop  }
0x90: {  	s2 =	sld [smem:$0x3FC9]  }
0x91: {  	s18 =	sld [smem:$0x3FC8];
	(tm) =	ssettm $0x1  }
0x92: {  	s4 =	sld [smem:$0x3FFB];
	_ =	sdelay $0x3  }
0x93: {  	_ =	strace s4  }
0x94: {  	s4 =	sld [smem:$0x3FFC];
	_ =	sdelay $0x3  }
0x95: {  	_ =	strace s4  }
0x96: {  	s4 =	sld [smem:$0x3FFD];
	_ =	sdelay $0x3  }
0x97: {  	_ =	strace s4  }
0x98: {  	_ =	strace $0x8FFFFFFF  }
0x99: {  	s19 =	sld [smem:$0x3FDB];
	_ =	sdelay $0x1  }
0x9a: {  	s5 =	simm.s32 $_scs_section_size  }
0x9b: {  	s6 =	simm.s32 $_size__tile_overlayer_lowered;
	s7 =	simm.s32 $_tile_overlayer_lowered  }
0x9c: {  	s22 =	simm.s32 $0x1BFF;
	s21 =	sshll.u32 s7, $0x1;
	s4 =	sadd.s32 s5, s19  }
0x9d: {  	s8 =	simm.s32 $0x0;
	s20 =	sshll.u32 s6, $0x1;
	s6 =	sadd.s32 s21, s4  }
0x9e: {  	[timem:s8], [sflag:s22] =	dma.local [hbm:s6], s20  }
0x9f: {  	_ =	swait.ge [sflag:s22], s20  }
0xa0: {  	s5 =	ssub.s32 $0x0, s20;
	[sflag:s22] =	ssyncset.done $0x0  }
0xa1: {  	[sflag:s22] =	ssyncadd.s32 s5;
	_ =	sdelay $0x1  }
0xa2: {  	s23 =	simm.s32 $0x1B8B  }
0xa3: {  	_ =	swait.ge [sflag:s23], $0x1  }
0xa4: {  	[sflag:s23] =	ssyncset.done $0x0  }
0xa5: {  	s25 =	simm.s32 $0x1B8E;
	s24 =	sld [smem:$0x3FFE];
	[sflag:s23] =	ssyncadd.s32 $0xFFFFFFFF  }
0xa6: {  	s26 =	simm.s32 $execute0_lowered;
	[smem:$0x3FD2] =	sst s25  }
0xa7: {  	s6 =	sshll.u32 s26, $0x1;
	_ =	strace $0x80000046;
	[dreg:$0x1] =	wrdreg $0xFFFFFFFF  }
0xa8: {  	s28 =	simm.s32 $_size_execute0_lowered;
	s4 =	sadd.s32 s4, s6;
	[dreg:$0x0] =	wrdreg $0x0  }
0xa9: {  	s6 =	sshll.u32 s28, $0x1;
	[dreg:$0x2] =	wrdreg s4  }
0xaa: {  	[dreg:$0x3] =	wrdreg s6  }
0xab: {  	[dreg:$0x4] =	wrdreg $0xC0  }
0xac: {  	_ =	task [dreg:s8], $0x5FFFF  }
0xad: {  	[dreg:$0x1] =	wrdreg $0xFFFFFFFF  }
0xae: {  	[dreg:$0x0] =	wrdreg $0x60  }
0xaf: {  	[dreg:$0x2] =	wrdreg s2  }
0xb0: {  	[dreg:$0x3] =	wrdreg s18  }
0xb1: {  	[dreg:$0x4] =	wrdreg s24  }
0xb2: {  	[dreg:$0x5] =	wrdreg $0x9  }
0xb3: {  	_ =	task.clear_ibuf [dreg:s8], $0x6FFFF;
	_ =	strace $0x90000046  }
0xb4: {  	s29 =	simm.s32 $0x9;
	_ =	strace $0x80000048  }
0xb5: {  	_ =	swait.ge [sflag:s29], $0x1  }
0xb6: {  	[sflag:s29] =	ssyncadd.s32 $0xFFFFFFFF  }
0xb7: {  	_ =	strace $0x90000048  }
0xb8: {  	_ =	sfence  }
0xb9: {  	s30 =	sld [smem:$0x0];
	_ =	sdelay $0x2  }
0xba: {  	s31 =	sshll.u32 s1, $0xD;
	s1 =	sshrl.u32 s1, $0x2  }
0xbb: {  	s3 =	sand.u32 $0x4000, s31;
	s1 =	sadd.s32 s1, s30  }
0xbc: {  	s0 =	sor.u32 s3, s0;
	s1 =	sshll.u32 s1, $0x11  }
0xbd: {  	s0 =	sor.u32 s1, s0  }
0xbe: {  	s0 =	sadd.s32 $0x8F2B, s0  }
0xbf: {  	[sflag:s0] =	ssyncadd.remote.s32 $0x1  }
0xc0: {  	_ =	sfence.sel $0xFFFF  }
0xc1: {  	[dreg:$0x0] =	wrdreg $0xFFFFFFFF;
	(pc) =	sbr.abs _section_cstart, $3  }
0xc2: {  	[dreg:$0x1] =	wrdreg $0xFFFFFFFF  }
0xc3: {  	_ =	task.clear_ibuf [dreg:s8], $0x2FFFF;
	_ =	strace $0x9FFFFFFF  }
0xc4: {  	(tm) =	ssettm $0x7FFFFFFF  }
0xc5: {  	_ =	shalt  }
tec
execute0_lowered:
.L_overlay_start_1:
0x0: {  	(tag) =	ssettag $0x1  }
0x1: {  	s0 =	srdreg.scid  }
0x2: {  	s4 =	stileid.u32;
	s2 =	rddreg [dreg:$0x2];
	s3 =	simm.s32 $0x0  }
0x3: {  	s0 =	sand.u32 $0x1, s0;
	s1 =	sshll.u32 s4, $0x1;
	s4 =	smul.u32 $0x1EA, s4  }
0x4: {  	s1 =	sor.u32 s0, s1;
	s29 =	ssub.s32 $0x2, s0;
	s0 =	smul.u32 $0xF5, s0  }
0x5: {  	[smem:$0x7FF] =	sst s3;
	s12 =	sadd.s32 $0x400, s2;
	s6 =	smul.u32 $0xF5, s1  }
.Ltmp0:
0x6: {  	v0 =	vlaneseq.u32;
	_ =	strace $0x80000047;
	[dreg:$0xf] =	wrdreg s12;
	(pc) =	sbr.rel .LBB2_1-.Ltmp0, $4  }
0x7: {  	v3 =	vmul.u32 $0x80, v0;
	s1 =	smul.u32 $0x7A80, s1;
	s5 =	sshrl.u32 s29, $0x1;
	s0 =	sadd.s32 s0, s4  }
0x8: {  	v5 =	vimm.s32 $0x0;
	v6 =	vimm.s32 $0x4000;
	s30 =	ssub.s32 s29, s5;
	s31 =	sadd.s32 $0xF5, s6;
	[dreg:$0x11] =	wrdreg s0  }
0x9: {  	v7 =	vor.u32 $0x800, v3;
	v8 =	vor.u32 $0x1000, v3;
	v9 =	vor.u32 $0x1800, v3;
	s1 =	sadd.s32 $0x7D00, s1;
	s2 =	smax.u32 s30, $0x1;
	[dreg:$0x4] =	wrdreg s6  }
0xa: {  	s13 =	simm.s32 $0x5100;
	v1 =	vmov s6;
	[dreg:$0x10] =	wrdreg s2;
	v2 =	vmov s31;
	v4 =	vmov s1;
	s1 =	simm.s32 $0x0  }
.LBB2_42:
0xb: {  	s1 =	rddreg [dreg:$0x12]  }
0xc: {  	s0 =	rddreg [dreg:$0x10];
	s1 =	sadd.s32 $0x1, s1  }
0xd: {  	p0 =	sne.s32 s1, s0  }
.Ltmp1:
0xe: {  	_ = 	snop;
	(pc) =	sbr.rel @!p0 .LBB2_43-.Ltmp1, $1  }
0xf: {  	_ =	sdelay $0x3  }
.LBB2_1:
0x10: {  	[dreg:$0x12] =	wrdreg s1  }
0x11: {  	s0 =	rddreg [dreg:$0x0];
	s28 =	simm.s32 $0x0;
	s29 =	simm.s32 $0xB  }
0x12: {  	[tilespmem:s28], [sflag:$0xB] =	stream.linear.gather [hbm4b:s0+s28], $0x4000, $0x38;
	[tilespmem:$0x1C900] =	vst v63  }
0x13: {  	_ =	swait.ge [sflag:s29], $0x4000  }
0x14: {  	[sflag:s29] =	ssyncset.done $0x0  }
0x15: {  	s30 =	simm.s32 $0x0;
	[sflag:s29] =	ssyncadd.s32 $0xFFFFC000  }
0x16: {  	v10 =	vld [tilespmem:s30+$0x0];
	_ =	sdelay $0x4  }
0x17: {  	v11 =	vshra.s32 v10, $0x1F  }
0x18: {  	s31 =	simm.s32 $0x10;
	v11 =	vshrl.u32 v11, $0x19  }
0x19: {  	v12 =	vand.u32 $0x7F, v10;
	vm0 =	vlt.s32 v10, $0x1;
	v10 =	vadd.s32 v11, v10;
	v11 =	vld [tilespmem:s31+$0x0]  }
0x1a: {  	vm1 =	vne.s32 v12, $0x0  }
0x1b: {  	vm0 =	vmand vm0, vm1  }
0x1c: {  	v10 =	vshra.s32 v10, $0x7;
	v12 =	vsel vm0, $0xFFFFFFFF, v5  }
0x1d: {  	s0 =	simm.s32 $0x80;
	v12 =	vadd.s32 v12, v10;
	v10 =	vimm.s32 $0x0  }
.LBB2_2:
0x1e: {  	s1 =	sshra.s32 s0, $0x2;
	vm0 =	vlt.s32 v11, $0x1;
	vm1 =	vge.s32 v12, v1;
	vm2 =	vlt.s32 v12, v2;
	v12 =	vmovc v11;
	p0 =	sne.s32 s0, $0xFFC0  }
.Ltmp2:
0x1f: {  	s0 =	sadd.s32 $0x40, s0;
	v11 =	vld [tilespmem:s1+$0x0];
	v13 =	vshra.s32 v12, $0x1F;
	v14 =	vand.u32 $0x7F, v12;
	vm1 =	vmand vm1, vm2;
	(pc) =	sbr.rel @p0 .LBB2_2-.Ltmp2, $4  }
0x20: {  	v13 =	vshrl.u32 v13, $0x19;
	vm2 =	vne.s32 v14, $0x0;
	v14 =	vsel vm1, $0x1, v5  }
0x21: {  	v12 =	vadd.s32 v13, v12;
	vm0 =	vmand vm0, vm2;
	v10 =	vadd.s32 v14, v10  }
0x22: {  	v12 =	vshra.s32 v12, $0x7;
	v13 =	vsel vm0, $0xFFFFFFFF, v5  }
0x23: {  	v12 =	vadd.s32 v13, v12  }
0x24: {  	v13 =	vshra.s32 v11, $0x1F;
	v14 =	vand.u32 $0x7F, v11  }
0x25: {  	vm1 =	vlt.s32 v11, $0x1;
	vm0 =	vne.s32 v14, $0x0;
	v13 =	vshrl.u32 v13, $0x19  }
0x26: {  	v11 =	vadd.s32 v13, v11;
	vm0 =	vmand vm1, vm0  }
0x27: {  	v11 =	vshra.s32 v11, $0x7;
	v63 =	vsel vm0, $0xFFFFFFFF, v5  }
0x28: {  	vm12 =	vge.s32 v12, v1;
	vm13 =	vlt.s32 v12, v2;
	v11 =	vadd.s32 v63, v11  }
0x29: {  	vm0 =	vmand vm12, vm13;
	vm14 =	vge.s32 v11, v1;
	vm2 =	vlt.s32 v11, v2  }
0x2a: {  	v11 =	vsel vm0, $0x1, v5;
	vm15 =	vmand vm14, vm2  }
0x2b: {  	v10 =	vadd.s32 v11, v10;
	v11 =	vsel vm15, $0x1, v5  }
0x2c: {  	v10 =	vadd.s32 v11, v10  }
0x2d: {  	(xrf0) =	vadd.scan.msk.s32 $0xffff, v10;
	_ =	sdelay $0x5  }
0x2e: {  	v10, _, _ =	vpop (xrf0)  }
0x2f: {  	(v2sf) =	vpush v10, $0xF;
	_ =	sdelay $0xe  }
.Ltmp3:
0x30: {  	s0 =	spop (v2sf);
	(pc) =	sbr.rel .LBB2_4-.Ltmp3, $4  }
0x31: {  	p4 =	slt.s32 s0, $0x801  }
0x32: {  	s1 =	simm.s32 @!p4 $0x0  }
0x33: {  	[dreg:$0x13] =	wrdreg s0;
	s1 =	simm.s32 @p4 $0x1  }
0x34: {  	s18 =	simm.s32 $0x0;
	s0 =	simm.s32 $0x0;
	[smem:$0x7FD] =	sst s1  }
.LBB2_41:
0x35: {  	s18 =	sadd.s32 $0x1, s18  }
0x36: {  	s1 =	rddreg [dreg:$0x13];
	p0 =	seq.s32 s18, $0x0;
	s0 =	sshll.u32 s18, $0xB  }
0x37: {  	p1 =	slt.s32 @!p0 s0, s1  }
0x38: {  	p1 =	por p0, p1  }
.Ltmp4:
0x39: {  	_ = 	snop;
	(pc) =	sbr.rel @!p1 .LBB2_42-.Ltmp4, $2  }
0x3a: {  	_ =	sdelay $0x2  }
0x3b: {  	s0 =	smov.u32 @p0 s0;
	s18 =	smov.u32 @p0 s18  }
.LBB2_4:
.Ltmp5:
0x3c: {  	(pc) =	sbr.rel @!p4 .LBB2_5-.Ltmp5, $1  }
0x3d: {  	_ =	sdelay $0x3  }
0x3e: {  	s1 =	simm.s32 $0x0  }
0x3f: {  	v10 =	vld [tilespmem:s1+$0x0];
	_ =	sdelay $0x4  }
0x40: {  	v11 =	vshra.s32 v10, $0x1F;
	v12 =	vand.u32 $0x7F, v10  }
0x41: {  	vm0 =	vlt.s32 v10, $0x1;
	v11 =	vshrl.u32 v11, $0x19;
	vm1 =	vne.s32 v12, $0x0  }
0x42: {  	v11 =	vadd.s32 v11, v10;
	vm0 =	vmand vm0, vm1  }
0x43: {  	v11 =	vshra.s32 v11, $0x7;
	v63 =	vsel vm0, $0xFFFFFFFF, v5  }
0x44: {  	v11 =	vadd.s32 v63, v11  }
0x45: {  	vm14 =	vge.s32 v11, v1;
	vm15 =	vlt.s32 v11, v2  }
0x46: {  	vm0 =	vmand vm14, vm15  }
0x47: {  	v11 =	vmpcnt.ones.xlane vm0;
	_ =	sdelay $0x1  }
0x48: {  	(v2sf) =	vpush v11, $0x0  }
0x49: {  	[tilespmem:s1+$0x4000] =	vst.msk vm0, v10;
	v10 =	vor.u32 s1, v0  }
0x4a: {  	s0 =	simm.s32 $0x10;
	[tilespmem:s1+$0x4880] =	vst.msk vm0, v10  }
0x4b: {  	s2 =	simm.s32 $0x20;
	s3 =	simm.s32 $0x10;
	s1 =	simm.s32 $0x0;
	v10 =	vld [tilespmem:s0+$0x0]  }
.LBB2_9:
0x4c: {  	p0 =	seq.s32 s2, $0x3FF0;
	_ =	sdelay $0x3  }
0x4d: {  	v11 =	vshra.s32 v10, $0x1F;
	v12 =	vand.u32 $0x7F, v10  }
0x4e: {  	vm0 =	vlt.s32 v10, $0x1;
	v11 =	vshrl.u32 v11, $0x19;
	vm1 =	vne.s32 v12, $0x0  }
0x4f: {  	v11 =	vadd.s32 v11, v10;
	vm0 =	vmand vm0, vm1  }
0x50: {  	v11 =	vshra.s32 v11, $0x7;
	v12 =	vsel vm0, $0xFFFFFFFF, v5  }
0x51: {  	v11 =	vadd.s32 v12, v11  }
0x52: {  	vm0 =	vge.s32 v11, v1;
	vm1 =	vlt.s32 v11, v2  }
0x53: {  	vm0 =	vmand vm0, vm1  }
0x54: {  	v11 =	vmpcnt.ones.xlane vm0;
	s4 =	spop (v2sf)  }
.Ltmp6:
0x55: {  	s1 =	sadd.s32 s1, s4;
	(pc) =	sbr.rel @!p0 .LBB2_9-.Ltmp6, $4  }
0x56: {  	[tilespmem:s1+$0x4000] =	vst.msk vm0, v10;
	v10 =	vor.u32 s0, v0;
	(v2sf) =	vpush v11, $0x0;
	s0 =	smov.u32 s2  }
0x57: {  	[tilespmem:s1+$0x4880] =	vst.msk vm0, v10  }
0x58: {  	s3 =	sadd.s32 $0x10, s3  }
0x59: {  	s2 =	sadd.s32 $0x10, s2;
	v10 =	vld [tilespmem:s3+$0x0]  }
0x5a: {  	_ =	sdelay $0x3  }
0x5b: {  	v11 =	vshra.s32 v10, $0x1F;
	v12 =	vand.u32 $0x7F, v10  }
0x5c: {  	vm0 =	vlt.s32 v10, $0x1;
	v11 =	vshrl.u32 v11, $0x19;
	vm1 =	vne.s32 v12, $0x0  }
0x5d: {  	v11 =	vadd.s32 v11, v10;
	vm0 =	vmand vm0, vm1  }
0x5e: {  	v11 =	vshra.s32 v11, $0x7;
	v63 =	vsel vm0, $0xFFFFFFFF, v5  }
0x5f: {  	v11 =	vadd.s32 v63, v11  }
0x60: {  	vm14 =	vge.s32 v11, v1;
	vm15 =	vlt.s32 v11, v2  }
0x61: {  	vm0 =	vmand vm14, vm15  }
0x62: {  	v11 =	vmpcnt.ones.xlane vm0;
	_ =	sdelay $0x1  }
0x63: {  	(v2sf) =	vpush v11, $0x0;
	_ =	sdelay $0xb  }
.Ltmp7:
0x64: {  	_ = 	snop;
	(pc) =	sbr.rel .LBB2_11-.Ltmp7, $4  }
0x65: {  	s2 =	spop (v2sf)  }
0x66: {  	s1 =	sadd.s32 s1, s2  }
0x67: {  	[tilespmem:s1+$0x4000] =	vst.msk vm0, v10;
	v10 =	vor.u32 s0, v0;
	s31 =	spop (v2sf)  }
0x68: {  	[tilespmem:s1+$0x4880] =	vst.msk vm0, v10;
	s8 =	sadd.s32 s1, s31  }
.LBB2_5:
0x69: {  	s1 =	sadd.s32 $0x800, s0;
	v10 =	vmov s0;
	s0 =	simm.s32 $0x0  }
0x6a: {  	v12 =	vld [tilespmem:s0+$0x0];
	_ =	sdelay $0x4  }
0x6b: {  	v13 =	vshra.s32 v12, $0x1F;
	v14 =	vand.u32 $0x7F, v12  }
0x6c: {  	vm0 =	vlt.s32 v12, $0x1;
	v13 =	vshrl.u32 v13, $0x19;
	vm1 =	vne.s32 v14, $0x0  }
0x6d: {  	v13 =	vadd.s32 v13, v12;
	vm0 =	vmand vm0, vm1  }
0x6e: {  	v13 =	vshra.s32 v13, $0x7;
	v14 =	vsel vm0, $0xFFFFFFFF, v5  }
0x6f: {  	v13 =	vadd.s32 v14, v13  }
0x70: {  	vm13 =	vge.s32 v13, v1;
	vm14 =	vlt.s32 v13, v2  }
0x71: {  	vm0 =	vmand vm13, vm14  }
0x72: {  	v13 =	vsel vm0, $0x1, v5  }
0x73: {  	(xrf0) =	vadd.scan.msk.s32 $0xffff, v13;
	_ =	sdelay $0x2  }
0x74: {  	v13 =	vmov s0  }
0x75: {  	v13 =	vadd.s32 $0xFFFFFFFF, v13  }
0x76: {  	v13 =	vbroadcast v13, $0x0  }
0x77: {  	v14, _, _ =	vpop (xrf0)  }
0x78: {  	v11 =	vmov s1;
	v13 =	vadd.s32 v14, v13;
	(v2sf) =	vpush v14, $0xF  }
0x79: {  	vm15 =	vge.s32 v13, v10;
	vm2 =	vlt.s32 v13, v11  }
0x7a: {  	vm1 =	vmand vm15, vm2  }
0x7b: {  	vm0 =	vmand vm0, vm1  }
0x7c: {  	[tilespmem:s0+$0x4000] =	vst.msk vm0, v12;
	v12 =	vor.u32 s0, v0;
	v13 =	vmpcnt.ones.xlane vm0  }
0x7d: {  	s1 =	simm.s32 $0x10;
	[tilespmem:s0+$0x4880] =	vst.msk vm0, v12  }
0x7e: {  	s3 =	simm.s32 $0x20;
	s2 =	simm.s32 $0x0;
	s4 =	simm.s32 $0x10;
	v12 =	vld [tilespmem:s1+$0x0];
	(v2sf) =	vpush v13, $0x0  }
.LBB2_6:
0x7f: {  	p0 =	sne.s32 s3, $0x3FF0;
	_ =	sdelay $0x3  }
0x80: {  	v13 =	vshra.s32 v12, $0x1F;
	v14 =	vand.u32 $0x7F, v12  }
0x81: {  	vm0 =	vlt.s32 v12, $0x1;
	v13 =	vshrl.u32 v13, $0x19;
	vm1 =	vne.s32 v14, $0x0  }
0x82: {  	v13 =	vadd.s32 v13, v12;
	vm0 =	vmand vm0, vm1  }
0x83: {  	v13 =	vshra.s32 v13, $0x7;
	v14 =	vsel vm0, $0xFFFFFFFF, v5  }
0x84: {  	v13 =	vadd.s32 v14, v13;
	s5 =	spop (v2sf)  }
0x85: {  	vm0 =	vge.s32 v13, v1;
	vm1 =	vlt.s32 v13, v2;
	s0 =	sadd.s32 s0, s5  }
0x86: {  	vm0 =	vmand vm0, vm1  }
0x87: {  	v13 =	vsel vm0, $0x1, v5  }
0x88: {  	(xrf0) =	vadd.scan.msk.s32 $0xffff, v13;
	_ =	sdelay $0x1  }
0x89: {  	s5 =	spop (v2sf)  }
0x8a: {  	v13 =	vmov s0;
	s2 =	sadd.s32 s2, s5  }
0x8b: {  	v13 =	vadd.s32 $0xFFFFFFFF, v13  }
0x8c: {  	v13 =	vbroadcast v13, $0x0  }
0x8d: {  	v14, _, _ =	vpop (xrf0)  }
0x8e: {  	v13 =	vadd.s32 v14, v13;
	(v2sf) =	vpush v14, $0xF  }
0x8f: {  	vm1 =	vge.s32 v13, v10;
	vm2 =	vlt.s32 v13, v11  }
.Ltmp8:
0x90: {  	vm1 =	vmand vm1, vm2;
	(pc) =	sbr.rel @p0 .LBB2_6-.Ltmp8, $4  }
0x91: {  	vm0 =	vmand vm0, vm1  }
0x92: {  	[tilespmem:s2+$0x4000] =	vst.msk vm0, v12;
	v12 =	vor.u32 s1, v0;
	v13 =	vmpcnt.ones.xlane vm0;
	s1 =	smov.u32 s3  }
0x93: {  	s4 =	sadd.s32 $0x10, s4;
	[tilespmem:s2+$0x4880] =	vst.msk vm0, v12  }
0x94: {  	s3 =	sadd.s32 $0x10, s3;
	v12 =	vld [tilespmem:s4+$0x0];
	(v2sf) =	vpush v13, $0x0  }
0x95: {  	_ =	sdelay $0x3  }
0x96: {  	v13 =	vshra.s32 v12, $0x1F;
	v14 =	vand.u32 $0x7F, v12  }
0x97: {  	vm0 =	vlt.s32 v12, $0x1;
	v13 =	vshrl.u32 v13, $0x19;
	vm1 =	vne.s32 v14, $0x0  }
0x98: {  	v13 =	vadd.s32 v13, v12;
	vm0 =	vmand vm0, vm1  }
0x99: {  	v13 =	vshra.s32 v13, $0x7;
	v60 =	vsel vm0, $0xFFFFFFFF, v5  }
0x9a: {  	v13 =	vadd.s32 v60, v13  }
0x9b: {  	vm13 =	vge.s32 v13, v1;
	vm14 =	vlt.s32 v13, v2  }
0x9c: {  	vm0 =	vmand vm13, vm14  }
0x9d: {  	v61 =	vsel vm0, $0x1, v5  }
0x9e: {  	(xrf0) =	vadd.scan.msk.s32 $0xffff, v61  }
0x9f: {  	s3 =	spop (v2sf)  }
0xa0: {  	s0 =	sadd.s32 s0, s3  }
0xa1: {  	v62 =	vmov s0  }
0xa2: {  	v13 =	vadd.s32 $0xFFFFFFFF, v62  }
0xa3: {  	v13 =	vbroadcast v13, $0x0  }
0xa4: {  	v63, _, _ =	vpop (xrf0)  }
0xa5: {  	v13 =	vadd.s32 v63, v13  }
0xa6: {  	vm15 =	vge.s32 v13, v10;
	vm2 =	vlt.s32 v13, v11  }
0xa7: {  	vm1 =	vmand vm15, vm2  }
0xa8: {  	vm0 =	vmand vm0, vm1  }
0xa9: {  	v10 =	vmpcnt.ones.xlane vm0  }
0xaa: {  	(v2sf) =	vpush v63, $0xF  }
0xab: {  	(v2sf) =	vpush v10, $0x0;
	_ =	sdelay $0xc  }
0xac: {  	s29 =	spop (v2sf)  }
0xad: {  	s0 =	sadd.s32 s2, s29;
	s30 =	spop (v2sf)  }
0xae: {  	[tilespmem:s0+$0x4000] =	vst.msk vm0, v12;
	v10 =	vor.u32 s1, v0;
	s31 =	spop (v2sf)  }
0xaf: {  	[tilespmem:s0+$0x4880] =	vst.msk vm0, v10;
	s8 =	sadd.s32 s0, s31  }
.LBB2_11:
0xb0: {  	p0 =	slt.s32 s8, $0x1  }
.Ltmp9:
0xb1: {  	_ = 	snop;
	(pc) =	sbr.rel @p0 .LBB2_41-.Ltmp9, $3  }
0xb2: {  	_ =	sdelay $0x1  }
0xb3: {  	[tilespmem:s8+$0x4000] =	vst v4  }
0xb4: {  	[tilespmem:s8+$0x4880] =	vst v6;
	s0 =	simm.s32 $0x0  }
0xb5: {  	s1 =	simm.s32 $0x4;
	s2 =	simm.s32 $0x0  }
.LBB2_13:
0xb6: {  	p0 =	sne.s32 s1, $0x3FC  }
0xb7: {  	[smem:s2] =	sst s0;
	s2 =	smov.u32 s1;
	s1 =	sadd.s32 $0x4, s1  }
.Ltmp10:
0xb8: {  	(pc) =	sbr.rel @p0 .LBB2_13-.Ltmp10, $2  }
0xb9: {  	_ =	sdelay $0x2  }
0xba: {  	s2 =	sshra.s32 s2, $0x2  }
0xbb: {  	[dreg:$0x14] =	wrdreg s18  }
0xbc: {  	[smem:s2] =	sst s0;
	s0 =	simm.s32 $0x0;
	s1 =	simm.s32 $0x200  }
.LBB2_15:
0xbd: {  	p0 =	sne.s32 s1, $0x2000;
	[tilespmem:s0+$0x5D70] =	vst v6  }
0xbe: {  	[tilespmem:s0+$0x5D00] =	vst v6  }
0xbf: {  	[tilespmem:s0+$0x5D10] =	vst v6  }
.Ltmp11:
0xc0: {  	[tilespmem:s0+$0x5D20] =	vst v6;
	(pc) =	sbr.rel @p0 .LBB2_15-.Ltmp11, $4  }
0xc1: {  	[tilespmem:s0+$0x5D30] =	vst v6  }
0xc2: {  	[tilespmem:s0+$0x5D40] =	vst v6  }
0xc3: {  	[tilespmem:s0+$0x5D50] =	vst v6  }
0xc4: {  	[tilespmem:s0+$0x5D60] =	vst v6;
	s0 =	sshra.s32 s1, $0x2;
	s1 =	sadd.s32 $0x200, s1  }
0xc5: {  	s1 =	sadd.s32 $0xF, s8  }
0xc6: {  	s2 =	sand.u32 $0xF, s1  }
0xc7: {  	s31 =	sshra.s32 s1, $0x1F;
	p1 =	slt.s32 s1, $0x0;
	p0 =	sne.s32 s2, $0x0  }
0xc8: {  	s2 =	sshrl.u32 s31, $0x1C;
	p0 =	por !p1, !p0  }
0xc9: {  	s1 =	sadd.s32 s2, s1;
	s2 =	simm.s32 $0x1;
	p0 =	por !p0, !p0  }
0xca: {  	[tilespmem:s0+$0x5D70] =	vst v6;
	s1 =	sshra.s32 s1, $0x4;
	s2 =	simm.s32 @!p0 $0x0  }
0xcb: {  	[tilespmem:s0+$0x5D00] =	vst v6;
	s20 =	ssub.s32 s1, s2  }
0xcc: {  	[tilespmem:s0+$0x5D10] =	vst v6;
	p3 =	slt.s32 s20, $0x1  }
.Ltmp12:
0xcd: {  	[tilespmem:s0+$0x5D20] =	vst v6;
	(pc) =	sbr.rel @p3 .LBB2_24-.Ltmp12, $4  }
0xce: {  	[tilespmem:s0+$0x5D30] =	vst v6  }
0xcf: {  	[tilespmem:s0+$0x5D40] =	vst v6  }
0xd0: {  	[tilespmem:s0+$0x5D50] =	vst v6  }
0xd1: {  	[tilespmem:s0+$0x5D60] =	vst v6;
	s0 =	simm.s32 $0x4000;
	[dreg:$0x15] =	wrdreg s8  }
0xd2: {  	v10 =	vld [tilespmem:s0+$0x0];
	_ =	sdelay $0x4  }
0xd3: {  	(v2sf) =	vpush v10, $0xF  }
0xd4: {  	(v2sf) =	vpush v10, $0xE  }
0xd5: {  	(v2sf) =	vpush v10, $0xD  }
0xd6: {  	(v2sf) =	vpush v10, $0xC  }
0xd7: {  	(v2sf) =	vpush v10, $0x2  }
0xd8: {  	(v2sf) =	vpush v10, $0xA  }
0xd9: {  	(v2sf) =	vpush v10, $0x8  }
0xda: {  	(v2sf) =	vpush v10, $0x6  }
0xdb: {  	(v2sf) =	vpush v10, $0x1  }
0xdc: {  	(v2sf) =	vpush v10, $0x0;
	_ =	sdelay $0x1  }
0xdd: {  	(v2sf) =	vpush v10, $0x7  }
0xde: {  	(v2sf) =	vpush v10, $0x9  }
0xdf: {  	(v2sf) =	vpush v10, $0x3  }
0xe0: {  	(v2sf) =	vpush v10, $0x5  }
0xe1: {  	s22 =	spop (v2sf)  }
0xe2: {  	(v2sf) =	vpush v10, $0x4;
	s19 =	spop (v2sf)  }
0xe3: {  	s1 =	simm.s32 @!p3 $0x0;
	s30 =	simm.s32 $0x1;
	s25 =	spop (v2sf)  }
0xe4: {  	s29 =	simm.s32 $0x1;
	s1 =	simm.s32 @p3 $0x1;
	s6 =	spop (v2sf)  }
0xe5: {  	s31 =	simm.s32 $0x1;
	[smem:$0x7F6] =	sst s1;
	s12 =	spop (v2sf)  }
0xe6: {  	[dreg:$0xb] =	wrdreg s22;
	s2 =	spop (v2sf);
	s7 =	sand.u32 $0x7F, s12  }
0xe7: {  	p2 =	slt.s32 s12, $0x1;
	s21 =	sshra.s32 s12, $0x1F;
	s4 =	spop (v2sf)  }
0xe8: {  	s14 =	sand.u32 $0x7F, s2;
	p1 =	sne.s32 s7, $0x0;
	s1 =	spop (v2sf)  }
0xe9: {  	s15 =	sand.u32 $0x7F, s4;
	p1 =	por !p2, !p1;
	s3 =	spop (v2sf)  }
0xea: {  	s0 =	simm.s32 @!p1 $0x0;
	s16 =	sand.u32 $0x7F, s1;
	s5 =	spop (v2sf)  }
0xeb: {  	s0 =	simm.s32 @p1 $0x1;
	s18 =	sand.u32 $0x7F, s3;
	s22 =	sshra.s32 s3, $0x1F  }
0xec: {  	(v2sf) =	vpush v10, $0xB;
	s8 =	spop (v2sf);
	p0 =	slt.s32 s5, $0x1;
	s9 =	sand.u32 $0x7F, s5  }
0xed: {  	[smem:$0x7F9] =	sst s0;
	s7 =	spop (v2sf);
	p1 =	sne.s32 s9, $0x0  }
0xee: {  	s9 =	simm.s32 $0x1;
	s26 =	sand.u32 $0x7F, s8;
	s10 =	spop (v2sf)  }
0xef: {  	s17 =	sand.u32 $0x7F, s7;
	s23 =	sand.u32 $0x7F, s10;
	s13 =	spop (v2sf)  }
0xf0: {  	p4 =	slt.s32 s10, $0x1;
	p2 =	sne.s32 s23, $0x0;
	p5 =	slt.s32 s13, $0x1  }
0xf1: {  	s24 =	sand.u32 $0x7F, s13;
	p3 =	por !p4, !p2;
	s11 =	spop (v2sf)  }
0xf2: {  	p6 =	sne.s32 s24, $0x0;
	p2 =	slt.s32 s1, $0x1;
	s24 =	sshra.s32 s10, $0x1F  }
0xf3: {  	p3 =	por !p3, !p3;
	p4 =	por !p5, !p6;
	p6 =	sne.s32 s16, $0x0  }
0xf4: {  	s0 =	sand.u32 $0x7F, s11;
	p5 =	sne.s32 s17, $0x0;
	s16 =	sand.u32 $0x7F, s6  }
0xf5: {  	s30 =	simm.s32 @!p3 $0x0;
	p3 =	por !p4, !p4;
	p4 =	por !p2, !p6  }
0xf6: {  	p2 =	slt.s32 s8, $0x1;
	p6 =	sne.s32 s26, $0x0;
	s26 =	simm.s32 $0x1  }
0xf7: {  	s9 =	simm.s32 @!p3 $0x0;
	p3 =	por !p4, !p4;
	p2 =	por !p2, !p6  }
0xf8: {  	p6 =	slt.s32 s2, $0x1;
	p4 =	por !p2, !p2;
	p2 =	por !p0, !p1  }
0xf9: {  	s26 =	simm.s32 @!p3 $0x0;
	p1 =	slt.s32 s11, $0x1;
	p0 =	sne.s32 s0, $0x0  }
0xfa: {  	s29 =	simm.s32 @!p4 $0x0;
	p4 =	slt.s32 s7, $0x1;
	p0 =	por !p1, !p0  }
0xfb: {  	p3 =	por !p4, !p5;
	p5 =	sne.s32 s14, $0x0;
	s14 =	spop (v2sf)  }
0xfc: {  	s0 =	simm.s32 @!p3 $0x0;
	s17 =	sand.u32 $0x7F, s14;
	p4 =	slt.s32 s14, $0x1  }
0xfd: {  	s0 =	simm.s32 @p3 $0x1;
	p3 =	por !p6, !p5;
	p5 =	sne.s32 s17, $0x0  }
0xfe: {  	p6 =	sne.s32 s15, $0x0;
	s15 =	sshrl.u32 s21, $0x19;
	s17 =	sshrl.u32 s22, $0x19  }
0xff: {  	s21 =	sshra.s32 s8, $0x1F;
	[smem:$0x7FA] =	sst s0;
	s0 =	simm.s32 @!p0 $0x0  }
0x100: {  	p4 =	por !p4, !p5;
	p5 =	slt.s32 s3, $0x1;
	s15 =	sadd.s32 s15, s12  }
0x101: {  	s12 =	simm.s32 $0x1;
	s22 =	sadd.s32 s17, s3;
	s17 =	sshrl.u32 s24, $0x19  }
0x102: {  	s0 =	simm.s32 @p0 $0x1;
	p0 =	por !p3, !p3;
	p3 =	sne.s32 s18, $0x0  }
0x103: {  	s18 =	sshra.s32 s13, $0x1F;
	s17 =	sadd.s32 s17, s10;
	s10 =	sshrl.u32 s21, $0x19  }
0x104: {  	s15 =	sshra.s32 s15, $0x7;
	[smem:$0x7FC] =	sst s0;
	s31 =	simm.s32 @!p0 $0x0  }
0x105: {  	p0 =	slt.s32 s4, $0x1;
	p3 =	por !p5, !p3;
	s23 =	sshrl.u32 s18, $0x19  }
0x106: {  	s18 =	smov.u32 s19;
	s0 =	sshra.s32 s1, $0x1F;
	[smem:$0x7F7] =	sst s17  }
0x107: {  	p5 =	sne.s32 s16, $0x0;
	s8 =	sadd.s32 s10, s8;
	s17 =	sshra.s32 s14, $0x1F  }
0x108: {  	p1 =	por !p0, !p6;
	p0 =	por !p3, !p3;
	p3 =	slt.s32 s6, $0x1  }
0x109: {  	s13 =	sadd.s32 s23, s13;
	s3 =	sshrl.u32 s0, $0x19;
	s23 =	sshra.s32 s11, $0x1F  }
0x10a: {  	s0 =	sshra.s32 s7, $0x1F;
	s21 =	sshrl.u32 s17, $0x19;
	s17 =	simm.s32 $0x1  }
0x10b: {  	s8 =	sshra.s32 s8, $0x7;
	s12 =	simm.s32 @!p0 $0x0;
	p0 =	por !p2, !p2  }
0x10c: {  	s19 =	sadd.s32 s3, s1;
	s3 =	simm.s32 $0x1;
	p6 =	por !p3, !p5  }
0x10d: {  	s24 =	sshrl.u32 s23, $0x19;
	s1 =	sshra.s32 s2, $0x1F;
	s13 =	sshra.s32 s13, $0x7  }
0x10e: {  	s23 =	sshra.s32 s5, $0x1F;
	p1 =	por !p1, !p1;
	s3 =	simm.s32 @!p0 $0x0  }
0x10f: {  	p0 =	sne.s32 s20, $0x1;
	s10 =	sadd.s32 s24, s11;
	s11 =	sshrl.u32 s0, $0x19  }
0x110: {  	s16 =	sshrl.u32 s1, $0x19;
	s1 =	rddreg [dreg:$0x4];
	s24 =	sshra.s32 s18, $0x1F  }
0x111: {  	p2 =	por !p6, !p6;
	s19 =	sshra.s32 s19, $0x7;
	s7 =	sadd.s32 s11, s7  }
0x112: {  	s11 =	sadd.s32 s16, s2;
	s16 =	sshra.s32 s4, $0x1F;
	s13 =	ssub.s32 s13, s1  }
0x113: {  	s17 =	simm.s32 @!p2 $0x0;
	p2 =	slt.s32 s18, $0x1;
	s15 =	ssub.s32 s15, s1  }
0x114: {  	s0 =	ssub.s32 s13, s9;
	s13 =	sadd.s32 s21, s14;
	s9 =	sshrl.u32 s23, $0x19  }
0x115: {  	s2 =	sshrl.u32 s16, $0x19;
	s14 =	sshra.s32 s6, $0x1F;
	s21 =	sld [smem:$0x7F9]  }
0x116: {  	s23 =	sld [smem:$0x7FA];
	s16 =	sadd.s32 s9, s5;
	s4 =	sadd.s32 s2, s4  }
0x117: {  	s2 =	simm.s32 @!p2 $0x0;
	s14 =	sshrl.u32 s14, $0x19;
	s5 =	ssub.s32 s19, s1  }
0x118: {  	s19 =	ssub.s32 s8, s1;
	s8 =	smov.u32 s20;
	s28 =	sshra.s32 s13, $0x7  }
0x119: {  	s20 =	sshra.s32 s25, $0x1F;
	s2 =	simm.s32 @p2 $0x1;
	[dreg:$0x16] =	wrdreg s8  }
0x11a: {  	s6 =	sadd.s32 s14, s6;
	s4 =	sshra.s32 s4, $0x7;
	[smem:$0x7F8] =	sst s2  }
0x11b: {  	p6 =	seq.s32 s21, $0x1;
	s21 =	sshra.s32 s7, $0x7;
	p3 =	seq.s32 s23, $0x1  }
0x11c: {  	s7 =	sld [smem:$0x7FC];
	s23 =	sshra.s32 s22, $0x7;
	p2 =	por !p3, !p3  }
0x11d: {  	s6 =	sshra.s32 s6, $0x7;
	s14 =	ssub.s32 s4, s1;
	s2 =	simm.s32 @!p2 $0x0  }
0x11e: {  	s22 =	sshrl.u32 s20, $0x19;
	p5 =	por !p6, !p6;
	s2 =	simm.s32 @p2 $0x1  }
0x11f: {  	p6 =	seq.s32 s7, $0x1;
	p2 =	por $0x0, $0x0;
	[smem:$0x7FB] =	sst s2  }
.Ltmp13:
0x120: {  	s2 =	sshra.s32 s11, $0x7;
	s11 =	sshra.s32 s10, $0x7;
	(pc) =	sbr.rel @!p0 .LBB2_18-.Ltmp13, $4  }
0x121: {  	p3 =	por !p6, !p6;
	p6 =	por !p4, !p4;
	s10 =	sshra.s32 s16, $0x7  }
0x122: {  	s16 =	smov.u32 s25;
	s25 =	ssub.s32 s6, s1;
	s6 =	sshrl.u32 s24, $0x19  }
0x123: {  	s24 =	simm.s32 $0x4000;
	s9 =	ssub.s32 s2, s1;
	s4 =	sadd.s32 s22, s16  }
0x124: {  	s20 =	sadd.s32 $0x10, s24;
	s1 =	sadd.s32 $0xFFFFFFFF, s8;
	s8 =	sand.u32 $0x7F, s18  }
0x125: {  	s7 =	rddreg [dreg:$0x4]  }
0x126: {  	s10 =	ssub.s32 s10, s7  }
0x127: {  	s3 =	ssub.s32 s10, s3  }
0x128: {  	s10 =	sld [smem:s3+$0x0];
	_ =	sdelay $0x1  }
0x129: {  	[dreg:$0x1f] =	wrdreg s1  }
0x12a: {  	s24 =	sld [smem:$0x7F7];
	s13 =	ssub.s32 s23, s7;
	s10 =	sadd.s32 $0x1, s10  }
0x12b: {  	s22 =	ssub.s32 s13, s12;
	[smem:s3] =	sst s10  }
0x12c: {  	p0 =	slt.s32 s16, $0x1;
	s10 =	sld [smem:s22+$0x0]  }
0x12d: {  	s2 =	sand.u32 $0x7F, s16;
	s16 =	rddreg [dreg:$0xb];
	s5 =	ssub.s32 s5, s26  }
0x12e: {  	s26 =	ssub.s32 s19, s29;
	s19 =	sld [smem:$0x7FB];
	s12 =	simm.s32 $0x1  }
0x12f: {  	[smem:$0x7F5] =	sst s20;
	s12 =	simm.s32 @!p5 $0x0;
	s10 =	sadd.s32 $0x1, s10  }
0x130: {  	s23 =	ssub.s32 s15, s12;
	[smem:s22] =	sst s10  }
0x131: {  	v10 =	vld [tilespmem:s20+$0x0];
	s4 =	sshra.s32 s4, $0x7;
	p4 =	sne.s32 s8, $0x0;
	s10 =	sld [smem:s23+$0x0]  }
0x132: {  	s29 =	simm.s32 $0x1;
	s11 =	ssub.s32 s11, s7;
	p2 =	sne.s32 s2, $0x0  }
0x133: {  	s2 =	sld [smem:$0x7F8];
	p0 =	por !p0, !p2;
	s1 =	sshra.s32 s24, $0x7  }
0x134: {  	s13 =	sadd.s32 s6, s18;
	s1 =	ssub.s32 s1, s7;
	s10 =	sadd.s32 $0x1, s10  }
0x135: {  	s6 =	simm.s32 $0x1;
	s1 =	ssub.s32 s1, s30;
	[smem:s23] =	sst s10  }
0x136: {  	s12 =	simm.s32 $0x1;
	p5 =	seq.s32 s2, $0x1;
	(v2sf) =	vpush v10, $0xF;
	s3 =	sld [smem:s1+$0x0]  }
0x137: {  	s18 =	sshra.s32 s16, $0x1F;
	s12 =	simm.s32 @!p3 $0x0;
	p2 =	por !p5, !p4;
	(v2sf) =	vpush v10, $0xE  }
0x138: {  	p3 =	por !p0, !p0;
	p4 =	slt.s32 s16, $0x1;
	s30 =	simm.s32 $0x1;
	(v2sf) =	vpush v10, $0xD  }
0x139: {  	s11 =	ssub.s32 s11, s12;
	p0 =	por !p2, !p2;
	s3 =	sadd.s32 $0x1, s3  }
0x13a: {  	s6 =	simm.s32 @!p3 $0x0;
	(v2sf) =	vpush v10, $0xC;
	s22 =	sshrl.u32 s18, $0x19;
	[smem:s1] =	sst s3  }
0x13b: {  	s12 =	simm.s32 $0x1;
	(v2sf) =	vpush v10, $0x2;
	s8 =	sadd.s32 s22, s16;
	s1 =	sld [smem:s11+$0x0]  }
0x13c: {  	(v2sf) =	vpush v10, $0xA;
	s18 =	ssub.s32 s21, s7;
	s21 =	ssub.s32 s4, s7;
	s8 =	sshra.s32 s8, $0x7  }
0x13d: {  	(v2sf) =	vpush v10, $0x8;
	s8 =	ssub.s32 s8, s7;
	s23 =	sand.u32 $0x7F, s16;
	s10 =	simm.s32 $0x1  }
0x13e: {  	(v2sf) =	vpush v10, $0x6;
	s16 =	simm.s32 $0x1;
	p5 =	sne.s32 s23, $0x0;
	s15 =	sadd.s32 $0x1, s1  }
0x13f: {  	s10 =	simm.s32 @!p1 $0x0;
	s16 =	simm.s32 @!p6 $0x0;
	[smem:s11] =	sst s15  }
0x140: {  	p3 =	por !p4, !p5;
	s1 =	simm.s32 $0x1;
	s11 =	sld [smem:s0+$0x0]  }
0x141: {  	(v2sf) =	vpush v10, $0x1;
	s3 =	sshra.s32 s13, $0x7;
	s1 =	simm.s32 @!p0 $0x0;
	p0 =	por !p3, !p3  }
0x142: {  	(v2sf) =	vpush v10, $0x0;
	s12 =	simm.s32 @!p0 $0x0;
	p0 =	seq.s32 s19, $0x1;
	s19 =	ssub.s32 s9, s31  }
0x143: {  	(v2sf) =	vpush v10, $0x7;
	s9 =	ssub.s32 s21, s6;
	s31 =	simm.s32 $0x1;
	s24 =	sadd.s32 $0x1, s11  }
0x144: {  	s15 =	ssub.s32 s8, s12;
	s11 =	ssub.s32 s3, s7;
	[smem:s0] =	sst s24  }
0x145: {  	s3 =	simm.s32 $0x1;
	s24 =	spop (v2sf);
	s13 =	sld [smem:s5+$0x0]  }
0x146: {  	(v2sf) =	vpush v10, $0x9;
	[dreg:$0x7] =	wrdreg s15;
	s3 =	simm.s32 @!p0 $0x0;
	s0 =	spop (v2sf)  }
0x147: {  	s15 =	ssub.s32 s14, s10;
	(v2sf) =	vpush v10, $0x3;
	s12 =	ssub.s32 s18, s3;
	s22 =	spop (v2sf)  }
0x148: {  	s18 =	ssub.s32 s28, s7;
	(v2sf) =	vpush v10, $0x5;
	[dreg:$0x8] =	wrdreg s22;
	s2 =	sadd.s32 $0x1, s13  }
0x149: {  	s16 =	ssub.s32 s18, s16;
	[smem:s5] =	sst s2;
	s5 =	spop (v2sf)  }
0x14a: {  	s13 =	ssub.s32 s25, s17;
	s23 =	sld [smem:s26+$0x0];
	s20 =	spop (v2sf)  }
0x14b: {  	s2 =	spop (v2sf);
	s22 =	sshra.s32 s20, $0x1F;
	p5 =	slt.s32 s20, $0x1  }
0x14c: {  	s10 =	sand.u32 $0x7F, s2;
	s6 =	spop (v2sf);
	s17 =	sshrl.u32 s22, $0x19  }
0x14d: {  	s3 =	sadd.s32 $0x1, s23;
	s14 =	spop (v2sf);
	s21 =	sand.u32 $0x7F, s6  }
0x14e: {  	(v2sf) =	vpush v10, $0x4;
	s23 =	sand.u32 $0x7F, s20;
	[smem:s26] =	sst s3;
	p0 =	sne.s32 s21, $0x0  }
0x14f: {  	s4 =	sadd.s32 s17, s20;
	s26 =	sld [smem:s15+$0x0];
	s3 =	simm.s32 @!p0 $0x0  }
0x150: {  	s8 =	spop (v2sf);
	p4 =	sne.s32 s23, $0x0;
	s3 =	simm.s32 @p0 $0x1  }
0x151: {  	s4 =	sshra.s32 s4, $0x7;
	[smem:$0x7F2] =	sst s3;
	s3 =	spop (v2sf)  }
0x152: {  	p0 =	por !p5, !p4;
	s22 =	sadd.s32 $0x1, s26;
	s17 =	spop (v2sf)  }
0x153: {  	s26 =	sand.u32 $0x7F, s8;
	p6 =	slt.s32 s3, $0x1;
	s23 =	sand.u32 $0x7F, s3  }
0x154: {  	[smem:s15] =	sst s22;
	s22 =	simm.s32 @!p0 $0x0;
	p1 =	sne.s32 s23, $0x0  }
0x155: {  	s15 =	spop (v2sf);
	s25 =	sld [smem:s12+$0x0];
	s22 =	simm.s32 @p0 $0x1  }
0x156: {  	p0 =	sne.s32 s26, $0x0;
	s21 =	spop (v2sf);
	p5 =	por !p6, !p1  }
0x157: {  	[smem:$0x7F3] =	sst s22;
	s26 =	sand.u32 $0x7F, s21;
	s23 =	spop (v2sf)  }
0x158: {  	p6 =	slt.s32 s21, $0x1;
	p3 =	sne.s32 s26, $0x0;
	p1 =	slt.s32 s23, $0x1  }
0x159: {  	s20 =	sadd.s32 $0x1, s25;
	s25 =	sshra.s32 s21, $0x1F;
	p2 =	por !p6, !p3  }
0x15a: {  	[smem:s12] =	sst s20;
	s22 =	sshrl.u32 s25, $0x19;
	s12 =	ssub.s32 s11, s1  }
0x15b: {  	s25 =	sand.u32 $0x7F, s23;
	s20 =	sshra.s32 s23, $0x1F;
	p2 =	por !p2, !p2  }
0x15c: {  	s26 =	sld [smem:s19+$0x0];
	p4 =	sne.s32 s25, $0x0;
	s1 =	sshrl.u32 s20, $0x19  }
0x15d: {  	s25 =	sand.u32 $0x7F, s14;
	s30 =	simm.s32 @!p2 $0x0;
	s20 =	spop (v2sf)  }
0x15e: {  	s18 =	sadd.s32 s1, s23;
	p3 =	por !p1, !p4;
	p6 =	sne.s32 s25, $0x0  }
0x15f: {  	p1 =	slt.s32 s14, $0x1;
	s1 =	sadd.s32 s22, s21;
	s21 =	simm.s32 $0x1  }
0x160: {  	s22 =	sand.u32 $0x7F, s17;
	p3 =	por !p3, !p3;
	p2 =	por !p1, !p6  }
0x161: {  	p6 =	sne.s32 s22, $0x0;
	p1 =	slt.s32 s17, $0x1;
	s23 =	sadd.s32 $0x1, s26  }
0x162: {  	s26 =	sshra.s32 s14, $0x1F;
	s21 =	simm.s32 @!p3 $0x0;
	p2 =	por !p2, !p2  }
0x163: {  	p3 =	por !p1, !p6;
	[smem:s19] =	sst s23;
	s23 =	sshra.s32 s17, $0x1F  }
0x164: {  	p1 =	slt.s32 s15, $0x1;
	s11 =	sshrl.u32 s26, $0x19;
	s26 =	sshrl.u32 s23, $0x19  }
0x165: {  	(v2sf) =	vpush v10, $0xB;
	s19 =	sld [smem:s16+$0x0];
	s23 =	sadd.s32 s26, s17;
	s26 =	simm.s32 $0x1  }
0x166: {  	s11 =	sadd.s32 s11, s14;
	s17 =	sand.u32 $0x7F, s15;
	s26 =	simm.s32 @!p2 $0x0  }
0x167: {  	p2 =	por !p3, !p3;
	p4 =	sne.s32 s17, $0x0;
	p3 =	slt.s32 s20, $0x1  }
0x168: {  	s17 =	sshra.s32 s15, $0x1F;
	s19 =	sadd.s32 $0x1, s19;
	s29 =	simm.s32 @!p2 $0x0  }
0x169: {  	p4 =	por !p1, !p4;
	p2 =	sne.s32 s10, $0x0;
	p1 =	slt.s32 s2, $0x1  }
0x16a: {  	[smem:s16] =	sst s19;
	s19 =	sand.u32 $0x7F, s20;
	p2 =	por !p1, !p2  }
0x16b: {  	p4 =	por !p4, !p4;
	s25 =	sld [smem:s13+$0x0];
	p1 =	por !p2, !p2  }
0x16c: {  	p6 =	sne.s32 s19, $0x0;
	s31 =	simm.s32 @!p1 $0x0;
	p1 =	slt.s32 s8, $0x1  }
0x16d: {  	s19 =	sshra.s32 s2, $0x1F;
	p3 =	por !p3, !p6;
	p0 =	por !p1, !p0  }
0x16e: {  	p3 =	por !p3, !p3;
	s14 =	sadd.s32 $0x1, s25;
	s25 =	sshra.s32 s20, $0x1F  }
0x16f: {  	[smem:s13] =	sst s14;
	s10 =	sshrl.u32 s25, $0x19;
	s14 =	sshra.s32 s8, $0x1F  }
0x170: {  	s22 =	sld [smem:s9+$0x0];
	s10 =	sadd.s32 s10, s20;
	s20 =	sshra.s32 s18, $0x7  }
0x171: {  	p0 =	por !p0, !p0;
	s16 =	sshrl.u32 s14, $0x19;
	s25 =	ssub.s32 s20, s7  }
0x172: {  	s18 =	smov.u32 s0;
	s16 =	sadd.s32 s16, s8;
	s20 =	ssub.s32 s25, s21  }
0x173: {  	s21 =	sand.u32 $0x7F, s5;
	s25 =	rddreg [dreg:$0x1f];
	s13 =	sadd.s32 $0x1, s22  }
0x174: {  	s22 =	spop (v2sf);
	[smem:s9] =	sst s13;
	s9 =	sshrl.u32 s17, $0x19  }
0x175: {  	s13 =	sshrl.u32 s19, $0x19;
	s0 =	sand.u32 $0x7F, s22;
	p6 =	slt.s32 s22, $0x1  }
0x176: {  	s19 =	sld [smem:$0x7F2];
	s9 =	sadd.s32 s9, s15;
	s13 =	sadd.s32 s13, s2  }
0x177: {  	p2 =	sne.s32 s0, $0x0;
	s2 =	sshra.s32 s22, $0x1F;
	s14 =	sld [smem:s12+$0x0]  }
0x178: {  	s15 =	sshra.s32 s3, $0x1F;
	p6 =	por !p6, !p2;
	s17 =	sshrl.u32 s2, $0x19  }
0x179: {  	p2 =	slt.s32 s6, $0x1;
	s8 =	sshrl.u32 s15, $0x19;
	s15 =	sadd.s32 $0xFFFFFFFF, s25  }
0x17a: {  	s13 =	sshra.s32 s13, $0x7;
	s2 =	sadd.s32 s17, s22;
	p1 =	seq.s32 s19, $0x1  }
0x17b: {  	s8 =	sadd.s32 s8, s3;
	s22 =	sshra.s32 s6, $0x1F;
	s3 =	simm.s32 $0x1  }
0x17c: {  	s19 =	ssub.s32 s4, s7;
	p6 =	por !p6, !p6;
	p1 =	por !p2, !p1  }
0x17d: {  	s17 =	sadd.s32 $0x1, s14;
	p2 =	por !p5, !p5;
	p5 =	slt.s32 s5, $0x1  }
0x17e: {  	s14 =	sshra.s32 s5, $0x1F;
	[dreg:$0x5] =	wrdreg s19;
	s28 =	sshra.s32 s2, $0x7  }
0x17f: {  	[smem:s12] =	sst s17;
	s12 =	simm.s32 $0x1;
	s3 =	simm.s32 @!p2 $0x0  }
0x180: {  	s17 =	sshrl.u32 s22, $0x19;
	p1 =	por !p1, !p1;
	s12 =	simm.s32 @!p0 $0x0  }
0x181: {  	p0 =	sne.s32 s21, $0x0;
	s6 =	sadd.s32 s17, s6;
	s17 =	sshrl.u32 s14, $0x19  }
0x182: {  	s21 =	sld [smem:$0x7F3];
	p5 =	por !p5, !p0;
	p0 =	sne.s32 s25, $0x1  }
0x183: {  	s22 =	sadd.s32 s17, s5;
	s17 =	simm.s32 $0x1;
	s25 =	sshra.s32 s11, $0x7  }
0x184: {  	s11 =	sshra.s32 s10, $0x7;
	s14 =	sshra.s32 s6, $0x7;
	s10 =	sshra.s32 s8, $0x7  }
0x185: {  	p2 =	por !p5, !p5;
	s5 =	ssub.s32 s25, s7;
	s14 =	ssub.s32 s14, s7  }
0x186: {  	s25 =	sshra.s32 s22, $0x7;
	s17 =	simm.s32 @!p2 $0x0;
	p2 =	slt.s32 s18, $0x1  }
0x187: {  	s22 =	rddreg [dreg:$0x7];
	p5 =	seq.s32 s21, $0x1;
	s0 =	simm.s32 @!p2 $0x0  }
0x188: {  	s8 =	sld [smem:s22+$0x0];
	s0 =	simm.s32 @p2 $0x1;
	p2 =	por !p5, !p5  }
0x189: {  	s21 =	sshra.s32 s9, $0x7;
	[smem:$0x7F8] =	sst s0;
	s0 =	simm.s32 @!p2 $0x0  }
0x18a: {  	s9 =	ssub.s32 s13, s7;
	s13 =	sld [smem:$0x7F5];
	s0 =	simm.s32 @p2 $0x1  }
.Ltmp14:
0x18b: {  	s25 =	ssub.s32 s25, s7;
	[smem:$0x7F4] =	sst s0;
	(pc) =	sbr.rel @!p0 .LBB2_20-.Ltmp14, $4  }
0x18c: {  	s0 =	sshra.s32 s23, $0x7;
	s23 =	sshra.s32 s16, $0x7;
	s16 =	rddreg [dreg:$0x8]  }
0x18d: {  	s19 =	ssub.s32 s0, s7;
	s0 =	sshra.s32 s16, $0x1F;
	s7 =	sshra.s32 s18, $0x1F  }
0x18e: {  	s2 =	sshrl.u32 s0, $0x19;
	s6 =	sshrl.u32 s7, $0x19;
	s7 =	sadd.s32 $0x10, s13  }
0x18f: {  	s13 =	sadd.s32 $0x1, s8;
	s8 =	sand.u32 $0x7F, s18;
	s4 =	sadd.s32 s2, s16  }
.LBB2_21:
0x190: {  	p0 =	slt.s32 s16, $0x1;
	[smem:s22] =	sst s13  }
0x191: {  	s16 =	sand.u32 $0x7F, s16;
	s0 =	rddreg [dreg:$0x4];
	s22 =	sadd.s32 s6, s18  }
0x192: {  	s13 =	simm.s32 $0x1;
	s1 =	sshra.s32 s1, $0x7;
	s17 =	ssub.s32 s25, s17  }
0x193: {  	s2 =	ssub.s32 s10, s0;
	s10 =	sshra.s32 s4, $0x7;
	p5 =	sne.s32 s16, $0x0  }
0x194: {  	s16 =	sshra.s32 s22, $0x7;
	s4 =	ssub.s32 s2, s3;
	s2 =	sld [smem:$0x7F8]  }
0x195: {  	v10 =	vld [tilespmem:s7+$0x0];
	s18 =	ssub.s32 s23, s0;
	p0 =	por !p0, !p5;
	p5 =	sne.s32 s8, $0x0  }
0x196: {  	s3 =	simm.s32 $0x1;
	s8 =	sld [smem:s4+$0x0];
	p0 =	por !p0, !p0  }
0x197: {  	s1 =	ssub.s32 s1, s0;
	s3 =	simm.s32 @!p0 $0x0;
	p2 =	seq.s32 s2, $0x1  }
0x198: {  	p0 =	slt.s32 s24, $0x1;
	s2 =	sshra.s32 s24, $0x1F;
	p5 =	por !p2, !p5  }
0x199: {  	s8 =	sadd.s32 $0x1, s8;
	s6 =	sshrl.u32 s2, $0x19;
	s2 =	sand.u32 $0x7F, s24  }
0x19a: {  	(v2sf) =	vpush v10, $0xF;
	p5 =	por !p5, !p5;
	[smem:s4] =	sst s8;
	s4 =	ssub.s32 s18, s12  }
0x19b: {  	(v2sf) =	vpush v10, $0xE;
	s22 =	sadd.s32 s6, s24;
	s13 =	simm.s32 @!p5 $0x0;
	s8 =	sld [smem:s4+$0x0]  }
0x19c: {  	s23 =	sshra.s32 s22, $0x7;
	p5 =	sne.s32 s2, $0x0;
	s22 =	sld [smem:$0x7F4]  }
0x19d: {  	s11 =	ssub.s32 s11, s0;
	(v2sf) =	vpush v10, $0xD;
	s6 =	ssub.s32 s1, s30;
	p0 =	por !p0, !p5  }
0x19e: {  	s12 =	ssub.s32 s23, s0;
	s23 =	rddreg [dreg:$0x5];
	p0 =	por !p0, !p0  }
0x19f: {  	s18 =	sadd.s32 $0x1, s8;
	s8 =	simm.s32 $0x1;
	p2 =	seq.s32 s22, $0x1  }
0x1a0: {  	(v2sf) =	vpush v10, $0xC;
	s22 =	ssub.s32 s21, s0;
	s8 =	simm.s32 @!p2 $0x0;
	p2 =	sne.s32 s15, $0x1  }
0x1a1: {  	[smem:s4] =	sst s18;
	s24 =	ssub.s32 s23, s8;
	s1 =	simm.s32 @!p2 $0x0  }
0x1a2: {  	(v2sf) =	vpush v10, $0x2;
	s18 =	simm.s32 $0x1;
	s1 =	simm.s32 @p2 $0x1;
	s8 =	sld [smem:s24+$0x0]  }
0x1a3: {  	(v2sf) =	vpush v10, $0xA;
	s18 =	simm.s32 @!p0 $0x0;
	[smem:$0x7F1] =	sst s1;
	s1 =	ssub.s32 s19, s29  }
0x1a4: {  	s29 =	ssub.s32 s16, s0;
	s19 =	ssub.s32 s12, s18;
	s16 =	simm.s32 $0x1  }
0x1a5: {  	s4 =	ssub.s32 s5, s26;
	[dreg:$0x7] =	wrdreg s19;
	s16 =	simm.s32 @!p4 $0x0  }
0x1a6: {  	(v2sf) =	vpush v10, $0x8;
	s13 =	ssub.s32 s29, s13;
	s8 =	sadd.s32 $0x1, s8;
	s19 =	ssub.s32 s22, s16  }
0x1a7: {  	s16 =	simm.s32 $0x1;
	s22 =	ssub.s32 s9, s31;
	[smem:s24] =	sst s8  }
0x1a8: {  	s8 =	simm.s32 $0x1;
	s24 =	ssub.s32 s10, s0;
	s16 =	simm.s32 @!p3 $0x0  }
0x1a9: {  	s23 =	sld [smem:s6+$0x0];
	s9 =	ssub.s32 s24, s3;
	s26 =	spop (v2sf)  }
0x1aa: {  	(v2sf) =	vpush v10, $0x6;
	s18 =	ssub.s32 s11, s16;
	[dreg:$0xc] =	wrdreg s9;
	s11 =	spop (v2sf)  }
0x1ab: {  	s10 =	ssub.s32 s28, s0;
	[dreg:$0xb] =	wrdreg s26;
	s12 =	sshra.s32 s11, $0x1F  }
0x1ac: {  	(v2sf) =	vpush v10, $0x1;
	s8 =	simm.s32 @!p1 $0x0;
	s16 =	spop (v2sf);
	[dreg:$0x6] =	wrdreg s12  }
0x1ad: {  	s2 =	sadd.s32 $0x1, s23;
	p0 =	slt.s32 s11, $0x1;
	[dreg:$0x8] =	wrdreg s16  }
0x1ae: {  	(v2sf) =	vpush v10, $0x0;
	s5 =	ssub.s32 s14, s8;
	s0 =	simm.s32 @!p0 $0x0;
	[smem:s6] =	sst s2  }
0x1af: {  	s16 =	spop (v2sf);
	s0 =	simm.s32 @p0 $0x1;
	s2 =	sld [smem:s18+$0x0]  }
0x1b0: {  	(v2sf) =	vpush v10, $0x7;
	s23 =	sshra.s32 s16, $0x1F;
	s24 =	sand.u32 $0x7F, s16;
	[smem:$0x7F8] =	sst s0  }
0x1b1: {  	s8 =	spop (v2sf);
	p0 =	slt.s32 s16, $0x1;
	[dreg:$0xa] =	wrdreg s24  }
0x1b2: {  	(v2sf) =	vpush v10, $0x9;
	s25 =	sshrl.u32 s23, $0x19;
	s9 =	spop (v2sf);
	s0 =	simm.s32 @!p0 $0x0  }
0x1b3: {  	s24 =	simm.s32 $0x1;
	s14 =	sshra.s32 s8, $0x1F;
	s30 =	sand.u32 $0x7F, s8  }
0x1b4: {  	p2 =	slt.s32 s8, $0x1;
	[dreg:$0x9] =	wrdreg s25;
	s6 =	sand.u32 $0x7F, s9  }
0x1b5: {  	s0 =	simm.s32 @p0 $0x1;
	s3 =	spop (v2sf);
	s24 =	simm.s32 @!p6 $0x0  }
0x1b6: {  	s25 =	sshrl.u32 s14, $0x19;
	p6 =	sne.s32 s30, $0x0;
	[smem:$0x7F0] =	sst s0  }
0x1b7: {  	(v2sf) =	vpush v10, $0x3;
	s26 =	sshra.s32 s3, $0x1F;
	s0 =	sand.u32 $0x7F, s3;
	s25 =	sadd.s32 s25, s8  }
0x1b8: {  	s23 =	sadd.s32 $0x1, s2;
	p1 =	slt.s32 s3, $0x1;
	s8 =	rddreg [dreg:$0x4]  }
0x1b9: {  	[dreg:$0xd] =	wrdreg s26;
	s26 =	spop (v2sf);
	p0 =	sne.s32 s0, $0x0  }
0x1ba: {  	s30 =	sshra.s32 s25, $0x7;
	[smem:s18] =	sst s23;
	s2 =	simm.s32 @!p1 $0x0  }
0x1bb: {  	(v2sf) =	vpush v10, $0x5;
	s21 =	spop (v2sf);
	s0 =	simm.s32 @!p0 $0x0;
	s14 =	sld [smem:s20+$0x0]  }
0x1bc: {  	s2 =	simm.s32 @p1 $0x1;
	s29 =	sshra.s32 s26, $0x1F;
	s0 =	simm.s32 @p0 $0x1  }
0x1bd: {  	s12 =	spop (v2sf);
	s28 =	sshra.s32 s21, $0x1F;
	[smem:$0x7EE] =	sst s2  }
0x1be: {  	p0 =	por !p2, !p6;
	s29 =	sshrl.u32 s29, $0x19;
	[smem:$0x7ED] =	sst s0  }
0x1bf: {  	s31 =	spop (v2sf);
	s25 =	sshrl.u32 s28, $0x19;
	s0 =	sshra.s32 s12, $0x1F  }
0x1c0: {  	s28 =	sand.u32 $0x7F, s21;
	p4 =	slt.s32 s12, $0x1;
	s2 =	sand.u32 $0x7F, s12  }
0x1c1: {  	p0 =	por !p0, !p0;
	s23 =	spop (v2sf);
	s18 =	sadd.s32 s25, s21  }
0x1c2: {  	s14 =	sadd.s32 $0x1, s14;
	p5 =	sne.s32 s2, $0x0;
	[dreg:$0xe] =	wrdreg s18  }
0x1c3: {  	(v2sf) =	vpush v10, $0x4;
	p1 =	sne.s32 s28, $0x0;
	[smem:s20] =	sst s14;
	p2 =	por !p4, !p5  }
0x1c4: {  	s18 =	ssub.s32 s30, s8;
	s28 =	sld [smem:s4+$0x0];
	p2 =	por !p2, !p2  }
0x1c5: {  	s2 =	ssub.s32 s10, s24;
	[dreg:$0x5] =	wrdreg s18;
	s8 =	simm.s32 @!p2 $0x0  }
0x1c6: {  	s25 =	spop (v2sf);
	s8 =	simm.s32 @p2 $0x1;
	p2 =	slt.s32 s26, $0x1  }
0x1c7: {  	s20 =	sshra.s32 s25, $0x1F;
	s30 =	sand.u32 $0x7F, s25;
	[smem:$0x7EF] =	sst s8  }
0x1c8: {  	p4 =	slt.s32 s25, $0x1;
	s8 =	simm.s32 @!p0 $0x0;
	s18 =	sshrl.u32 s20, $0x19  }
0x1c9: {  	p6 =	sne.s32 s30, $0x0;
	s20 =	sadd.s32 $0x1, s28;
	s8 =	simm.s32 @p0 $0x1  }
0x1ca: {  	s30 =	simm.s32 $0x1;
	s14 =	spop (v2sf);
	[smem:s4] =	sst s20  }
0x1cb: {  	[smem:$0x7F4] =	sst s8;
	p5 =	por !p4, !p6;
	s4 =	sshrl.u32 s0, $0x19  }
0x1cc: {  	p3 =	slt.s32 s14, $0x1;
	s24 =	sshra.s32 s14, $0x1F;
	s10 =	sld [smem:s1+$0x0]  }
0x1cd: {  	p5 =	por !p5, !p5;
	s4 =	sadd.s32 s4, s12;
	s20 =	sshrl.u32 s24, $0x19  }
0x1ce: {  	s30 =	simm.s32 @!p5 $0x0;
	p5 =	slt.s32 s31, $0x1;
	s24 =	sadd.s32 s20, s14  }
0x1cf: {  	s14 =	sand.u32 $0x7F, s14;
	s20 =	sand.u32 $0x7F, s26;
	s10 =	sadd.s32 $0x1, s10  }
0x1d0: {  	s26 =	sadd.s32 s29, s26;
	s24 =	sshra.s32 s24, $0x7;
	[smem:s1] =	sst s10  }
0x1d1: {  	p6 =	sne.s32 s14, $0x0;
	p4 =	sne.s32 s20, $0x0;
	s8 =	sld [smem:s5+$0x0]  }
0x1d2: {  	s20 =	sshra.s32 s31, $0x1F;
	s28 =	spop (v2sf);
	p3 =	por !p3, !p6  }
0x1d3: {  	s10 =	simm.s32 $0x1;
	p0 =	por !p2, !p4;
	p2 =	slt.s32 s23, $0x1  }
0x1d4: {  	p3 =	por !p3, !p3;
	s14 =	sshra.s32 s28, $0x1F;
	s0 =	sadd.s32 $0x1, s8  }
0x1d5: {  	p0 =	por !p0, !p0;
	s10 =	simm.s32 @!p3 $0x0;
	[smem:s5] =	sst s0  }
0x1d6: {  	(v2sf) =	vpush v10, $0xB;
	s14 =	sshrl.u32 s14, $0x19;
	p3 =	slt.s32 s28, $0x1;
	s29 =	sld [smem:s19+$0x0]  }
0x1d7: {  	s8 =	sadd.s32 s18, s25;
	s18 =	rddreg [dreg:$0x4];
	s25 =	sand.u32 $0x7F, s31  }
0x1d8: {  	s5 =	sshra.s32 s26, $0x7;
	s26 =	simm.s32 $0x1;
	s0 =	sshrl.u32 s20, $0x19  }
0x1d9: {  	p6 =	sne.s32 s25, $0x0;
	s20 =	rddreg [dreg:$0x4];
	s1 =	sadd.s32 $0x1, s29  }
0x1da: {  	s5 =	ssub.s32 s5, s18;
	s26 =	simm.s32 @!p0 $0x0;
	[smem:s19] =	sst s1  }
0x1db: {  	s0 =	sadd.s32 s0, s31;
	p0 =	por !p5, !p6;
	s18 =	sld [smem:s22+$0x0]  }
0x1dc: {  	s31 =	sand.u32 $0x7F, s23;
	p6 =	slt.s32 s9, $0x1;
	s0 =	sshra.s32 s0, $0x7  }
0x1dd: {  	p0 =	por !p0, !p0;
	p4 =	sne.s32 s31, $0x0;
	s31 =	simm.s32 $0x1  }
0x1de: {  	p2 =	por !p2, !p4;
	s29 =	simm.s32 $0x1;
	s18 =	sadd.s32 $0x1, s18  }
0x1df: {  	p4 =	por !p2, !p2;
	p2 =	sne.s32 s6, $0x0;
	[smem:s22] =	sst s18  }
0x1e0: {  	s19 =	ssub.s32 s0, s20;
	s29 =	simm.s32 @!p0 $0x0;
	s20 =	sld [smem:s2+$0x0]  }
0x1e1: {  	s0 =	sadd.s32 s14, s28;
	s14 =	sand.u32 $0x7F, s28;
	s28 =	sshra.s32 s23, $0x1F  }
0x1e2: {  	p0 =	slt.s32 s21, $0x1;
	s1 =	rddreg [dreg:$0x4];
	s28 =	sshrl.u32 s28, $0x19  }
0x1e3: {  	p2 =	por !p6, !p2;
	s21 =	sadd.s32 s28, s23;
	s23 =	sadd.s32 $0x1, s20  }
0x1e4: {  	p5 =	sne.s32 s14, $0x0;
	p2 =	por !p2, !p2;
	[smem:s2] =	sst s23  }
0x1e5: {  	s25 =	spop (v2sf);
	s22 =	sshra.s32 s9, $0x1F;
	s18 =	sld [smem:s17+$0x0]  }
0x1e6: {  	s31 =	simm.s32 @!p2 $0x0;
	s14 =	sshrl.u32 s22, $0x19;
	p2 =	slt.s32 s25, $0x1  }
0x1e7: {  	s22 =	sand.u32 $0x7F, s25;
	s14 =	sadd.s32 s14, s9;
	s20 =	sshra.s32 s25, $0x1F  }
0x1e8: {  	s2 =	sshra.s32 s14, $0x7;
	s14 =	rddreg [dreg:$0xc];
	s6 =	sadd.s32 $0x1, s18  }
0x1e9: {  	s9 =	ssub.s32 s2, s1;
	s2 =	sshrl.u32 s20, $0x19;
	[smem:s17] =	sst s6  }
0x1ea: {  	p6 =	sne.s32 s22, $0x0;
	s17 =	sadd.s32 s2, s25;
	s25 =	sld [smem:$0x7ED]  }
0x1eb: {  	p2 =	por !p2, !p6;
	s23 =	ssub.s32 s24, s1;
	s6 =	sld [smem:s14+$0x0]  }
0x1ec: {  	s20 =	ssub.s32 s23, s10;
	s10 =	sshra.s32 s4, $0x7;
	s4 =	rddreg [dreg:$0xa]  }
0x1ed: {  	p6 =	por !p2, !p2;
	p2 =	seq.s32 s25, $0x1;
	s25 =	sld [smem:$0x7EF]  }
0x1ee: {  	s22 =	sadd.s32 $0x1, s6;
	s6 =	sld [smem:$0x7EE]  }
0x1ef: {  	s12 =	simm.s32 $0x1;
	[smem:s14] =	sst s22  }
0x1f0: {  	p0 =	por !p0, !p1;
	p3 =	por !p3, !p5;
	s22 =	rddreg [dreg:$0x7]  }
0x1f1: {  	p0 =	por !p0, !p0;
	s28 =	sshra.s32 s17, $0x7;
	s17 =	sld [smem:s13+$0x0]  }
0x1f2: {  	s12 =	simm.s32 @!p0 $0x0;
	s18 =	smov.u32 s11;
	s14 =	rddreg [dreg:$0xd]  }
0x1f3: {  	s11 =	sshra.s32 s0, $0x7;
	p0 =	seq.s32 s25, $0x1;
	s25 =	sld [smem:$0x7F0]  }
0x1f4: {  	p5 =	seq.s32 s6, $0x1;
	s6 =	sadd.s32 $0x1, s17;
	s17 =	rddreg [dreg:$0x9]  }
0x1f5: {  	s0 =	sshrl.u32 s14, $0x19;
	s2 =	sadd.s32 s17, s16;
	[smem:s13] =	sst s6  }
0x1f6: {  	s0 =	sadd.s32 s0, s3;
	s6 =	sshra.s32 s2, $0x7;
	s2 =	sld [smem:s22+$0x0]  }
0x1f7: {  	s3 =	simm.s32 $0x1;
	p1 =	por !p5, !p2;
	p2 =	sne.s32 s4, $0x0  }
0x1f8: {  	p5 =	seq.s32 s25, $0x1;
	s13 =	rddreg [dreg:$0x6];
	s25 =	ssub.s32 s6, s1  }
0x1f9: {  	s6 =	sshrl.u32 s13, $0x19;
	s13 =	sadd.s32 $0x1, s2;
	s2 =	sld [smem:$0x7F1]  }
0x1fa: {  	s3 =	simm.s32 @!p0 $0x0;
	p0 =	por !p5, !p2  }
0x1fb: {  	s7 =	sadd.s32 $0x10, s7;
	s17 =	simm.s32 $0x1;
	p0 =	por !p0, !p0  }
0x1fc: {  	s15 =	sadd.s32 $0xFFFFFFFF, s15;
	s17 =	simm.s32 @!p0 $0x0;
	p0 =	seq.s32 s2, $0x1  }
.Ltmp15:
0x1fd: {  	s21 =	sshra.s32 s21, $0x7;
	s23 =	rddreg [dreg:$0xe];
	(pc) =	sbr.rel @p0 .LBB2_21-.Ltmp15, $4  }
0x1fe: {  	p3 =	por !p3, !p3;
	s0 =	sshra.s32 s0, $0x7;
	s16 =	rddreg [dreg:$0x8]  }
0x1ff: {  	s14 =	ssub.s32 s0, s1;
	s1 =	smov.u32 s8;
	s8 =	sshra.s32 s16, $0x1F  }
0x200: {  	s24 =	rddreg [dreg:$0xb];
	s23 =	sshra.s32 s23, $0x7;
	s0 =	sshrl.u32 s8, $0x19  }
0x201: {  	p1 =	por !p1, !p1;
	s8 =	sand.u32 $0x7F, s18;
	s4 =	sadd.s32 s0, s16  }
0x202: {  	s0 =	sld [smem:$0x7F4];
	_ =	sdelay $0x2  }
0x203: {  	p2 =	por $0x1, $0x1;
	s15 =	rddreg [dreg:$0x5];
	p5 =	seq.s32 s0, $0x1  }
.LBB2_23:
0x204: {  	s7 =	rddreg [dreg:$0x4]  }
0x205: {  	s0 =	ssub.s32 s10, s7  }
0x206: {  	[smem:s22] =	sst @p2 s13;
	s0 =	ssub.s32 s0, s3  }
0x207: {  	s2 =	sld [smem:s0+$0x0];
	_ =	sdelay $0x2  }
0x208: {  	s13 =	ssub.s32 s23, s7;
	s2 =	sadd.s32 $0x1, s2  }
0x209: {  	s22 =	ssub.s32 s13, s12;
	[smem:s0] =	sst s2  }
0x20a: {  	s2 =	sld [smem:s22+$0x0];
	_ =	sdelay $0x1  }
0x20b: {  	s3 =	simm.s32 $0x1  }
0x20c: {  	s3 =	simm.s32 @!p5 $0x0;
	s2 =	sadd.s32 $0x1, s2  }
0x20d: {  	s23 =	ssub.s32 s15, s3;
	[smem:s22] =	sst s2  }
0x20e: {  	s2 =	sld [smem:s23+$0x0];
	_ =	sdelay $0x1  }
0x20f: {  	s1 =	sshra.s32 s1, $0x7  }
0x210: {  	s1 =	ssub.s32 s1, s7;
	s2 =	sadd.s32 $0x1, s2  }
0x211: {  	s1 =	ssub.s32 s1, s30;
	[smem:s23] =	sst s2  }
0x212: {  	s0 =	sld [smem:s1+$0x0];
	_ =	sdelay $0x1  }
0x213: {  	s2 =	simm.s32 $0x1  }
0x214: {  	s30 =	ssub.s32 s11, s7;
	s2 =	simm.s32 @!p3 $0x0;
	s0 =	sadd.s32 $0x1, s0  }
0x215: {  	s2 =	ssub.s32 s30, s2;
	[smem:s1] =	sst s0  }
0x216: {  	s1 =	sld [smem:s2+$0x0];
	_ =	sdelay $0x2  }
0x217: {  	s1 =	sadd.s32 $0x1, s1  }
0x218: {  	[smem:s2] =	sst s1  }
0x219: {  	s0 =	sld [smem:s20+$0x0];
	_ =	sdelay $0x2  }
0x21a: {  	s0 =	sadd.s32 $0x1, s0  }
0x21b: {  	s3 =	ssub.s32 s5, s26;
	[smem:s20] =	sst s0  }
0x21c: {  	s1 =	sld [smem:s3+$0x0];
	_ =	sdelay $0x2  }
0x21d: {  	s1 =	sadd.s32 $0x1, s1  }
0x21e: {  	s5 =	ssub.s32 s19, s29;
	[smem:s3] =	sst s1  }
0x21f: {  	s0 =	sld [smem:s5+$0x0];
	_ =	sdelay $0x1  }
0x220: {  	s1 =	simm.s32 $0x1  }
0x221: {  	s1 =	simm.s32 @!p1 $0x0;
	s0 =	sadd.s32 $0x1, s0  }
0x222: {  	s1 =	ssub.s32 s14, s1;
	[smem:s5] =	sst s0  }
0x223: {  	s0 =	sld [smem:s1+$0x0];
	_ =	sdelay $0x1  }
0x224: {  	s2 =	simm.s32 $0x1  }
0x225: {  	s10 =	ssub.s32 s21, s7;
	s2 =	simm.s32 @!p4 $0x0;
	s0 =	sadd.s32 $0x1, s0  }
0x226: {  	s11 =	ssub.s32 s10, s2;
	[smem:s1] =	sst s0  }
0x227: {  	s1 =	sld [smem:s11+$0x0];
	_ =	sdelay $0x2  }
0x228: {  	s1 =	sadd.s32 $0x1, s1  }
0x229: {  	s12 =	ssub.s32 s9, s31;
	[smem:s11] =	sst s1  }
0x22a: {  	s0 =	sld [smem:s12+$0x0];
	_ =	sdelay $0x1  }
0x22b: {  	s1 =	simm.s32 $0x1  }
0x22c: {  	s13 =	ssub.s32 s28, s7;
	s1 =	simm.s32 @!p6 $0x0;
	s0 =	sadd.s32 $0x1, s0  }
0x22d: {  	s14 =	ssub.s32 s13, s1;
	[smem:s12] =	sst s0  }
0x22e: {  	s1 =	sld [smem:s14+$0x0];
	_ =	sdelay $0x2  }
0x22f: {  	s15 =	ssub.s32 s25, s17;
	s17 =	sand.u32 $0x7F, s16;
	s1 =	sadd.s32 $0x1, s1  }
0x230: {  	p0 =	slt.s32 s16, $0x1;
	p2 =	sne.s32 s17, $0x0;
	[smem:s14] =	sst s1  }
0x231: {  	p0 =	por !p0, !p2;
	s19 =	sld [smem:s15+$0x0]  }
0x232: {  	p0 =	por !p0, !p0  }
0x233: {  	s23 =	sld [smem:$0x7F8];
	s20 =	sshra.s32 s4, $0x7;
	s3 =	simm.s32 $0x1  }
0x234: {  	s2 =	ssub.s32 s20, s7;
	s3 =	simm.s32 @!p0 $0x0;
	s1 =	sadd.s32 $0x1, s19  }
0x235: {  	p5 =	slt.s32 s24, $0x1;
	s21 =	ssub.s32 s2, s3;
	[smem:s15] =	sst s1  }
0x236: {  	p3 =	sne.s32 s8, $0x0;
	p4 =	seq.s32 s23, $0x1;
	s1 =	sld [smem:s21+$0x0]  }
0x237: {  	s25 =	sshra.s32 s24, $0x1F;
	s22 =	sadd.s32 s6, s18;
	p0 =	por !p4, !p3  }
0x238: {  	s2 =	sshra.s32 s22, $0x7;
	p0 =	por !p0, !p0;
	s0 =	simm.s32 $0x1  }
0x239: {  	s2 =	ssub.s32 s2, s7;
	s0 =	simm.s32 @!p0 $0x0;
	s1 =	sadd.s32 $0x1, s1  }
0x23a: {  	s26 =	sand.u32 $0x7F, s24;
	s0 =	ssub.s32 s2, s0;
	[smem:s21] =	sst s1  }
0x23b: {  	p6 =	sne.s32 s26, $0x0;
	s1 =	sshrl.u32 s25, $0x19;
	s28 =	sld [smem:s0+$0x0]  }
0x23c: {  	s30 =	sld [smem:$0x7FD];
	p0 =	por !p5, !p6;
	s1 =	sadd.s32 s1, s24  }
0x23d: {  	s3 =	simm.s32 $0x1;
	p0 =	por !p0, !p0;
	s1 =	sshra.s32 s1, $0x7  }
0x23e: {  	s3 =	simm.s32 @!p0 $0x0;
	s1 =	ssub.s32 s1, s7;
	s2 =	sadd.s32 $0x1, s28  }
0x23f: {  	s29 =	ssub.s32 s1, s3;
	[smem:s0] =	sst s2  }
0x240: {  	s1 =	sld [smem:s29+$0x0]  }
0x241: {  	s31 =	sld [smem:$0x7F6]  }
0x242: {  	s8 =	rddreg [dreg:$0x15]  }
0x243: {  	s20 =	rddreg [dreg:$0x16];
	p4 =	seq.s32 s30, $0x1;
	s1 =	sadd.s32 $0x1, s1  }
0x244: {  	p3 =	seq.s32 s31, $0x1;
	s13 =	simm.s32 $0x5100;
	[smem:s29] =	sst s1  }
.LBB2_24:
0x245: {  	s0 =	sld [smem:$0xFA]  }
0x246: {  	s1 =	sshll.u32 s20, $0x4  }
0x247: {  	s1 =	ssub.s32 s8, s1  }
0x248: {  	s0 =	sadd.s32 s0, s1  }
0x249: {  	[smem:$0xFA] =	sst s0  }
0x24a: {  	s2 =	sld [smem:$0x0];
	_ =	sdelay $0x2  }
0x24b: {  	p1 =	por $0x1, $0x1;
	p0 =	sgt.s32 s2, $0x0  }
0x24c: {  	s3 =	simm.s32 $0x0;
	s0 =	simm.s32 $0x100;
	p0 =	por !p1, !p0  }
0x24d: {  	[smem:s0] =	sst s3;
	p0 =	por !p0, !p0  }
0x24e: {  	[smem:$0x200] =	sst @p0 s3  }
0x24f: {  	s4 =	simm.s32 $0x1;
	s1 =	simm.s32 $0x1;
	s7 =	rddreg [dreg:$0x11]  }
0x250: {  	s2 =	sadd.s32 $0x0, s2;
	s4 =	simm.s32 @!p0 $0x0;
	s3 =	sadd.s32 @p0 $0x0, s7  }
0x251: {  	s23 =	sadd.s32 $0x0, s4;
	[smem:$0x380] =	sst @p0 s3;
	s3 =	simm.s32 $0x1  }
.LBB2_25:
0x252: {  	s24 =	smov.u32 s23  }
0x253: {  	s0 =	sadd.s32 $0x1, s0;
	s4 =	sld [smem:s1+$0x0]  }
0x254: {  	s5 =	smov.u32 s3;
	s3 =	sadd.s32 $0x1, s3;
	s6 =	smov.u32 s2  }
0x255: {  	p0 =	sne.s32 s3, $0x100;
	[smem:s0] =	sst s2  }
0x256: {  	p2 =	slt.u32 s5, $0xF5;
	p1 =	sgt.s32 s4, $0x0  }
.Ltmp16:
0x257: {  	s2 =	sadd.s32 s2, s4;
	p1 =	por !p2, !p1;
	(pc) =	sbr.rel @p0 .LBB2_25-.Ltmp16, $4  }
0x258: {  	p1 =	por !p1, !p1  }
0x259: {  	s4 =	sadd.s32 @p1 s5, s7;
	s5 =	simm.s32 $0x1  }
0x25a: {  	[smem:s23+$0x200] =	sst @p1 s6;
	s5 =	simm.s32 @!p1 $0x0  }
0x25b: {  	s1 =	sadd.s32 $0x1, s1;
	[smem:s23+$0x380] =	sst @p1 s4;
	s23 =	sadd.s32 s5, s23  }
.Ltmp17:
0x25c: {  	(pc) =	sbr.rel @p3 .LBB2_29-.Ltmp17, $2  }
0x25d: {  	_ =	sdelay $0x2  }
0x25e: {  	[smem:s23+$0x200] =	sst s8  }
0x25f: {  	s1 =	simm.s32 $0x4880  }
0x260: {  	s0 =	simm.s32 $0x4000;
	[dreg:$0x18] =	wrdreg s1  }
.LBB2_28:
0x261: {  	v10 =	vld [tilespmem:s0+$0x0];
	_ =	sdelay $0x4  }
0x262: {  	(v2sf) =	vpush v10, $0x0;
	_ =	sdelay $0x2  }
0x263: {  	(v2sf) =	vpush v10, $0x1;
	_ =	sdelay $0x1  }
0x264: {  	(v2sf) =	vpush v10, $0x2;
	_ =	sdelay $0x9  }
0x265: {  	s2 =	spop (v2sf)  }
0x266: {  	[dreg:$0x17] =	wrdreg s0;
	(v2sf) =	vpush v10, $0x3;
	s21 =	sshra.s32 s2, $0x1F  }
0x267: {  	[dreg:$0x16] =	wrdreg s20;
	s0 =	sshrl.u32 s21, $0x19  }
0x268: {  	s14 =	rddreg [dreg:$0x4];
	s4 =	spop (v2sf);
	(v2sf) =	vpush v10, $0x4;
	s0 =	sadd.s32 s0, s2  }
0x269: {  	[dreg:$0x19] =	wrdreg s2;
	p0 =	slt.s32 s2, $0x1;
	s1 =	sand.u32 $0xFFFFFF80, s0  }
0x26a: {  	[dreg:$0x1c] =	wrdreg s4;
	s5 =	spop (v2sf);
	(v2sf) =	vpush v10, $0x5;
	p1 =	sne.s32 s2, s1  }
0x26b: {  	s22 =	sshra.s32 s4, $0x1F;
	p2 =	slt.s32 s4, $0x1;
	p0 =	por !p0, !p1  }
0x26c: {  	s0 =	sshra.s32 s0, $0x7;
	s1 =	simm.s32 $0x1;
	p0 =	por !p0, !p0  }
0x26d: {  	[dreg:$0x1a] =	wrdreg s5;
	s0 =	ssub.s32 s0, s14;
	s1 =	simm.s32 @!p0 $0x0  }
0x26e: {  	s26 =	sshra.s32 s5, $0x1F;
	s0 =	ssub.s32 s0, s1;
	s1 =	sshrl.u32 s22, $0x19  }
0x26f: {  	p5 =	slt.s32 s5, $0x1;
	s15 =	sld [smem:s0+$0x100];
	s1 =	sadd.s32 s1, s4  }
0x270: {  	s2 =	simm.s32 $0x1;
	s3 =	sand.u32 $0xFFFFFF80, s1;
	s1 =	sshra.s32 s1, $0x7  }
0x271: {  	p3 =	sne.s32 s4, s3;
	s4 =	simm.s32 $0x1;
	s3 =	sshrl.u32 s26, $0x19  }
0x272: {  	s1 =	ssub.s32 s1, s14;
	s25 =	sadd.s32 $0x1, s15;
	p0 =	por !p2, !p3  }
0x273: {  	s3 =	sadd.s32 s3, s5;
	p0 =	por !p0, !p0;
	[smem:s0+$0x100] =	sst s25  }
0x274: {  	s29 =	sand.u32 $0xFFFFFF80, s3;
	s30 =	sshra.s32 s3, $0x7;
	s4 =	simm.s32 @!p0 $0x0  }
0x275: {  	p6 =	sne.s32 s5, s29;
	s3 =	spop (v2sf);
	s28 =	ssub.s32 s1, s4  }
0x276: {  	p0 =	por !p5, !p6;
	s1 =	ssub.s32 s30, s14;
	[dreg:$0x1b] =	wrdreg s3  }
0x277: {  	s5 =	sshra.s32 s3, $0x1F;
	p2 =	slt.s32 s3, $0x1;
	s8 =	spop (v2sf)  }
0x278: {  	(v2sf) =	vpush v10, $0x6;
	s4 =	simm.s32 $0x1;
	s16 =	sld [smem:s28+$0x100];
	p0 =	por !p0, !p0  }
0x279: {  	[dreg:$0x1d] =	wrdreg s8;
	s9 =	sshra.s32 s8, $0x1F;
	s19 =	spop (v2sf)  }
0x27a: {  	(v2sf) =	vpush v10, $0x7;
	p5 =	slt.s32 s8, $0x1;
	s2 =	simm.s32 @!p0 $0x0;
	[dreg:$0x1e] =	wrdreg s19  }
0x27b: {  	s2 =	ssub.s32 s1, s2;
	s1 =	sshrl.u32 s5, $0x19;
	s31 =	sadd.s32 $0x1, s16  }
0x27c: {  	s21 =	sshra.s32 s19, $0x1F;
	s1 =	sadd.s32 s1, s3;
	[smem:s28+$0x100] =	sst s31  }
0x27d: {  	s7 =	sand.u32 $0xFFFFFF80, s1;
	s1 =	sshra.s32 s1, $0x7;
	s11 =	sld [smem:s2+$0x100]  }
0x27e: {  	p3 =	sne.s32 s3, s7;
	s3 =	sshrl.u32 s9, $0x19;
	s1 =	ssub.s32 s1, s14  }
0x27f: {  	s7 =	simm.s32 $0x1;
	p0 =	por !p2, !p3;
	s3 =	sadd.s32 s3, s8  }
0x280: {  	(v2sf) =	vpush v10, $0x8;
	p0 =	por !p0, !p0;
	s12 =	sand.u32 $0xFFFFFF80, s3;
	s13 =	sshra.s32 s3, $0x7  }
0x281: {  	s6 =	sadd.s32 $0x1, s11;
	s4 =	simm.s32 @!p0 $0x0;
	p6 =	sne.s32 s8, s12  }
0x282: {  	[smem:s2+$0x100] =	sst s6;
	s10 =	ssub.s32 s1, s4;
	p0 =	por !p5, !p6  }
0x283: {  	s2 =	simm.s32 $0x1;
	s22 =	sld [smem:s10+$0x100];
	p0 =	por !p0, !p0  }
0x284: {  	p2 =	slt.s32 s19, $0x1;
	s1 =	ssub.s32 s13, s14;
	s2 =	simm.s32 @!p0 $0x0  }
0x285: {  	s6 =	simm.s32 $0x1;
	s18 =	ssub.s32 s1, s2;
	s1 =	sshrl.u32 s21, $0x19  }
0x286: {  	s4 =	simm.s32 $0x1;
	s17 =	sadd.s32 $0x1, s22;
	s25 =	sadd.s32 s1, s19  }
0x287: {  	s31 =	spop (v2sf);
	[smem:s10+$0x100] =	sst s17;
	s1 =	sand.u32 $0xFFFFFF80, s25  }
0x288: {  	(v2sf) =	vpush v10, $0x9;
	s3 =	sshra.s32 s25, $0x7;
	s28 =	sshra.s32 s31, $0x1F;
	p5 =	slt.s32 s31, $0x1  }
0x289: {  	s17 =	spop (v2sf);
	s20 =	sld [smem:s18+$0x100];
	p3 =	sne.s32 s19, s1  }
0x28a: {  	s5 =	sshrl.u32 s28, $0x19;
	s3 =	ssub.s32 s3, s14;
	p0 =	por !p2, !p3  }
0x28b: {  	s8 =	sshra.s32 s17, $0x1F;
	s5 =	sadd.s32 s5, s31;
	p0 =	por !p0, !p0  }
0x28c: {  	(v2sf) =	vpush v10, $0xA;
	s30 =	sand.u32 $0xFFFFFF80, s5;
	s26 =	sadd.s32 $0x1, s20;
	s6 =	simm.s32 @!p0 $0x0  }
0x28d: {  	p6 =	sne.s32 s31, s30;
	[smem:s18+$0x100] =	sst s26;
	s29 =	ssub.s32 s3, s6  }
0x28e: {  	p2 =	slt.s32 s17, $0x1;
	p0 =	por !p5, !p6;
	s13 =	sld [smem:s29+$0x100]  }
0x28f: {  	s1 =	sshra.s32 s5, $0x7;
	s5 =	spop (v2sf);
	p0 =	por !p0, !p0  }
0x290: {  	s3 =	ssub.s32 s1, s14;
	s18 =	sshra.s32 s5, $0x1F;
	s4 =	simm.s32 @!p0 $0x0  }
0x291: {  	s4 =	ssub.s32 s3, s4;
	s3 =	sshrl.u32 s8, $0x19;
	s2 =	sadd.s32 $0x1, s13  }
0x292: {  	s6 =	sshrl.u32 s18, $0x19;
	s3 =	sadd.s32 s3, s17;
	[smem:s29+$0x100] =	sst s2  }
0x293: {  	s6 =	sadd.s32 s6, s5;
	s10 =	sand.u32 $0xFFFFFF80, s3;
	s12 =	sld [smem:s4+$0x100]  }
0x294: {  	p5 =	slt.s32 s5, $0x1;
	s21 =	sand.u32 $0xFFFFFF80, s6;
	p3 =	sne.s32 s17, s10  }
0x295: {  	p6 =	sne.s32 s5, s21;
	s3 =	sshra.s32 s3, $0x7;
	p0 =	por !p2, !p3  }
0x296: {  	s3 =	ssub.s32 s3, s14;
	p0 =	por !p0, !p0;
	s9 =	sadd.s32 $0x1, s12  }
0x297: {  	s7 =	simm.s32 @!p0 $0x0;
	[smem:s4+$0x100] =	sst s9;
	s9 =	spop (v2sf);
	(v2sf) =	vpush v10, $0xB  }
0x298: {  	s25 =	sshra.s32 s6, $0x7;
	p0 =	por !p5, !p6;
	s19 =	ssub.s32 s3, s7  }
0x299: {  	p0 =	por !p0, !p0;
	s4 =	simm.s32 $0x1;
	s10 =	sld [smem:s19+$0x100]  }
0x29a: {  	s3 =	ssub.s32 s25, s14;
	s4 =	simm.s32 @!p0 $0x0;
	s29 =	sshra.s32 s9, $0x1F;
	(v2sf) =	vpush v10, $0xC  }
0x29b: {  	s21 =	spop (v2sf);
	s28 =	ssub.s32 s3, s4;
	s4 =	sshrl.u32 s29, $0x19;
	(v2sf) =	vpush v10, $0xD  }
0x29c: {  	s8 =	simm.s32 $0x1;
	s4 =	sadd.s32 s4, s9;
	s26 =	sadd.s32 $0x1, s10  }
0x29d: {  	p2 =	slt.s32 s9, $0x1;
	s1 =	sand.u32 $0xFFFFFF80, s4;
	[smem:s19+$0x100] =	sst s26  }
0x29e: {  	s2 =	sshra.s32 s21, $0x1F;
	p3 =	sne.s32 s9, s1;
	s3 =	sld [smem:s28+$0x100]  }
0x29f: {  	s6 =	simm.s32 $0x1;
	s7 =	sshrl.u32 s2, $0x19;
	p0 =	por !p2, !p3  }
0x2a0: {  	s4 =	sshra.s32 s4, $0x7;
	s7 =	sadd.s32 s7, s21;
	p0 =	por !p0, !p0  }
0x2a1: {  	s4 =	ssub.s32 s4, s14;
	s8 =	simm.s32 @!p0 $0x0;
	s30 =	sadd.s32 $0x1, s3  }
0x2a2: {  	s19 =	sand.u32 $0xFFFFFF80, s7;
	s18 =	ssub.s32 s4, s8;
	[smem:s28+$0x100] =	sst s30  }
0x2a3: {  	p5 =	slt.s32 s21, $0x1;
	p6 =	sne.s32 s21, s19;
	s26 =	sld [smem:s18+$0x100]  }
0x2a4: {  	s5 =	sand.u32 $0x7F, s5;
	s25 =	sshra.s32 s7, $0x7;
	p0 =	por !p5, !p6  }
0x2a5: {  	s17 =	sand.u32 $0x7F, s17;
	p0 =	por !p0, !p0;
	s4 =	ssub.s32 s25, s14  }
0x2a6: {  	s6 =	simm.s32 @!p0 $0x0;
	s28 =	sadd.s32 $0x1, s26;
	s19 =	spop (v2sf)  }
0x2a7: {  	s29 =	ssub.s32 s4, s6;
	[smem:s18+$0x100] =	sst s28;
	s30 =	sshra.s32 s19, $0x1F  }
0x2a8: {  	s9 =	sand.u32 $0x7F, s9;
	s25 =	sld [smem:s29+$0x100];
	s4 =	sshrl.u32 s30, $0x19  }
0x2a9: {  	p2 =	slt.s32 s19, $0x1;
	s30 =	spop (v2sf);
	s4 =	sadd.s32 s4, s19  }
0x2aa: {  	s6 =	sshra.s32 s30, $0x1F;
	p6 =	slt.s32 s30, $0x1;
	s18 =	spop (v2sf)  }
0x2ab: {  	s1 =	sadd.s32 $0x1, s25;
	s2 =	sand.u32 $0xFFFFFF80, s4;
	s4 =	sshra.s32 s4, $0x7  }
0x2ac: {  	s0 =	sshrl.u32 s6, $0x19;
	[smem:s29+$0x100] =	sst s1;
	p3 =	sne.s32 s19, s2  }
0x2ad: {  	s7 =	sadd.s32 s0, s30;
	s0 =	simm.s32 $0x1;
	p0 =	por !p2, !p3  }
0x2ae: {  	s4 =	ssub.s32 s4, s14;
	s29 =	sshra.s32 s18, $0x1F;
	p0 =	por !p0, !p0  }
0x2af: {  	s2 =	rddreg [dreg:$0x4];
	s19 =	sand.u32 $0x7F, s19;
	s0 =	simm.s32 @!p0 $0x0  }
0x2b0: {  	s28 =	sand.u32 $0xFFFFFF80, s7;
	s6 =	sshra.s32 s7, $0x7;
	s4 =	ssub.s32 s4, s0  }
0x2b1: {  	s8 =	sshrl.u32 s29, $0x19;
	p5 =	sne.s32 s30, s28;
	s0 =	sld [smem:s4+$0x100]  }
0x2b2: {  	p3 =	slt.s32 s18, $0x1;
	s7 =	sshra.s32 s15, $0x1F;
	p0 =	por !p6, !p5  }
0x2b3: {  	s6 =	ssub.s32 s6, s14;
	s14 =	simm.s32 $0x1;
	p0 =	por !p0, !p0  }
0x2b4: {  	s8 =	sadd.s32 s8, s18;
	s14 =	simm.s32 @!p0 $0x0;
	s28 =	sadd.s32 $0x1, s0  }
0x2b5: {  	s1 =	sand.u32 $0xFFFFFF80, s8;
	[smem:s4+$0x100] =	sst s28;
	s4 =	ssub.s32 s6, s14  }
0x2b6: {  	s8 =	sshra.s32 s8, $0x7;
	p2 =	sne.s32 s18, s1;
	s6 =	sld [smem:s4+$0x100]  }
0x2b7: {  	p6 =	slt.s32 s15, $0x1;
	s8 =	ssub.s32 s8, s2;
	p0 =	por !p3, !p2  }
0x2b8: {  	s1 =	sshrl.u32 s7, $0x19;
	p0 =	por !p0, !p0;
	s14 =	simm.s32 $0x1  }
0x2b9: {  	s7 =	sshra.s32 s16, $0x1F;
	s14 =	simm.s32 @!p0 $0x0;
	s29 =	sadd.s32 $0x1, s6  }
0x2ba: {  	p3 =	slt.s32 s16, $0x1;
	[smem:s4+$0x100] =	sst s29;
	s4 =	ssub.s32 s8, s14  }
0x2bb: {  	s28 =	simm.s32 $0x1;
	s8 =	sadd.s32 s1, s15;
	s14 =	sld [smem:s4+$0x100]  }
0x2bc: {  	s29 =	sshra.s32 s22, $0x1F;
	s2 =	sand.u32 $0xFFFFFF80, s8;
	s8 =	sshrl.u32 s8, $0x7  }
0x2bd: {  	p5 =	sne.s32 s15, s2;
	s2 =	sshrl.u32 s7, $0x19;
	s15 =	sand.u32 $0x7F, s15  }
0x2be: {  	p0 =	por !p6, !p5;
	p6 =	slt.s32 s11, $0x1;
	s1 =	sadd.s32 $0x1, s14  }
0x2bf: {  	p0 =	por !p0, !p0;
	[smem:s4+$0x100] =	sst s1;
	s4 =	sadd.s32 s2, s16  }
0x2c0: {  	s28 =	simm.s32 @!p0 $0x0;
	s1 =	sshra.s32 s11, $0x1F;
	s7 =	sand.u32 $0xFFFFFF80, s4  }
0x2c1: {  	s8 =	ssub.s32 s8, s28;
	s2 =	sshrl.u32 s1, $0x19;
	s28 =	simm.s32 $0x1  }
0x2c2: {  	s4 =	sshrl.u32 s4, $0x7;
	s1 =	sshrl.u32 s29, $0x19;
	s8 =	sshll.u32 s8, $0x7  }
0x2c3: {  	p2 =	sne.s32 s16, s7;
	s16 =	sand.u32 $0x7F, s16;
	s15 =	sor.u32 s15, s8  }
0x2c4: {  	p0 =	por !p3, !p2;
	s8 =	sadd.s32 s2, s11;
	p3 =	slt.s32 s22, $0x1  }
0x2c5: {  	p0 =	por !p0, !p0;
	s7 =	sand.u32 $0xFFFFFF80, s8;
	s8 =	sshrl.u32 s8, $0x7  }
0x2c6: {  	v11 =	vmov s15;
	s15 =	sshra.s32 s14, $0x1F;
	s28 =	simm.s32 @!p0 $0x0;
	p5 =	sne.s32 s11, s7  }
0x2c7: {  	s11 =	sand.u32 $0x7F, s11;
	s7 =	sshra.s32 s20, $0x1F;
	s4 =	ssub.s32 s4, s28  }
0x2c8: {  	p0 =	por !p6, !p5;
	s28 =	simm.s32 $0x1;
	s29 =	sshrl.u32 s7, $0x19  }
0x2c9: {  	p6 =	slt.s32 s20, $0x1;
	s4 =	sshll.u32 s4, $0x7;
	p0 =	por !p0, !p0  }
0x2ca: {  	s16 =	sor.u32 s16, s4;
	s4 =	sadd.s32 s1, s22;
	s28 =	simm.s32 @!p0 $0x0  }
0x2cb: {  	s7 =	sshra.s32 s13, $0x1F;
	s2 =	sand.u32 $0xFFFFFF80, s4;
	s8 =	ssub.s32 s8, s28  }
0x2cc: {  	s28 =	sadd.s32 s29, s20;
	s4 =	sshrl.u32 s4, $0x7;
	p2 =	sne.s32 s22, s2  }
0x2cd: {  	s8 =	sshll.u32 s8, $0x7;
	s1 =	sand.u32 $0xFFFFFF80, s28;
	s2 =	sand.u32 $0x7F, s22  }
0x2ce: {  	s22 =	simm.s32 $0x1;
	s28 =	sshrl.u32 s28, $0x7;
	s8 =	sor.u32 s11, s8  }
0x2cf: {  	p0 =	por !p3, !p2;
	s11 =	simm.s32 $0x1;
	p5 =	sne.s32 s20, s1  }
0x2d0: {  	s20 =	sand.u32 $0x7F, s20;
	p3 =	slt.s32 s13, $0x1;
	p0 =	por !p0, !p0  }
0x2d1: {  	v14 =	vmov s8;
	s8 =	simm.s32 $0x1;
	s11 =	simm.s32 @!p0 $0x0;
	p0 =	por !p6, !p5  }
0x2d2: {  	p6 =	slt.s32 s12, $0x1;
	s4 =	ssub.s32 s4, s11;
	p0 =	por !p0, !p0  }
0x2d3: {  	s11 =	sshra.s32 s12, $0x1F;
	s4 =	sshll.u32 s4, $0x7;
	s22 =	simm.s32 @!p0 $0x0  }
0x2d4: {  	s1 =	sshrl.u32 s11, $0x19;
	s29 =	sor.u32 s2, s4;
	s2 =	sshrl.u32 s7, $0x19  }
0x2d5: {  	s22 =	ssub.s32 s28, s22;
	s28 =	simm.s32 $0x1;
	s4 =	sadd.s32 s2, s13  }
0x2d6: {  	[smem:$0x7EB] =	sst s29;
	s22 =	sshll.u32 s22, $0x7;
	s7 =	sand.u32 $0xFFFFFF80, s4  }
0x2d7: {  	s29 =	sor.u32 s20, s22;
	s22 =	sadd.s32 s1, s12;
	s4 =	sshrl.u32 s4, $0x7  }
0x2d8: {  	p2 =	sne.s32 s13, s7;
	[smem:$0x7EC] =	sst s29;
	s2 =	sand.u32 $0xFFFFFF80, s22  }
0x2d9: {  	s13 =	sand.u32 $0x7F, s13;
	s7 =	sshra.s32 s10, $0x1F;
	s22 =	sshrl.u32 s22, $0x7  }
0x2da: {  	s29 =	sshra.s32 s3, $0x1F;
	p0 =	por !p3, !p2;
	p5 =	sne.s32 s12, s2  }
0x2db: {  	s11 =	sshrl.u32 s7, $0x19;
	s12 =	sand.u32 $0x7F, s12;
	p3 =	slt.s32 s10, $0x1  }
0x2dc: {  	s1 =	sshrl.u32 s29, $0x19;
	s7 =	sshra.s32 s26, $0x1F;
	p0 =	por !p0, !p0  }
0x2dd: {  	s29 =	sshra.s32 s25, $0x1F;
	s28 =	simm.s32 @!p0 $0x0;
	p0 =	por !p6, !p5  }
0x2de: {  	s4 =	ssub.s32 s4, s28;
	p0 =	por !p0, !p0;
	s28 =	simm.s32 $0x1  }
0x2df: {  	p6 =	slt.s32 s3, $0x1;
	s4 =	sshll.u32 s4, $0x7;
	s28 =	simm.s32 @!p0 $0x0  }
0x2e0: {  	s13 =	sor.u32 s13, s4;
	s4 =	sadd.s32 s11, s10;
	s22 =	ssub.s32 s22, s28  }
0x2e1: {  	s28 =	simm.s32 $0x1;
	s20 =	sand.u32 $0xFFFFFF80, s4;
	s22 =	sshll.u32 s22, $0x7  }
0x2e2: {  	(v2sf) =	vpush v10, $0xE;
	s4 =	sshrl.u32 s4, $0x7;
	v42 =	vmov s13;
	s13 =	simm.s32 $0x5100;
	p2 =	sne.s32 s10, s20  }
0x2e3: {  	s12 =	sor.u32 s12, s22;
	s22 =	sadd.s32 s1, s3;
	s10 =	sand.u32 $0x7F, s10  }
0x2e4: {  	s1 =	sshrl.u32 s29, $0x19;
	s29 =	sshra.s32 s6, $0x1F;
	p0 =	por !p3, !p2  }
0x2e5: {  	s2 =	sand.u32 $0xFFFFFF80, s22;
	s22 =	sshrl.u32 s22, $0x7;
	p0 =	por !p0, !p0  }
0x2e6: {  	p3 =	slt.s32 s26, $0x1;
	p5 =	sne.s32 s3, s2;
	s28 =	simm.s32 @!p0 $0x0  }
0x2e7: {  	v44 =	vmov s12;
	s12 =	simm.s32 $0x1;
	p0 =	por !p6, !p5;
	s4 =	ssub.s32 s4, s28  }
0x2e8: {  	s3 =	sand.u32 $0x7F, s3;
	p0 =	por !p0, !p0;
	s4 =	sshll.u32 s4, $0x7  }
0x2e9: {  	s11 =	sor.u32 s10, s4;
	s10 =	sshrl.u32 s7, $0x19;
	s4 =	simm.s32 $0x1  }
0x2ea: {  	p6 =	slt.s32 s25, $0x1;
	s28 =	sadd.s32 s10, s26;
	s4 =	simm.s32 @!p0 $0x0  }
0x2eb: {  	v45 =	vmov s11;
	s11 =	simm.s32 $0x1;
	s20 =	sand.u32 $0xFFFFFF80, s28;
	s4 =	ssub.s32 s22, s4  }
0x2ec: {  	s22 =	simm.s32 $0x1;
	s28 =	sshrl.u32 s28, $0x7;
	s4 =	sshll.u32 s4, $0x7  }
0x2ed: {  	p2 =	sne.s32 s26, s20;
	s26 =	sand.u32 $0x7F, s26;
	s10 =	sor.u32 s3, s4  }
0x2ee: {  	p0 =	por !p3, !p2;
	s3 =	sadd.s32 s1, s25;
	s4 =	sshra.s32 s0, $0x1F  }
0x2ef: {  	p3 =	slt.s32 s0, $0x1;
	s1 =	sshrl.u32 s29, $0x19;
	p0 =	por !p0, !p0  }
0x2f0: {  	s2 =	sand.u32 $0xFFFFFF80, s3;
	s7 =	sshrl.u32 s4, $0x19;
	s3 =	sshrl.u32 s3, $0x7  }
0x2f1: {  	s4 =	spop (v2sf);
	s22 =	simm.s32 @!p0 $0x0;
	p5 =	sne.s32 s25, s2  }
0x2f2: {  	s25 =	sand.u32 $0x7F, s25;
	s22 =	ssub.s32 s28, s22;
	p0 =	por !p6, !p5  }
0x2f3: {  	s28 =	simm.s32 $0x1;
	p6 =	slt.s32 s6, $0x1;
	s22 =	sshll.u32 s22, $0x7  }
0x2f4: {  	p0 =	por !p0, !p0;
	s22 =	sor.u32 s26, s22;
	s26 =	sadd.s32 s7, s0  }
0x2f5: {  	s28 =	simm.s32 @!p0 $0x0;
	s7 =	sshra.s32 s4, $0x1F;
	s20 =	sand.u32 $0xFFFFFF80, s26  }
0x2f6: {  	(v2sf) =	vpush v10, $0xF;
	s3 =	ssub.s32 s3, s28;
	s29 =	sshrl.u32 s7, $0x19;
	s7 =	rddreg [dreg:$0x18]  }
0x2f7: {  	s28 =	sadd.s32 s1, s6;
	s26 =	sshrl.u32 s26, $0x7;
	s1 =	rddreg [dreg:$0x19]  }
0x2f8: {  	v49 =	vmov s22;
	s22 =	simm.s32 $0x5100;
	p2 =	sne.s32 s0, s20;
	s3 =	sshll.u32 s3, $0x7  }
0x2f9: {  	s2 =	sand.u32 $0xFFFFFF80, s28;
	s29 =	sadd.s32 s29, s4;
	s28 =	sshrl.u32 s28, $0x7  }
0x2fa: {  	s1 =	sand.u32 $0x7F, s1;
	s25 =	sor.u32 s25, s3;
	p0 =	por !p3, !p2  }
0x2fb: {  	s3 =	simm.s32 $0x1;
	p5 =	sne.s32 s6, s2;
	s20 =	sand.u32 $0xFFFFFF80, s29  }
0x2fc: {  	p3 =	slt.s32 s4, $0x1;
	s29 =	sshra.s32 s29, $0x7;
	s6 =	sand.u32 $0x7F, s6  }
0x2fd: {  	p0 =	por !p0, !p0;
	p2 =	sne.s32 s4, s20;
	s20 =	sshrl.u32 s15, $0x19  }
0x2fe: {  	s3 =	simm.s32 @!p0 $0x0;
	p0 =	por !p6, !p5;
	s15 =	sadd.s32 s20, s14  }
0x2ff: {  	s20 =	rddreg [dreg:$0x4];
	s26 =	ssub.s32 s26, s3;
	s3 =	sand.u32 $0x7F, s0  }
0x300: {  	v10 =	vld [tilespmem:s7+$0x0];
	v13 =	vmov s1;
	p0 =	por !p0, !p0;
	s0 =	simm.s32 $0x1;
	s1 =	ssub.s32 s29, s20  }
0x301: {  	s29 =	simm.s32 $0x5100;
	s20 =	sld [smem:$0x7EB];
	s26 =	sshll.u32 s26, $0x7  }
0x302: {  	s0 =	simm.s32 @!p0 $0x0;
	p0 =	por !p3, !p2;
	[tilespmem:v11+s29+$0x0] =	vst.idx.msk $0x1, v13;
	s29 =	sand.u32 $0xFFFFFF80, s15  }
0x303: {  	v12 =	vmov s16;
	p2 =	slt.s32 s14, $0x1;
	s26 =	sor.u32 s3, s26;
	s2 =	ssub.s32 s28, s0  }
0x304: {  	s3 =	rddreg [dreg:$0x1c];
	p0 =	por !p0, !p0;
	p5 =	sne.s32 s14, s29  }
0x305: {  	v15 =	vbroadcast v10, $0x0;
	s29 =	simm.s32 $0x5D00;
	s28 =	sand.u32 $0x7F, s3;
	s3 =	spop (v2sf)  }
0x306: {  	s8 =	simm.s32 @!p0 $0x0;
	v16 =	vmov s20;
	s20 =	simm.s32 $0x5100;
	s0 =	sshra.s32 s3, $0x1F  }
0x307: {  	[tilespmem:v11+s29+$0x0] =	vst.idx.msk $0x1, v15;
	p0 =	por !p2, !p5;
	v38 =	vmov s28;
	s28 =	rddreg [dreg:$0x4];
	s16 =	sshrl.u32 s0, $0x19  }
0x308: {  	s2 =	sshll.u32 s2, $0x7;
	[tilespmem:v12+s20+$0x0] =	vst.idx.msk $0x1, v38;
	s20 =	sld [smem:$0x7EC];
	s16 =	sadd.s32 s16, s3  }
0x309: {  	v11 =	vbroadcast v10, $0x1;
	s1 =	ssub.s32 s1, s8;
	s8 =	rddreg [dreg:$0x1a];
	s0 =	sand.u32 $0xFFFFFF80, s16  }
0x30a: {  	p6 =	sne.s32 s3, s0;
	s0 =	sand.u32 $0x7F, s8;
	s8 =	rddreg [dreg:$0x1b]  }
0x30b: {  	[tilespmem:v12+s29+$0x0] =	vst.idx.msk $0x1, v11;
	v11 =	vbroadcast v10, $0x2;
	v40 =	vmov s20;
	s20 =	simm.s32 $0x5100;
	v39 =	vmov s0;
	s0 =	sand.u32 $0x7F, s8;
	s8 =	rddreg [dreg:$0x1e]  }
0x30c: {  	p3 =	slt.s32 s3, $0x1;
	p0 =	por !p0, !p0;
	[tilespmem:v14+s20+$0x0] =	vst.idx.msk $0x1, v39;
	s20 =	rddreg [dreg:$0x1d]  }
0x30d: {  	v41 =	vmov s0;
	s0 =	sand.u32 $0x7F, s8;
	s8 =	sor.u32 s6, s2;
	s6 =	sld [smem:s1+$0x100];
	[tilespmem:v14+s29+$0x0] =	vst.idx.msk $0x1, v11;
	v11 =	vbroadcast v10, $0x3  }
0x30e: {  	p1 =	por !p3, !p6;
	s2 =	sshra.s32 s16, $0x7;
	s20 =	sand.u32 $0x7F, s20;
	[tilespmem:v16+s13+$0x0] =	vst.idx.msk $0x1, v41  }
0x30f: {  	v43 =	vbroadcast v10, $0x4;
	p1 =	por !p1, !p1;
	s13 =	sand.u32 $0x7F, s31;
	s31 =	simm.s32 $0x5100;
	[tilespmem:v16+s29+$0x0] =	vst.idx.msk $0x1, v11;
	v11 =	vmov s20  }
0x310: {  	s2 =	ssub.s32 s2, s28;
	s12 =	simm.s32 @!p1 $0x0;
	[tilespmem:v40+s31+$0x0] =	vst.idx.msk $0x1, v11;
	s31 =	sadd.s32 $0x1, s6  }
0x311: {  	v46 =	vbroadcast v10, $0x5;
	v11 =	vmov s0;
	[tilespmem:v40+s29+$0x0] =	vst.idx.msk $0x1, v43;
	[smem:s1+$0x100] =	sst s31;
	s1 =	ssub.s32 s2, s12;
	s12 =	simm.s32 $0x5100  }
0x312: {  	s11 =	simm.s32 @!p0 $0x0;
	s28 =	sand.u32 $0x7F, s21;
	s31 =	sshra.s32 s6, $0x1F;
	[tilespmem:v42+s12+$0x0] =	vst.idx.msk $0x1, v11  }
0x313: {  	v47 =	vmov s10;
	v48 =	vbroadcast v10, $0x6;
	s2 =	sld [smem:s1+$0x100];
	v11 =	vmov s13;
	s13 =	sshrl.u32 s15, $0x7;
	s15 =	simm.s32 $0x5100;
	[tilespmem:v42+s29+$0x0] =	vst.idx.msk $0x1, v46  }
0x314: {  	p3 =	slt.s32 s6, $0x1;
	s0 =	sshrl.u32 s31, $0x19;
	s31 =	sand.u32 $0x7F, s14;
	[tilespmem:v44+s15+$0x0] =	vst.idx.msk $0x1, v11  }
0x315: {  	v50 =	vbroadcast v10, $0x7;
	s0 =	sadd.s32 s0, s6;
	s10 =	ssub.s32 s13, s11;
	s13 =	simm.s32 $0x5100;
	v11 =	vmov s17;
	[tilespmem:v44+s29+$0x0] =	vst.idx.msk $0x1, v48  }
0x316: {  	s16 =	sand.u32 $0xFFFFFF80, s0;
	s14 =	sshll.u32 s10, $0x7;
	s17 =	sshra.s32 s2, $0x1F;
	[tilespmem:v45+s22+$0x0] =	vst.idx.msk $0x1, v11  }
0x317: {  	v51 =	vmov s25;
	v52 =	vbroadcast v10, $0x8;
	p2 =	sne.s32 s6, s16;
	s16 =	simm.s32 $0x5100;
	s11 =	sshrl.u32 s17, $0x19;
	v11 =	vmov s5;
	[tilespmem:v45+s29+$0x0] =	vst.idx.msk $0x1, v50  }
0x318: {  	s0 =	sshrl.u32 s0, $0x7;
	p6 =	slt.s32 s2, $0x1;
	s15 =	sadd.s32 s11, s2;
	[tilespmem:v47+s16+$0x0] =	vst.idx.msk $0x1, v11  }
0x319: {  	v54 =	vbroadcast v10, $0x9;
	v53 =	vmov s26;
	s6 =	sand.u32 $0x7F, s6;
	p0 =	por !p3, !p2;
	s17 =	sand.u32 $0xFFFFFF80, s15;
	v11 =	vmov s9;
	[tilespmem:v47+s29+$0x0] =	vst.idx.msk $0x1, v52  }
0x31a: {  	p0 =	por !p0, !p0;
	s9 =	simm.s32 $0x1;
	p5 =	sne.s32 s2, s17;
	[tilespmem:v49+s13+$0x0] =	vst.idx.msk $0x1, v11  }
0x31b: {  	v56 =	vbroadcast v10, $0xA;
	v55 =	vmov s8;
	s5 =	sor.u32 s31, s14;
	s9 =	simm.s32 @!p0 $0x0;
	v11 =	vmov s28;
	p0 =	por !p6, !p5;
	[tilespmem:v49+s29+$0x0] =	vst.idx.msk $0x1, v54  }
0x31c: {  	s0 =	ssub.s32 s0, s9;
	s9 =	simm.s32 $0x1;
	p0 =	por !p0, !p0;
	[tilespmem:v51+s13+$0x0] =	vst.idx.msk $0x1, v11  }
0x31d: {  	v58 =	vbroadcast v10, $0xB;
	v57 =	vmov s5;
	s21 =	sshrl.u32 s15, $0x7;
	s0 =	sshll.u32 s0, $0x7;
	v11 =	vmov s19;
	s9 =	simm.s32 @!p0 $0x0;
	[tilespmem:v51+s29+$0x0] =	vst.idx.msk $0x1, v56  }
0x31e: {  	s22 =	sand.u32 $0x7F, s30;
	s0 =	sor.u32 s6, s0;
	s5 =	ssub.s32 s21, s9;
	[tilespmem:v53+s13+$0x0] =	vst.idx.msk $0x1, v11  }
0x31f: {  	v59 =	vbroadcast v10, $0xC;
	s25 =	sand.u32 $0x7F, s2;
	v60 =	vmov s0;
	v11 =	vmov s22;
	s5 =	sshll.u32 s5, $0x7;
	[tilespmem:v53+s29+$0x0] =	vst.idx.msk $0x1, v58  }
0x320: {  	s26 =	sand.u32 $0x7F, s18;
	s0 =	sor.u32 s25, s5;
	[tilespmem:v55+s13+$0x0] =	vst.idx.msk $0x1, v11  }
0x321: {  	v62 =	vbroadcast v10, $0xD;
	s20 =	rddreg [dreg:$0x16];
	v11 =	vmov s26;
	v61 =	vmov s0;
	[tilespmem:v55+s29+$0x0] =	vst.idx.msk $0x1, v59  }
0x322: {  	s28 =	sand.u32 $0x7F, s4;
	p0 =	sne.s32 s20, $0x1;
	[tilespmem:v57+s13+$0x0] =	vst.idx.msk $0x1, v11  }
.Ltmp18:
0x323: {  	v63 =	vbroadcast v10, $0xE;
	v11 =	vmov s28;
	[tilespmem:v57+s29+$0x0] =	vst.idx.msk $0x1, v62;
	(pc) =	sbr.rel @p0 .LBB2_28-.Ltmp18, $4  }
0x324: {  	s7 =	sadd.s32 $0x10, s7;
	s30 =	sand.u32 $0x7F, s3;
	[tilespmem:v60+s13+$0x0] =	vst.idx.msk $0x1, v11  }
0x325: {  	[dreg:$0x18] =	wrdreg s7;
	v10 =	vbroadcast v10, $0xF;
	v11 =	vmov s30;
	[tilespmem:v60+s29+$0x0] =	vst.idx.msk $0x1, v63  }
0x326: {  	s31 =	rddreg [dreg:$0x17];
	s2 =	sadd.s32 $0x1, s2;
	[tilespmem:v61+s13+$0x0] =	vst.idx.msk $0x1, v11  }
0x327: {  	[smem:s1+$0x100] =	sst s2;
	s20 =	sadd.s32 $0xFFFFFFFF, s20;
	s0 =	sadd.s32 $0x10, s31;
	[tilespmem:v61+s29+$0x0] =	vst.idx.msk $0x1, v10  }
.LBB2_29:
0x328: {  	p0 =	sgt.s32 s23, $0x0  }
.Ltmp19:
0x329: {  	_ = 	snop;
	(pc) =	sbr.rel @!p0 .LBB2_41-.Ltmp19, $4  }
0x32a: {  	s11 =	rddreg [dreg:$0x1]  }
0x32b: {  	s12 =	rddreg [dreg:$0xf];
	s10 =	simm.s32 $0x400  }
0x32c: {  	s14 =	simm.s32 $0x7A1400;
	s15 =	simm.s32 $0x80;
	s18 =	rddreg [dreg:$0x14]  }
0x32d: {  	s16 =	simm.s32 $0x6900;
	s17 =	simm.s32 $0xA;
	s19 =	rddreg [dreg:$0x15]  }
0x32e: {  	p0 =	slt.s32 s23, $0x8;
	s2 =	smov.u32 s23  }
0x32f: {  	s2 =	simm.s32 @!p0 $0x8  }
0x330: {  	p1 =	sgt.s32 s2, $0x1  }
.Ltmp20:
0x331: {  	_ = 	snop;
	(pc) =	sbr.rel @!p1 .LBB2_31-.Ltmp20, $3  }
0x332: {  	_ =	sdelay $0x1  }
0x333: {  	s1 =	simm.s32 $0xA900  }
0x334: {  	s0 =	simm.s32 $0x1;
	s5 =	sld [smem:$0x380];
	p0 =	por $0x0, $0x0  }
0x335: {  	p1 =	sgt.s32 s2, $0x2  }
.Ltmp21:
0x336: {  	_ = 	snop;
	(pc) =	sbr.rel @!p1 .LBB2_33-.Ltmp21, $4  }
0x337: {  	_ = 	snop  }
0x338: {  	s3 =	sld [smem:$0x381];
	s4 =	simm.s32 $0x2;
	s5 =	sshll.u32 s5, $0x7  }
0x339: {  	s7 =	simm.s32 $0x382;
	p0 =	por $0x1, $0x1;
	s6 =	sand.u32 $0x1FFFFF80, s5  }
0x33a: {  	s5 =	simm.s32 $0x2;
	s8 =	sadd.s32 s11, s6;
	s6 =	simm.s32 $0xC900  }
.LBB2_34:
0x33b: {  	[tilespmem:s1], [sflag:s0] =	stream.strided.gather [hbm4b:s8+s10], $0x2000, s14, s10, $0x38;
	[tilespmem:$0x1C900] =	vst v63  }
0x33c: {  	s4 =	sadd.s32 $0x1, s4  }
0x33d: {  	p1 =	slt.s32 s4, s2  }
.Ltmp22:
0x33e: {  	s8 =	sld [smem:s7+$0x0];
	(pc) =	sbr.rel @p1 .LBB2_34-.Ltmp22, $4  }
0x33f: {  	s0 =	smov.u32 s5;
	s1 =	smov.u32 s6  }
0x340: {  	s3 =	sshll.u32 s3, $0x7  }
0x341: {  	s5 =	sadd.s32 $0x1, s5;
	s9 =	sand.u32 $0x1FFFFF80, s3;
	s3 =	smov.u32 s8  }
0x342: {  	s6 =	sadd.s32 $0x2000, s6;
	s7 =	sadd.s32 $0x1, s7;
	s8 =	sadd.s32 s11, s9  }
0x343: {  	s2 =	smov.u32 s1;
	s4 =	smov.u32 s0  }
0x344: {  	s0 =	smov.u32 s5;
	s1 =	smov.u32 s6;
	s5 =	smov.u32 s3  }
.LBB2_36:
0x345: {  	[tilespmem:s2], [sflag:s4] =	stream.strided.gather @p0 [hbm4b:s8+s10], $0x2000, s14, s10, $0x38;
	[tilespmem:$0x1C900] =	vst v63  }
.Ltmp23:
0x346: {  	s31 =	sshll.u32 s5, $0x7;
	(pc) =	sbr.rel .LBB2_38-.Ltmp23, $4  }
0x347: {  	s2 =	sand.u32 $0x1FFFFF80, s31  }
0x348: {  	p0 =	sgt.s32 s24, $0x1;
	s2 =	sadd.s32 s11, s2  }
0x349: {  	[tilespmem:s1], [sflag:s0] =	stream.strided.gather [hbm4b:s2+s10], $0x2000, s14, s10, $0x38;
	[tilespmem:$0x1C900] =	vst v63  }
0x34a: {  	s24 =	simm.s32 @!p0 $0x1;
	s0 =	sadd.s32 $0xFFFFFFFF, s19;
	s1 =	simm.s32 $0x0  }
.LBB2_37:
0x34b: {  	s1 =	sadd.s32 $0x1, s1  }
0x34c: {  	p0 =	seq.s32 s1, s24  }
.Ltmp24:
0x34d: {  	_ = 	snop;
	(pc) =	sbr.rel @p0 .LBB2_41-.Ltmp24, $1  }
0x34e: {  	_ =	sdelay $0x3  }
.LBB2_38:
0x34f: {  	s2 =	smulhi.u32 $0x38E38E39, s1;
	s3 =	sadd.s32 $0x8, s1  }
0x350: {  	p0 =	sge.s32 s3, s23  }
0x351: {  	s2 =	sshrl.u32 s2, $0x1;
	s5 =	smulhi.u32 @!p0 $0x38E38E39, s3  }
0x352: {  	s4 =	sshra.s32 @!p0 s3, $0x1F;
	s2 =	smul.u32 $0x9, s2  }
0x353: {  	s6 =	smul.u32 @!p0 $0x38E38E39, s4;
	_ =	sdelay $0x1  }
0x354: {  	s4 =	ssub.s32 s1, s2;
	s2 =	sadd.s32 @!p0 s6, s5  }
0x355: {  	s31 =	sadd.s32 $0x1, s4;
	s6 =	sshrl.u32 @!p0 s2, $0x1F;
	s2 =	sshra.s32 @!p0 s2, $0x1  }
0x356: {  	_ =	swait.ge [sflag:s31], $0x2000;
	s2 =	sadd.s32 @!p0 s6, s2  }
0x357: {  	[sflag:s31] =	ssyncset.done $0x0;
	s2 =	smul.u32 @!p0 $0x9, s2  }
0x358: {  	[sflag:s31] =	ssyncadd.s32 $0xFFFFE000  }
0x359: {  	s5 =	ssub.s32 @!p0 s3, s2;
	s2 =	sld @!p0 [smem:s3+$0x380]  }
0x35a: {  	s3 =	sshll.u32 @!p0 s5, $0xF  }
0x35b: {  	s3 =	sshra.s32 @!p0 s3, $0x2  }
0x35c: {  	s6 =	sadd.s32 @!p0 $0xA900, s3;
	s3 =	sshll.u32 @!p0 s2, $0x7;
	s2 =	sld [smem:s1+$0x200]  }
0x35d: {  	s8 =	simm.s32 @!p0 $0x400;
	s7 =	sand.u32 @!p0 $0x1FFFFF80, s3;
	s3 =	sld [smem:s1+$0x201]  }
0x35e: {  	s9 =	simm.s32 @!p0 $0x7A1400;
	s5 =	sadd.s32 @!p0 $0x1, s5;
	s7 =	sadd.s32 @!p0 s11, s7  }
0x35f: {  	[tilespmem:s6], [sflag:s5] =	stream.strided.gather @!p0 [hbm4b:s7+s8], $0x2000, s9, s8, $0x38;
	[tilespmem:$0x1C900] =	vst v63  }
0x360: {  	p0 =	sge.s32 s2, s3  }
.Ltmp25:
0x361: {  	_ = 	snop;
	(pc) =	sbr.rel @p0 .LBB2_37-.Ltmp25, $1  }
0x362: {  	_ =	sdelay $0x3  }
0x363: {  	s5 =	sshll.u32 s2, $0x9  }
0x364: {  	s4 =	sshll.u32 s4, $0xD;
	s5 =	sshra.s32 s5, $0x2  }
0x365: {  	s4 =	sadd.s32 $0xA900, s4;
	s5 =	sadd.s32 $0x6900, s5  }
.LBB2_40:
0x366: {  	s6 =	sshra.s32 s2, $0x1F  }
0x367: {  	s6 =	sshrl.u32 s6, $0x19  }
0x368: {  	s6 =	sadd.s32 s6, s2  }
0x369: {  	s7 =	sand.u32 $0xFFFFFF80, s6  }
0x36a: {  	p0 =	slt.s32 s2, $0x1;
	p1 =	sne.s32 s2, s7  }
0x36b: {  	p0 =	por !p0, !p1  }
0x36c: {  	s8 =	simm.s32 $0x1;
	p0 =	por !p0, !p0  }
0x36d: {  	s9 =	sshra.s32 s6, $0x7;
	s8 =	simm.s32 @!p0 $0x0  }
0x36e: {  	s6 =	ssub.s32 s9, s8  }
0x36f: {  	s30 =	sand.u32 $0x7F, s2;
	s10 =	sshll.u32 s6, $0x7  }
0x370: {  	s8 =	sor.u32 s30, s10  }
0x371: {  	v10 =	vmov s8;
	_ =	sdelay $0x4  }
0x372: {  	v10 =	vld.idx.msk [tilespmem:v10+s13+$0x0], $0xffff;
	_ =	sdelay $0x4  }
0x373: {  	v11 =	vadd.s32 v3, v10;
	_ =	sdelay $0x4  }
0x374: {  	v11 =	vld.idx.msk [tilespmem:v11+s4+$0x0], $0xffff  }
0x375: {  	s31 =	sshll.u32 s9, $0x10;
	v12 =	vadd.s32 v7, v10  }
0x376: {  	s8 =	ssub.s32 $0x0, s31  }
0x377: {  	s8 =	sshra.s32 s8, $0x2  }
0x378: {  	s8 =	sadd.s32 s8, s5  }
0x379: {  	[tilespmem:s8+$0x0] =	vst v11  }
0x37a: {  	v11 =	vld.idx.msk [tilespmem:v12+s4+$0x0], $0xffff  }
0x37b: {  	v63 =	vadd.s32 v8, v10;
	_ =	sdelay $0x3  }
0x37c: {  	[tilespmem:s8+$0x10] =	vst v11  }
0x37d: {  	v11 =	vld.idx.msk [tilespmem:v63+s4+$0x0], $0xffff  }
0x37e: {  	v10 =	vadd.s32 v9, v10;
	_ =	sdelay $0x3  }
0x37f: {  	[tilespmem:s8+$0x20] =	vst v11  }
0x380: {  	s7 =	sor.u32 $0x7F, s7;
	p0 =	seq.s32 s0, s2;
	v10 =	vld.idx.msk [tilespmem:v10+s4+$0x0], $0xffff  }
0x381: {  	p1 =	sne.s32 @!p0 s7, s2  }
0x382: {  	p0 =	por p0, !p1  }
0x383: {  	s6 =	sshll.u32 @p0 s6, $0x9  }
0x384: {  	s6 =	sshra.s32 @p0 s6, $0x2  }
0x385: {  	s6 =	sadd.s32 @p0 $0x5D00, s6;
	[tilespmem:s8+$0x30] =	vst v10  }
0x386: {  	[hbm4b:s12+s15] =	stream.indirect.scatter @p0 [tilespmem:s16], [sflag:$0xA], $0x80, s6, s15, $0xb8;
	[tilespmem:$0x1C900] =	vst v63  }
0x387: {  	_ =	swait.ge @p0 [sflag:s17], $0x4000  }
0x388: {  	s2 =	sadd.s32 $0x1, s2;
	[sflag:s17] =	ssyncset.done @p0 $0x0  }
0x389: {  	[sflag:s17] =	ssyncadd.s32 @p0 $0xFFFFC000;
	p0 =	seq.s32 s3, s2  }
.Ltmp26:
0x38a: {  	_ = 	snop;
	(pc) =	sbr.rel @!p0 .LBB2_40-.Ltmp26, $2  }
0x38b: {  	_ =	sdelay $0x2  }
0x38c: {  	s5 =	sadd.s32 $0x80, s5  }
.Ltmp27:
0x38d: {  	_ = 	snop;
	(pc) =	sbr.rel .LBB2_37-.Ltmp27, $1  }
0x38e: {  	_ =	sdelay $0x3  }
.LBB2_18:
.Ltmp28:
0x38f: {  	(pc) =	sbr.rel .LBB2_23-.Ltmp28, $3  }
0x390: {  	s1 =	sld [smem:$0x7FB];
	_ =	sdelay $0x1  }
0x391: {  	s24 =	rddreg [dreg:$0xb]  }
0x392: {  	s20 =	smov.u32 s0;
	p4 =	seq.s32 s1, $0x1;
	s1 =	sld [smem:$0x7F7]  }
.LBB2_31:
.Ltmp29:
0x393: {  	(pc) =	sbr.rel .LBB2_36-.Ltmp29, $2  }
0x394: {  	_ =	sdelay $0x2  }
0x395: {  	_ = 	snop  }
.LBB2_20:
.Ltmp30:
0x396: {  	(pc) =	sbr.rel .LBB2_23-.Ltmp30, $2  }
0x397: {  	s0 =	sld [smem:$0x7F4];
	_ =	sdelay $0x2  }
0x398: {  	p2 =	por $0x1, $0x1;
	s15 =	rddreg [dreg:$0x5];
	p5 =	seq.s32 s0, $0x1  }
.LBB2_33:
.Ltmp31:
0x399: {  	(pc) =	sbr.rel .LBB2_36-.Ltmp31, $3  }
0x39a: {  	_ =	sdelay $0x1  }
0x39b: {  	s2 =	simm.s32 $0xA900;
	s4 =	simm.s32 $0x1  }
0x39c: {  	s0 =	simm.s32 $0x2;
	s1 =	simm.s32 $0xC900;
	s5 =	smov.u32 s3  }
.LBB2_43:
0x39d: {  	_ =	sfence.sel $0x180000  }
0x39e: {  	[bflag:$0x0] =	sbarrier.arrive $0xFFFF  }
0x39f: {  	_ =	strace $0x90000047  }
0x3a0: {  	s0 =	stileid.u32;
	[bflag:$0x2] =	sbarrier.arrive $0xFFFF  }
0x3a1: {  	p0 =	sne.s32 s0, $0x0;
	s0 =	rddreg [dreg:$0x3]  }
0x3a2: {  	s0 =	sadd.s32 @!p0 $0x100000, s0  }
0x3a3: {  	[sflag:s0] =	ssyncadd.tile.s32 @!p0 $0x1;
	_ =	shalt  }
.Lfunc_end2:
_tile_overlayer_lowered:
.L_overlay_start_2:
0x3a4: {  	(tag) =	ssettag $0x2  }
0x3a5: {  	s0 =	rddreg [dreg:$0x0];
	s2 =	stileid.u32  }
0x3a6: {  	s1 =	rddreg [dreg:$0x1];
	p0 =	sne.s32 s2, $0x0  }
0x3a7: {  	s3 =	rddreg [dreg:$0x2];
	[bflag:$0x3] =	sbarrier.arrive $0xFFFF;
	s2 =	simm.s32 @!p0 $0x1C0B  }
0x3a8: {  	[timem:s3], [sflag:s2] =	dma.local @!p0 [hbm:s0], s1  }
0x3a9: {  	s0 =	simm.s32 @!p0 $0xB  }
0x3aa: {  	_ =	swait.ge @!p0 [sflag:s0], s1  }
0x3ab: {  	s1 =	ssub.s32 @!p0 $0x0, s1;
	[sflag:s0] =	ssyncset.done @!p0 $0x0  }
0x3ac: {  	[sflag:s0] =	ssyncadd.s32 @!p0 s1  }
0x3ad: {  	[bflag:$0x3] =	sbarrier.arrive $0xFFFF  }
0x3ae: {  	_ =	shalt  }

</sc_bundles>
